<compile_context>
chip_gen: v7x
topology: tpu7x:2x2x1
jax: 0.10.2.dev20260603
libtpu: 0.0.44.dev20260713+nightly
codegen_flags: <defaults>
</compile_context>

<pallas_src>
import functools

import jax
import jax.numpy as jnp
from jax import lax
from jax.experimental import pallas as pl
from jax.experimental.pallas import tpu as pltpu
from jax.experimental.pallas import tpu_sc as plsc

H = 2048
W = 2048
N = 1048576
F = 15
HOPS = 21
PIX = H * W

NW = 32
NP = 1081344
CHUNK = NP // NW
SUB = 4224
NSUB = CHUNK // SUB
NV = SUB // 16

PCHUNK = PIX // NW
PSUB = 4096
PNSUB = PCHUNK // PSUB
PNV = PSUB // 16

_mesh = plsc.VectorSubcoreMesh(core_axis_name="c", subcore_axis_name="s")



_WB = 8192


def _score_body(attr_ref, diff_ref, mean_ref, icov_ref, out_ref):
    a = attr_ref[...]
    m = mean_ref[...]
    c = jnp.maximum(icov_ref[...], 0.0)
    eps = 1e-10
    t5 = a[0:5, :] - m[0:5]
    l9 = jnp.log(jnp.abs(a[6:15, :]) + eps) - m[5:14]
    lsh = jnp.sqrt(a[7:8, :]) / (jnp.sqrt(a[6:7, :]) + eps) - m[14:15]
    cosa = jnp.cos(a[5:6, :]) - m[15:16]
    sina = jnp.sin(a[5:6, :]) - m[16:17]
    s = (jnp.sum(t5 * t5 * c[0:5], axis=0, keepdims=True)
         + jnp.sum(l9 * l9 * c[5:14], axis=0, keepdims=True)
         + lsh * lsh * c[14:15] + cosa * cosa * c[15:16]
         + sina * sina * c[16:17])
    out_ref[...] = (jnp.exp(-s) * diff_ref[0])[None]


def _scores(attributes, maxtree_diff, mean, inv_diagonal_cov):
    grid = N // _WB
    out = pl.pallas_call(
        _score_body,
        grid=(grid,),
        in_specs=[
            pl.BlockSpec((F, _WB), lambda i: (0, i)),
            pl.BlockSpec((1, 1, _WB), lambda i: (i, 0, 0)),
            pl.BlockSpec((17, 1), lambda i: (0, 0)),
            pl.BlockSpec((17, 1), lambda i: (0, 0)),
        ],
        out_specs=pl.BlockSpec((1, 1, _WB), lambda i: (i, 0, 0)),
        out_shape=jax.ShapeDtypeStruct((grid, 1, _WB), jnp.float32),
    )(attributes.T, maxtree_diff.reshape(grid, 1, _WB), mean.reshape(17, 1),
      inv_diagonal_cov.reshape(17, 1))
    return out.reshape(N)



S_MIR = 32768


def _lane_or(v):
    m = v[0]
    for _l in range(1, 16):
        m = m | v[_l]
    return m


def _hop_body(par_in, val_in, par_out, val_out,
              idx_v, idx2_v, val_v, npar_v, gval_v, npar2_v, gval2_v,
              pmir, vmir, sem1, sem2):
    wid = lax.axis_index("s") * 2 + lax.axis_index("c")
    base = wid * CHUNK

    pltpu.sync_copy(par_in.at[pl.ds(0, S_MIR)], pmir)
    pltpu.sync_copy(val_in.at[pl.ds(0, S_MIR)], vmir)

    def sub(j, carry):
        off = base + j * SUB
        pltpu.sync_copy(par_in.at[pl.ds(off, SUB)], idx_v)
        pltpu.sync_copy(val_in.at[pl.ds(off, SUB)], val_v)

        def vor(k, accs):
            accm, acch = accs
            iv = idx_v[pl.ds(k * 16, 16)]
            return accm | iv, acch | lax.shift_right_logical(iv, 15)

        z16 = jnp.zeros((16,), jnp.int32)
        accm, acch = lax.fori_loop(0, NV, vor, (z16, z16))
        m = _lane_or(accm)
        hi = _lane_or(acch)

        @pl.when(m > 0)
        def _live():
            iota16 = lax.iota(jnp.int32, 16)

            @pl.when(hi > 0)
            def _far():
                def fix(k, c):
                    sl = pl.ds(k * 16, 16)
                    own = iota16 + (off + k * 16)
                    iv = idx_v[sl]
                    idx2_v[sl] = jnp.where(iv < S_MIR, own, iv)
                    return c

                lax.fori_loop(0, NV, fix, 0)
                g1 = pltpu.async_copy(par_in.at[idx2_v], npar2_v, sem1)
                g2 = pltpu.async_copy(val_in.at[idx2_v], gval2_v, sem2)
                g1.wait()
                g2.wait()

            def merge(k, c):
                sl = pl.ds(k * 16, 16)
                iv = idx_v[sl]
                mlo = iv < S_MIR
                ivc = iv & (S_MIR - 1)
                gpv = plsc.load_gather(pmir, [ivc])
                glv = plsc.load_gather(vmir, [ivc])
                npar_v[sl] = jnp.where(mlo, gpv, npar2_v[sl])
                val_v[sl] = val_v[sl] + jnp.where(mlo, glv, gval2_v[sl])
                return c

            lax.fori_loop(0, NV, merge, 0)
            pltpu.sync_copy(npar_v, par_out.at[pl.ds(off, SUB)])
            pltpu.sync_copy(val_v, val_out.at[pl.ds(off, SUB)])

        @pl.when(m == 0)
        def _conv():
            pltpu.sync_copy(idx_v, par_out.at[pl.ds(off, SUB)])
            pltpu.sync_copy(val_v, val_out.at[pl.ds(off, SUB)])

        return carry

    lax.fori_loop(0, NSUB, sub, 0)


_hop = functools.partial(
    pl.kernel,
    out_type=(jax.ShapeDtypeStruct((NP,), jnp.int32),
              jax.ShapeDtypeStruct((NP,), jnp.float32)),
    mesh=_mesh,
    compiler_params=pltpu.CompilerParams(needs_layout_passes=False),
    scratch_types=[
        pltpu.VMEM((SUB,), jnp.int32),
        pltpu.VMEM((SUB,), jnp.int32),
        pltpu.VMEM((SUB,), jnp.float32),
        pltpu.VMEM((SUB,), jnp.int32),
        pltpu.VMEM((SUB,), jnp.float32),
        pltpu.VMEM((SUB,), jnp.int32),
        pltpu.VMEM((SUB,), jnp.float32),
        pltpu.VMEM((S_MIR,), jnp.int32),
        pltpu.VMEM((S_MIR,), jnp.float32),
        pltpu.SemaphoreType.DMA,
        pltpu.SemaphoreType.DMA,
    ],
)(_hop_body)



H_SPLIT = 5
NTAIL = HOPS - H_SPLIT
CHUNK16 = NP // 16
NSUB16 = CHUNK16 // SUB

_mesh1 = plsc.VectorSubcoreMesh(core_axis_name="c", subcore_axis_name="s",
                                num_cores=1)


def _tail_body(par_in, val_in, parA, valA, parB, valB,
               idx_v, idx2_v, val_v, npar_v, gval_v, npar2_v, gval2_v,
               pmir, vmir, flags, sem1, sem2):
    tid = lax.axis_index("s")
    base = tid * CHUNK16

    def clear(j, c):
        flags[j] = 0
        return c

    lax.fori_loop(0, NSUB16, clear, 0)

    def one_hop(ps, vs, pd, vd, pd2=None, vd2=None):
        def nlv(j, acc):
            return acc + jnp.where(flags[j] < 1, 1, 0)

        nlive = lax.fori_loop(0, NSUB16, nlv, 0)

        @pl.when(nlive > 0)
        def _mir():
            pltpu.sync_copy(ps.at[pl.ds(0, S_MIR)], pmir)
            pltpu.sync_copy(vs.at[pl.ds(0, S_MIR)], vmir)

        def sub(j, carry):
            f = flags[j]

            @pl.when(f < 1)
            def _do():
                off = base + j * SUB
                pltpu.sync_copy(ps.at[pl.ds(off, SUB)], idx_v)
                pltpu.sync_copy(vs.at[pl.ds(off, SUB)], val_v)

                def vor(k, accs):
                    accm, acch = accs
                    iv = idx_v[pl.ds(k * 16, 16)]
                    return accm | iv, acch | lax.shift_right_logical(iv, 15)

                z16 = jnp.zeros((16,), jnp.int32)
                accm, acch = lax.fori_loop(0, NV, vor, (z16, z16))
                m = _lane_or(accm)
                hi = _lane_or(acch)

                @pl.when(m > 0)
                def _live():
                    iota16 = lax.iota(jnp.int32, 16)

                    @pl.when(hi > 0)
                    def _far():
                        def fix(k, c):
                            sl = pl.ds(k * 16, 16)
                            own = iota16 + (off + k * 16)
                            iv = idx_v[sl]
                            idx2_v[sl] = jnp.where(iv < S_MIR, own, iv)
                            return c

                        lax.fori_loop(0, NV, fix, 0)
                        g1 = pltpu.async_copy(ps.at[idx2_v], npar2_v, sem1)
                        g2 = pltpu.async_copy(vs.at[idx2_v], gval2_v, sem2)
                        g1.wait()
                        g2.wait()

                    def merge(k, c):
                        sl = pl.ds(k * 16, 16)
                        iv = idx_v[sl]
                        mlo = iv < S_MIR
                        ivc = iv & (S_MIR - 1)
                        gpv = plsc.load_gather(pmir, [ivc])
                        glv = plsc.load_gather(vmir, [ivc])
                        npar_v[sl] = jnp.where(mlo, gpv, npar2_v[sl])
                        val_v[sl] = val_v[sl] + jnp.where(mlo, glv, gval2_v[sl])
                        return c

                    lax.fori_loop(0, NV, merge, 0)
                    pltpu.sync_copy(npar_v, pd.at[pl.ds(off, SUB)])
                    pltpu.sync_copy(val_v, vd.at[pl.ds(off, SUB)])

                @pl.when(m == 0)
                def _conv():
                    pltpu.sync_copy(idx_v, pd.at[pl.ds(off, SUB)])
                    pltpu.sync_copy(val_v, vd.at[pl.ds(off, SUB)])
                    if pd2 is not None:
                        pltpu.sync_copy(idx_v, pd2.at[pl.ds(off, SUB)])
                        pltpu.sync_copy(val_v, vd2.at[pl.ds(off, SUB)])
                    flags[j] = 1

            return carry

        lax.fori_loop(0, NSUB16, sub, 0)
        plsc.subcore_barrier()

    def hop(h, c):
        @pl.when(h == 0)
        def _h0():
            one_hop(par_in, val_in, parA, valA, parB, valB)

        @pl.when((h > 0) & (h % 2 == 1))
        def _hodd():
            one_hop(parA, valA, parB, valB)

        @pl.when((h > 0) & (h % 2 == 0))
        def _heven():
            one_hop(parB, valB, parA, valA)

        return c

    lax.fori_loop(0, NTAIL, hop, 0)


_tail = functools.partial(
    pl.kernel,
    out_type=(jax.ShapeDtypeStruct((NP,), jnp.int32),
              jax.ShapeDtypeStruct((NP,), jnp.float32),
              jax.ShapeDtypeStruct((NP,), jnp.int32),
              jax.ShapeDtypeStruct((NP,), jnp.float32)),
    mesh=_mesh1,
    compiler_params=pltpu.CompilerParams(needs_layout_passes=False),
    scratch_types=[
        pltpu.VMEM((SUB,), jnp.int32),
        pltpu.VMEM((SUB,), jnp.int32),
        pltpu.VMEM((SUB,), jnp.float32),
        pltpu.VMEM((SUB,), jnp.int32),
        pltpu.VMEM((SUB,), jnp.float32),
        pltpu.VMEM((SUB,), jnp.int32),
        pltpu.VMEM((SUB,), jnp.float32),
        pltpu.VMEM((S_MIR,), jnp.int32),
        pltpu.VMEM((S_MIR,), jnp.float32),
        pltpu.SMEM((NSUB16,), jnp.int32),
        pltpu.SemaphoreType.DMA,
        pltpu.SemaphoreType.DMA,
    ],
)(_tail_body)



def _pix_body(pix_in, val_in, out_hbm, idxA, idxB, gvA, gvB,
              sgA, sgB, swA, swB):
    wid = lax.axis_index("s") * 2 + lax.axis_index("c")
    base = wid * PCHUNK

    def pair(p, carry):
        offA = base + (2 * p) * PSUB
        offB = offA + PSUB
        pltpu.sync_copy(pix_in.at[pl.ds(offA, PSUB)], idxA)
        cA = pltpu.async_copy(val_in.at[idxA], gvA, sgA)
        pltpu.sync_copy(pix_in.at[pl.ds(offB, PSUB)], idxB)
        cA.wait()
        wA = pltpu.async_copy(gvA, out_hbm.at[pl.ds(offA, PSUB)], swA)
        cB = pltpu.async_copy(val_in.at[idxB], gvB, sgB)
        cB.wait()
        wB = pltpu.async_copy(gvB, out_hbm.at[pl.ds(offB, PSUB)], swB)
        wA.wait()
        wB.wait()
        return carry

    lax.fori_loop(0, PNSUB // 2, pair, 0)


_pix_gather = functools.partial(
    pl.kernel,
    out_type=jax.ShapeDtypeStruct((PIX,), jnp.float32),
    mesh=_mesh,
    scratch_types=[
        pltpu.VMEM((PSUB,), jnp.int32),
        pltpu.VMEM((PSUB,), jnp.int32),
        pltpu.VMEM((PSUB,), jnp.float32),
        pltpu.VMEM((PSUB,), jnp.float32),
        pltpu.SemaphoreType.DMA,
        pltpu.SemaphoreType.DMA,
        pltpu.SemaphoreType.DMA,
        pltpu.SemaphoreType.DMA,
    ],
)(_pix_body)



def kernel(maxtree_parent, pixel_map, maxtree_diff, attributes, mean,
           inv_diagonal_cov):
    contrib = _scores(attributes, maxtree_diff, mean, inv_diagonal_cov)

    par = jnp.zeros((NP,), jnp.int32).at[1:N + 1].set(
        maxtree_parent.astype(jnp.int32) + 1)
    val = jnp.zeros((NP,), jnp.float32).at[1:N + 1].set(contrib)

    for _ in range(H_SPLIT):
        par, val = _hop(par, val)
    _pa, _va, par, val = _tail(par, val)

    pix = (pixel_map + 1).astype(jnp.int32)
    out = _pix_gather(pix, val)
    return out.reshape(H, W)

# --- scband reference (transcript-rebuilt; emitter-appended) ---
"""Pipeline reference for scband-differential-maxtree-62732292325969 (READ-ONLY COPY).

The authoritative reference and input builder live on the scoring server;
editing this copy changes nothing except your own understanding.
"""

import jax, jax.numpy as jnp
import numpy as np

H = 2048
W = 2048
N = 1048576
F = 15
HOPS = 21  # ceil(log2(N)) + 1, enough to reach the root from any node


def setup_inputs(seed: int = 0) -> dict:
    key = jax.random.key(seed)
    k1, k2, k3 = jax.random.split(key, 3)
    rng = np.random.default_rng(0)
    # max-tree parent pointers: parent[i] < i (topologically sorted tree), root has parent -1
    parent = (rng.random(N) * np.arange(N)).astype(np.int64)
    parent[0] = -1
    # each pixel belongs to (the leaf of) some component
    pixel_map = rng.integers(0, N, size=(H * W,)).astype(np.int64)
    maxtree_diff = jax.random.normal(k1, (N,), dtype=jnp.float32)
    # raw attributes: xmin,ymin,xmax,ymax,area,angle,pca_big,pca_small,hu1..hu7 (positive so sqrt/log are well-defined)
    attributes = jax.random.uniform(k2, (N, F), dtype=jnp.float32, minval=0.1, maxval=10.0)
    mean = jax.random.uniform(k3, (17,), dtype=jnp.float32, minval=-10.0, maxval=10.0)
    inv_diagonal_cov = jnp.full((17,), 1e-05, dtype=jnp.float32)
    return {
        'maxtree_parent': jnp.asarray(parent),
        'pixel_map': jnp.asarray(pixel_map),
        'maxtree_diff': maxtree_diff,
        'attributes': attributes,
        'mean': mean,
        'inv_diagonal_cov': inv_diagonal_cov,
    }


def _log_scaling(feats):
    epsilon = 1e-10
    lshape = jnp.sqrt(feats[:, 7:8]) / (jnp.sqrt(feats[:, 6:7]) + epsilon)
    cosangle = jnp.cos(feats[:, 5:6])
    sinangle = jnp.sin(feats[:, 5:6])
    logged = jnp.log(jnp.abs(feats[:, 6:]) + epsilon)
    return jnp.concatenate([feats[:, :5], logged, lshape, cosangle, sinangle], axis=1)


def _tree_filter(maxtree_parent, maxtree_diff, cc_scores, pixel_map):
    # filtered component value = sum over ancestors (incl. self) of score * diff.
    # Prepend a zero sentinel node so the root chains to a no-op; pointer doubling
    # accumulates the full root-to-node path sum in O(log N) gather passes.
    contrib = cc_scores * maxtree_diff
    val = jnp.concatenate([jnp.zeros((1,), contrib.dtype), contrib])
    par = jnp.concatenate([jnp.zeros((1,), maxtree_parent.dtype), maxtree_parent + 1])
    for _ in range(HOPS):
        val = val + val[par]
        par = par[par]
    return val[pixel_map + 1].reshape(H, W)


def reference(maxtree_parent, pixel_map, maxtree_diff, attributes, mean, inv_diagonal_cov):
    rescaled_attributes = _log_scaling(attributes)
    attributes_zeromean = rescaled_attributes - mean[None, :]
    _covs = -jnp.power(attributes_zeromean, 2)
    cc_scores = _covs * jnp.clip(inv_diagonal_cov, 0.0)[None, :]
    cc_scores = jnp.exp(cc_scores.sum(axis=1))
    filtered_output = _tree_filter(maxtree_parent, maxtree_diff, cc_scores.astype(jnp.float32), pixel_map)
    return filtered_output

if __name__ == "__main__":
    import jax
    _d = setup_inputs()
    print(jax.jit(kernel)(*tuple(_d.values())))

</pallas_src>

<mosaic_0001>
#map = affine_map<(d0, d1) -> (0)>
module attributes {stable_mosaic.version = 14 : i64} {
  func.func @_hop_body(%arg0: i32, %arg1: i32, %arg2: memref<1081344xi32, #tpu.memory_space<hbm>>, %arg3: memref<1081344xf32, #tpu.memory_space<hbm>>, %arg4: memref<1081344xi32, #tpu.memory_space<hbm>>, %arg5: memref<1081344xf32, #tpu.memory_space<hbm>>, %arg6: memref<4224xi32, #tpu.memory_space<vmem>>, %arg7: memref<4224xi32, #tpu.memory_space<vmem>>, %arg8: memref<4224xf32, #tpu.memory_space<vmem>>, %arg9: memref<4224xi32, #tpu.memory_space<vmem>>, %arg10: memref<4224xf32, #tpu.memory_space<vmem>>, %arg11: memref<4224xi32, #tpu.memory_space<vmem>>, %arg12: memref<4224xf32, #tpu.memory_space<vmem>>, %arg13: memref<32768xi32, #tpu.memory_space<vmem>>, %arg14: memref<32768xf32, #tpu.memory_space<vmem>>, %arg15: memref<!tpu.dma_semaphore, #tpu.memory_space<semaphore_mem>>, %arg16: memref<!tpu.dma_semaphore, #tpu.memory_space<semaphore_mem>>) attributes {dimension_semantics = [#tpu.dimension_semantics<core_parallel>, #tpu.dimension_semantics<subcore_parallel>], iteration_bounds = array<i64: 2, 16>, scalar_prefetch = 0 : i64, scratch_operands = 11 : i64, tpu.core_type = #tpu.core_type<sc_vector_subcore>, window_params = [{transform_indices = #map}, {transform_indices = #map}, {transform_indices = #map}, {transform_indices = #map}]} {
    %mul3A = arith.constant 2 : i32
    %mul3A_0 = arith.muli %arg1, %mul3A : i32
    %add3A = arith.addi %mul3A_0, %arg0 : i32
    %mul3A_1 = arith.constant 33792 : i32
    %mul3A_2 = arith.muli %add3A, %mul3A_1 : i32
    "tpu.region"() ({
      %run_scoped3A = tpu.sem_alloc : memref<!tpu.dma_semaphore, #tpu.memory_space<semaphore_mem>>
      %dma_start3A = arith.constant 0 : i32
      %dma_start3A_8 = tpu.memref_slice %arg2[%dma_start3A] : memref<1081344xi32, #tpu.memory_space<hbm>> -> memref<32768xi32, #tpu.memory_space<hbm>>
      %dma_start3A_9 = arith.constant 0 : i32
      %dma_start3A_10 = tpu.memref_slice %arg2[%dma_start3A_9] : memref<1081344xi32, #tpu.memory_space<hbm>> -> memref<32768xi32, #tpu.memory_space<hbm>>
      tpu.enqueue_dma source(%dma_start3A_10 : memref<32768xi32, #tpu.memory_space<hbm>>) target(%arg13 : memref<32768xi32, #tpu.memory_space<vmem>>) target_semaphore(%run_scoped3A : memref<!tpu.dma_semaphore, #tpu.memory_space<semaphore_mem>>)
      %dma_wait3A = arith.constant 0 : i32
      %dma_wait3A_11 = tpu.memref_slice %arg2[%dma_wait3A] : memref<1081344xi32, #tpu.memory_space<hbm>> -> memref<32768xi32, #tpu.memory_space<hbm>>
      %dma_wait3A_12 = arith.constant 0 : i32
      %dma_wait3A_13 = tpu.memref_slice %arg2[%dma_wait3A_12] : memref<1081344xi32, #tpu.memory_space<hbm>> -> memref<32768xi32, #tpu.memory_space<hbm>>
      tpu.wait_dma2 semaphore(%run_scoped3A : memref<!tpu.dma_semaphore, #tpu.memory_space<semaphore_mem>>) src(%dma_wait3A_13 : memref<32768xi32, #tpu.memory_space<hbm>>) dst(%arg13 : memref<32768xi32, #tpu.memory_space<vmem>>)
      tpu.yield
    }) : () -> ()
    "tpu.region"() ({
      %run_scoped3A = tpu.sem_alloc : memref<!tpu.dma_semaphore, #tpu.memory_space<semaphore_mem>>
      %dma_start3A = arith.constant 0 : i32
      %dma_start3A_8 = tpu.memref_slice %arg3[%dma_start3A] : memref<1081344xf32, #tpu.memory_space<hbm>> -> memref<32768xf32, #tpu.memory_space<hbm>>
      %dma_start3A_9 = arith.constant 0 : i32
      %dma_start3A_10 = tpu.memref_slice %arg3[%dma_start3A_9] : memref<1081344xf32, #tpu.memory_space<hbm>> -> memref<32768xf32, #tpu.memory_space<hbm>>
      tpu.enqueue_dma source(%dma_start3A_10 : memref<32768xf32, #tpu.memory_space<hbm>>) target(%arg14 : memref<32768xf32, #tpu.memory_space<vmem>>) target_semaphore(%run_scoped3A : memref<!tpu.dma_semaphore, #tpu.memory_space<semaphore_mem>>)
      %dma_wait3A = arith.constant 0 : i32
      %dma_wait3A_11 = tpu.memref_slice %arg3[%dma_wait3A] : memref<1081344xf32, #tpu.memory_space<hbm>> -> memref<32768xf32, #tpu.memory_space<hbm>>
      %dma_wait3A_12 = arith.constant 0 : i32
      %dma_wait3A_13 = tpu.memref_slice %arg3[%dma_wait3A_12] : memref<1081344xf32, #tpu.memory_space<hbm>> -> memref<32768xf32, #tpu.memory_space<hbm>>
      tpu.wait_dma2 semaphore(%run_scoped3A : memref<!tpu.dma_semaphore, #tpu.memory_space<semaphore_mem>>) src(%dma_wait3A_13 : memref<32768xf32, #tpu.memory_space<hbm>>) dst(%arg14 : memref<32768xf32, #tpu.memory_space<vmem>>)
      tpu.yield
    }) : () -> ()
    %scan3A = arith.constant 0 : i32
    %scan3A_3 = arith.constant 0 : i32
    %scan3A_4 = arith.constant 8 : i32
    %scan3A_5 = arith.addi %scan3A_3, %scan3A_4 : i32
    %scan3A_6 = arith.constant 1 : i32
    scf.for %scan3A_8 = %scan3A_3 to %scan3A_5 step %scan3A_6  : i32 {
      %mul3A_9 = arith.constant 4224 : i32
      %mul3A_10 = arith.muli %scan3A_8, %mul3A_9 : i32
      %add3A_11 = arith.addi %mul3A_2, %mul3A_10 : i32
      "tpu.region"() ({
        %run_scoped3A = tpu.sem_alloc : memref<!tpu.dma_semaphore, #tpu.memory_space<semaphore_mem>>
        %dma_start3A = tpu.memref_slice %arg2[%add3A_11] : memref<1081344xi32, #tpu.memory_space<hbm>> -> memref<4224xi32, #tpu.memory_space<hbm>>
        %dma_start3A_116 = tpu.memref_slice %arg2[%add3A_11] : memref<1081344xi32, #tpu.memory_space<hbm>> -> memref<4224xi32, #tpu.memory_space<hbm>>
        tpu.enqueue_dma source(%dma_start3A_116 : memref<4224xi32, #tpu.memory_space<hbm>>) target(%arg6 : memref<4224xi32, #tpu.memory_space<vmem>>) target_semaphore(%run_scoped3A : memref<!tpu.dma_semaphore, #tpu.memory_space<semaphore_mem>>)
        %dma_wait3A = tpu.memref_slice %arg2[%add3A_11] : memref<1081344xi32, #tpu.memory_space<hbm>> -> memref<4224xi32, #tpu.memory_space<hbm>>
        %dma_wait3A_117 = tpu.memref_slice %arg2[%add3A_11] : memref<1081344xi32, #tpu.memory_space<hbm>> -> memref<4224xi32, #tpu.memory_space<hbm>>
        tpu.wait_dma2 semaphore(%run_scoped3A : memref<!tpu.dma_semaphore, #tpu.memory_space<semaphore_mem>>) src(%dma_wait3A_117 : memref<4224xi32, #tpu.memory_space<hbm>>) dst(%arg6 : memref<4224xi32, #tpu.memory_space<vmem>>)
        tpu.yield
      }) : () -> ()
      "tpu.region"() ({
        %run_scoped3A = tpu.sem_alloc : memref<!tpu.dma_semaphore, #tpu.memory_space<semaphore_mem>>
        %dma_start3A = tpu.memref_slice %arg3[%add3A_11] : memref<1081344xf32, #tpu.memory_space<hbm>> -> memref<4224xf32, #tpu.memory_space<hbm>>
        %dma_start3A_116 = tpu.memref_slice %arg3[%add3A_11] : memref<1081344xf32, #tpu.memory_space<hbm>> -> memref<4224xf32, #tpu.memory_space<hbm>>
        tpu.enqueue_dma source(%dma_start3A_116 : memref<4224xf32, #tpu.memory_space<hbm>>) target(%arg8 : memref<4224xf32, #tpu.memory_space<vmem>>) target_semaphore(%run_scoped3A : memref<!tpu.dma_semaphore, #tpu.memory_space<semaphore_mem>>)
        %dma_wait3A = tpu.memref_slice %arg3[%add3A_11] : memref<1081344xf32, #tpu.memory_space<hbm>> -> memref<4224xf32, #tpu.memory_space<hbm>>
        %dma_wait3A_117 = tpu.memref_slice %arg3[%add3A_11] : memref<1081344xf32, #tpu.memory_space<hbm>> -> memref<4224xf32, #tpu.memory_space<hbm>>
        tpu.wait_dma2 semaphore(%run_scoped3A : memref<!tpu.dma_semaphore, #tpu.memory_space<semaphore_mem>>) src(%dma_wait3A_117 : memref<4224xf32, #tpu.memory_space<hbm>>) dst(%arg8 : memref<4224xf32, #tpu.memory_space<vmem>>)
        tpu.yield
      }) : () -> ()
      %broadcast_in_dim3A = arith.constant 0 : i32
      %broadcast_in_dim3A_12 = vector.broadcast %broadcast_in_dim3A : i32 to vector<16xi32>
      %scan3A_13 = arith.constant 0 : i32
      %scan3A_14 = arith.constant 264 : i32
      %scan3A_15 = arith.addi %scan3A_13, %scan3A_14 : i32
      %scan3A_16 = arith.constant 1 : i32
      %scan3A_17:2 = scf.for %scan3A_116 = %scan3A_13 to %scan3A_15 step %scan3A_16 iter_args(%scan3A_117 = %broadcast_in_dim3A_12, %scan3A_118 = %broadcast_in_dim3A_12) -> (vector<16xi32>, vector<16xi32>)  : i32 {
        %mul3A_119 = arith.constant 16 : i32
        %mul3A_120 = arith.muli %scan3A_116, %mul3A_119 : i32
        %get3A = arith.index_cast %mul3A_120 : i32 to index
        %get3A_121 = tpu.vector_load %arg6[%get3A] {strides = array<i32>} : memref<4224xi32, #tpu.memory_space<vmem>>, vector<16xi32>,
        %or3A_122 = arith.ori %scan3A_117, %get3A_121 : vector<16xi32>
        %shift_right_logical3A = arith.constant 15 : i32
        %shift_right_logical3A_123 = vector.broadcast %shift_right_logical3A : i32 to vector<16xi32>
        %shift_right_logical3A_124 = arith.shrui %get3A_121, %shift_right_logical3A_123 : vector<16xi32>
        %or3A_125 = arith.ori %scan3A_118, %shift_right_logical3A_124 : vector<16xi32>
        scf.yield %or3A_122, %or3A_125 : vector<16xi32>, vector<16xi32>
      }
      %scan3A_18 = arith.constant 264 : i32
      %slice3A = vector.extract_strided_slice %scan3A_17#0 {offsets = [0], sizes = [1], strides = [1]} : vector<16xi32> to vector<1xi32>
      %squeeze3A = vector.extract %slice3A[0] : i32 from vector<1xi32>
      %slice3A_19 = vector.extract_strided_slice %scan3A_17#0 {offsets = [1], sizes = [1], strides = [1]} : vector<16xi32> to vector<1xi32>
      %squeeze3A_20 = vector.extract %slice3A_19[0] : i32 from vector<1xi32>
      %or3A = arith.ori %squeeze3A, %squeeze3A_20 : i32
      %slice3A_21 = vector.extract_strided_slice %scan3A_17#0 {offsets = [2], sizes = [1], strides = [1]} : vector<16xi32> to vector<1xi32>
      %squeeze3A_22 = vector.extract %slice3A_21[0] : i32 from vector<1xi32>
      %or3A_23 = arith.ori %or3A, %squeeze3A_22 : i32
      %slice3A_24 = vector.extract_strided_slice %scan3A_17#0 {offsets = [3], sizes = [1], strides = [1]} : vector<16xi32> to vector<1xi32>
      %squeeze3A_25 = vector.extract %slice3A_24[0] : i32 from vector<1xi32>
      %or3A_26 = arith.ori %or3A_23, %squeeze3A_25 : i32
      %slice3A_27 = vector.extract_strided_slice %scan3A_17#0 {offsets = [4], sizes = [1], strides = [1]} : vector<16xi32> to vector<1xi32>
      %squeeze3A_28 = vector.extract %slice3A_27[0] : i32 from vector<1xi32>
      %or3A_29 = arith.ori %or3A_26, %squeeze3A_28 : i32
      %slice3A_30 = vector.extract_strided_slice %scan3A_17#0 {offsets = [5], sizes = [1], strides = [1]} : vector<16xi32> to vector<1xi32>
      %squeeze3A_31 = vector.extract %slice3A_30[0] : i32 from vector<1xi32>
      %or3A_32 = arith.ori %or3A_29, %squeeze3A_31 : i32
      %slice3A_33 = vector.extract_strided_slice %scan3A_17#0 {offsets = [6], sizes = [1], strides = [1]} : vector<16xi32> to vector<1xi32>
      %squeeze3A_34 = vector.extract %slice3A_33[0] : i32 from vector<1xi32>
      %or3A_35 = arith.ori %or3A_32, %squeeze3A_34 : i32
      %slice3A_36 = vector.extract_strided_slice %scan3A_17#0 {offsets = [7], sizes = [1], strides = [1]} : vector<16xi32> to vector<1xi32>
      %squeeze3A_37 = vector.extract %slice3A_36[0] : i32 from vector<1xi32>
      %or3A_38 = arith.ori %or3A_35, %squeeze3A_37 : i32
      %slice3A_39 = vector.extract_strided_slice %scan3A_17#0 {offsets = [8], sizes = [1], strides = [1]} : vector<16xi32> to vector<1xi32>
      %squeeze3A_40 = vector.extract %slice3A_39[0] : i32 from vector<1xi32>
      %or3A_41 = arith.ori %or3A_38, %squeeze3A_40 : i32
      %slice3A_42 = vector.extract_strided_slice %scan3A_17#0 {offsets = [9], sizes = [1], strides = [1]} : vector<16xi32> to vector<1xi32>
      %squeeze3A_43 = vector.extract %slice3A_42[0] : i32 from vector<1xi32>
      %or3A_44 = arith.ori %or3A_41, %squeeze3A_43 : i32
      %slice3A_45 = vector.extract_strided_slice %scan3A_17#0 {offsets = [10], sizes = [1], strides = [1]} : vector<16xi32> to vector<1xi32>
      %squeeze3A_46 = vector.extract %slice3A_45[0] : i32 from vector<1xi32>
      %or3A_47 = arith.ori %or3A_44, %squeeze3A_46 : i32
      %slice3A_48 = vector.extract_strided_slice %scan3A_17#0 {offsets = [11], sizes = [1], strides = [1]} : vector<16xi32> to vector<1xi32>
      %squeeze3A_49 = vector.extract %slice3A_48[0] : i32 from vector<1xi32>
      %or3A_50 = arith.ori %or3A_47, %squeeze3A_49 : i32
      %slice3A_51 = vector.extract_strided_slice %scan3A_17#0 {offsets = [12], sizes = [1], strides = [1]} : vector<16xi32> to vector<1xi32>
      %squeeze3A_52 = vector.extract %slice3A_51[0] : i32 from vector<1xi32>
      %or3A_53 = arith.ori %or3A_50, %squeeze3A_52 : i32
      %slice3A_54 = vector.extract_strided_slice %scan3A_17#0 {offsets = [13], sizes = [1], strides = [1]} : vector<16xi32> to vector<1xi32>
      %squeeze3A_55 = vector.extract %slice3A_54[0] : i32 from vector<1xi32>
      %or3A_56 = arith.ori %or3A_53, %squeeze3A_55 : i32
      %slice3A_57 = vector.extract_strided_slice %scan3A_17#0 {offsets = [14], sizes = [1], strides = [1]} : vector<16xi32> to vector<1xi32>
      %squeeze3A_58 = vector.extract %slice3A_57[0] : i32 from vector<1xi32>
      %or3A_59 = arith.ori %or3A_56, %squeeze3A_58 : i32
      %slice3A_60 = vector.extract_strided_slice %scan3A_17#0 {offsets = [15], sizes = [1], strides = [1]} : vector<16xi32> to vector<1xi32>
      %squeeze3A_61 = vector.extract %slice3A_60[0] : i32 from vector<1xi32>
      %or3A_62 = arith.ori %or3A_59, %squeeze3A_61 : i32
      %slice3A_63 = vector.extract_strided_slice %scan3A_17#1 {offsets = [0], sizes = [1], strides = [1]} : vector<16xi32> to vector<1xi32>
      %squeeze3A_64 = vector.extract %slice3A_63[0] : i32 from vector<1xi32>
      %slice3A_65 = vector.extract_strided_slice %scan3A_17#1 {offsets = [1], sizes = [1], strides = [1]} : vector<16xi32> to vector<1xi32>
      %squeeze3A_66 = vector.extract %slice3A_65[0] : i32 from vector<1xi32>
      %or3A_67 = arith.ori %squeeze3A_64, %squeeze3A_66 : i32
      %slice3A_68 = vector.extract_strided_slice %scan3A_17#1 {offsets = [2], sizes = [1], strides = [1]} : vector<16xi32> to vector<1xi32>
      %squeeze3A_69 = vector.extract %slice3A_68[0] : i32 from vector<1xi32>
      %or3A_70 = arith.ori %or3A_67, %squeeze3A_69 : i32
      %slice3A_71 = vector.extract_strided_slice %scan3A_17#1 {offsets = [3], sizes = [1], strides = [1]} : vector<16xi32> to vector<1xi32>
      %squeeze3A_72 = vector.extract %slice3A_71[0] : i32 from vector<1xi32>
      %or3A_73 = arith.ori %or3A_70, %squeeze3A_72 : i32
      %slice3A_74 = vector.extract_strided_slice %scan3A_17#1 {offsets = [4], sizes = [1], strides = [1]} : vector<16xi32> to vector<1xi32>
      %squeeze3A_75 = vector.extract %slice3A_74[0] : i32 from vector<1xi32>
      %or3A_76 = arith.ori %or3A_73, %squeeze3A_75 : i32
      %slice3A_77 = vector.extract_strided_slice %scan3A_17#1 {offsets = [5], sizes = [1], strides = [1]} : vector<16xi32> to vector<1xi32>
      %squeeze3A_78 = vector.extract %slice3A_77[0] : i32 from vector<1xi32>
      %or3A_79 = arith.ori %or3A_76, %squeeze3A_78 : i32
      %slice3A_80 = vector.extract_strided_slice %scan3A_17#1 {offsets = [6], sizes = [1], strides = [1]} : vector<16xi32> to vector<1xi32>
      %squeeze3A_81 = vector.extract %slice3A_80[0] : i32 from vector<1xi32>
      %or3A_82 = arith.ori %or3A_79, %squeeze3A_81 : i32
      %slice3A_83 = vector.extract_strided_slice %scan3A_17#1 {offsets = [7], sizes = [1], strides = [1]} : vector<16xi32> to vector<1xi32>
      %squeeze3A_84 = vector.extract %slice3A_83[0] : i32 from vector<1xi32>
      %or3A_85 = arith.ori %or3A_82, %squeeze3A_84 : i32
      %slice3A_86 = vector.extract_strided_slice %scan3A_17#1 {offsets = [8], sizes = [1], strides = [1]} : vector<16xi32> to vector<1xi32>
      %squeeze3A_87 = vector.extract %slice3A_86[0] : i32 from vector<1xi32>
      %or3A_88 = arith.ori %or3A_85, %squeeze3A_87 : i32
      %slice3A_89 = vector.extract_strided_slice %scan3A_17#1 {offsets = [9], sizes = [1], strides = [1]} : vector<16xi32> to vector<1xi32>
      %squeeze3A_90 = vector.extract %slice3A_89[0] : i32 from vector<1xi32>
      %or3A_91 = arith.ori %or3A_88, %squeeze3A_90 : i32
      %slice3A_92 = vector.extract_strided_slice %scan3A_17#1 {offsets = [10], sizes = [1], strides = [1]} : vector<16xi32> to vector<1xi32>
      %squeeze3A_93 = vector.extract %slice3A_92[0] : i32 from vector<1xi32>
      %or3A_94 = arith.ori %or3A_91, %squeeze3A_93 : i32
      %slice3A_95 = vector.extract_strided_slice %scan3A_17#1 {offsets = [11], sizes = [1], strides = [1]} : vector<16xi32> to vector<1xi32>
      %squeeze3A_96 = vector.extract %slice3A_95[0] : i32 from vector<1xi32>
      %or3A_97 = arith.ori %or3A_94, %squeeze3A_96 : i32
      %slice3A_98 = vector.extract_strided_slice %scan3A_17#1 {offsets = [12], sizes = [1], strides = [1]} : vector<16xi32> to vector<1xi32>
      %squeeze3A_99 = vector.extract %slice3A_98[0] : i32 from vector<1xi32>
      %or3A_100 = arith.ori %or3A_97, %squeeze3A_99 : i32
      %slice3A_101 = vector.extract_strided_slice %scan3A_17#1 {offsets = [13], sizes = [1], strides = [1]} : vector<16xi32> to vector<1xi32>
      %squeeze3A_102 = vector.extract %slice3A_101[0] : i32 from vector<1xi32>
      %or3A_103 = arith.ori %or3A_100, %squeeze3A_102 : i32
      %slice3A_104 = vector.extract_strided_slice %scan3A_17#1 {offsets = [14], sizes = [1], strides = [1]} : vector<16xi32> to vector<1xi32>
      %squeeze3A_105 = vector.extract %slice3A_104[0] : i32 from vector<1xi32>
      %or3A_106 = arith.ori %or3A_103, %squeeze3A_105 : i32
      %slice3A_107 = vector.extract_strided_slice %scan3A_17#1 {offsets = [15], sizes = [1], strides = [1]} : vector<16xi32> to vector<1xi32>
      %squeeze3A_108 = vector.extract %slice3A_107[0] : i32 from vector<1xi32>
      %or3A_109 = arith.ori %or3A_106, %squeeze3A_108 : i32
      %gt3A = arith.constant 0 : i32
      %gt3A_110 = arith.cmpi sgt, %or3A_62, %gt3A : i32
      %convert_element_type3A = arith.extui %gt3A_110 : i1 to i32
      %cond3A = arith.constant 0 : i32
      %cond3A_111 = arith.cmpi ne, %convert_element_type3A, %cond3A : i32
      scf.if %cond3A_111 {
        %iota3A = tpu.iota {dimensions = array<i32: 0>} : vector<16xi32>
        %gt3A_116 = arith.constant 0 : i32
        %gt3A_117 = arith.cmpi sgt, %or3A_109, %gt3A_116 : i32
        %convert_element_type3A_118 = arith.extui %gt3A_117 : i1 to i32
        %cond3A_119 = arith.constant 0 : i32
        %cond3A_120 = arith.cmpi ne, %convert_element_type3A_118, %cond3A_119 : i32
        scf.if %cond3A_120 {
          %scan3A_127 = arith.constant 0 : i32
          %scan3A_128 = arith.constant 0 : i32
          %scan3A_129 = arith.constant 264 : i32
          %scan3A_130 = arith.addi %scan3A_128, %scan3A_129 : i32
          %scan3A_131 = arith.constant 1 : i32
          scf.for %scan3A_139 = %scan3A_128 to %scan3A_130 step %scan3A_131  : i32 {
            %mul3A_140 = arith.constant 16 : i32
            %mul3A_141 = arith.muli %scan3A_139, %mul3A_140 : i32
            %mul3A_142 = arith.constant 16 : i32
            %mul3A_143 = arith.muli %scan3A_139, %mul3A_142 : i32
            %add3A_144 = arith.addi %add3A_11, %mul3A_143 : i32
            %add3A_145 = vector.broadcast %add3A_144 : i32 to vector<16xi32>
            %add3A_146 = arith.addi %iota3A, %add3A_145 : vector<16xi32>
            %get3A = arith.index_cast %mul3A_141 : i32 to index
            %get3A_147 = tpu.vector_load %arg6[%get3A] {strides = array<i32>} : memref<4224xi32, #tpu.memory_space<vmem>>, vector<16xi32>,
            %lt3A = arith.constant 32768 : i32
            %lt3A_148 = vector.broadcast %lt3A : i32 to vector<16xi32>
            %lt3A_149 = arith.cmpi slt, %get3A_147, %lt3A_148 : vector<16xi32>
            %select_n3A = arith.select %lt3A_149, %add3A_146, %get3A_147 : vector<16xi1>, vector<16xi32>
            %swap3A = arith.index_cast %mul3A_141 : i32 to index
            %swap3A_150 = tpu.vector_load %arg7[%swap3A] {strides = array<i32>} : memref<4224xi32, #tpu.memory_space<vmem>>, vector<16xi32>,
            tpu.vector_store %arg7[%swap3A], %select_n3A {strides = array<i32>} : memref<4224xi32, #tpu.memory_space<vmem>>, vector<16xi32>,
          }
          %scan3A_132 = arith.constant 264 : i32
          %dma_start3A = arith.constant 0 : i32
          %dma_start3A_133 = tpu.memref_slice %arg2[%dma_start3A] : memref<1081344xi32, #tpu.memory_space<hbm>> -> memref<1081344xi32, #tpu.memory_space<hbm>>
          tpu.enqueue_indirect_dma source(%dma_start3A_133 : memref<1081344xi32, #tpu.memory_space<hbm>>) target(%arg11 : memref<4224xi32, #tpu.memory_space<vmem>>) offsets(%arg7 : memref<4224xi32, #tpu.memory_space<vmem>>) semaphore(%arg15 : memref<!tpu.dma_semaphore, #tpu.memory_space<semaphore_mem>>)
          %dma_start3A_134 = arith.constant 0 : i32
          %dma_start3A_135 = tpu.memref_slice %arg3[%dma_start3A_134] : memref<1081344xf32, #tpu.memory_space<hbm>> -> memref<1081344xf32, #tpu.memory_space<hbm>>
          tpu.enqueue_indirect_dma source(%dma_start3A_135 : memref<1081344xf32, #tpu.memory_space<hbm>>) target(%arg12 : memref<4224xf32, #tpu.memory_space<vmem>>) offsets(%arg7 : memref<4224xi32, #tpu.memory_space<vmem>>) semaphore(%arg16 : memref<!tpu.dma_semaphore, #tpu.memory_space<semaphore_mem>>)
          %dma_wait3A = arith.constant 0 : i32
          %dma_wait3A_136 = tpu.memref_slice %arg2[%dma_wait3A] : memref<1081344xi32, #tpu.memory_space<hbm>> -> memref<1081344xi32, #tpu.memory_space<hbm>>
          tpu.wait_indirect_dma semaphore(%arg15 : memref<!tpu.dma_semaphore, #tpu.memory_space<semaphore_mem>>) src(%dma_wait3A_136 : memref<1081344xi32, #tpu.memory_space<hbm>>) dst(%arg11 : memref<4224xi32, #tpu.memory_space<vmem>>)
          %dma_wait3A_137 = arith.constant 0 : i32
          %dma_wait3A_138 = tpu.memref_slice %arg3[%dma_wait3A_137] : memref<1081344xf32, #tpu.memory_space<hbm>> -> memref<1081344xf32, #tpu.memory_space<hbm>>
          tpu.wait_indirect_dma semaphore(%arg16 : memref<!tpu.dma_semaphore, #tpu.memory_space<semaphore_mem>>) src(%dma_wait3A_138 : memref<1081344xf32, #tpu.memory_space<hbm>>) dst(%arg12 : memref<4224xf32, #tpu.memory_space<vmem>>)
        } else {
        }
        %scan3A_121 = arith.constant 0 : i32
        %scan3A_122 = arith.constant 0 : i32
        %scan3A_123 = arith.constant 264 : i32
        %scan3A_124 = arith.addi %scan3A_122, %scan3A_123 : i32
        %scan3A_125 = arith.constant 1 : i32
        scf.for %scan3A_127 = %scan3A_122 to %scan3A_124 step %scan3A_125  : i32 {
          %mul3A_128 = arith.constant 16 : i32
          %mul3A_129 = arith.muli %scan3A_127, %mul3A_128 : i32
          %get3A = arith.index_cast %mul3A_129 : i32 to index
          %get3A_130 = tpu.vector_load %arg6[%get3A] {strides = array<i32>} : memref<4224xi32, #tpu.memory_space<vmem>>, vector<16xi32>,
          %lt3A = arith.constant 32768 : i32
          %lt3A_131 = vector.broadcast %lt3A : i32 to vector<16xi32>
          %lt3A_132 = arith.cmpi slt, %get3A_130, %lt3A_131 : vector<16xi32>
          %and3A = arith.constant 32767 : i32
          %and3A_133 = vector.broadcast %and3A : i32 to vector<16xi32>
          %and3A_134 = arith.andi %get3A_130, %and3A_133 : vector<16xi32>
          %gather3A = tpu.vector_load_idx %arg13[%and3A_134] : memref<32768xi32, #tpu.memory_space<vmem>>[vector<16xi32>], vector<16xi32>,
          %gather3A_135 = tpu.vector_load_idx %arg14[%and3A_134] : memref<32768xf32, #tpu.memory_space<vmem>>[vector<16xi32>], vector<16xf32>,
          %get3A_136 = arith.index_cast %mul3A_129 : i32 to index
          %get3A_137 = tpu.vector_load %arg11[%get3A_136] {strides = array<i32>} : memref<4224xi32, #tpu.memory_space<vmem>>, vector<16xi32>,
          %select_n3A = arith.select %lt3A_132, %gather3A, %get3A_137 : vector<16xi1>, vector<16xi32>
          %swap3A = arith.index_cast %mul3A_129 : i32 to index
          %swap3A_138 = tpu.vector_load %arg9[%swap3A] {strides = array<i32>} : memref<4224xi32, #tpu.memory_space<vmem>>, vector<16xi32>,
          tpu.vector_store %arg9[%swap3A], %select_n3A {strides = array<i32>} : memref<4224xi32, #tpu.memory_space<vmem>>, vector<16xi32>,
          %get3A_139 = arith.index_cast %mul3A_129 : i32 to index
          %get3A_140 = tpu.vector_load %arg8[%get3A_139] {strides = array<i32>} : memref<4224xf32, #tpu.memory_space<vmem>>, vector<16xf32>,
          %get3A_141 = arith.index_cast %mul3A_129 : i32 to index
          %get3A_142 = tpu.vector_load %arg12[%get3A_141] {strides = array<i32>} : memref<4224xf32, #tpu.memory_space<vmem>>, vector<16xf32>,
          %select_n3A_143 = arith.select %lt3A_132, %gather3A_135, %get3A_142 : vector<16xi1>, vector<16xf32>
          %add3A_144 = arith.addf %get3A_140, %select_n3A_143 : vector<16xf32>
          %swap3A_145 = arith.index_cast %mul3A_129 : i32 to index
          %swap3A_146 = tpu.vector_load %arg8[%swap3A_145] {strides = array<i32>} : memref<4224xf32, #tpu.memory_space<vmem>>, vector<16xf32>,
          tpu.vector_store %arg8[%swap3A_145], %add3A_144 {strides = array<i32>} : memref<4224xf32, #tpu.memory_space<vmem>>, vector<16xf32>,
        }
        %scan3A_126 = arith.constant 264 : i32
        "tpu.region"() ({
          %run_scoped3A = tpu.sem_alloc : memref<!tpu.dma_semaphore, #tpu.memory_space<semaphore_mem>>
          %dma_start3A = tpu.memref_slice %arg4[%add3A_11] : memref<1081344xi32, #tpu.memory_space<hbm>> -> memref<4224xi32, #tpu.memory_space<hbm>>
          %dma_start3A_127 = tpu.memref_slice %arg4[%add3A_11] : memref<1081344xi32, #tpu.memory_space<hbm>> -> memref<4224xi32, #tpu.memory_space<hbm>>
          tpu.enqueue_dma source(%arg9 : memref<4224xi32, #tpu.memory_space<vmem>>) target(%dma_start3A_127 : memref<4224xi32, #tpu.memory_space<hbm>>) target_semaphore(%run_scoped3A : memref<!tpu.dma_semaphore, #tpu.memory_space<semaphore_mem>>)
          %dma_wait3A = tpu.memref_slice %arg4[%add3A_11] : memref<1081344xi32, #tpu.memory_space<hbm>> -> memref<4224xi32, #tpu.memory_space<hbm>>
          %dma_wait3A_128 = tpu.memref_slice %arg4[%add3A_11] : memref<1081344xi32, #tpu.memory_space<hbm>> -> memref<4224xi32, #tpu.memory_space<hbm>>
          tpu.wait_dma2 semaphore(%run_scoped3A : memref<!tpu.dma_semaphore, #tpu.memory_space<semaphore_mem>>) src(%arg9 : memref<4224xi32, #tpu.memory_space<vmem>>) dst(%dma_wait3A_128 : memref<4224xi32, #tpu.memory_space<hbm>>)
          tpu.yield
        }) : () -> ()
        "tpu.region"() ({
          %run_scoped3A = tpu.sem_alloc : memref<!tpu.dma_semaphore, #tpu.memory_space<semaphore_mem>>
          %dma_start3A = tpu.memref_slice %arg5[%add3A_11] : memref<1081344xf32, #tpu.memory_space<hbm>> -> memref<4224xf32, #tpu.memory_space<hbm>>
          %dma_start3A_127 = tpu.memref_slice %arg5[%add3A_11] : memref<1081344xf32, #tpu.memory_space<hbm>> -> memref<4224xf32, #tpu.memory_space<hbm>>
          tpu.enqueue_dma source(%arg8 : memref<4224xf32, #tpu.memory_space<vmem>>) target(%dma_start3A_127 : memref<4224xf32, #tpu.memory_space<hbm>>) target_semaphore(%run_scoped3A : memref<!tpu.dma_semaphore, #tpu.memory_space<semaphore_mem>>)
          %dma_wait3A = tpu.memref_slice %arg5[%add3A_11] : memref<1081344xf32, #tpu.memory_space<hbm>> -> memref<4224xf32, #tpu.memory_space<hbm>>
          %dma_wait3A_128 = tpu.memref_slice %arg5[%add3A_11] : memref<1081344xf32, #tpu.memory_space<hbm>> -> memref<4224xf32, #tpu.memory_space<hbm>>
          tpu.wait_dma2 semaphore(%run_scoped3A : memref<!tpu.dma_semaphore, #tpu.memory_space<semaphore_mem>>) src(%arg8 : memref<4224xf32, #tpu.memory_space<vmem>>) dst(%dma_wait3A_128 : memref<4224xf32, #tpu.memory_space<hbm>>)
          tpu.yield
        }) : () -> ()
      } else {
      }
      %eq3A = arith.constant 0 : i32
      %eq3A_112 = arith.cmpi eq, %or3A_62, %eq3A : i32
      %convert_element_type3A_113 = arith.extui %eq3A_112 : i1 to i32
      %cond3A_114 = arith.constant 0 : i32
      %cond3A_115 = arith.cmpi ne, %convert_element_type3A_113, %cond3A_114 : i32
      scf.if %cond3A_115 {
        "tpu.region"() ({
          %run_scoped3A = tpu.sem_alloc : memref<!tpu.dma_semaphore, #tpu.memory_space<semaphore_mem>>
          %dma_start3A = tpu.memref_slice %arg4[%add3A_11] : memref<1081344xi32, #tpu.memory_space<hbm>> -> memref<4224xi32, #tpu.memory_space<hbm>>
          %dma_start3A_116 = tpu.memref_slice %arg4[%add3A_11] : memref<1081344xi32, #tpu.memory_space<hbm>> -> memref<4224xi32, #tpu.memory_space<hbm>>
          tpu.enqueue_dma source(%arg6 : memref<4224xi32, #tpu.memory_space<vmem>>) target(%dma_start3A_116 : memref<4224xi32, #tpu.memory_space<hbm>>) target_semaphore(%run_scoped3A : memref<!tpu.dma_semaphore, #tpu.memory_space<semaphore_mem>>)
          %dma_wait3A = tpu.memref_slice %arg4[%add3A_11] : memref<1081344xi32, #tpu.memory_space<hbm>> -> memref<4224xi32, #tpu.memory_space<hbm>>
          %dma_wait3A_117 = tpu.memref_slice %arg4[%add3A_11] : memref<1081344xi32, #tpu.memory_space<hbm>> -> memref<4224xi32, #tpu.memory_space<hbm>>
          tpu.wait_dma2 semaphore(%run_scoped3A : memref<!tpu.dma_semaphore, #tpu.memory_space<semaphore_mem>>) src(%arg6 : memref<4224xi32, #tpu.memory_space<vmem>>) dst(%dma_wait3A_117 : memref<4224xi32, #tpu.memory_space<hbm>>)
          tpu.yield
        }) : () -> ()
        "tpu.region"() ({
          %run_scoped3A = tpu.sem_alloc : memref<!tpu.dma_semaphore, #tpu.memory_space<semaphore_mem>>
          %dma_start3A = tpu.memref_slice %arg5[%add3A_11] : memref<1081344xf32, #tpu.memory_space<hbm>> -> memref<4224xf32, #tpu.memory_space<hbm>>
          %dma_start3A_116 = tpu.memref_slice %arg5[%add3A_11] : memref<1081344xf32, #tpu.memory_space<hbm>> -> memref<4224xf32, #tpu.memory_space<hbm>>
          tpu.enqueue_dma source(%arg8 : memref<4224xf32, #tpu.memory_space<vmem>>) target(%dma_start3A_116 : memref<4224xf32, #tpu.memory_space<hbm>>) target_semaphore(%run_scoped3A : memref<!tpu.dma_semaphore, #tpu.memory_space<semaphore_mem>>)
          %dma_wait3A = tpu.memref_slice %arg5[%add3A_11] : memref<1081344xf32, #tpu.memory_space<hbm>> -> memref<4224xf32, #tpu.memory_space<hbm>>
          %dma_wait3A_117 = tpu.memref_slice %arg5[%add3A_11] : memref<1081344xf32, #tpu.memory_space<hbm>> -> memref<4224xf32, #tpu.memory_space<hbm>>
          tpu.wait_dma2 semaphore(%run_scoped3A : memref<!tpu.dma_semaphore, #tpu.memory_space<semaphore_mem>>) src(%arg8 : memref<4224xf32, #tpu.memory_space<vmem>>) dst(%dma_wait3A_117 : memref<4224xf32, #tpu.memory_space<hbm>>)
          tpu.yield
        }) : () -> ()
      } else {
      }
    }
    %scan3A_7 = arith.constant 8 : i32
    return
  }
}

#map = affine_map<(d0, d1) -> (0)>
module attributes {stable_mosaic.version = 14 : i64} {
  func.func @_hop_body(%arg0: i32, %arg1: i32, %arg2: memref<1081344xi32, #tpu.memory_space<hbm>>, %arg3: memref<1081344xf32, #tpu.memory_space<hbm>>, %arg4: memref<1081344xi32, #tpu.memory_space<hbm>>, %arg5: memref<1081344xf32, #tpu.memory_space<hbm>>, %arg6: memref<4224xi32, #tpu.memory_space<vmem>>, %arg7: memref<4224xi32, #tpu.memory_space<vmem>>, %arg8: memref<4224xf32, #tpu.memory_space<vmem>>, %arg9: memref<4224xi32, #tpu.memory_space<vmem>>, %arg10: memref<4224xf32, #tpu.memory_space<vmem>>, %arg11: memref<4224xi32, #tpu.memory_space<vmem>>, %arg12: memref<4224xf32, #tpu.memory_space<vmem>>, %arg13: memref<32768xi32, #tpu.memory_space<vmem>>, %arg14: memref<32768xf32, #tpu.memory_space<vmem>>, %arg15: memref<!tpu.dma_semaphore, #tpu.memory_space<semaphore_mem>>, %arg16: memref<!tpu.dma_semaphore, #tpu.memory_space<semaphore_mem>>) attributes {dimension_semantics = [#tpu.dimension_semantics<core_parallel>, #tpu.dimension_semantics<subcore_parallel>], iteration_bounds = array<i64: 2, 16>, scalar_prefetch = 0 : i64, scratch_operands = 11 : i64, tpu.core_type = #tpu.core_type<sc_vector_subcore>, window_params = [{transform_indices = #map}, {transform_indices = #map}, {transform_indices = #map}, {transform_indices = #map}]} {
    %mul3A = arith.constant 2 : i32
    %mul3A_0 = arith.muli %arg1, %mul3A : i32
    %add3A = arith.addi %mul3A_0, %arg0 : i32
    %mul3A_1 = arith.constant 33792 : i32
    %mul3A_2 = arith.muli %add3A, %mul3A_1 : i32
    "tpu.region"() ({
      %run_scoped3A = tpu.sem_alloc : memref<!tpu.dma_semaphore, #tpu.memory_space<semaphore_mem>>
      %dma_start3A = arith.constant 0 : i32
      %dma_start3A_8 = tpu.memref_slice %arg2[%dma_start3A] : memref<1081344xi32, #tpu.memory_space<hbm>> -> memref<32768xi32, #tpu.memory_space<hbm>>
      %dma_start3A_9 = arith.constant 0 : i32
      %dma_start3A_10 = tpu.memref_slice %arg2[%dma_start3A_9] : memref<1081344xi32, #tpu.memory_space<hbm>> -> memref<32768xi32, #tpu.memory_space<hbm>>
      tpu.enqueue_dma source(%dma_start3A_10 : memref<32768xi32, #tpu.memory_space<hbm>>) target(%arg13 : memref<32768xi32, #tpu.memory_space<vmem>>) target_semaphore(%run_scoped3A : memref<!tpu.dma_semaphore, #tpu.memory_space<semaphore_mem>>)
      %dma_wait3A = arith.constant 0 : i32
      %dma_wait3A_11 = tpu.memref_slice %arg2[%dma_wait3A] : memref<1081344xi32, #tpu.memory_space<hbm>> -> memref<32768xi32, #tpu.memory_space<hbm>>
      %dma_wait3A_12 = arith.constant 0 : i32
      %dma_wait3A_13 = tpu.memref_slice %arg2[%dma_wait3A_12] : memref<1081344xi32, #tpu.memory_space<hbm>> -> memref<32768xi32, #tpu.memory_space<hbm>>
      tpu.wait_dma2 semaphore(%run_scoped3A : memref<!tpu.dma_semaphore, #tpu.memory_space<semaphore_mem>>) src(%dma_wait3A_13 : memref<32768xi32, #tpu.memory_space<hbm>>) dst(%arg13 : memref<32768xi32, #tpu.memory_space<vmem>>)
      tpu.yield
    }) : () -> ()
    "tpu.region"() ({
      %run_scoped3A = tpu.sem_alloc : memref<!tpu.dma_semaphore, #tpu.memory_space<semaphore_mem>>
      %dma_start3A = arith.constant 0 : i32
      %dma_start3A_8 = tpu.memref_slice %arg3[%dma_start3A] : memref<1081344xf32, #tpu.memory_space<hbm>> -> memref<32768xf32, #tpu.memory_space<hbm>>
      %dma_start3A_9 = arith.constant 0 : i32
      %dma_start3A_10 = tpu.memref_slice %arg3[%dma_start3A_9] : memref<1081344xf32, #tpu.memory_space<hbm>> -> memref<32768xf32, #tpu.memory_space<hbm>>
      tpu.enqueue_dma source(%dma_start3A_10 : memref<32768xf32, #tpu.memory_space<hbm>>) target(%arg14 : memref<32768xf32, #tpu.memory_space<vmem>>) target_semaphore(%run_scoped3A : memref<!tpu.dma_semaphore, #tpu.memory_space<semaphore_mem>>)
      %dma_wait3A = arith.constant 0 : i32
      %dma_wait3A_11 = tpu.memref_slice %arg3[%dma_wait3A] : memref<1081344xf32, #tpu.memory_space<hbm>> -> memref<32768xf32, #tpu.memory_space<hbm>>
      %dma_wait3A_12 = arith.constant 0 : i32
      %dma_wait3A_13 = tpu.memref_slice %arg3[%dma_wait3A_12] : memref<1081344xf32, #tpu.memory_space<hbm>> -> memref<32768xf32, #tpu.memory_space<hbm>>
      tpu.wait_dma2 semaphore(%run_scoped3A : memref<!tpu.dma_semaphore, #tpu.memory_space<semaphore_mem>>) src(%dma_wait3A_13 : memref<32768xf32, #tpu.memory_space<hbm>>) dst(%arg14 : memref<32768xf32, #tpu.memory_space<vmem>>)
      tpu.yield
    }) : () -> ()
    %scan3A = arith.constant 0 : i32
    %scan3A_3 = arith.constant 0 : i32
    %scan3A_4 = arith.constant 8 : i32
    %scan3A_5 = arith.addi %scan3A_3, %scan3A_4 : i32
    %scan3A_6 = arith.constant 1 : i32
    scf.for %scan3A_8 = %scan3A_3 to %scan3A_5 step %scan3A_6  : i32 {
      %mul3A_9 = arith.constant 4224 : i32
      %mul3A_10 = arith.muli %scan3A_8, %mul3A_9 : i32
      %add3A_11 = arith.addi %mul3A_2, %mul3A_10 : i32
      "tpu.region"() ({
        %run_scoped3A = tpu.sem_alloc : memref<!tpu.dma_semaphore, #tpu.memory_space<semaphore_mem>>
        %dma_start3A = tpu.memref_slice %arg2[%add3A_11] : memref<1081344xi32, #tpu.memory_space<hbm>> -> memref<4224xi32, #tpu.memory_space<hbm>>
        %dma_start3A_116 = tpu.memref_slice %arg2[%add3A_11] : memref<1081344xi32, #tpu.memory_space<hbm>> -> memref<4224xi32, #tpu.memory_space<hbm>>
        tpu.enqueue_dma source(%dma_start3A_116 : memref<4224xi32, #tpu.memory_space<hbm>>) target(%arg6 : memref<4224xi32, #tpu.memory_space<vmem>>) target_semaphore(%run_scoped3A : memref<!tpu.dma_semaphore, #tpu.memory_space<semaphore_mem>>)
        %dma_wait3A = tpu.memref_slice %arg2[%add3A_11] : memref<1081344xi32, #tpu.memory_space<hbm>> -> memref<4224xi32, #tpu.memory_space<hbm>>
        %dma_wait3A_117 = tpu.memref_slice %arg2[%add3A_11] : memref<1081344xi32, #tpu.memory_space<hbm>> -> memref<4224xi32, #tpu.memory_space<hbm>>
        tpu.wait_dma2 semaphore(%run_scoped3A : memref<!tpu.dma_semaphore, #tpu.memory_space<semaphore_mem>>) src(%dma_wait3A_117 : memref<4224xi32, #tpu.memory_space<hbm>>) dst(%arg6 : memref<4224xi32, #tpu.memory_space<vmem>>)
        tpu.yield
      }) : () -> ()
      "tpu.region"() ({
        %run_scoped3A = tpu.sem_alloc : memref<!tpu.dma_semaphore, #tpu.memory_space<semaphore_mem>>
        %dma_start3A = tpu.memref_slice %arg3[%add3A_11] : memref<1081344xf32, #tpu.memory_space<hbm>> -> memref<4224xf32, #tpu.memory_space<hbm>>
        %dma_start3A_116 = tpu.memref_slice %arg3[%add3A_11] : memref<1081344xf32, #tpu.memory_space<hbm>> -> memref<4224xf32, #tpu.memory_space<hbm>>
        tpu.enqueue_dma source(%dma_start3A_116 : memref<4224xf32, #tpu.memory_space<hbm>>) target(%arg8 : memref<4224xf32, #tpu.memory_space<vmem>>) target_semaphore(%run_scoped3A : memref<!tpu.dma_semaphore, #tpu.memory_space<semaphore_mem>>)
        %dma_wait3A = tpu.memref_slice %arg3[%add3A_11] : memref<1081344xf32, #tpu.memory_space<hbm>> -> memref<4224xf32, #tpu.memory_space<hbm>>
        %dma_wait3A_117 = tpu.memref_slice %arg3[%add3A_11] : memref<1081344xf32, #tpu.memory_space<hbm>> -> memref<4224xf32, #tpu.memory_space<hbm>>
        tpu.wait_dma2 semaphore(%run_scoped3A : memref<!tpu.dma_semaphore, #tpu.memory_space<semaphore_mem>>) src(%dma_wait3A_117 : memref<4224xf32, #tpu.memory_space<hbm>>) dst(%arg8 : memref<4224xf32, #tpu.memory_space<vmem>>)
        tpu.yield
      }) : () -> ()
      %broadcast_in_dim3A = arith.constant 0 : i32
      %broadcast_in_dim3A_12 = vector.broadcast %broadcast_in_dim3A : i32 to vector<16xi32>
      %scan3A_13 = arith.constant 0 : i32
      %scan3A_14 = arith.constant 264 : i32
      %scan3A_15 = arith.addi %scan3A_13, %scan3A_14 : i32
      %scan3A_16 = arith.constant 1 : i32
      %scan3A_17:2 = scf.for %scan3A_116 = %scan3A_13 to %scan3A_15 step %scan3A_16 iter_args(%scan3A_117 = %broadcast_in_dim3A_12, %scan3A_118 = %broadcast_in_dim3A_12) -> (vector<16xi32>, vector<16xi32>)  : i32 {
        %mul3A_119 = arith.constant 16 : i32
        %mul3A_120 = arith.muli %scan3A_116, %mul3A_119 : i32
        %get3A = arith.index_cast %mul3A_120 : i32 to index
        %get3A_121 = tpu.vector_load %arg6[%get3A] {strides = array<i32>} : memref<4224xi32, #tpu.memory_space<vmem>>, vector<16xi32>,
        %or3A_122 = arith.ori %scan3A_117, %get3A_121 : vector<16xi32>
        %shift_right_logical3A = arith.constant 15 : i32
        %shift_right_logical3A_123 = vector.broadcast %shift_right_logical3A : i32 to vector<16xi32>
        %shift_right_logical3A_124 = arith.shrui %get3A_121, %shift_right_logical3A_123 : vector<16xi32>
        %or3A_125 = arith.ori %scan3A_118, %shift_right_logical3A_124 : vector<16xi32>
        scf.yield %or3A_122, %or3A_125 : vector<16xi32>, vector<16xi32>
      }
      %scan3A_18 = arith.constant 264 : i32
      %slice3A = vector.extract_strided_slice %scan3A_17#0 {offsets = [0], sizes = [1], strides = [1]} : vector<16xi32> to vector<1xi32>
      %squeeze3A = vector.extract %slice3A[0] : i32 from vector<1xi32>
      %slice3A_19 = vector.extract_strided_slice %scan3A_17#0 {offsets = [1], sizes = [1], strides = [1]} : vector<16xi32> to vector<1xi32>
      %squeeze3A_20 = vector.extract %slice3A_19[0] : i32 from vector<1xi32>
      %or3A = arith.ori %squeeze3A, %squeeze3A_20 : i32
      %slice3A_21 = vector.extract_strided_slice %scan3A_17#0 {offsets = [2], sizes = [1], strides = [1]} : vector<16xi32> to vector<1xi32>
      %squeeze3A_22 = vector.extract %slice3A_21[0] : i32 from vector<1xi32>
      %or3A_23 = arith.ori %or3A, %squeeze3A_22 : i32
      %slice3A_24 = vector.extract_strided_slice %scan3A_17#0 {offsets = [3], sizes = [1], strides = [1]} : vector<16xi32> to vector<1xi32>
      %squeeze3A_25 = vector.extract %slice3A_24[0] : i32 from vector<1xi32>
      %or3A_26 = arith.ori %or3A_23, %squeeze3A_25 : i32
      %slice3A_27 = vector.extract_strided_slice %scan3A_17#0 {offsets = [4], sizes = [1], strides = [1]} : vector<16xi32> to vector<1xi32>
      %squeeze3A_28 = vector.extract %slice3A_27[0] : i32 from vector<1xi32>
      %or3A_29 = arith.ori %or3A_26, %squeeze3A_28 : i32
      %slice3A_30 = vector.extract_strided_slice %scan3A_17#0 {offsets = [5], sizes = [1], strides = [1]} : vector<16xi32> to vector<1xi32>
      %squeeze3A_31 = vector.extract %slice3A_30[0] : i32 from vector<1xi32>
      %or3A_32 = arith.ori %or3A_29, %squeeze3A_31 : i32
      %slice3A_33 = vector.extract_strided_slice %scan3A_17#0 {offsets = [6], sizes = [1], strides = [1]} : vector<16xi32> to vector<1xi32>
      %squeeze3A_34 = vector.extract %slice3A_33[0] : i32 from vector<1xi32>
      %or3A_35 = arith.ori %or3A_32, %squeeze3A_34 : i32
      %slice3A_36 = vector.extract_strided_slice %scan3A_17#0 {offsets = [7], sizes = [1], strides = [1]} : vector<16xi32> to vector<1xi32>
      %squeeze3A_37 = vector.extract %slice3A_36[0] : i32 from vector<1xi32>
      %or3A_38 = arith.ori %or3A_35, %squeeze3A_37 : i32
      %slice3A_39 = vector.extract_strided_slice %scan3A_17#0 {offsets = [8], sizes = [1], strides = [1]} : vector<16xi32> to vector<1xi32>
      %squeeze3A_40 = vector.extract %slice3A_39[0] : i32 from vector<1xi32>
      %or3A_41 = arith.ori %or3A_38, %squeeze3A_40 : i32
      %slice3A_42 = vector.extract_strided_slice %scan3A_17#0 {offsets = [9], sizes = [1], strides = [1]} : vector<16xi32> to vector<1xi32>
      %squeeze3A_43 = vector.extract %slice3A_42[0] : i32 from vector<1xi32>
      %or3A_44 = arith.ori %or3A_41, %squeeze3A_43 : i32
      %slice3A_45 = vector.extract_strided_slice %scan3A_17#0 {offsets = [10], sizes = [1], strides = [1]} : vector<16xi32> to vector<1xi32>
      %squeeze3A_46 = vector.extract %slice3A_45[0] : i32 from vector<1xi32>
      %or3A_47 = arith.ori %or3A_44, %squeeze3A_46 : i32
      %slice3A_48 = vector.extract_strided_slice %scan3A_17#0 {offsets = [11], sizes = [1], strides = [1]} : vector<16xi32> to vector<1xi32>
      %squeeze3A_49 = vector.extract %slice3A_48[0] : i32 from vector<1xi32>
      %or3A_50 = arith.ori %or3A_47, %squeeze3A_49 : i32
      %slice3A_51 = vector.extract_strided_slice %scan3A_17#0 {offsets = [12], sizes = [1], strides = [1]} : vector<16xi32> to vector<1xi32>
      %squeeze3A_52 = vector.extract %slice3A_51[0] : i32 from vector<1xi32>
      %or3A_53 = arith.ori %or3A_50, %squeeze3A_52 : i32
      %slice3A_54 = vector.extract_strided_slice %scan3A_17#0 {offsets = [13], sizes = [1], strides = [1]} : vector<16xi32> to vector<1xi32>
      %squeeze3A_55 = vector.extract %slice3A_54[0] : i32 from vector<1xi32>
      %or3A_56 = arith.ori %or3A_53, %squeeze3A_55 : i32
      %slice3A_57 = vector.extract_strided_slice %scan3A_17#0 {offsets = [14], sizes = [1], strides = [1]} : vector<16xi32> to vector<1xi32>
      %squeeze3A_58 = vector.extract %slice3A_57[0] : i32 from vector<1xi32>
      %or3A_59 = arith.ori %or3A_56, %squeeze3A_58 : i32
      %slice3A_60 = vector.extract_strided_slice %scan3A_17#0 {offsets = [15], sizes = [1], strides = [1]} : vector<16xi32> to vector<1xi32>
      %squeeze3A_61 = vector.extract %slice3A_60[0] : i32 from vector<1xi32>
      %or3A_62 = arith.ori %or3A_59, %squeeze3A_61 : i32
      %slice3A_63 = vector.extract_strided_slice %scan3A_17#1 {offsets = [0], sizes = [1], strides = [1]} : vector<16xi32> to vector<1xi32>
      %squeeze3A_64 = vector.extract %slice3A_63[0] : i32 from vector<1xi32>
      %slice3A_65 = vector.extract_strided_slice %scan3A_17#1 {offsets = [1], sizes = [1], strides = [1]} : vector<16xi32> to vector<1xi32>
      %squeeze3A_66 = vector.extract %slice3A_65[0] : i32 from vector<1xi32>
      %or3A_67 = arith.ori %squeeze3A_64, %squeeze3A_66 : i32
      %slice3A_68 = vector.extract_strided_slice %scan3A_17#1 {offsets = [2], sizes = [1], strides = [1]} : vector<16xi32> to vector<1xi32>
      %squeeze3A_69 = vector.extract %slice3A_68[0] : i32 from vector<1xi32>
      %or3A_70 = arith.ori %or3A_67, %squeeze3A_69 : i32
      %slice3A_71 = vector.extract_strided_slice %scan3A_17#1 {offsets = [3], sizes = [1], strides = [1]} : vector<16xi32> to vector<1xi32>
      %squeeze3A_72 = vector.extract %slice3A_71[0] : i32 from vector<1xi32>
      %or3A_73 = arith.ori %or3A_70, %squeeze3A_72 : i32
      %slice3A_74 = vector.extract_strided_slice %scan3A_17#1 {offsets = [4], sizes = [1], strides = [1]} : vector<16xi32> to vector<1xi32>
      %squeeze3A_75 = vector.extract %slice3A_74[0] : i32 from vector<1xi32>
      %or3A_76 = arith.ori %or3A_73, %squeeze3A_75 : i32
      %slice3A_77 = vector.extract_strided_slice %scan3A_17#1 {offsets = [5], sizes = [1], strides = [1]} : vector<16xi32> to vector<1xi32>
      %squeeze3A_78 = vector.extract %slice3A_77[0] : i32 from vector<1xi32>
      %or3A_79 = arith.ori %or3A_76, %squeeze3A_78 : i32
      %slice3A_80 = vector.extract_strided_slice %scan3A_17#1 {offsets = [6], sizes = [1], strides = [1]} : vector<16xi32> to vector<1xi32>
      %squeeze3A_81 = vector.extract %slice3A_80[0] : i32 from vector<1xi32>
      %or3A_82 = arith.ori %or3A_79, %squeeze3A_81 : i32
      %slice3A_83 = vector.extract_strided_slice %scan3A_17#1 {offsets = [7], sizes = [1], strides = [1]} : vector<16xi32> to vector<1xi32>
      %squeeze3A_84 = vector.extract %slice3A_83[0] : i32 from vector<1xi32>
      %or3A_85 = arith.ori %or3A_82, %squeeze3A_84 : i32
      %slice3A_86 = vector.extract_strided_slice %scan3A_17#1 {offsets = [8], sizes = [1], strides = [1]} : vector<16xi32> to vector<1xi32>
      %squeeze3A_87 = vector.extract %slice3A_86[0] : i32 from vector<1xi32>
      %or3A_88 = arith.ori %or3A_85, %squeeze3A_87 : i32
      %slice3A_89 = vector.extract_strided_slice %scan3A_17#1 {offsets = [9], sizes = [1], strides = [1]} : vector<16xi32> to vector<1xi32>
      %squeeze3A_90 = vector.extract %slice3A_89[0] : i32 from vector<1xi32>
      %or3A_91 = arith.ori %or3A_88, %squeeze3A_90 : i32
      %slice3A_92 = vector.extract_strided_slice %scan3A_17#1 {offsets = [10], sizes = [1], strides = [1]} : vector<16xi32> to vector<1xi32>
      %squeeze3A_93 = vector.extract %slice3A_92[0] : i32 from vector<1xi32>
      %or3A_94 = arith.ori %or3A_91, %squeeze3A_93 : i32
      %slice3A_95 = vector.extract_strided_slice %scan3A_17#1 {offsets = [11], sizes = [1], strides = [1]} : vector<16xi32> to vector<1xi32>
      %squeeze3A_96 = vector.extract %slice3A_95[0] : i32 from vector<1xi32>
      %or3A_97 = arith.ori %or3A_94, %squeeze3A_96 : i32
      %slice3A_98 = vector.extract_strided_slice %scan3A_17#1 {offsets = [12], sizes = [1], strides = [1]} : vector<16xi32> to vector<1xi32>
      %squeeze3A_99 = vector.extract %slice3A_98[0] : i32 from vector<1xi32>
      %or3A_100 = arith.ori %or3A_97, %squeeze3A_99 : i32
      %slice3A_101 = vector.extract_strided_slice %scan3A_17#1 {offsets = [13], sizes = [1], strides = [1]} : vector<16xi32> to vector<1xi32>
      %squeeze3A_102 = vector.extract %slice3A_101[0] : i32 from vector<1xi32>
      %or3A_103 = arith.ori %or3A_100, %squeeze3A_102 : i32
      %slice3A_104 = vector.extract_strided_slice %scan3A_17#1 {offsets = [14], sizes = [1], strides = [1]} : vector<16xi32> to vector<1xi32>
      %squeeze3A_105 = vector.extract %slice3A_104[0] : i32 from vector<1xi32>
      %or3A_106 = arith.ori %or3A_103, %squeeze3A_105 : i32
      %slice3A_107 = vector.extract_strided_slice %scan3A_17#1 {offsets = [15], sizes = [1], strides = [1]} : vector<16xi32> to vector<1xi32>
      %squeeze3A_108 = vector.extract %slice3A_107[0] : i32 from vector<1xi32>
      %or3A_109 = arith.ori %or3A_106, %squeeze3A_108 : i32
      %gt3A = arith.constant 0 : i32
      %gt3A_110 = arith.cmpi sgt, %or3A_62, %gt3A : i32
      %convert_element_type3A = arith.extui %gt3A_110 : i1 to i32
      %cond3A = arith.constant 0 : i32
      %cond3A_111 = arith.cmpi ne, %convert_element_type3A, %cond3A : i32
      scf.if %cond3A_111 {
        %iota3A = tpu.iota {dimensions = array<i32: 0>} : vector<16xi32>
        %gt3A_116 = arith.constant 0 : i32
        %gt3A_117 = arith.cmpi sgt, %or3A_109, %gt3A_116 : i32
        %convert_element_type3A_118 = arith.extui %gt3A_117 : i1 to i32
        %cond3A_119 = arith.constant 0 : i32
        %cond3A_120 = arith.cmpi ne, %convert_element_type3A_118, %cond3A_119 : i32
        scf.if %cond3A_120 {
          %scan3A_127 = arith.constant 0 : i32
          %scan3A_128 = arith.constant 0 : i32
          %scan3A_129 = arith.constant 264 : i32
          %scan3A_130 = arith.addi %scan3A_128, %scan3A_129 : i32
          %scan3A_131 = arith.constant 1 : i32
          scf.for %scan3A_139 = %scan3A_128 to %scan3A_130 step %scan3A_131  : i32 {
            %mul3A_140 = arith.constant 16 : i32
            %mul3A_141 = arith.muli %scan3A_139, %mul3A_140 : i32
            %mul3A_142 = arith.constant 16 : i32
            %mul3A_143 = arith.muli %scan3A_139, %mul3A_142 : i32
            %add3A_144 = arith.addi %add3A_11, %mul3A_143 : i32
            %add3A_145 = vector.broadcast %add3A_144 : i32 to vector<16xi32>
            %add3A_146 = arith.addi %iota3A, %add3A_145 : vector<16xi32>
            %get3A = arith.index_cast %mul3A_141 : i32 to index
            %get3A_147 = tpu.vector_load %arg6[%get3A] {strides = array<i32>} : memref<4224xi32, #tpu.memory_space<vmem>>, vector<16xi32>,
            %lt3A = arith.constant 32768 : i32
            %lt3A_148 = vector.broadcast %lt3A : i32 to vector<16xi32>
            %lt3A_149 = arith.cmpi slt, %get3A_147, %lt3A_148 : vector<16xi32>
            %select_n3A = arith.select %lt3A_149, %add3A_146, %get3A_147 : vector<16xi1>, vector<16xi32>
            %swap3A = arith.index_cast %mul3A_141 : i32 to index
            %swap3A_150 = tpu.vector_load %arg7[%swap3A] {strides = array<i32>} : memref<4224xi32, #tpu.memory_space<vmem>>, vector<16xi32>,
            tpu.vector_store %arg7[%swap3A], %select_n3A {strides = array<i32>} : memref<4224xi32, #tpu.memory_space<vmem>>, vector<16xi32>,
          }
          %scan3A_132 = arith.constant 264 : i32
          %dma_start3A = arith.constant 0 : i32
          %dma_start3A_133 = tpu.memref_slice %arg2[%dma_start3A] : memref<1081344xi32, #tpu.memory_space<hbm>> -> memref<1081344xi32, #tpu.memory_space<hbm>>
          tpu.enqueue_indirect_dma source(%dma_start3A_133 : memref<1081344xi32, #tpu.memory_space<hbm>>) target(%arg11 : memref<4224xi32, #tpu.memory_space<vmem>>) offsets(%arg7 : memref<4224xi32, #tpu.memory_space<vmem>>) semaphore(%arg15 : memref<!tpu.dma_semaphore, #tpu.memory_space<semaphore_mem>>)
          %dma_start3A_134 = arith.constant 0 : i32
          %dma_start3A_135 = tpu.memref_slice %arg3[%dma_start3A_134] : memref<1081344xf32, #tpu.memory_space<hbm>> -> memref<1081344xf32, #tpu.memory_space<hbm>>
          tpu.enqueue_indirect_dma source(%dma_start3A_135 : memref<1081344xf32, #tpu.memory_space<hbm>>) target(%arg12 : memref<4224xf32, #tpu.memory_space<vmem>>) offsets(%arg7 : memref<4224xi32, #tpu.memory_space<vmem>>) semaphore(%arg16 : memref<!tpu.dma_semaphore, #tpu.memory_space<semaphore_mem>>)
          %dma_wait3A = arith.constant 0 : i32
          %dma_wait3A_136 = tpu.memref_slice %arg2[%dma_wait3A] : memref<1081344xi32, #tpu.memory_space<hbm>> -> memref<1081344xi32, #tpu.memory_space<hbm>>
          tpu.wait_indirect_dma semaphore(%arg15 : memref<!tpu.dma_semaphore, #tpu.memory_space<semaphore_mem>>) src(%dma_wait3A_136 : memref<1081344xi32, #tpu.memory_space<hbm>>) dst(%arg11 : memref<4224xi32, #tpu.memory_space<vmem>>)
          %dma_wait3A_137 = arith.constant 0 : i32
          %dma_wait3A_138 = tpu.memref_slice %arg3[%dma_wait3A_137] : memref<1081344xf32, #tpu.memory_space<hbm>> -> memref<1081344xf32, #tpu.memory_space<hbm>>
          tpu.wait_indirect_dma semaphore(%arg16 : memref<!tpu.dma_semaphore, #tpu.memory_space<semaphore_mem>>) src(%dma_wait3A_138 : memref<1081344xf32, #tpu.memory_space<hbm>>) dst(%arg12 : memref<4224xf32, #tpu.memory_space<vmem>>)
        } else {
        }
        %scan3A_121 = arith.constant 0 : i32
        %scan3A_122 = arith.constant 0 : i32
        %scan3A_123 = arith.constant 264 : i32
        %scan3A_124 = arith.addi %scan3A_122, %scan3A_123 : i32
        %scan3A_125 = arith.constant 1 : i32
        scf.for %scan3A_127 = %scan3A_122 to %scan3A_124 step %scan3A_125  : i32 {
          %mul3A_128 = arith.constant 16 : i32
          %mul3A_129 = arith.muli %scan3A_127, %mul3A_128 : i32
          %get3A = arith.index_cast %mul3A_129 : i32 to index
          %get3A_130 = tpu.vector_load %arg6[%get3A] {strides = array<i32>} : memref<4224xi32, #tpu.memory_space<vmem>>, vector<16xi32>,
          %lt3A = arith.constant 32768 : i32
          %lt3A_131 = vector.broadcast %lt3A : i32 to vector<16xi32>
          %lt3A_132 = arith.cmpi slt, %get3A_130, %lt3A_131 : vector<16xi32>
          %and3A = arith.constant 32767 : i32
          %and3A_133 = vector.broadcast %and3A : i32 to vector<16xi32>
          %and3A_134 = arith.andi %get3A_130, %and3A_133 : vector<16xi32>
          %gather3A = tpu.vector_load_idx %arg13[%and3A_134] : memref<32768xi32, #tpu.memory_space<vmem>>[vector<16xi32>], vector<16xi32>,
          %gather3A_135 = tpu.vector_load_idx %arg14[%and3A_134] : memref<32768xf32, #tpu.memory_space<vmem>>[vector<16xi32>], vector<16xf32>,
          %get3A_136 = arith.index_cast %mul3A_129 : i32 to index
          %get3A_137 = tpu.vector_load %arg11[%get3A_136] {strides = array<i32>} : memref<4224xi32, #tpu.memory_space<vmem>>, vector<16xi32>,
          %select_n3A = arith.select %lt3A_132, %gather3A, %get3A_137 : vector<16xi1>, vector<16xi32>
          %swap3A = arith.index_cast %mul3A_129 : i32 to index
          %swap3A_138 = tpu.vector_load %arg9[%swap3A] {strides = array<i32>} : memref<4224xi32, #tpu.memory_space<vmem>>, vector<16xi32>,
          tpu.vector_store %arg9[%swap3A], %select_n3A {strides = array<i32>} : memref<4224xi32, #tpu.memory_space<vmem>>, vector<16xi32>,
          %get3A_139 = arith.index_cast %mul3A_129 : i32 to index
          %get3A_140 = tpu.vector_load %arg8[%get3A_139] {strides = array<i32>} : memref<4224xf32, #tpu.memory_space<vmem>>, vector<16xf32>,
          %get3A_141 = arith.index_cast %mul3A_129 : i32 to index
          %get3A_142 = tpu.vector_load %arg12[%get3A_141] {strides = array<i32>} : memref<4224xf32, #tpu.memory_space<vmem>>, vector<16xf32>,
          %select_n3A_143 = arith.select %lt3A_132, %gather3A_135, %get3A_142 : vector<16xi1>, vector<16xf32>
          %add3A_144 = arith.addf %get3A_140, %select_n3A_143 : vector<16xf32>
          %swap3A_145 = arith.index_cast %mul3A_129 : i32 to index
          %swap3A_146 = tpu.vector_load %arg8[%swap3A_145] {strides = array<i32>} : memref<4224xf32, #tpu.memory_space<vmem>>, vector<16xf32>,
          tpu.vector_store %arg8[%swap3A_145], %add3A_144 {strides = array<i32>} : memref<4224xf32, #tpu.memory_space<vmem>>, vector<16xf32>,
        }
        %scan3A_126 = arith.constant 264 : i32
        "tpu.region"() ({
          %run_scoped3A = tpu.sem_alloc : memref<!tpu.dma_semaphore, #tpu.memory_space<semaphore_mem>>
          %dma_start3A = tpu.memref_slice %arg4[%add3A_11] : memref<1081344xi32, #tpu.memory_space<hbm>> -> memref<4224xi32, #tpu.memory_space<hbm>>
          %dma_start3A_127 = tpu.memref_slice %arg4[%add3A_11] : memref<1081344xi32, #tpu.memory_space<hbm>> -> memref<4224xi32, #tpu.memory_space<hbm>>
          tpu.enqueue_dma source(%arg9 : memref<4224xi32, #tpu.memory_space<vmem>>) target(%dma_start3A_127 : memref<4224xi32, #tpu.memory_space<hbm>>) target_semaphore(%run_scoped3A : memref<!tpu.dma_semaphore, #tpu.memory_space<semaphore_mem>>)
          %dma_wait3A = tpu.memref_slice %arg4[%add3A_11] : memref<1081344xi32, #tpu.memory_space<hbm>> -> memref<4224xi32, #tpu.memory_space<hbm>>
          %dma_wait3A_128 = tpu.memref_slice %arg4[%add3A_11] : memref<1081344xi32, #tpu.memory_space<hbm>> -> memref<4224xi32, #tpu.memory_space<hbm>>
          tpu.wait_dma2 semaphore(%run_scoped3A : memref<!tpu.dma_semaphore, #tpu.memory_space<semaphore_mem>>) src(%arg9 : memref<4224xi32, #tpu.memory_space<vmem>>) dst(%dma_wait3A_128 : memref<4224xi32, #tpu.memory_space<hbm>>)
          tpu.yield
        }) : () -> ()
        "tpu.region"() ({
          %run_scoped3A = tpu.sem_alloc : memref<!tpu.dma_semaphore, #tpu.memory_space<semaphore_mem>>
          %dma_start3A = tpu.memref_slice %arg5[%add3A_11] : memref<1081344xf32, #tpu.memory_space<hbm>> -> memref<4224xf32, #tpu.memory_space<hbm>>
          %dma_start3A_127 = tpu.memref_slice %arg5[%add3A_11] : memref<1081344xf32, #tpu.memory_space<hbm>> -> memref<4224xf32, #tpu.memory_space<hbm>>
          tpu.enqueue_dma source(%arg8 : memref<4224xf32, #tpu.memory_space<vmem>>) target(%dma_start3A_127 : memref<4224xf32, #tpu.memory_space<hbm>>) target_semaphore(%run_scoped3A : memref<!tpu.dma_semaphore, #tpu.memory_space<semaphore_mem>>)
          %dma_wait3A = tpu.memref_slice %arg5[%add3A_11] : memref<1081344xf32, #tpu.memory_space<hbm>> -> memref<4224xf32, #tpu.memory_space<hbm>>
          %dma_wait3A_128 = tpu.memref_slice %arg5[%add3A_11] : memref<1081344xf32, #tpu.memory_space<hbm>> -> memref<4224xf32, #tpu.memory_space<hbm>>
          tpu.wait_dma2 semaphore(%run_scoped3A : memref<!tpu.dma_semaphore, #tpu.memory_space<semaphore_mem>>) src(%arg8 : memref<4224xf32, #tpu.memory_space<vmem>>) dst(%dma_wait3A_128 : memref<4224xf32, #tpu.memory_space<hbm>>)
          tpu.yield
        }) : () -> ()
      } else {
      }
      %eq3A = arith.constant 0 : i32
      %eq3A_112 = arith.cmpi eq, %or3A_62, %eq3A : i32
      %convert_element_type3A_113 = arith.extui %eq3A_112 : i1 to i32
      %cond3A_114 = arith.constant 0 : i32
      %cond3A_115 = arith.cmpi ne, %convert_element_type3A_113, %cond3A_114 : i32
      scf.if %cond3A_115 {
        "tpu.region"() ({
          %run_scoped3A = tpu.sem_alloc : memref<!tpu.dma_semaphore, #tpu.memory_space<semaphore_mem>>
          %dma_start3A = tpu.memref_slice %arg4[%add3A_11] : memref<1081344xi32, #tpu.memory_space<hbm>> -> memref<4224xi32, #tpu.memory_space<hbm>>
          %dma_start3A_116 = tpu.memref_slice %arg4[%add3A_11] : memref<1081344xi32, #tpu.memory_space<hbm>> -> memref<4224xi32, #tpu.memory_space<hbm>>
          tpu.enqueue_dma source(%arg6 : memref<4224xi32, #tpu.memory_space<vmem>>) target(%dma_start3A_116 : memref<4224xi32, #tpu.memory_space<hbm>>) target_semaphore(%run_scoped3A : memref<!tpu.dma_semaphore, #tpu.memory_space<semaphore_mem>>)
          %dma_wait3A = tpu.memref_slice %arg4[%add3A_11] : memref<1081344xi32, #tpu.memory_space<hbm>> -> memref<4224xi32, #tpu.memory_space<hbm>>
          %dma_wait3A_117 = tpu.memref_slice %arg4[%add3A_11] : memref<1081344xi32, #tpu.memory_space<hbm>> -> memref<4224xi32, #tpu.memory_space<hbm>>
          tpu.wait_dma2 semaphore(%run_scoped3A : memref<!tpu.dma_semaphore, #tpu.memory_space<semaphore_mem>>) src(%arg6 : memref<4224xi32, #tpu.memory_space<vmem>>) dst(%dma_wait3A_117 : memref<4224xi32, #tpu.memory_space<hbm>>)
          tpu.yield
        }) : () -> ()
        "tpu.region"() ({
          %run_scoped3A = tpu.sem_alloc : memref<!tpu.dma_semaphore, #tpu.memory_space<semaphore_mem>>
          %dma_start3A = tpu.memref_slice %arg5[%add3A_11] : memref<1081344xf32, #tpu.memory_space<hbm>> -> memref<4224xf32, #tpu.memory_space<hbm>>
          %dma_start3A_116 = tpu.memref_slice %arg5[%add3A_11] : memref<1081344xf32, #tpu.memory_space<hbm>> -> memref<4224xf32, #tpu.memory_space<hbm>>
          tpu.enqueue_dma source(%arg8 : memref<4224xf32, #tpu.memory_space<vmem>>) target(%dma_start3A_116 : memref<4224xf32, #tpu.memory_space<hbm>>) target_semaphore(%run_scoped3A : memref<!tpu.dma_semaphore, #tpu.memory_space<semaphore_mem>>)
          %dma_wait3A = tpu.memref_slice %arg5[%add3A_11] : memref<1081344xf32, #tpu.memory_space<hbm>> -> memref<4224xf32, #tpu.memory_space<hbm>>
          %dma_wait3A_117 = tpu.memref_slice %arg5[%add3A_11] : memref<1081344xf32, #tpu.memory_space<hbm>> -> memref<4224xf32, #tpu.memory_space<hbm>>
          tpu.wait_dma2 semaphore(%run_scoped3A : memref<!tpu.dma_semaphore, #tpu.memory_space<semaphore_mem>>) src(%arg8 : memref<4224xf32, #tpu.memory_space<vmem>>) dst(%dma_wait3A_117 : memref<4224xf32, #tpu.memory_space<hbm>>)
          tpu.yield
        }) : () -> ()
      } else {
      }
    }
    %scan3A_7 = arith.constant 8 : i32
    return
  }
}

#map = affine_map<(d0, d1) -> (0)>
module attributes {stable_mosaic.version = 14 : i64} {
  func.func @_hop_body(%arg0: i32, %arg1: i32, %arg2: memref<1081344xi32, #tpu.memory_space<hbm>>, %arg3: memref<1081344xf32, #tpu.memory_space<hbm>>, %arg4: memref<1081344xi32, #tpu.memory_space<hbm>>, %arg5: memref<1081344xf32, #tpu.memory_space<hbm>>, %arg6: memref<4224xi32, #tpu.memory_space<vmem>>, %arg7: memref<4224xi32, #tpu.memory_space<vmem>>, %arg8: memref<4224xf32, #tpu.memory_space<vmem>>, %arg9: memref<4224xi32, #tpu.memory_space<vmem>>, %arg10: memref<4224xf32, #tpu.memory_space<vmem>>, %arg11: memref<4224xi32, #tpu.memory_space<vmem>>, %arg12: memref<4224xf32, #tpu.memory_space<vmem>>, %arg13: memref<32768xi32, #tpu.memory_space<vmem>>, %arg14: memref<32768xf32, #tpu.memory_space<vmem>>, %arg15: memref<!tpu.dma_semaphore, #tpu.memory_space<semaphore_mem>>, %arg16: memref<!tpu.dma_semaphore, #tpu.memory_space<semaphore_mem>>) attributes {dimension_semantics = [#tpu.dimension_semantics<core_parallel>, #tpu.dimension_semantics<subcore_parallel>], iteration_bounds = array<i64: 2, 16>, scalar_prefetch = 0 : i64, scratch_operands = 11 : i64, tpu.core_type = #tpu.core_type<sc_vector_subcore>, window_params = [{transform_indices = #map}, {transform_indices = #map}, {transform_indices = #map}, {transform_indices = #map}]} {
    %mul3A = arith.constant 2 : i32
    %mul3A_0 = arith.muli %arg1, %mul3A : i32
    %add3A = arith.addi %mul3A_0, %arg0 : i32
    %mul3A_1 = arith.constant 33792 : i32
    %mul3A_2 = arith.muli %add3A, %mul3A_1 : i32
    "tpu.region"() ({
      %run_scoped3A = tpu.sem_alloc : memref<!tpu.dma_semaphore, #tpu.memory_space<semaphore_mem>>
      %dma_start3A = arith.constant 0 : i32
      %dma_start3A_8 = tpu.memref_slice %arg2[%dma_start3A] : memref<1081344xi32, #tpu.memory_space<hbm>> -> memref<32768xi32, #tpu.memory_space<hbm>>
      %dma_start3A_9 = arith.constant 0 : i32
      %dma_start3A_10 = tpu.memref_slice %arg2[%dma_start3A_9] : memref<1081344xi32, #tpu.memory_space<hbm>> -> memref<32768xi32, #tpu.memory_space<hbm>>
      tpu.enqueue_dma source(%dma_start3A_10 : memref<32768xi32, #tpu.memory_space<hbm>>) target(%arg13 : memref<32768xi32, #tpu.memory_space<vmem>>) target_semaphore(%run_scoped3A : memref<!tpu.dma_semaphore, #tpu.memory_space<semaphore_mem>>)
      %dma_wait3A = arith.constant 0 : i32
      %dma_wait3A_11 = tpu.memref_slice %arg2[%dma_wait3A] : memref<1081344xi32, #tpu.memory_space<hbm>> -> memref<32768xi32, #tpu.memory_space<hbm>>
      %dma_wait3A_12 = arith.constant 0 : i32
      %dma_wait3A_13 = tpu.memref_slice %arg2[%dma_wait3A_12] : memref<1081344xi32, #tpu.memory_space<hbm>> -> memref<32768xi32, #tpu.memory_space<hbm>>
      tpu.wait_dma2 semaphore(%run_scoped3A : memref<!tpu.dma_semaphore, #tpu.memory_space<semaphore_mem>>) src(%dma_wait3A_13 : memref<32768xi32, #tpu.memory_space<hbm>>) dst(%arg13 : memref<32768xi32, #tpu.memory_space<vmem>>)
      tpu.yield
    }) : () -> ()
    "tpu.region"() ({
      %run_scoped3A = tpu.sem_alloc : memref<!tpu.dma_semaphore, #tpu.memory_space<semaphore_mem>>
      %dma_start3A = arith.constant 0 : i32
      %dma_start3A_8 = tpu.memref_slice %arg3[%dma_start3A] : memref<1081344xf32, #tpu.memory_space<hbm>> -> memref<32768xf32, #tpu.memory_space<hbm>>
      %dma_start3A_9 = arith.constant 0 : i32
      %dma_start3A_10 = tpu.memref_slice %arg3[%dma_start3A_9] : memref<1081344xf32, #tpu.memory_space<hbm>> -> memref<32768xf32, #tpu.memory_space<hbm>>
      tpu.enqueue_dma source(%dma_start3A_10 : memref<32768xf32, #tpu.memory_space<hbm>>) target(%arg14 : memref<32768xf32, #tpu.memory_space<vmem>>) target_semaphore(%run_scoped3A : memref<!tpu.dma_semaphore, #tpu.memory_space<semaphore_mem>>)
      %dma_wait3A = arith.constant 0 : i32
      %dma_wait3A_11 = tpu.memref_slice %arg3[%dma_wait3A] : memref<1081344xf32, #tpu.memory_space<hbm>> -> memref<32768xf32, #tpu.memory_space<hbm>>
      %dma_wait3A_12 = arith.constant 0 : i32
      %dma_wait3A_13 = tpu.memref_slice %arg3[%dma_wait3A_12] : memref<1081344xf32, #tpu.memory_space<hbm>> -> memref<32768xf32, #tpu.memory_space<hbm>>
      tpu.wait_dma2 semaphore(%run_scoped3A : memref<!tpu.dma_semaphore, #tpu.memory_space<semaphore_mem>>) src(%dma_wait3A_13 : memref<32768xf32, #tpu.memory_space<hbm>>) dst(%arg14 : memref<32768xf32, #tpu.memory_space<vmem>>)
      tpu.yield
    }) : () -> ()
    %scan3A = arith.constant 0 : i32
    %scan3A_3 = arith.constant 0 : i32
    %scan3A_4 = arith.constant 8 : i32
    %scan3A_5 = arith.addi %scan3A_3, %scan3A_4 : i32
    %scan3A_6 = arith.constant 1 : i32
    scf.for %scan3A_8 = %scan3A_3 to %scan3A_5 step %scan3A_6  : i32 {
      %mul3A_9 = arith.constant 4224 : i32
      %mul3A_10 = arith.muli %scan3A_8, %mul3A_9 : i32
      %add3A_11 = arith.addi %mul3A_2, %mul3A_10 : i32
      "tpu.region"() ({
        %run_scoped3A = tpu.sem_alloc : memref<!tpu.dma_semaphore, #tpu.memory_space<semaphore_mem>>
        %dma_start3A = tpu.memref_slice %arg2[%add3A_11] : memref<1081344xi32, #tpu.memory_space<hbm>> -> memref<4224xi32, #tpu.memory_space<hbm>>
        %dma_start3A_116 = tpu.memref_slice %arg2[%add3A_11] : memref<1081344xi32, #tpu.memory_space<hbm>> -> memref<4224xi32, #tpu.memory_space<hbm>>
        tpu.enqueue_dma source(%dma_start3A_116 : memref<4224xi32, #tpu.memory_space<hbm>>) target(%arg6 : memref<4224xi32, #tpu.memory_space<vmem>>) target_semaphore(%run_scoped3A : memref<!tpu.dma_semaphore, #tpu.memory_space<semaphore_mem>>)
        %dma_wait3A = tpu.memref_slice %arg2[%add3A_11] : memref<1081344xi32, #tpu.memory_space<hbm>> -> memref<4224xi32, #tpu.memory_space<hbm>>
        %dma_wait3A_117 = tpu.memref_slice %arg2[%add3A_11] : memref<1081344xi32, #tpu.memory_space<hbm>> -> memref<4224xi32, #tpu.memory_space<hbm>>
        tpu.wait_dma2 semaphore(%run_scoped3A : memref<!tpu.dma_semaphore, #tpu.memory_space<semaphore_mem>>) src(%dma_wait3A_117 : memref<4224xi32, #tpu.memory_space<hbm>>) dst(%arg6 : memref<4224xi32, #tpu.memory_space<vmem>>)
        tpu.yield
      }) : () -> ()
      "tpu.region"() ({
        %run_scoped3A = tpu.sem_alloc : memref<!tpu.dma_semaphore, #tpu.memory_space<semaphore_mem>>
        %dma_start3A = tpu.memref_slice %arg3[%add3A_11] : memref<1081344xf32, #tpu.memory_space<hbm>> -> memref<4224xf32, #tpu.memory_space<hbm>>
        %dma_start3A_116 = tpu.memref_slice %arg3[%add3A_11] : memref<1081344xf32, #tpu.memory_space<hbm>> -> memref<4224xf32, #tpu.memory_space<hbm>>
        tpu.enqueue_dma source(%dma_start3A_116 : memref<4224xf32, #tpu.memory_space<hbm>>) target(%arg8 : memref<4224xf32, #tpu.memory_space<vmem>>) target_semaphore(%run_scoped3A : memref<!tpu.dma_semaphore, #tpu.memory_space<semaphore_mem>>)
        %dma_wait3A = tpu.memref_slice %arg3[%add3A_11] : memref<1081344xf32, #tpu.memory_space<hbm>> -> memref<4224xf32, #tpu.memory_space<hbm>>
        %dma_wait3A_117 = tpu.memref_slice %arg3[%add3A_11] : memref<1081344xf32, #tpu.memory_space<hbm>> -> memref<4224xf32, #tpu.memory_space<hbm>>
        tpu.wait_dma2 semaphore(%run_scoped3A : memref<!tpu.dma_semaphore, #tpu.memory_space<semaphore_mem>>) src(%dma_wait3A_117 : memref<4224xf32, #tpu.memory_space<hbm>>) dst(%arg8 : memref<4224xf32, #tpu.memory_space<vmem>>)
        tpu.yield
      }) : () -> ()
      %broadcast_in_dim3A = arith.constant 0 : i32
      %broadcast_in_dim3A_12 = vector.broadcast %broadcast_in_dim3A : i32 to vector<16xi32>
      %scan3A_13 = arith.constant 0 : i32
      %scan3A_14 = arith.constant 264 : i32
      %scan3A_15 = arith.addi %scan3A_13, %scan3A_14 : i32
      %scan3A_16 = arith.constant 1 : i32
      %scan3A_17:2 = scf.for %scan3A_116 = %scan3A_13 to %scan3A_15 step %scan3A_16 iter_args(%scan3A_117 = %broadcast_in_dim3A_12, %scan3A_118 = %broadcast_in_dim3A_12) -> (vector<16xi32>, vector<16xi32>)  : i32 {
        %mul3A_119 = arith.constant 16 : i32
        %mul3A_120 = arith.muli %scan3A_116, %mul3A_119 : i32
        %get3A = arith.index_cast %mul3A_120 : i32 to index
        %get3A_121 = tpu.vector_load %arg6[%get3A] {strides = array<i32>} : memref<4224xi32, #tpu.memory_space<vmem>>, vector<16xi32>,
        %or3A_122 = arith.ori %scan3A_117, %get3A_121 : vector<16xi32>
        %shift_right_logical3A = arith.constant 15 : i32
        %shift_right_logical3A_123 = vector.broadcast %shift_right_logical3A : i32 to vector<16xi32>
        %shift_right_logical3A_124 = arith.shrui %get3A_121, %shift_right_logical3A_123 : vector<16xi32>
        %or3A_125 = arith.ori %scan3A_118, %shift_right_logical3A_124 : vector<16xi32>
        scf.yield %or3A_122, %or3A_125 : vector<16xi32>, vector<16xi32>
      }
      %scan3A_18 = arith.constant 264 : i32
      %slice3A = vector.extract_strided_slice %scan3A_17#0 {offsets = [0], sizes = [1], strides = [1]} : vector<16xi32> to vector<1xi32>
      %squeeze3A = vector.extract %slice3A[0] : i32 from vector<1xi32>
      %slice3A_19 = vector.extract_strided_slice %scan3A_17#0 {offsets = [1], sizes = [1], strides = [1]} : vector<16xi32> to vector<1xi32>
      %squeeze3A_20 = vector.extract %slice3A_19[0] : i32 from vector<1xi32>
      %or3A = arith.ori %squeeze3A, %squeeze3A_20 : i32
      %slice3A_21 = vector.extract_strided_slice %scan3A_17#0 {offsets = [2], sizes = [1], strides = [1]} : vector<16xi32> to vector<1xi32>
      %squeeze3A_22 = vector.extract %slice3A_21[0] : i32 from vector<1xi32>
      %or3A_23 = arith.ori %or3A, %squeeze3A_22 : i32
      %slice3A_24 = vector.extract_strided_slice %scan3A_17#0 {offsets = [3], sizes = [1], strides = [1]} : vector<16xi32> to vector<1xi32>
      %squeeze3A_25 = vector.extract %slice3A_24[0] : i32 from vector<1xi32>
      %or3A_26 = arith.ori %or3A_23, %squeeze3A_25 : i32
      %slice3A_27 = vector.extract_strided_slice %scan3A_17#0 {offsets = [4], sizes = [1], strides = [1]} : vector<16xi32> to vector<1xi32>
      %squeeze3A_28 = vector.extract %slice3A_27[0] : i32 from vector<1xi32>
      %or3A_29 = arith.ori %or3A_26, %squeeze3A_28 : i32
      %slice3A_30 = vector.extract_strided_slice %scan3A_17#0 {offsets = [5], sizes = [1], strides = [1]} : vector<16xi32> to vector<1xi32>
      %squeeze3A_31 = vector.extract %slice3A_30[0] : i32 from vector<1xi32>
      %or3A_32 = arith.ori %or3A_29, %squeeze3A_31 : i32
      %slice3A_33 = vector.extract_strided_slice %scan3A_17#0 {offsets = [6], sizes = [1], strides = [1]} : vector<16xi32> to vector<1xi32>
      %squeeze3A_34 = vector.extract %slice3A_33[0] : i32 from vector<1xi32>
      %or3A_35 = arith.ori %or3A_32, %squeeze3A_34 : i32
      %slice3A_36 = vector.extract_strided_slice %scan3A_17#0 {offsets = [7], sizes = [1], strides = [1]} : vector<16xi32> to vector<1xi32>
      %squeeze3A_37 = vector.extract %slice3A_36[0] : i32 from vector<1xi32>
      %or3A_38 = arith.ori %or3A_35, %squeeze3A_37 : i32
      %slice3A_39 = vector.extract_strided_slice %scan3A_17#0 {offsets = [8], sizes = [1], strides = [1]} : vector<16xi32> to vector<1xi32>
      %squeeze3A_40 = vector.extract %slice3A_39[0] : i32 from vector<1xi32>
      %or3A_41 = arith.ori %or3A_38, %squeeze3A_40 : i32
      %slice3A_42 = vector.extract_strided_slice %scan3A_17#0 {offsets = [9], sizes = [1], strides = [1]} : vector<16xi32> to vector<1xi32>
      %squeeze3A_43 = vector.extract %slice3A_42[0] : i32 from vector<1xi32>
      %or3A_44 = arith.ori %or3A_41, %squeeze3A_43 : i32
      %slice3A_45 = vector.extract_strided_slice %scan3A_17#0 {offsets = [10], sizes = [1], strides = [1]} : vector<16xi32> to vector<1xi32>
      %squeeze3A_46 = vector.extract %slice3A_45[0] : i32 from vector<1xi32>
      %or3A_47 = arith.ori %or3A_44, %squeeze3A_46 : i32
      %slice3A_48 = vector.extract_strided_slice %scan3A_17#0 {offsets = [11], sizes = [1], strides = [1]} : vector<16xi32> to vector<1xi32>
      %squeeze3A_49 = vector.extract %slice3A_48[0] : i32 from vector<1xi32>
      %or3A_50 = arith.ori %or3A_47, %squeeze3A_49 : i32
      %slice3A_51 = vector.extract_strided_slice %scan3A_17#0 {offsets = [12], sizes = [1], strides = [1]} : vector<16xi32> to vector<1xi32>
      %squeeze3A_52 = vector.extract %slice3A_51[0] : i32 from vector<1xi32>
      %or3A_53 = arith.ori %or3A_50, %squeeze3A_52 : i32
      %slice3A_54 = vector.extract_strided_slice %scan3A_17#0 {offsets = [13], sizes = [1], strides = [1]} : vector<16xi32> to vector<1xi32>
      %squeeze3A_55 = vector.extract %slice3A_54[0] : i32 from vector<1xi32>
      %or3A_56 = arith.ori %or3A_53, %squeeze3A_55 : i32
      %slice3A_57 = vector.extract_strided_slice %scan3A_17#0 {offsets = [14], sizes = [1], strides = [1]} : vector<16xi32> to vector<1xi32>
      %squeeze3A_58 = vector.extract %slice3A_57[0] : i32 from vector<1xi32>
      %or3A_59 = arith.ori %or3A_56, %squeeze3A_58 : i32
      %slice3A_60 = vector.extract_strided_slice %scan3A_17#0 {offsets = [15], sizes = [1], strides = [1]} : vector<16xi32> to vector<1xi32>
      %squeeze3A_61 = vector.extract %slice3A_60[0] : i32 from vector<1xi32>
      %or3A_62 = arith.ori %or3A_59, %squeeze3A_61 : i32
      %slice3A_63 = vector.extract_strided_slice %scan3A_17#1 {offsets = [0], sizes = [1], strides = [1]} : vector<16xi32> to vector<1xi32>
      %squeeze3A_64 = vector.extract %slice3A_63[0] : i32 from vector<1xi32>
      %slice3A_65 = vector.extract_strided_slice %scan3A_17#1 {offsets = [1], sizes = [1], strides = [1]} : vector<16xi32> to vector<1xi32>
      %squeeze3A_66 = vector.extract %slice3A_65[0] : i32 from vector<1xi32>
      %or3A_67 = arith.ori %squeeze3A_64, %squeeze3A_66 : i32
      %slice3A_68 = vector.extract_strided_slice %scan3A_17#1 {offsets = [2], sizes = [1], strides = [1]} : vector<16xi32> to vector<1xi32>
      %squeeze3A_69 = vector.extract %slice3A_68[0] : i32 from vector<1xi32>
      %or3A_70 = arith.ori %or3A_67, %squeeze3A_69 : i32
      %slice3A_71 = vector.extract_strided_slice %scan3A_17#1 {offsets = [3], sizes = [1], strides = [1]} : vector<16xi32> to vector<1xi32>
      %squeeze3A_72 = vector.extract %slice3A_71[0] : i32 from vector<1xi32>
      %or3A_73 = arith.ori %or3A_70, %squeeze3A_72 : i32
      %slice3A_74 = vector.extract_strided_slice %scan3A_17#1 {offsets = [4], sizes = [1], strides = [1]} : vector<16xi32> to vector<1xi32>
      %squeeze3A_75 = vector.extract %slice3A_74[0] : i32 from vector<1xi32>
      %or3A_76 = arith.ori %or3A_73, %squeeze3A_75 : i32
      %slice3A_77 = vector.extract_strided_slice %scan3A_17#1 {offsets = [5], sizes = [1], strides = [1]} : vector<16xi32> to vector<1xi32>
      %squeeze3A_78 = vector.extract %slice3A_77[0] : i32 from vector<1xi32>
      %or3A_79 = arith.ori %or3A_76, %squeeze3A_78 : i32
      %slice3A_80 = vector.extract_strided_slice %scan3A_17#1 {offsets = [6], sizes = [1], strides = [1]} : vector<16xi32> to vector<1xi32>
      %squeeze3A_81 = vector.extract %slice3A_80[0] : i32 from vector<1xi32>
      %or3A_82 = arith.ori %or3A_79, %squeeze3A_81 : i32
      %slice3A_83 = vector.extract_strided_slice %scan3A_17#1 {offsets = [7], sizes = [1], strides = [1]} : vector<16xi32> to vector<1xi32>
      %squeeze3A_84 = vector.extract %slice3A_83[0] : i32 from vector<1xi32>
      %or3A_85 = arith.ori %or3A_82, %squeeze3A_84 : i32
      %slice3A_86 = vector.extract_strided_slice %scan3A_17#1 {offsets = [8], sizes = [1], strides = [1]} : vector<16xi32> to vector<1xi32>
      %squeeze3A_87 = vector.extract %slice3A_86[0] : i32 from vector<1xi32>
      %or3A_88 = arith.ori %or3A_85, %squeeze3A_87 : i32
      %slice3A_89 = vector.extract_strided_slice %scan3A_17#1 {offsets = [9], sizes = [1], strides = [1]} : vector<16xi32> to vector<1xi32>
      %squeeze3A_90 = vector.extract %slice3A_89[0] : i32 from vector<1xi32>
      %or3A_91 = arith.ori %or3A_88, %squeeze3A_90 : i32
      %slice3A_92 = vector.extract_strided_slice %scan3A_17#1 {offsets = [10], sizes = [1], strides = [1]} : vector<16xi32> to vector<1xi32>
      %squeeze3A_93 = vector.extract %slice3A_92[0] : i32 from vector<1xi32>
      %or3A_94 = arith.ori %or3A_91, %squeeze3A_93 : i32
      %slice3A_95 = vector.extract_strided_slice %scan3A_17#1 {offsets = [11], sizes = [1], strides = [1]} : vector<16xi32> to vector<1xi32>
      %squeeze3A_96 = vector.extract %slice3A_95[0] : i32 from vector<1xi32>
      %or3A_97 = arith.ori %or3A_94, %squeeze3A_96 : i32
      %slice3A_98 = vector.extract_strided_slice %scan3A_17#1 {offsets = [12], sizes = [1], strides = [1]} : vector<16xi32> to vector<1xi32>
      %squeeze3A_99 = vector.extract %slice3A_98[0] : i32 from vector<1xi32>
      %or3A_100 = arith.ori %or3A_97, %squeeze3A_99 : i32
      %slice3A_101 = vector.extract_strided_slice %scan3A_17#1 {offsets = [13], sizes = [1], strides = [1]} : vector<16xi32> to vector<1xi32>
      %squeeze3A_102 = vector.extract %slice3A_101[0] : i32 from vector<1xi32>
      %or3A_103 = arith.ori %or3A_100, %squeeze3A_102 : i32
      %slice3A_104 = vector.extract_strided_slice %scan3A_17#1 {offsets = [14], sizes = [1], strides = [1]} : vector<16xi32> to vector<1xi32>
      %squeeze3A_105 = vector.extract %slice3A_104[0] : i32 from vector<1xi32>
      %or3A_106 = arith.ori %or3A_103, %squeeze3A_105 : i32
      %slice3A_107 = vector.extract_strided_slice %scan3A_17#1 {offsets = [15], sizes = [1], strides = [1]} : vector<16xi32> to vector<1xi32>
      %squeeze3A_108 = vector.extract %slice3A_107[0] : i32 from vector<1xi32>
      %or3A_109 = arith.ori %or3A_106, %squeeze3A_108 : i32
      %gt3A = arith.constant 0 : i32
      %gt3A_110 = arith.cmpi sgt, %or3A_62, %gt3A : i32
      %convert_element_type3A = arith.extui %gt3A_110 : i1 to i32
      %cond3A = arith.constant 0 : i32
      %cond3A_111 = arith.cmpi ne, %convert_element_type3A, %cond3A : i32
      scf.if %cond3A_111 {
        %iota3A = tpu.iota {dimensions = array<i32: 0>} : vector<16xi32>
        %gt3A_116 = arith.constant 0 : i32
        %gt3A_117 = arith.cmpi sgt, %or3A_109, %gt3A_116 : i32
        %convert_element_type3A_118 = arith.extui %gt3A_117 : i1 to i32
        %cond3A_119 = arith.constant 0 : i32
        %cond3A_120 = arith.cmpi ne, %convert_element_type3A_118, %cond3A_119 : i32
        scf.if %cond3A_120 {
          %scan3A_127 = arith.constant 0 : i32
          %scan3A_128 = arith.constant 0 : i32
          %scan3A_129 = arith.constant 264 : i32
          %scan3A_130 = arith.addi %scan3A_128, %scan3A_129 : i32
          %scan3A_131 = arith.constant 1 : i32
          scf.for %scan3A_139 = %scan3A_128 to %scan3A_130 step %scan3A_131  : i32 {
            %mul3A_140 = arith.constant 16 : i32
            %mul3A_141 = arith.muli %scan3A_139, %mul3A_140 : i32
            %mul3A_142 = arith.constant 16 : i32
            %mul3A_143 = arith.muli %scan3A_139, %mul3A_142 : i32
            %add3A_144 = arith.addi %add3A_11, %mul3A_143 : i32
            %add3A_145 = vector.broadcast %add3A_144 : i32 to vector<16xi32>
            %add3A_146 = arith.addi %iota3A, %add3A_145 : vector<16xi32>
            %get3A = arith.index_cast %mul3A_141 : i32 to index
            %get3A_147 = tpu.vector_load %arg6[%get3A] {strides = array<i32>} : memref<4224xi32, #tpu.memory_space<vmem>>, vector<16xi32>,
            %lt3A = arith.constant 32768 : i32
            %lt3A_148 = vector.broadcast %lt3A : i32 to vector<16xi32>
            %lt3A_149 = arith.cmpi slt, %get3A_147, %lt3A_148 : vector<16xi32>
            %select_n3A = arith.select %lt3A_149, %add3A_146, %get3A_147 : vector<16xi1>, vector<16xi32>
            %swap3A = arith.index_cast %mul3A_141 : i32 to index
            %swap3A_150 = tpu.vector_load %arg7[%swap3A] {strides = array<i32>} : memref<4224xi32, #tpu.memory_space<vmem>>, vector<16xi32>,
            tpu.vector_store %arg7[%swap3A], %select_n3A {strides = array<i32>} : memref<4224xi32, #tpu.memory_space<vmem>>, vector<16xi32>,
          }
          %scan3A_132 = arith.constant 264 : i32
          %dma_start3A = arith.constant 0 : i32
          %dma_start3A_133 = tpu.memref_slice %arg2[%dma_start3A] : memref<1081344xi32, #tpu.memory_space<hbm>> -> memref<1081344xi32, #tpu.memory_space<hbm>>
          tpu.enqueue_indirect_dma source(%dma_start3A_133 : memref<1081344xi32, #tpu.memory_space<hbm>>) target(%arg11 : memref<4224xi32, #tpu.memory_space<vmem>>) offsets(%arg7 : memref<4224xi32, #tpu.memory_space<vmem>>) semaphore(%arg15 : memref<!tpu.dma_semaphore, #tpu.memory_space<semaphore_mem>>)
          %dma_start3A_134 = arith.constant 0 : i32
          %dma_start3A_135 = tpu.memref_slice %arg3[%dma_start3A_134] : memref<1081344xf32, #tpu.memory_space<hbm>> -> memref<1081344xf32, #tpu.memory_space<hbm>>
          tpu.enqueue_indirect_dma source(%dma_start3A_135 : memref<1081344xf32, #tpu.memory_space<hbm>>) target(%arg12 : memref<4224xf32, #tpu.memory_space<vmem>>) offsets(%arg7 : memref<4224xi32, #tpu.memory_space<vmem>>) semaphore(%arg16 : memref<!tpu.dma_semaphore, #tpu.memory_space<semaphore_mem>>)
          %dma_wait3A = arith.constant 0 : i32
          %dma_wait3A_136 = tpu.memref_slice %arg2[%dma_wait3A] : memref<1081344xi32, #tpu.memory_space<hbm>> -> memref<1081344xi32, #tpu.memory_space<hbm>>
          tpu.wait_indirect_dma semaphore(%arg15 : memref<!tpu.dma_semaphore, #tpu.memory_space<semaphore_mem>>) src(%dma_wait3A_136 : memref<1081344xi32, #tpu.memory_space<hbm>>) dst(%arg11 : memref<4224xi32, #tpu.memory_space<vmem>>)
          %dma_wait3A_137 = arith.constant 0 : i32
          %dma_wait3A_138 = tpu.memref_slice %arg3[%dma_wait3A_137] : memref<1081344xf32, #tpu.memory_space<hbm>> -> memref<1081344xf32, #tpu.memory_space<hbm>>
          tpu.wait_indirect_dma semaphore(%arg16 : memref<!tpu.dma_semaphore, #tpu.memory_space<semaphore_mem>>) src(%dma_wait3A_138 : memref<1081344xf32, #tpu.memory_space<hbm>>) dst(%arg12 : memref<4224xf32, #tpu.memory_space<vmem>>)
        } else {
        }
        %scan3A_121 = arith.constant 0 : i32
        %scan3A_122 = arith.constant 0 : i32
        %scan3A_123 = arith.constant 264 : i32
        %scan3A_124 = arith.addi %scan3A_122, %scan3A_123 : i32
        %scan3A_125 = arith.constant 1 : i32
        scf.for %scan3A_127 = %scan3A_122 to %scan3A_124 step %scan3A_125  : i32 {
          %mul3A_128 = arith.constant 16 : i32
          %mul3A_129 = arith.muli %scan3A_127, %mul3A_128 : i32
          %get3A = arith.index_cast %mul3A_129 : i32 to index
          %get3A_130 = tpu.vector_load %arg6[%get3A] {strides = array<i32>} : memref<4224xi32, #tpu.memory_space<vmem>>, vector<16xi32>,
          %lt3A = arith.constant 32768 : i32
          %lt3A_131 = vector.broadcast %lt3A : i32 to vector<16xi32>
          %lt3A_132 = arith.cmpi slt, %get3A_130, %lt3A_131 : vector<16xi32>
          %and3A = arith.constant 32767 : i32
          %and3A_133 = vector.broadcast %and3A : i32 to vector<16xi32>
          %and3A_134 = arith.andi %get3A_130, %and3A_133 : vector<16xi32>
          %gather3A = tpu.vector_load_idx %arg13[%and3A_134] : memref<32768xi32, #tpu.memory_space<vmem>>[vector<16xi32>], vector<16xi32>,
          %gather3A_135 = tpu.vector_load_idx %arg14[%and3A_134] : memref<32768xf32, #tpu.memory_space<vmem>>[vector<16xi32>], vector<16xf32>,
          %get3A_136 = arith.index_cast %mul3A_129 : i32 to index
          %get3A_137 = tpu.vector_load %arg11[%get3A_136] {strides = array<i32>} : memref<4224xi32, #tpu.memory_space<vmem>>, vector<16xi32>,
          %select_n3A = arith.select %lt3A_132, %gather3A, %get3A_137 : vector<16xi1>, vector<16xi32>
          %swap3A = arith.index_cast %mul3A_129 : i32 to index
          %swap3A_138 = tpu.vector_load %arg9[%swap3A] {strides = array<i32>} : memref<4224xi32, #tpu.memory_space<vmem>>, vector<16xi32>,
          tpu.vector_store %arg9[%swap3A], %select_n3A {strides = array<i32>} : memref<4224xi32, #tpu.memory_space<vmem>>, vector<16xi32>,
          %get3A_139 = arith.index_cast %mul3A_129 : i32 to index
          %get3A_140 = tpu.vector_load %arg8[%get3A_139] {strides = array<i32>} : memref<4224xf32, #tpu.memory_space<vmem>>, vector<16xf32>,
          %get3A_141 = arith.index_cast %mul3A_129 : i32 to index
          %get3A_142 = tpu.vector_load %arg12[%get3A_141] {strides = array<i32>} : memref<4224xf32, #tpu.memory_space<vmem>>, vector<16xf32>,
          %select_n3A_143 = arith.select %lt3A_132, %gather3A_135, %get3A_142 : vector<16xi1>, vector<16xf32>
          %add3A_144 = arith.addf %get3A_140, %select_n3A_143 : vector<16xf32>
          %swap3A_145 = arith.index_cast %mul3A_129 : i32 to index
          %swap3A_146 = tpu.vector_load %arg8[%swap3A_145] {strides = array<i32>} : memref<4224xf32, #tpu.memory_space<vmem>>, vector<16xf32>,
          tpu.vector_store %arg8[%swap3A_145], %add3A_144 {strides = array<i32>} : memref<4224xf32, #tpu.memory_space<vmem>>, vector<16xf32>,
        }
        %scan3A_126 = arith.constant 264 : i32
        "tpu.region"() ({
          %run_scoped3A = tpu.sem_alloc : memref<!tpu.dma_semaphore, #tpu.memory_space<semaphore_mem>>
          %dma_start3A = tpu.memref_slice %arg4[%add3A_11] : memref<1081344xi32, #tpu.memory_space<hbm>> -> memref<4224xi32, #tpu.memory_space<hbm>>
          %dma_start3A_127 = tpu.memref_slice %arg4[%add3A_11] : memref<1081344xi32, #tpu.memory_space<hbm>> -> memref<4224xi32, #tpu.memory_space<hbm>>
          tpu.enqueue_dma source(%arg9 : memref<4224xi32, #tpu.memory_space<vmem>>) target(%dma_start3A_127 : memref<4224xi32, #tpu.memory_space<hbm>>) target_semaphore(%run_scoped3A : memref<!tpu.dma_semaphore, #tpu.memory_space<semaphore_mem>>)
          %dma_wait3A = tpu.memref_slice %arg4[%add3A_11] : memref<1081344xi32, #tpu.memory_space<hbm>> -> memref<4224xi32, #tpu.memory_space<hbm>>
          %dma_wait3A_128 = tpu.memref_slice %arg4[%add3A_11] : memref<1081344xi32, #tpu.memory_space<hbm>> -> memref<4224xi32, #tpu.memory_space<hbm>>
          tpu.wait_dma2 semaphore(%run_scoped3A : memref<!tpu.dma_semaphore, #tpu.memory_space<semaphore_mem>>) src(%arg9 : memref<4224xi32, #tpu.memory_space<vmem>>) dst(%dma_wait3A_128 : memref<4224xi32, #tpu.memory_space<hbm>>)
          tpu.yield
        }) : () -> ()
        "tpu.region"() ({
          %run_scoped3A = tpu.sem_alloc : memref<!tpu.dma_semaphore, #tpu.memory_space<semaphore_mem>>
          %dma_start3A = tpu.memref_slice %arg5[%add3A_11] : memref<1081344xf32, #tpu.memory_space<hbm>> -> memref<4224xf32, #tpu.memory_space<hbm>>
          %dma_start3A_127 = tpu.memref_slice %arg5[%add3A_11] : memref<1081344xf32, #tpu.memory_space<hbm>> -> memref<4224xf32, #tpu.memory_space<hbm>>
          tpu.enqueue_dma source(%arg8 : memref<4224xf32, #tpu.memory_space<vmem>>) target(%dma_start3A_127 : memref<4224xf32, #tpu.memory_space<hbm>>) target_semaphore(%run_scoped3A : memref<!tpu.dma_semaphore, #tpu.memory_space<semaphore_mem>>)
          %dma_wait3A = tpu.memref_slice %arg5[%add3A_11] : memref<1081344xf32, #tpu.memory_space<hbm>> -> memref<4224xf32, #tpu.memory_space<hbm>>
          %dma_wait3A_128 = tpu.memref_slice %arg5[%add3A_11] : memref<1081344xf32, #tpu.memory_space<hbm>> -> memref<4224xf32, #tpu.memory_space<hbm>>
          tpu.wait_dma2 semaphore(%run_scoped3A : memref<!tpu.dma_semaphore, #tpu.memory_space<semaphore_mem>>) src(%arg8 : memref<4224xf32, #tpu.memory_space<vmem>>) dst(%dma_wait3A_128 : memref<4224xf32, #tpu.memory_space<hbm>>)
          tpu.yield
        }) : () -> ()
      } else {
      }
      %eq3A = arith.constant 0 : i32
      %eq3A_112 = arith.cmpi eq, %or3A_62, %eq3A : i32
      %convert_element_type3A_113 = arith.extui %eq3A_112 : i1 to i32
      %cond3A_114 = arith.constant 0 : i32
      %cond3A_115 = arith.cmpi ne, %convert_element_type3A_113, %cond3A_114 : i32
      scf.if %cond3A_115 {
        "tpu.region"() ({
          %run_scoped3A = tpu.sem_alloc : memref<!tpu.dma_semaphore, #tpu.memory_space<semaphore_mem>>
          %dma_start3A = tpu.memref_slice %arg4[%add3A_11] : memref<1081344xi32, #tpu.memory_space<hbm>> -> memref<4224xi32, #tpu.memory_space<hbm>>
          %dma_start3A_116 = tpu.memref_slice %arg4[%add3A_11] : memref<1081344xi32, #tpu.memory_space<hbm>> -> memref<4224xi32, #tpu.memory_space<hbm>>
          tpu.enqueue_dma source(%arg6 : memref<4224xi32, #tpu.memory_space<vmem>>) target(%dma_start3A_116 : memref<4224xi32, #tpu.memory_space<hbm>>) target_semaphore(%run_scoped3A : memref<!tpu.dma_semaphore, #tpu.memory_space<semaphore_mem>>)
          %dma_wait3A = tpu.memref_slice %arg4[%add3A_11] : memref<1081344xi32, #tpu.memory_space<hbm>> -> memref<4224xi32, #tpu.memory_space<hbm>>
          %dma_wait3A_117 = tpu.memref_slice %arg4[%add3A_11] : memref<1081344xi32, #tpu.memory_space<hbm>> -> memref<4224xi32, #tpu.memory_space<hbm>>
          tpu.wait_dma2 semaphore(%run_scoped3A : memref<!tpu.dma_semaphore, #tpu.memory_space<semaphore_mem>>) src(%arg6 : memref<4224xi32, #tpu.memory_space<vmem>>) dst(%dma_wait3A_117 : memref<4224xi32, #tpu.memory_space<hbm>>)
          tpu.yield
        }) : () -> ()
        "tpu.region"() ({
          %run_scoped3A = tpu.sem_alloc : memref<!tpu.dma_semaphore, #tpu.memory_space<semaphore_mem>>
          %dma_start3A = tpu.memref_slice %arg5[%add3A_11] : memref<1081344xf32, #tpu.memory_space<hbm>> -> memref<4224xf32, #tpu.memory_space<hbm>>
          %dma_start3A_116 = tpu.memref_slice %arg5[%add3A_11] : memref<1081344xf32, #tpu.memory_space<hbm>> -> memref<4224xf32, #tpu.memory_space<hbm>>
          tpu.enqueue_dma source(%arg8 : memref<4224xf32, #tpu.memory_space<vmem>>) target(%dma_start3A_116 : memref<4224xf32, #tpu.memory_space<hbm>>) target_semaphore(%run_scoped3A : memref<!tpu.dma_semaphore, #tpu.memory_space<semaphore_mem>>)
          %dma_wait3A = tpu.memref_slice %arg5[%add3A_11] : memref<1081344xf32, #tpu.memory_space<hbm>> -> memref<4224xf32, #tpu.memory_space<hbm>>
          %dma_wait3A_117 = tpu.memref_slice %arg5[%add3A_11] : memref<1081344xf32, #tpu.memory_space<hbm>> -> memref<4224xf32, #tpu.memory_space<hbm>>
          tpu.wait_dma2 semaphore(%run_scoped3A : memref<!tpu.dma_semaphore, #tpu.memory_space<semaphore_mem>>) src(%arg8 : memref<4224xf32, #tpu.memory_space<vmem>>) dst(%dma_wait3A_117 : memref<4224xf32, #tpu.memory_space<hbm>>)
          tpu.yield
        }) : () -> ()
      } else {
      }
    }
    %scan3A_7 = arith.constant 8 : i32
    return
  }
}

#map = affine_map<(d0, d1) -> (0)>
module attributes {stable_mosaic.version = 14 : i64} {
  func.func @_hop_body(%arg0: i32, %arg1: i32, %arg2: memref<1081344xi32, #tpu.memory_space<hbm>>, %arg3: memref<1081344xf32, #tpu.memory_space<hbm>>, %arg4: memref<1081344xi32, #tpu.memory_space<hbm>>, %arg5: memref<1081344xf32, #tpu.memory_space<hbm>>, %arg6: memref<4224xi32, #tpu.memory_space<vmem>>, %arg7: memref<4224xi32, #tpu.memory_space<vmem>>, %arg8: memref<4224xf32, #tpu.memory_space<vmem>>, %arg9: memref<4224xi32, #tpu.memory_space<vmem>>, %arg10: memref<4224xf32, #tpu.memory_space<vmem>>, %arg11: memref<4224xi32, #tpu.memory_space<vmem>>, %arg12: memref<4224xf32, #tpu.memory_space<vmem>>, %arg13: memref<32768xi32, #tpu.memory_space<vmem>>, %arg14: memref<32768xf32, #tpu.memory_space<vmem>>, %arg15: memref<!tpu.dma_semaphore, #tpu.memory_space<semaphore_mem>>, %arg16: memref<!tpu.dma_semaphore, #tpu.memory_space<semaphore_mem>>) attributes {dimension_semantics = [#tpu.dimension_semantics<core_parallel>, #tpu.dimension_semantics<subcore_parallel>], iteration_bounds = array<i64: 2, 16>, scalar_prefetch = 0 : i64, scratch_operands = 11 : i64, tpu.core_type = #tpu.core_type<sc_vector_subcore>, window_params = [{transform_indices = #map}, {transform_indices = #map}, {transform_indices = #map}, {transform_indices = #map}]} {
    %mul3A = arith.constant 2 : i32
    %mul3A_0 = arith.muli %arg1, %mul3A : i32
    %add3A = arith.addi %mul3A_0, %arg0 : i32
    %mul3A_1 = arith.constant 33792 : i32
    %mul3A_2 = arith.muli %add3A, %mul3A_1 : i32
    "tpu.region"() ({
      %run_scoped3A = tpu.sem_alloc : memref<!tpu.dma_semaphore, #tpu.memory_space<semaphore_mem>>
      %dma_start3A = arith.constant 0 : i32
      %dma_start3A_8 = tpu.memref_slice %arg2[%dma_start3A] : memref<1081344xi32, #tpu.memory_space<hbm>> -> memref<32768xi32, #tpu.memory_space<hbm>>
      %dma_start3A_9 = arith.constant 0 : i32
      %dma_start3A_10 = tpu.memref_slice %arg2[%dma_start3A_9] : memref<1081344xi32, #tpu.memory_space<hbm>> -> memref<32768xi32, #tpu.memory_space<hbm>>
      tpu.enqueue_dma source(%dma_start3A_10 : memref<32768xi32, #tpu.memory_space<hbm>>) target(%arg13 : memref<32768xi32, #tpu.memory_space<vmem>>) target_semaphore(%run_scoped3A : memref<!tpu.dma_semaphore, #tpu.memory_space<semaphore_mem>>)
      %dma_wait3A = arith.constant 0 : i32
      %dma_wait3A_11 = tpu.memref_slice %arg2[%dma_wait3A] : memref<1081344xi32, #tpu.memory_space<hbm>> -> memref<32768xi32, #tpu.memory_space<hbm>>
      %dma_wait3A_12 = arith.constant 0 : i32
      %dma_wait3A_13 = tpu.memref_slice %arg2[%dma_wait3A_12] : memref<1081344xi32, #tpu.memory_space<hbm>> -> memref<32768xi32, #tpu.memory_space<hbm>>
      tpu.wait_dma2 semaphore(%run_scoped3A : memref<!tpu.dma_semaphore, #tpu.memory_space<semaphore_mem>>) src(%dma_wait3A_13 : memref<32768xi32, #tpu.memory_space<hbm>>) dst(%arg13 : memref<32768xi32, #tpu.memory_space<vmem>>)
      tpu.yield
    }) : () -> ()
    "tpu.region"() ({
      %run_scoped3A = tpu.sem_alloc : memref<!tpu.dma_semaphore, #tpu.memory_space<semaphore_mem>>
      %dma_start3A = arith.constant 0 : i32
      %dma_start3A_8 = tpu.memref_slice %arg3[%dma_start3A] : memref<1081344xf32, #tpu.memory_space<hbm>> -> memref<32768xf32, #tpu.memory_space<hbm>>
      %dma_start3A_9 = arith.constant 0 : i32
      %dma_start3A_10 = tpu.memref_slice %arg3[%dma_start3A_9] : memref<1081344xf32, #tpu.memory_space<hbm>> -> memref<32768xf32, #tpu.memory_space<hbm>>
      tpu.enqueue_dma source(%dma_start3A_10 : memref<32768xf32, #tpu.memory_space<hbm>>) target(%arg14 : memref<32768xf32, #tpu.memory_space<vmem>>) target_semaphore(%run_scoped3A : memref<!tpu.dma_semaphore, #tpu.memory_space<semaphore_mem>>)
      %dma_wait3A = arith.constant 0 : i32
      %dma_wait3A_11 = tpu.memref_slice %arg3[%dma_wait3A] : memref<1081344xf32, #tpu.memory_space<hbm>> -> memref<32768xf32, #tpu.memory_space<hbm>>
      %dma_wait3A_12 = arith.constant 0 : i32
      %dma_wait3A_13 = tpu.memref_slice %arg3[%dma_wait3A_12] : memref<1081344xf32, #tpu.memory_space<hbm>> -> memref<32768xf32, #tpu.memory_space<hbm>>
      tpu.wait_dma2 semaphore(%run_scoped3A : memref<!tpu.dma_semaphore, #tpu.memory_space<semaphore_mem>>) src(%dma_wait3A_13 : memref<32768xf32, #tpu.memory_space<hbm>>) dst(%arg14 : memref<32768xf32, #tpu.memory_space<vmem>>)
      tpu.yield
    }) : () -> ()
    %scan3A = arith.constant 0 : i32
    %scan3A_3 = arith.constant 0 : i32
    %scan3A_4 = arith.constant 8 : i32
    %scan3A_5 = arith.addi %scan3A_3, %scan3A_4 : i32
    %scan3A_6 = arith.constant 1 : i32
    scf.for %scan3A_8 = %scan3A_3 to %scan3A_5 step %scan3A_6  : i32 {
      %mul3A_9 = arith.constant 4224 : i32
      %mul3A_10 = arith.muli %scan3A_8, %mul3A_9 : i32
      %add3A_11 = arith.addi %mul3A_2, %mul3A_10 : i32
      "tpu.region"() ({
        %run_scoped3A = tpu.sem_alloc : memref<!tpu.dma_semaphore, #tpu.memory_space<semaphore_mem>>
        %dma_start3A = tpu.memref_slice %arg2[%add3A_11] : memref<1081344xi32, #tpu.memory_space<hbm>> -> memref<4224xi32, #tpu.memory_space<hbm>>
        %dma_start3A_116 = tpu.memref_slice %arg2[%add3A_11] : memref<1081344xi32, #tpu.memory_space<hbm>> -> memref<4224xi32, #tpu.memory_space<hbm>>
        tpu.enqueue_dma source(%dma_start3A_116 : memref<4224xi32, #tpu.memory_space<hbm>>) target(%arg6 : memref<4224xi32, #tpu.memory_space<vmem>>) target_semaphore(%run_scoped3A : memref<!tpu.dma_semaphore, #tpu.memory_space<semaphore_mem>>)
        %dma_wait3A = tpu.memref_slice %arg2[%add3A_11] : memref<1081344xi32, #tpu.memory_space<hbm>> -> memref<4224xi32, #tpu.memory_space<hbm>>
        %dma_wait3A_117 = tpu.memref_slice %arg2[%add3A_11] : memref<1081344xi32, #tpu.memory_space<hbm>> -> memref<4224xi32, #tpu.memory_space<hbm>>
        tpu.wait_dma2 semaphore(%run_scoped3A : memref<!tpu.dma_semaphore, #tpu.memory_space<semaphore_mem>>) src(%dma_wait3A_117 : memref<4224xi32, #tpu.memory_space<hbm>>) dst(%arg6 : memref<4224xi32, #tpu.memory_space<vmem>>)
        tpu.yield
      }) : () -> ()
      "tpu.region"() ({
        %run_scoped3A = tpu.sem_alloc : memref<!tpu.dma_semaphore, #tpu.memory_space<semaphore_mem>>
        %dma_start3A = tpu.memref_slice %arg3[%add3A_11] : memref<1081344xf32, #tpu.memory_space<hbm>> -> memref<4224xf32, #tpu.memory_space<hbm>>
        %dma_start3A_116 = tpu.memref_slice %arg3[%add3A_11] : memref<1081344xf32, #tpu.memory_space<hbm>> -> memref<4224xf32, #tpu.memory_space<hbm>>
        tpu.enqueue_dma source(%dma_start3A_116 : memref<4224xf32, #tpu.memory_space<hbm>>) target(%arg8 : memref<4224xf32, #tpu.memory_space<vmem>>) target_semaphore(%run_scoped3A : memref<!tpu.dma_semaphore, #tpu.memory_space<semaphore_mem>>)
        %dma_wait3A = tpu.memref_slice %arg3[%add3A_11] : memref<1081344xf32, #tpu.memory_space<hbm>> -> memref<4224xf32, #tpu.memory_space<hbm>>
        %dma_wait3A_117 = tpu.memref_slice %arg3[%add3A_11] : memref<1081344xf32, #tpu.memory_space<hbm>> -> memref<4224xf32, #tpu.memory_space<hbm>>
        tpu.wait_dma2 semaphore(%run_scoped3A : memref<!tpu.dma_semaphore, #tpu.memory_space<semaphore_mem>>) src(%dma_wait3A_117 : memref<4224xf32, #tpu.memory_space<hbm>>) dst(%arg8 : memref<4224xf32, #tpu.memory_space<vmem>>)
        tpu.yield
      }) : () -> ()
      %broadcast_in_dim3A = arith.constant 0 : i32
      %broadcast_in_dim3A_12 = vector.broadcast %broadcast_in_dim3A : i32 to vector<16xi32>
      %scan3A_13 = arith.constant 0 : i32
      %scan3A_14 = arith.constant 264 : i32
      %scan3A_15 = arith.addi %scan3A_13, %scan3A_14 : i32
      %scan3A_16 = arith.constant 1 : i32
      %scan3A_17:2 = scf.for %scan3A_116 = %scan3A_13 to %scan3A_15 step %scan3A_16 iter_args(%scan3A_117 = %broadcast_in_dim3A_12, %scan3A_118 = %broadcast_in_dim3A_12) -> (vector<16xi32>, vector<16xi32>)  : i32 {
        %mul3A_119 = arith.constant 16 : i32
        %mul3A_120 = arith.muli %scan3A_116, %mul3A_119 : i32
        %get3A = arith.index_cast %mul3A_120 : i32 to index
        %get3A_121 = tpu.vector_load %arg6[%get3A] {strides = array<i32>} : memref<4224xi32, #tpu.memory_space<vmem>>, vector<16xi32>,
        %or3A_122 = arith.ori %scan3A_117, %get3A_121 : vector<16xi32>
        %shift_right_logical3A = arith.constant 15 : i32
        %shift_right_logical3A_123 = vector.broadcast %shift_right_logical3A : i32 to vector<16xi32>
        %shift_right_logical3A_124 = arith.shrui %get3A_121, %shift_right_logical3A_123 : vector<16xi32>
        %or3A_125 = arith.ori %scan3A_118, %shift_right_logical3A_124 : vector<16xi32>
        scf.yield %or3A_122, %or3A_125 : vector<16xi32>, vector<16xi32>
      }
      %scan3A_18 = arith.constant 264 : i32
      %slice3A = vector.extract_strided_slice %scan3A_17#0 {offsets = [0], sizes = [1], strides = [1]} : vector<16xi32> to vector<1xi32>
      %squeeze3A = vector.extract %slice3A[0] : i32 from vector<1xi32>
      %slice3A_19 = vector.extract_strided_slice %scan3A_17#0 {offsets = [1], sizes = [1], strides = [1]} : vector<16xi32> to vector<1xi32>
      %squeeze3A_20 = vector.extract %slice3A_19[0] : i32 from vector<1xi32>
      %or3A = arith.ori %squeeze3A, %squeeze3A_20 : i32
      %slice3A_21 = vector.extract_strided_slice %scan3A_17#0 {offsets = [2], sizes = [1], strides = [1]} : vector<16xi32> to vector<1xi32>
      %squeeze3A_22 = vector.extract %slice3A_21[0] : i32 from vector<1xi32>
      %or3A_23 = arith.ori %or3A, %squeeze3A_22 : i32
      %slice3A_24 = vector.extract_strided_slice %scan3A_17#0 {offsets = [3], sizes = [1], strides = [1]} : vector<16xi32> to vector<1xi32>
      %squeeze3A_25 = vector.extract %slice3A_24[0] : i32 from vector<1xi32>
      %or3A_26 = arith.ori %or3A_23, %squeeze3A_25 : i32
      %slice3A_27 = vector.extract_strided_slice %scan3A_17#0 {offsets = [4], sizes = [1], strides = [1]} : vector<16xi32> to vector<1xi32>
      %squeeze3A_28 = vector.extract %slice3A_27[0] : i32 from vector<1xi32>
      %or3A_29 = arith.ori %or3A_26, %squeeze3A_28 : i32
      %slice3A_30 = vector.extract_strided_slice %scan3A_17#0 {offsets = [5], sizes = [1], strides = [1]} : vector<16xi32> to vector<1xi32>
      %squeeze3A_31 = vector.extract %slice3A_30[0] : i32 from vector<1xi32>
      %or3A_32 = arith.ori %or3A_29, %squeeze3A_31 : i32
      %slice3A_33 = vector.extract_strided_slice %scan3A_17#0 {offsets = [6], sizes = [1], strides = [1]} : vector<16xi32> to vector<1xi32>
      %squeeze3A_34 = vector.extract %slice3A_33[0] : i32 from vector<1xi32>
      %or3A_35 = arith.ori %or3A_32, %squeeze3A_34 : i32
      %slice3A_36 = vector.extract_strided_slice %scan3A_17#0 {offsets = [7], sizes = [1], strides = [1]} : vector<16xi32> to vector<1xi32>
      %squeeze3A_37 = vector.extract %slice3A_36[0] : i32 from vector<1xi32>
      %or3A_38 = arith.ori %or3A_35, %squeeze3A_37 : i32
      %slice3A_39 = vector.extract_strided_slice %scan3A_17#0 {offsets = [8], sizes = [1], strides = [1]} : vector<16xi32> to vector<1xi32>
      %squeeze3A_40 = vector.extract %slice3A_39[0] : i32 from vector<1xi32>
      %or3A_41 = arith.ori %or3A_38, %squeeze3A_40 : i32
      %slice3A_42 = vector.extract_strided_slice %scan3A_17#0 {offsets = [9], sizes = [1], strides = [1]} : vector<16xi32> to vector<1xi32>
      %squeeze3A_43 = vector.extract %slice3A_42[0] : i32 from vector<1xi32>
      %or3A_44 = arith.ori %or3A_41, %squeeze3A_43 : i32
      %slice3A_45 = vector.extract_strided_slice %scan3A_17#0 {offsets = [10], sizes = [1], strides = [1]} : vector<16xi32> to vector<1xi32>
      %squeeze3A_46 = vector.extract %slice3A_45[0] : i32 from vector<1xi32>
      %or3A_47 = arith.ori %or3A_44, %squeeze3A_46 : i32
      %slice3A_48 = vector.extract_strided_slice %scan3A_17#0 {offsets = [11], sizes = [1], strides = [1]} : vector<16xi32> to vector<1xi32>
      %squeeze3A_49 = vector.extract %slice3A_48[0] : i32 from vector<1xi32>
      %or3A_50 = arith.ori %or3A_47, %squeeze3A_49 : i32
      %slice3A_51 = vector.extract_strided_slice %scan3A_17#0 {offsets = [12], sizes = [1], strides = [1]} : vector<16xi32> to vector<1xi32>
      %squeeze3A_52 = vector.extract %slice3A_51[0] : i32 from vector<1xi32>
      %or3A_53 = arith.ori %or3A_50, %squeeze3A_52 : i32
      %slice3A_54 = vector.extract_strided_slice %scan3A_17#0 {offsets = [13], sizes = [1], strides = [1]} : vector<16xi32> to vector<1xi32>
      %squeeze3A_55 = vector.extract %slice3A_54[0] : i32 from vector<1xi32>
      %or3A_56 = arith.ori %or3A_53, %squeeze3A_55 : i32
      %slice3A_57 = vector.extract_strided_slice %scan3A_17#0 {offsets = [14], sizes = [1], strides = [1]} : vector<16xi32> to vector<1xi32>
      %squeeze3A_58 = vector.extract %slice3A_57[0] : i32 from vector<1xi32>
      %or3A_59 = arith.ori %or3A_56, %squeeze3A_58 : i32
      %slice3A_60 = vector.extract_strided_slice %scan3A_17#0 {offsets = [15], sizes = [1], strides = [1]} : vector<16xi32> to vector<1xi32>
      %squeeze3A_61 = vector.extract %slice3A_60[0] : i32 from vector<1xi32>
      %or3A_62 = arith.ori %or3A_59, %squeeze3A_61 : i32
      %slice3A_63 = vector.extract_strided_slice %scan3A_17#1 {offsets = [0], sizes = [1], strides = [1]} : vector<16xi32> to vector<1xi32>
      %squeeze3A_64 = vector.extract %slice3A_63[0] : i32 from vector<1xi32>
      %slice3A_65 = vector.extract_strided_slice %scan3A_17#1 {offsets = [1], sizes = [1], strides = [1]} : vector<16xi32> to vector<1xi32>
      %squeeze3A_66 = vector.extract %slice3A_65[0] : i32 from vector<1xi32>
      %or3A_67 = arith.ori %squeeze3A_64, %squeeze3A_66 : i32
      %slice3A_68 = vector.extract_strided_slice %scan3A_17#1 {offsets = [2], sizes = [1], strides = [1]} : vector<16xi32> to vector<1xi32>
      %squeeze3A_69 = vector.extract %slice3A_68[0] : i32 from vector<1xi32>
      %or3A_70 = arith.ori %or3A_67, %squeeze3A_69 : i32
      %slice3A_71 = vector.extract_strided_slice %scan3A_17#1 {offsets = [3], sizes = [1], strides = [1]} : vector<16xi32> to vector<1xi32>
      %squeeze3A_72 = vector.extract %slice3A_71[0] : i32 from vector<1xi32>
      %or3A_73 = arith.ori %or3A_70, %squeeze3A_72 : i32
      %slice3A_74 = vector.extract_strided_slice %scan3A_17#1 {offsets = [4], sizes = [1], strides = [1]} : vector<16xi32> to vector<1xi32>
      %squeeze3A_75 = vector.extract %slice3A_74[0] : i32 from vector<1xi32>
      %or3A_76 = arith.ori %or3A_73, %squeeze3A_75 : i32
      %slice3A_77 = vector.extract_strided_slice %scan3A_17#1 {offsets = [5], sizes = [1], strides = [1]} : vector<16xi32> to vector<1xi32>
      %squeeze3A_78 = vector.extract %slice3A_77[0] : i32 from vector<1xi32>
      %or3A_79 = arith.ori %or3A_76, %squeeze3A_78 : i32
      %slice3A_80 = vector.extract_strided_slice %scan3A_17#1 {offsets = [6], sizes = [1], strides = [1]} : vector<16xi32> to vector<1xi32>
      %squeeze3A_81 = vector.extract %slice3A_80[0] : i32 from vector<1xi32>
      %or3A_82 = arith.ori %or3A_79, %squeeze3A_81 : i32
      %slice3A_83 = vector.extract_strided_slice %scan3A_17#1 {offsets = [7], sizes = [1], strides = [1]} : vector<16xi32> to vector<1xi32>
      %squeeze3A_84 = vector.extract %slice3A_83[0] : i32 from vector<1xi32>
      %or3A_85 = arith.ori %or3A_82, %squeeze3A_84 : i32
      %slice3A_86 = vector.extract_strided_slice %scan3A_17#1 {offsets = [8], sizes = [1], strides = [1]} : vector<16xi32> to vector<1xi32>
      %squeeze3A_87 = vector.extract %slice3A_86[0] : i32 from vector<1xi32>
      %or3A_88 = arith.ori %or3A_85, %squeeze3A_87 : i32
      %slice3A_89 = vector.extract_strided_slice %scan3A_17#1 {offsets = [9], sizes = [1], strides = [1]} : vector<16xi32> to vector<1xi32>
      %squeeze3A_90 = vector.extract %slice3A_89[0] : i32 from vector<1xi32>
      %or3A_91 = arith.ori %or3A_88, %squeeze3A_90 : i32
      %slice3A_92 = vector.extract_strided_slice %scan3A_17#1 {offsets = [10], sizes = [1], strides = [1]} : vector<16xi32> to vector<1xi32>
      %squeeze3A_93 = vector.extract %slice3A_92[0] : i32 from vector<1xi32>
      %or3A_94 = arith.ori %or3A_91, %squeeze3A_93 : i32
      %slice3A_95 = vector.extract_strided_slice %scan3A_17#1 {offsets = [11], sizes = [1], strides = [1]} : vector<16xi32> to vector<1xi32>
      %squeeze3A_96 = vector.extract %slice3A_95[0] : i32 from vector<1xi32>
      %or3A_97 = arith.ori %or3A_94, %squeeze3A_96 : i32
      %slice3A_98 = vector.extract_strided_slice %scan3A_17#1 {offsets = [12], sizes = [1], strides = [1]} : vector<16xi32> to vector<1xi32>
      %squeeze3A_99 = vector.extract %slice3A_98[0] : i32 from vector<1xi32>
      %or3A_100 = arith.ori %or3A_97, %squeeze3A_99 : i32
      %slice3A_101 = vector.extract_strided_slice %scan3A_17#1 {offsets = [13], sizes = [1], strides = [1]} : vector<16xi32> to vector<1xi32>
      %squeeze3A_102 = vector.extract %slice3A_101[0] : i32 from vector<1xi32>
      %or3A_103 = arith.ori %or3A_100, %squeeze3A_102 : i32
      %slice3A_104 = vector.extract_strided_slice %scan3A_17#1 {offsets = [14], sizes = [1], strides = [1]} : vector<16xi32> to vector<1xi32>
      %squeeze3A_105 = vector.extract %slice3A_104[0] : i32 from vector<1xi32>
      %or3A_106 = arith.ori %or3A_103, %squeeze3A_105 : i32
      %slice3A_107 = vector.extract_strided_slice %scan3A_17#1 {offsets = [15], sizes = [1], strides = [1]} : vector<16xi32> to vector<1xi32>
      %squeeze3A_108 = vector.extract %slice3A_107[0] : i32 from vector<1xi32>
      %or3A_109 = arith.ori %or3A_106, %squeeze3A_108 : i32
      %gt3A = arith.constant 0 : i32
      %gt3A_110 = arith.cmpi sgt, %or3A_62, %gt3A : i32
      %convert_element_type3A = arith.extui %gt3A_110 : i1 to i32
      %cond3A = arith.constant 0 : i32
      %cond3A_111 = arith.cmpi ne, %convert_element_type3A, %cond3A : i32
      scf.if %cond3A_111 {
        %iota3A = tpu.iota {dimensions = array<i32: 0>} : vector<16xi32>
        %gt3A_116 = arith.constant 0 : i32
        %gt3A_117 = arith.cmpi sgt, %or3A_109, %gt3A_116 : i32
        %convert_element_type3A_118 = arith.extui %gt3A_117 : i1 to i32
        %cond3A_119 = arith.constant 0 : i32
        %cond3A_120 = arith.cmpi ne, %convert_element_type3A_118, %cond3A_119 : i32
        scf.if %cond3A_120 {
          %scan3A_127 = arith.constant 0 : i32
          %scan3A_128 = arith.constant 0 : i32
          %scan3A_129 = arith.constant 264 : i32
          %scan3A_130 = arith.addi %scan3A_128, %scan3A_129 : i32
          %scan3A_131 = arith.constant 1 : i32
          scf.for %scan3A_139 = %scan3A_128 to %scan3A_130 step %scan3A_131  : i32 {
            %mul3A_140 = arith.constant 16 : i32
            %mul3A_141 = arith.muli %scan3A_139, %mul3A_140 : i32
            %mul3A_142 = arith.constant 16 : i32
            %mul3A_143 = arith.muli %scan3A_139, %mul3A_142 : i32
            %add3A_144 = arith.addi %add3A_11, %mul3A_143 : i32
            %add3A_145 = vector.broadcast %add3A_144 : i32 to vector<16xi32>
            %add3A_146 = arith.addi %iota3A, %add3A_145 : vector<16xi32>
            %get3A = arith.index_cast %mul3A_141 : i32 to index
            %get3A_147 = tpu.vector_load %arg6[%get3A] {strides = array<i32>} : memref<4224xi32, #tpu.memory_space<vmem>>, vector<16xi32>,
            %lt3A = arith.constant 32768 : i32
            %lt3A_148 = vector.broadcast %lt3A : i32 to vector<16xi32>
            %lt3A_149 = arith.cmpi slt, %get3A_147, %lt3A_148 : vector<16xi32>
            %select_n3A = arith.select %lt3A_149, %add3A_146, %get3A_147 : vector<16xi1>, vector<16xi32>
            %swap3A = arith.index_cast %mul3A_141 : i32 to index
            %swap3A_150 = tpu.vector_load %arg7[%swap3A] {strides = array<i32>} : memref<4224xi32, #tpu.memory_space<vmem>>, vector<16xi32>,
            tpu.vector_store %arg7[%swap3A], %select_n3A {strides = array<i32>} : memref<4224xi32, #tpu.memory_space<vmem>>, vector<16xi32>,
          }
          %scan3A_132 = arith.constant 264 : i32
          %dma_start3A = arith.constant 0 : i32
          %dma_start3A_133 = tpu.memref_slice %arg2[%dma_start3A] : memref<1081344xi32, #tpu.memory_space<hbm>> -> memref<1081344xi32, #tpu.memory_space<hbm>>
          tpu.enqueue_indirect_dma source(%dma_start3A_133 : memref<1081344xi32, #tpu.memory_space<hbm>>) target(%arg11 : memref<4224xi32, #tpu.memory_space<vmem>>) offsets(%arg7 : memref<4224xi32, #tpu.memory_space<vmem>>) semaphore(%arg15 : memref<!tpu.dma_semaphore, #tpu.memory_space<semaphore_mem>>)
          %dma_start3A_134 = arith.constant 0 : i32
          %dma_start3A_135 = tpu.memref_slice %arg3[%dma_start3A_134] : memref<1081344xf32, #tpu.memory_space<hbm>> -> memref<1081344xf32, #tpu.memory_space<hbm>>
          tpu.enqueue_indirect_dma source(%dma_start3A_135 : memref<1081344xf32, #tpu.memory_space<hbm>>) target(%arg12 : memref<4224xf32, #tpu.memory_space<vmem>>) offsets(%arg7 : memref<4224xi32, #tpu.memory_space<vmem>>) semaphore(%arg16 : memref<!tpu.dma_semaphore, #tpu.memory_space<semaphore_mem>>)
          %dma_wait3A = arith.constant 0 : i32
          %dma_wait3A_136 = tpu.memref_slice %arg2[%dma_wait3A] : memref<1081344xi32, #tpu.memory_space<hbm>> -> memref<1081344xi32, #tpu.memory_space<hbm>>
          tpu.wait_indirect_dma semaphore(%arg15 : memref<!tpu.dma_semaphore, #tpu.memory_space<semaphore_mem>>) src(%dma_wait3A_136 : memref<1081344xi32, #tpu.memory_space<hbm>>) dst(%arg11 : memref<4224xi32, #tpu.memory_space<vmem>>)
          %dma_wait3A_137 = arith.constant 0 : i32
          %dma_wait3A_138 = tpu.memref_slice %arg3[%dma_wait3A_137] : memref<1081344xf32, #tpu.memory_space<hbm>> -> memref<1081344xf32, #tpu.memory_space<hbm>>
          tpu.wait_indirect_dma semaphore(%arg16 : memref<!tpu.dma_semaphore, #tpu.memory_space<semaphore_mem>>) src(%dma_wait3A_138 : memref<1081344xf32, #tpu.memory_space<hbm>>) dst(%arg12 : memref<4224xf32, #tpu.memory_space<vmem>>)
        } else {
        }
        %scan3A_121 = arith.constant 0 : i32
        %scan3A_122 = arith.constant 0 : i32
        %scan3A_123 = arith.constant 264 : i32
        %scan3A_124 = arith.addi %scan3A_122, %scan3A_123 : i32
        %scan3A_125 = arith.constant 1 : i32
        scf.for %scan3A_127 = %scan3A_122 to %scan3A_124 step %scan3A_125  : i32 {
          %mul3A_128 = arith.constant 16 : i32
          %mul3A_129 = arith.muli %scan3A_127, %mul3A_128 : i32
          %get3A = arith.index_cast %mul3A_129 : i32 to index
          %get3A_130 = tpu.vector_load %arg6[%get3A] {strides = array<i32>} : memref<4224xi32, #tpu.memory_space<vmem>>, vector<16xi32>,
          %lt3A = arith.constant 32768 : i32
          %lt3A_131 = vector.broadcast %lt3A : i32 to vector<16xi32>
          %lt3A_132 = arith.cmpi slt, %get3A_130, %lt3A_131 : vector<16xi32>
          %and3A = arith.constant 32767 : i32
          %and3A_133 = vector.broadcast %and3A : i32 to vector<16xi32>
          %and3A_134 = arith.andi %get3A_130, %and3A_133 : vector<16xi32>
          %gather3A = tpu.vector_load_idx %arg13[%and3A_134] : memref<32768xi32, #tpu.memory_space<vmem>>[vector<16xi32>], vector<16xi32>,
          %gather3A_135 = tpu.vector_load_idx %arg14[%and3A_134] : memref<32768xf32, #tpu.memory_space<vmem>>[vector<16xi32>], vector<16xf32>,
          %get3A_136 = arith.index_cast %mul3A_129 : i32 to index
          %get3A_137 = tpu.vector_load %arg11[%get3A_136] {strides = array<i32>} : memref<4224xi32, #tpu.memory_space<vmem>>, vector<16xi32>,
          %select_n3A = arith.select %lt3A_132, %gather3A, %get3A_137 : vector<16xi1>, vector<16xi32>
          %swap3A = arith.index_cast %mul3A_129 : i32 to index
          %swap3A_138 = tpu.vector_load %arg9[%swap3A] {strides = array<i32>} : memref<4224xi32, #tpu.memory_space<vmem>>, vector<16xi32>,
          tpu.vector_store %arg9[%swap3A], %select_n3A {strides = array<i32>} : memref<4224xi32, #tpu.memory_space<vmem>>, vector<16xi32>,
          %get3A_139 = arith.index_cast %mul3A_129 : i32 to index
          %get3A_140 = tpu.vector_load %arg8[%get3A_139] {strides = array<i32>} : memref<4224xf32, #tpu.memory_space<vmem>>, vector<16xf32>,
          %get3A_141 = arith.index_cast %mul3A_129 : i32 to index
          %get3A_142 = tpu.vector_load %arg12[%get3A_141] {strides = array<i32>} : memref<4224xf32, #tpu.memory_space<vmem>>, vector<16xf32>,
          %select_n3A_143 = arith.select %lt3A_132, %gather3A_135, %get3A_142 : vector<16xi1>, vector<16xf32>
          %add3A_144 = arith.addf %get3A_140, %select_n3A_143 : vector<16xf32>
          %swap3A_145 = arith.index_cast %mul3A_129 : i32 to index
          %swap3A_146 = tpu.vector_load %arg8[%swap3A_145] {strides = array<i32>} : memref<4224xf32, #tpu.memory_space<vmem>>, vector<16xf32>,
          tpu.vector_store %arg8[%swap3A_145], %add3A_144 {strides = array<i32>} : memref<4224xf32, #tpu.memory_space<vmem>>, vector<16xf32>,
        }
        %scan3A_126 = arith.constant 264 : i32
        "tpu.region"() ({
          %run_scoped3A = tpu.sem_alloc : memref<!tpu.dma_semaphore, #tpu.memory_space<semaphore_mem>>
          %dma_start3A = tpu.memref_slice %arg4[%add3A_11] : memref<1081344xi32, #tpu.memory_space<hbm>> -> memref<4224xi32, #tpu.memory_space<hbm>>
          %dma_start3A_127 = tpu.memref_slice %arg4[%add3A_11] : memref<1081344xi32, #tpu.memory_space<hbm>> -> memref<4224xi32, #tpu.memory_space<hbm>>
          tpu.enqueue_dma source(%arg9 : memref<4224xi32, #tpu.memory_space<vmem>>) target(%dma_start3A_127 : memref<4224xi32, #tpu.memory_space<hbm>>) target_semaphore(%run_scoped3A : memref<!tpu.dma_semaphore, #tpu.memory_space<semaphore_mem>>)
          %dma_wait3A = tpu.memref_slice %arg4[%add3A_11] : memref<1081344xi32, #tpu.memory_space<hbm>> -> memref<4224xi32, #tpu.memory_space<hbm>>
          %dma_wait3A_128 = tpu.memref_slice %arg4[%add3A_11] : memref<1081344xi32, #tpu.memory_space<hbm>> -> memref<4224xi32, #tpu.memory_space<hbm>>
          tpu.wait_dma2 semaphore(%run_scoped3A : memref<!tpu.dma_semaphore, #tpu.memory_space<semaphore_mem>>) src(%arg9 : memref<4224xi32, #tpu.memory_space<vmem>>) dst(%dma_wait3A_128 : memref<4224xi32, #tpu.memory_space<hbm>>)
          tpu.yield
        }) : () -> ()
        "tpu.region"() ({
          %run_scoped3A = tpu.sem_alloc : memref<!tpu.dma_semaphore, #tpu.memory_space<semaphore_mem>>
          %dma_start3A = tpu.memref_slice %arg5[%add3A_11] : memref<1081344xf32, #tpu.memory_space<hbm>> -> memref<4224xf32, #tpu.memory_space<hbm>>
          %dma_start3A_127 = tpu.memref_slice %arg5[%add3A_11] : memref<1081344xf32, #tpu.memory_space<hbm>> -> memref<4224xf32, #tpu.memory_space<hbm>>
          tpu.enqueue_dma source(%arg8 : memref<4224xf32, #tpu.memory_space<vmem>>) target(%dma_start3A_127 : memref<4224xf32, #tpu.memory_space<hbm>>) target_semaphore(%run_scoped3A : memref<!tpu.dma_semaphore, #tpu.memory_space<semaphore_mem>>)
          %dma_wait3A = tpu.memref_slice %arg5[%add3A_11] : memref<1081344xf32, #tpu.memory_space<hbm>> -> memref<4224xf32, #tpu.memory_space<hbm>>
          %dma_wait3A_128 = tpu.memref_slice %arg5[%add3A_11] : memref<1081344xf32, #tpu.memory_space<hbm>> -> memref<4224xf32, #tpu.memory_space<hbm>>
          tpu.wait_dma2 semaphore(%run_scoped3A : memref<!tpu.dma_semaphore, #tpu.memory_space<semaphore_mem>>) src(%arg8 : memref<4224xf32, #tpu.memory_space<vmem>>) dst(%dma_wait3A_128 : memref<4224xf32, #tpu.memory_space<hbm>>)
          tpu.yield
        }) : () -> ()
      } else {
      }
      %eq3A = arith.constant 0 : i32
      %eq3A_112 = arith.cmpi eq, %or3A_62, %eq3A : i32
      %convert_element_type3A_113 = arith.extui %eq3A_112 : i1 to i32
      %cond3A_114 = arith.constant 0 : i32
      %cond3A_115 = arith.cmpi ne, %convert_element_type3A_113, %cond3A_114 : i32
      scf.if %cond3A_115 {
        "tpu.region"() ({
          %run_scoped3A = tpu.sem_alloc : memref<!tpu.dma_semaphore, #tpu.memory_space<semaphore_mem>>
          %dma_start3A = tpu.memref_slice %arg4[%add3A_11] : memref<1081344xi32, #tpu.memory_space<hbm>> -> memref<4224xi32, #tpu.memory_space<hbm>>
          %dma_start3A_116 = tpu.memref_slice %arg4[%add3A_11] : memref<1081344xi32, #tpu.memory_space<hbm>> -> memref<4224xi32, #tpu.memory_space<hbm>>
          tpu.enqueue_dma source(%arg6 : memref<4224xi32, #tpu.memory_space<vmem>>) target(%dma_start3A_116 : memref<4224xi32, #tpu.memory_space<hbm>>) target_semaphore(%run_scoped3A : memref<!tpu.dma_semaphore, #tpu.memory_space<semaphore_mem>>)
          %dma_wait3A = tpu.memref_slice %arg4[%add3A_11] : memref<1081344xi32, #tpu.memory_space<hbm>> -> memref<4224xi32, #tpu.memory_space<hbm>>
          %dma_wait3A_117 = tpu.memref_slice %arg4[%add3A_11] : memref<1081344xi32, #tpu.memory_space<hbm>> -> memref<4224xi32, #tpu.memory_space<hbm>>
          tpu.wait_dma2 semaphore(%run_scoped3A : memref<!tpu.dma_semaphore, #tpu.memory_space<semaphore_mem>>) src(%arg6 : memref<4224xi32, #tpu.memory_space<vmem>>) dst(%dma_wait3A_117 : memref<4224xi32, #tpu.memory_space<hbm>>)
          tpu.yield
        }) : () -> ()
        "tpu.region"() ({
          %run_scoped3A = tpu.sem_alloc : memref<!tpu.dma_semaphore, #tpu.memory_space<semaphore_mem>>
          %dma_start3A = tpu.memref_slice %arg5[%add3A_11] : memref<1081344xf32, #tpu.memory_space<hbm>> -> memref<4224xf32, #tpu.memory_space<hbm>>
          %dma_start3A_116 = tpu.memref_slice %arg5[%add3A_11] : memref<1081344xf32, #tpu.memory_space<hbm>> -> memref<4224xf32, #tpu.memory_space<hbm>>
          tpu.enqueue_dma source(%arg8 : memref<4224xf32, #tpu.memory_space<vmem>>) target(%dma_start3A_116 : memref<4224xf32, #tpu.memory_space<hbm>>) target_semaphore(%run_scoped3A : memref<!tpu.dma_semaphore, #tpu.memory_space<semaphore_mem>>)
          %dma_wait3A = tpu.memref_slice %arg5[%add3A_11] : memref<1081344xf32, #tpu.memory_space<hbm>> -> memref<4224xf32, #tpu.memory_space<hbm>>
          %dma_wait3A_117 = tpu.memref_slice %arg5[%add3A_11] : memref<1081344xf32, #tpu.memory_space<hbm>> -> memref<4224xf32, #tpu.memory_space<hbm>>
          tpu.wait_dma2 semaphore(%run_scoped3A : memref<!tpu.dma_semaphore, #tpu.memory_space<semaphore_mem>>) src(%arg8 : memref<4224xf32, #tpu.memory_space<vmem>>) dst(%dma_wait3A_117 : memref<4224xf32, #tpu.memory_space<hbm>>)
          tpu.yield
        }) : () -> ()
      } else {
      }
    }
    %scan3A_7 = arith.constant 8 : i32
    return
  }
}

#map = affine_map<(d0, d1) -> (0)>
module attributes {stable_mosaic.version = 14 : i64} {
  func.func @_hop_body(%arg0: i32, %arg1: i32, %arg2: memref<1081344xi32, #tpu.memory_space<hbm>>, %arg3: memref<1081344xf32, #tpu.memory_space<hbm>>, %arg4: memref<1081344xi32, #tpu.memory_space<hbm>>, %arg5: memref<1081344xf32, #tpu.memory_space<hbm>>, %arg6: memref<4224xi32, #tpu.memory_space<vmem>>, %arg7: memref<4224xi32, #tpu.memory_space<vmem>>, %arg8: memref<4224xf32, #tpu.memory_space<vmem>>, %arg9: memref<4224xi32, #tpu.memory_space<vmem>>, %arg10: memref<4224xf32, #tpu.memory_space<vmem>>, %arg11: memref<4224xi32, #tpu.memory_space<vmem>>, %arg12: memref<4224xf32, #tpu.memory_space<vmem>>, %arg13: memref<32768xi32, #tpu.memory_space<vmem>>, %arg14: memref<32768xf32, #tpu.memory_space<vmem>>, %arg15: memref<!tpu.dma_semaphore, #tpu.memory_space<semaphore_mem>>, %arg16: memref<!tpu.dma_semaphore, #tpu.memory_space<semaphore_mem>>) attributes {dimension_semantics = [#tpu.dimension_semantics<core_parallel>, #tpu.dimension_semantics<subcore_parallel>], iteration_bounds = array<i64: 2, 16>, scalar_prefetch = 0 : i64, scratch_operands = 11 : i64, tpu.core_type = #tpu.core_type<sc_vector_subcore>, window_params = [{transform_indices = #map}, {transform_indices = #map}, {transform_indices = #map}, {transform_indices = #map}]} {
    %mul3A = arith.constant 2 : i32
    %mul3A_0 = arith.muli %arg1, %mul3A : i32
    %add3A = arith.addi %mul3A_0, %arg0 : i32
    %mul3A_1 = arith.constant 33792 : i32
    %mul3A_2 = arith.muli %add3A, %mul3A_1 : i32
    "tpu.region"() ({
      %run_scoped3A = tpu.sem_alloc : memref<!tpu.dma_semaphore, #tpu.memory_space<semaphore_mem>>
      %dma_start3A = arith.constant 0 : i32
      %dma_start3A_8 = tpu.memref_slice %arg2[%dma_start3A] : memref<1081344xi32, #tpu.memory_space<hbm>> -> memref<32768xi32, #tpu.memory_space<hbm>>
      %dma_start3A_9 = arith.constant 0 : i32
      %dma_start3A_10 = tpu.memref_slice %arg2[%dma_start3A_9] : memref<1081344xi32, #tpu.memory_space<hbm>> -> memref<32768xi32, #tpu.memory_space<hbm>>
      tpu.enqueue_dma source(%dma_start3A_10 : memref<32768xi32, #tpu.memory_space<hbm>>) target(%arg13 : memref<32768xi32, #tpu.memory_space<vmem>>) target_semaphore(%run_scoped3A : memref<!tpu.dma_semaphore, #tpu.memory_space<semaphore_mem>>)
      %dma_wait3A = arith.constant 0 : i32
      %dma_wait3A_11 = tpu.memref_slice %arg2[%dma_wait3A] : memref<1081344xi32, #tpu.memory_space<hbm>> -> memref<32768xi32, #tpu.memory_space<hbm>>
      %dma_wait3A_12 = arith.constant 0 : i32
      %dma_wait3A_13 = tpu.memref_slice %arg2[%dma_wait3A_12] : memref<1081344xi32, #tpu.memory_space<hbm>> -> memref<32768xi32, #tpu.memory_space<hbm>>
      tpu.wait_dma2 semaphore(%run_scoped3A : memref<!tpu.dma_semaphore, #tpu.memory_space<semaphore_mem>>) src(%dma_wait3A_13 : memref<32768xi32, #tpu.memory_space<hbm>>) dst(%arg13 : memref<32768xi32, #tpu.memory_space<vmem>>)
      tpu.yield
    }) : () -> ()
    "tpu.region"() ({
      %run_scoped3A = tpu.sem_alloc : memref<!tpu.dma_semaphore, #tpu.memory_space<semaphore_mem>>
      %dma_start3A = arith.constant 0 : i32
      %dma_start3A_8 = tpu.memref_slice %arg3[%dma_start3A] : memref<1081344xf32, #tpu.memory_space<hbm>> -> memref<32768xf32, #tpu.memory_space<hbm>>
      %dma_start3A_9 = arith.constant 0 : i32
      %dma_start3A_10 = tpu.memref_slice %arg3[%dma_start3A_9] : memref<1081344xf32, #tpu.memory_space<hbm>> -> memref<32768xf32, #tpu.memory_space<hbm>>
      tpu.enqueue_dma source(%dma_start3A_10 : memref<32768xf32, #tpu.memory_space<hbm>>) target(%arg14 : memref<32768xf32, #tpu.memory_space<vmem>>) target_semaphore(%run_scoped3A : memref<!tpu.dma_semaphore, #tpu.memory_space<semaphore_mem>>)
      %dma_wait3A = arith.constant 0 : i32
      %dma_wait3A_11 = tpu.memref_slice %arg3[%dma_wait3A] : memref<1081344xf32, #tpu.memory_space<hbm>> -> memref<32768xf32, #tpu.memory_space<hbm>>
      %dma_wait3A_12 = arith.constant 0 : i32
      %dma_wait3A_13 = tpu.memref_slice %arg3[%dma_wait3A_12] : memref<1081344xf32, #tpu.memory_space<hbm>> -> memref<32768xf32, #tpu.memory_space<hbm>>
      tpu.wait_dma2 semaphore(%run_scoped3A : memref<!tpu.dma_semaphore, #tpu.memory_space<semaphore_mem>>) src(%dma_wait3A_13 : memref<32768xf32, #tpu.memory_space<hbm>>) dst(%arg14 : memref<32768xf32, #tpu.memory_space<vmem>>)
      tpu.yield
    }) : () -> ()
    %scan3A = arith.constant 0 : i32
    %scan3A_3 = arith.constant 0 : i32
    %scan3A_4 = arith.constant 8 : i32
    %scan3A_5 = arith.addi %scan3A_3, %scan3A_4 : i32
    %scan3A_6 = arith.constant 1 : i32
    scf.for %scan3A_8 = %scan3A_3 to %scan3A_5 step %scan3A_6  : i32 {
      %mul3A_9 = arith.constant 4224 : i32
      %mul3A_10 = arith.muli %scan3A_8, %mul3A_9 : i32
      %add3A_11 = arith.addi %mul3A_2, %mul3A_10 : i32
      "tpu.region"() ({
        %run_scoped3A = tpu.sem_alloc : memref<!tpu.dma_semaphore, #tpu.memory_space<semaphore_mem>>
        %dma_start3A = tpu.memref_slice %arg2[%add3A_11] : memref<1081344xi32, #tpu.memory_space<hbm>> -> memref<4224xi32, #tpu.memory_space<hbm>>
        %dma_start3A_116 = tpu.memref_slice %arg2[%add3A_11] : memref<1081344xi32, #tpu.memory_space<hbm>> -> memref<4224xi32, #tpu.memory_space<hbm>>
        tpu.enqueue_dma source(%dma_start3A_116 : memref<4224xi32, #tpu.memory_space<hbm>>) target(%arg6 : memref<4224xi32, #tpu.memory_space<vmem>>) target_semaphore(%run_scoped3A : memref<!tpu.dma_semaphore, #tpu.memory_space<semaphore_mem>>)
        %dma_wait3A = tpu.memref_slice %arg2[%add3A_11] : memref<1081344xi32, #tpu.memory_space<hbm>> -> memref<4224xi32, #tpu.memory_space<hbm>>
        %dma_wait3A_117 = tpu.memref_slice %arg2[%add3A_11] : memref<1081344xi32, #tpu.memory_space<hbm>> -> memref<4224xi32, #tpu.memory_space<hbm>>
        tpu.wait_dma2 semaphore(%run_scoped3A : memref<!tpu.dma_semaphore, #tpu.memory_space<semaphore_mem>>) src(%dma_wait3A_117 : memref<4224xi32, #tpu.memory_space<hbm>>) dst(%arg6 : memref<4224xi32, #tpu.memory_space<vmem>>)
        tpu.yield
      }) : () -> ()
      "tpu.region"() ({
        %run_scoped3A = tpu.sem_alloc : memref<!tpu.dma_semaphore, #tpu.memory_space<semaphore_mem>>
        %dma_start3A = tpu.memref_slice %arg3[%add3A_11] : memref<1081344xf32, #tpu.memory_space<hbm>> -> memref<4224xf32, #tpu.memory_space<hbm>>
        %dma_start3A_116 = tpu.memref_slice %arg3[%add3A_11] : memref<1081344xf32, #tpu.memory_space<hbm>> -> memref<4224xf32, #tpu.memory_space<hbm>>
        tpu.enqueue_dma source(%dma_start3A_116 : memref<4224xf32, #tpu.memory_space<hbm>>) target(%arg8 : memref<4224xf32, #tpu.memory_space<vmem>>) target_semaphore(%run_scoped3A : memref<!tpu.dma_semaphore, #tpu.memory_space<semaphore_mem>>)
        %dma_wait3A = tpu.memref_slice %arg3[%add3A_11] : memref<1081344xf32, #tpu.memory_space<hbm>> -> memref<4224xf32, #tpu.memory_space<hbm>>
        %dma_wait3A_117 = tpu.memref_slice %arg3[%add3A_11] : memref<1081344xf32, #tpu.memory_space<hbm>> -> memref<4224xf32, #tpu.memory_space<hbm>>
        tpu.wait_dma2 semaphore(%run_scoped3A : memref<!tpu.dma_semaphore, #tpu.memory_space<semaphore_mem>>) src(%dma_wait3A_117 : memref<4224xf32, #tpu.memory_space<hbm>>) dst(%arg8 : memref<4224xf32, #tpu.memory_space<vmem>>)
        tpu.yield
      }) : () -> ()
      %broadcast_in_dim3A = arith.constant 0 : i32
      %broadcast_in_dim3A_12 = vector.broadcast %broadcast_in_dim3A : i32 to vector<16xi32>
      %scan3A_13 = arith.constant 0 : i32
      %scan3A_14 = arith.constant 264 : i32
      %scan3A_15 = arith.addi %scan3A_13, %scan3A_14 : i32
      %scan3A_16 = arith.constant 1 : i32
      %scan3A_17:2 = scf.for %scan3A_116 = %scan3A_13 to %scan3A_15 step %scan3A_16 iter_args(%scan3A_117 = %broadcast_in_dim3A_12, %scan3A_118 = %broadcast_in_dim3A_12) -> (vector<16xi32>, vector<16xi32>)  : i32 {
        %mul3A_119 = arith.constant 16 : i32
        %mul3A_120 = arith.muli %scan3A_116, %mul3A_119 : i32
        %get3A = arith.index_cast %mul3A_120 : i32 to index
        %get3A_121 = tpu.vector_load %arg6[%get3A] {strides = array<i32>} : memref<4224xi32, #tpu.memory_space<vmem>>, vector<16xi32>,
        %or3A_122 = arith.ori %scan3A_117, %get3A_121 : vector<16xi32>
        %shift_right_logical3A = arith.constant 15 : i32
        %shift_right_logical3A_123 = vector.broadcast %shift_right_logical3A : i32 to vector<16xi32>
        %shift_right_logical3A_124 = arith.shrui %get3A_121, %shift_right_logical3A_123 : vector<16xi32>
        %or3A_125 = arith.ori %scan3A_118, %shift_right_logical3A_124 : vector<16xi32>
        scf.yield %or3A_122, %or3A_125 : vector<16xi32>, vector<16xi32>
      }
      %scan3A_18 = arith.constant 264 : i32
      %slice3A = vector.extract_strided_slice %scan3A_17#0 {offsets = [0], sizes = [1], strides = [1]} : vector<16xi32> to vector<1xi32>
      %squeeze3A = vector.extract %slice3A[0] : i32 from vector<1xi32>
      %slice3A_19 = vector.extract_strided_slice %scan3A_17#0 {offsets = [1], sizes = [1], strides = [1]} : vector<16xi32> to vector<1xi32>
      %squeeze3A_20 = vector.extract %slice3A_19[0] : i32 from vector<1xi32>
      %or3A = arith.ori %squeeze3A, %squeeze3A_20 : i32
      %slice3A_21 = vector.extract_strided_slice %scan3A_17#0 {offsets = [2], sizes = [1], strides = [1]} : vector<16xi32> to vector<1xi32>
      %squeeze3A_22 = vector.extract %slice3A_21[0] : i32 from vector<1xi32>
      %or3A_23 = arith.ori %or3A, %squeeze3A_22 : i32
      %slice3A_24 = vector.extract_strided_slice %scan3A_17#0 {offsets = [3], sizes = [1], strides = [1]} : vector<16xi32> to vector<1xi32>
      %squeeze3A_25 = vector.extract %slice3A_24[0] : i32 from vector<1xi32>
      %or3A_26 = arith.ori %or3A_23, %squeeze3A_25 : i32
      %slice3A_27 = vector.extract_strided_slice %scan3A_17#0 {offsets = [4], sizes = [1], strides = [1]} : vector<16xi32> to vector<1xi32>
      %squeeze3A_28 = vector.extract %slice3A_27[0] : i32 from vector<1xi32>
      %or3A_29 = arith.ori %or3A_26, %squeeze3A_28 : i32
      %slice3A_30 = vector.extract_strided_slice %scan3A_17#0 {offsets = [5], sizes = [1], strides = [1]} : vector<16xi32> to vector<1xi32>
      %squeeze3A_31 = vector.extract %slice3A_30[0] : i32 from vector<1xi32>
      %or3A_32 = arith.ori %or3A_29, %squeeze3A_31 : i32
      %slice3A_33 = vector.extract_strided_slice %scan3A_17#0 {offsets = [6], sizes = [1], strides = [1]} : vector<16xi32> to vector<1xi32>
      %squeeze3A_34 = vector.extract %slice3A_33[0] : i32 from vector<1xi32>
      %or3A_35 = arith.ori %or3A_32, %squeeze3A_34 : i32
      %slice3A_36 = vector.extract_strided_slice %scan3A_17#0 {offsets = [7], sizes = [1], strides = [1]} : vector<16xi32> to vector<1xi32>
      %squeeze3A_37 = vector.extract %slice3A_36[0] : i32 from vector<1xi32>
      %or3A_38 = arith.ori %or3A_35, %squeeze3A_37 : i32
      %slice3A_39 = vector.extract_strided_slice %scan3A_17#0 {offsets = [8], sizes = [1], strides = [1]} : vector<16xi32> to vector<1xi32>
      %squeeze3A_40 = vector.extract %slice3A_39[0] : i32 from vector<1xi32>
      %or3A_41 = arith.ori %or3A_38, %squeeze3A_40 : i32
      %slice3A_42 = vector.extract_strided_slice %scan3A_17#0 {offsets = [9], sizes = [1], strides = [1]} : vector<16xi32> to vector<1xi32>
      %squeeze3A_43 = vector.extract %slice3A_42[0] : i32 from vector<1xi32>
      %or3A_44 = arith.ori %or3A_41, %squeeze3A_43 : i32
      %slice3A_45 = vector.extract_strided_slice %scan3A_17#0 {offsets = [10], sizes = [1], strides = [1]} : vector<16xi32> to vector<1xi32>
      %squeeze3A_46 = vector.extract %slice3A_45[0] : i32 from vector<1xi32>
      %or3A_47 = arith.ori %or3A_44, %squeeze3A_46 : i32
      %slice3A_48 = vector.extract_strided_slice %scan3A_17#0 {offsets = [11], sizes = [1], strides = [1]} : vector<16xi32> to vector<1xi32>
      %squeeze3A_49 = vector.extract %slice3A_48[0] : i32 from vector<1xi32>
      %or3A_50 = arith.ori %or3A_47, %squeeze3A_49 : i32
      %slice3A_51 = vector.extract_strided_slice %scan3A_17#0 {offsets = [12], sizes = [1], strides = [1]} : vector<16xi32> to vector<1xi32>
      %squeeze3A_52 = vector.extract %slice3A_51[0] : i32 from vector<1xi32>
      %or3A_53 = arith.ori %or3A_50, %squeeze3A_52 : i32
      %slice3A_54 = vector.extract_strided_slice %scan3A_17#0 {offsets = [13], sizes = [1], strides = [1]} : vector<16xi32> to vector<1xi32>
      %squeeze3A_55 = vector.extract %slice3A_54[0] : i32 from vector<1xi32>
      %or3A_56 = arith.ori %or3A_53, %squeeze3A_55 : i32
      %slice3A_57 = vector.extract_strided_slice %scan3A_17#0 {offsets = [14], sizes = [1], strides = [1]} : vector<16xi32> to vector<1xi32>
      %squeeze3A_58 = vector.extract %slice3A_57[0] : i32 from vector<1xi32>
      %or3A_59 = arith.ori %or3A_56, %squeeze3A_58 : i32
      %slice3A_60 = vector.extract_strided_slice %scan3A_17#0 {offsets = [15], sizes = [1], strides = [1]} : vector<16xi32> to vector<1xi32>
      %squeeze3A_61 = vector.extract %slice3A_60[0] : i32 from vector<1xi32>
      %or3A_62 = arith.ori %or3A_59, %squeeze3A_61 : i32
      %slice3A_63 = vector.extract_strided_slice %scan3A_17#1 {offsets = [0], sizes = [1], strides = [1]} : vector<16xi32> to vector<1xi32>
      %squeeze3A_64 = vector.extract %slice3A_63[0] : i32 from vector<1xi32>
      %slice3A_65 = vector.extract_strided_slice %scan3A_17#1 {offsets = [1], sizes = [1], strides = [1]} : vector<16xi32> to vector<1xi32>
      %squeeze3A_66 = vector.extract %slice3A_65[0] : i32 from vector<1xi32>
      %or3A_67 = arith.ori %squeeze3A_64, %squeeze3A_66 : i32
      %slice3A_68 = vector.extract_strided_slice %scan3A_17#1 {offsets = [2], sizes = [1], strides = [1]} : vector<16xi32> to vector<1xi32>
      %squeeze3A_69 = vector.extract %slice3A_68[0] : i32 from vector<1xi32>
      %or3A_70 = arith.ori %or3A_67, %squeeze3A_69 : i32
      %slice3A_71 = vector.extract_strided_slice %scan3A_17#1 {offsets = [3], sizes = [1], strides = [1]} : vector<16xi32> to vector<1xi32>
      %squeeze3A_72 = vector.extract %slice3A_71[0] : i32 from vector<1xi32>
      %or3A_73 = arith.ori %or3A_70, %squeeze3A_72 : i32
      %slice3A_74 = vector.extract_strided_slice %scan3A_17#1 {offsets = [4], sizes = [1], strides = [1]} : vector<16xi32> to vector<1xi32>
      %squeeze3A_75 = vector.extract %slice3A_74[0] : i32 from vector<1xi32>
      %or3A_76 = arith.ori %or3A_73, %squeeze3A_75 : i32
      %slice3A_77 = vector.extract_strided_slice %scan3A_17#1 {offsets = [5], sizes = [1], strides = [1]} : vector<16xi32> to vector<1xi32>
      %squeeze3A_78 = vector.extract %slice3A_77[0] : i32 from vector<1xi32>
      %or3A_79 = arith.ori %or3A_76, %squeeze3A_78 : i32
      %slice3A_80 = vector.extract_strided_slice %scan3A_17#1 {offsets = [6], sizes = [1], strides = [1]} : vector<16xi32> to vector<1xi32>
      %squeeze3A_81 = vector.extract %slice3A_80[0] : i32 from vector<1xi32>
      %or3A_82 = arith.ori %or3A_79, %squeeze3A_81 : i32
      %slice3A_83 = vector.extract_strided_slice %scan3A_17#1 {offsets = [7], sizes = [1], strides = [1]} : vector<16xi32> to vector<1xi32>
      %squeeze3A_84 = vector.extract %slice3A_83[0] : i32 from vector<1xi32>
      %or3A_85 = arith.ori %or3A_82, %squeeze3A_84 : i32
      %slice3A_86 = vector.extract_strided_slice %scan3A_17#1 {offsets = [8], sizes = [1], strides = [1]} : vector<16xi32> to vector<1xi32>
      %squeeze3A_87 = vector.extract %slice3A_86[0] : i32 from vector<1xi32>
      %or3A_88 = arith.ori %or3A_85, %squeeze3A_87 : i32
      %slice3A_89 = vector.extract_strided_slice %scan3A_17#1 {offsets = [9], sizes = [1], strides = [1]} : vector<16xi32> to vector<1xi32>
      %squeeze3A_90 = vector.extract %slice3A_89[0] : i32 from vector<1xi32>
      %or3A_91 = arith.ori %or3A_88, %squeeze3A_90 : i32
      %slice3A_92 = vector.extract_strided_slice %scan3A_17#1 {offsets = [10], sizes = [1], strides = [1]} : vector<16xi32> to vector<1xi32>
      %squeeze3A_93 = vector.extract %slice3A_92[0] : i32 from vector<1xi32>
      %or3A_94 = arith.ori %or3A_91, %squeeze3A_93 : i32
      %slice3A_95 = vector.extract_strided_slice %scan3A_17#1 {offsets = [11], sizes = [1], strides = [1]} : vector<16xi32> to vector<1xi32>
      %squeeze3A_96 = vector.extract %slice3A_95[0] : i32 from vector<1xi32>
      %or3A_97 = arith.ori %or3A_94, %squeeze3A_96 : i32
      %slice3A_98 = vector.extract_strided_slice %scan3A_17#1 {offsets = [12], sizes = [1], strides = [1]} : vector<16xi32> to vector<1xi32>
      %squeeze3A_99 = vector.extract %slice3A_98[0] : i32 from vector<1xi32>
      %or3A_100 = arith.ori %or3A_97, %squeeze3A_99 : i32
      %slice3A_101 = vector.extract_strided_slice %scan3A_17#1 {offsets = [13], sizes = [1], strides = [1]} : vector<16xi32> to vector<1xi32>
      %squeeze3A_102 = vector.extract %slice3A_101[0] : i32 from vector<1xi32>
      %or3A_103 = arith.ori %or3A_100, %squeeze3A_102 : i32
      %slice3A_104 = vector.extract_strided_slice %scan3A_17#1 {offsets = [14], sizes = [1], strides = [1]} : vector<16xi32> to vector<1xi32>
      %squeeze3A_105 = vector.extract %slice3A_104[0] : i32 from vector<1xi32>
      %or3A_106 = arith.ori %or3A_103, %squeeze3A_105 : i32
      %slice3A_107 = vector.extract_strided_slice %scan3A_17#1 {offsets = [15], sizes = [1], strides = [1]} : vector<16xi32> to vector<1xi32>
      %squeeze3A_108 = vector.extract %slice3A_107[0] : i32 from vector<1xi32>
      %or3A_109 = arith.ori %or3A_106, %squeeze3A_108 : i32
      %gt3A = arith.constant 0 : i32
      %gt3A_110 = arith.cmpi sgt, %or3A_62, %gt3A : i32
      %convert_element_type3A = arith.extui %gt3A_110 : i1 to i32
      %cond3A = arith.constant 0 : i32
      %cond3A_111 = arith.cmpi ne, %convert_element_type3A, %cond3A : i32
      scf.if %cond3A_111 {
        %iota3A = tpu.iota {dimensions = array<i32: 0>} : vector<16xi32>
        %gt3A_116 = arith.constant 0 : i32
        %gt3A_117 = arith.cmpi sgt, %or3A_109, %gt3A_116 : i32
        %convert_element_type3A_118 = arith.extui %gt3A_117 : i1 to i32
        %cond3A_119 = arith.constant 0 : i32
        %cond3A_120 = arith.cmpi ne, %convert_element_type3A_118, %cond3A_119 : i32
        scf.if %cond3A_120 {
          %scan3A_127 = arith.constant 0 : i32
          %scan3A_128 = arith.constant 0 : i32
          %scan3A_129 = arith.constant 264 : i32
          %scan3A_130 = arith.addi %scan3A_128, %scan3A_129 : i32
          %scan3A_131 = arith.constant 1 : i32
          scf.for %scan3A_139 = %scan3A_128 to %scan3A_130 step %scan3A_131  : i32 {
            %mul3A_140 = arith.constant 16 : i32
            %mul3A_141 = arith.muli %scan3A_139, %mul3A_140 : i32
            %mul3A_142 = arith.constant 16 : i32
            %mul3A_143 = arith.muli %scan3A_139, %mul3A_142 : i32
            %add3A_144 = arith.addi %add3A_11, %mul3A_143 : i32
            %add3A_145 = vector.broadcast %add3A_144 : i32 to vector<16xi32>
            %add3A_146 = arith.addi %iota3A, %add3A_145 : vector<16xi32>
            %get3A = arith.index_cast %mul3A_141 : i32 to index
            %get3A_147 = tpu.vector_load %arg6[%get3A] {strides = array<i32>} : memref<4224xi32, #tpu.memory_space<vmem>>, vector<16xi32>,
            %lt3A = arith.constant 32768 : i32
            %lt3A_148 = vector.broadcast %lt3A : i32 to vector<16xi32>
            %lt3A_149 = arith.cmpi slt, %get3A_147, %lt3A_148 : vector<16xi32>
            %select_n3A = arith.select %lt3A_149, %add3A_146, %get3A_147 : vector<16xi1>, vector<16xi32>
            %swap3A = arith.index_cast %mul3A_141 : i32 to index
            %swap3A_150 = tpu.vector_load %arg7[%swap3A] {strides = array<i32>} : memref<4224xi32, #tpu.memory_space<vmem>>, vector<16xi32>,
            tpu.vector_store %arg7[%swap3A], %select_n3A {strides = array<i32>} : memref<4224xi32, #tpu.memory_space<vmem>>, vector<16xi32>,
          }
          %scan3A_132 = arith.constant 264 : i32
          %dma_start3A = arith.constant 0 : i32
          %dma_start3A_133 = tpu.memref_slice %arg2[%dma_start3A] : memref<1081344xi32, #tpu.memory_space<hbm>> -> memref<1081344xi32, #tpu.memory_space<hbm>>
          tpu.enqueue_indirect_dma source(%dma_start3A_133 : memref<1081344xi32, #tpu.memory_space<hbm>>) target(%arg11 : memref<4224xi32, #tpu.memory_space<vmem>>) offsets(%arg7 : memref<4224xi32, #tpu.memory_space<vmem>>) semaphore(%arg15 : memref<!tpu.dma_semaphore, #tpu.memory_space<semaphore_mem>>)
          %dma_start3A_134 = arith.constant 0 : i32
          %dma_start3A_135 = tpu.memref_slice %arg3[%dma_start3A_134] : memref<1081344xf32, #tpu.memory_space<hbm>> -> memref<1081344xf32, #tpu.memory_space<hbm>>
          tpu.enqueue_indirect_dma source(%dma_start3A_135 : memref<1081344xf32, #tpu.memory_space<hbm>>) target(%arg12 : memref<4224xf32, #tpu.memory_space<vmem>>) offsets(%arg7 : memref<4224xi32, #tpu.memory_space<vmem>>) semaphore(%arg16 : memref<!tpu.dma_semaphore, #tpu.memory_space<semaphore_mem>>)
          %dma_wait3A = arith.constant 0 : i32
          %dma_wait3A_136 = tpu.memref_slice %arg2[%dma_wait3A] : memref<1081344xi32, #tpu.memory_space<hbm>> -> memref<1081344xi32, #tpu.memory_space<hbm>>
          tpu.wait_indirect_dma semaphore(%arg15 : memref<!tpu.dma_semaphore, #tpu.memory_space<semaphore_mem>>) src(%dma_wait3A_136 : memref<1081344xi32, #tpu.memory_space<hbm>>) dst(%arg11 : memref<4224xi32, #tpu.memory_space<vmem>>)
          %dma_wait3A_137 = arith.constant 0 : i32
          %dma_wait3A_138 = tpu.memref_slice %arg3[%dma_wait3A_137] : memref<1081344xf32, #tpu.memory_space<hbm>> -> memref<1081344xf32, #tpu.memory_space<hbm>>
          tpu.wait_indirect_dma semaphore(%arg16 : memref<!tpu.dma_semaphore, #tpu.memory_space<semaphore_mem>>) src(%dma_wait3A_138 : memref<1081344xf32, #tpu.memory_space<hbm>>) dst(%arg12 : memref<4224xf32, #tpu.memory_space<vmem>>)
        } else {
        }
        %scan3A_121 = arith.constant 0 : i32
        %scan3A_122 = arith.constant 0 : i32
        %scan3A_123 = arith.constant 264 : i32
        %scan3A_124 = arith.addi %scan3A_122, %scan3A_123 : i32
        %scan3A_125 = arith.constant 1 : i32
        scf.for %scan3A_127 = %scan3A_122 to %scan3A_124 step %scan3A_125  : i32 {
          %mul3A_128 = arith.constant 16 : i32
          %mul3A_129 = arith.muli %scan3A_127, %mul3A_128 : i32
          %get3A = arith.index_cast %mul3A_129 : i32 to index
          %get3A_130 = tpu.vector_load %arg6[%get3A] {strides = array<i32>} : memref<4224xi32, #tpu.memory_space<vmem>>, vector<16xi32>,
          %lt3A = arith.constant 32768 : i32
          %lt3A_131 = vector.broadcast %lt3A : i32 to vector<16xi32>
          %lt3A_132 = arith.cmpi slt, %get3A_130, %lt3A_131 : vector<16xi32>
          %and3A = arith.constant 32767 : i32
          %and3A_133 = vector.broadcast %and3A : i32 to vector<16xi32>
          %and3A_134 = arith.andi %get3A_130, %and3A_133 : vector<16xi32>
          %gather3A = tpu.vector_load_idx %arg13[%and3A_134] : memref<32768xi32, #tpu.memory_space<vmem>>[vector<16xi32>], vector<16xi32>,
          %gather3A_135 = tpu.vector_load_idx %arg14[%and3A_134] : memref<32768xf32, #tpu.memory_space<vmem>>[vector<16xi32>], vector<16xf32>,
          %get3A_136 = arith.index_cast %mul3A_129 : i32 to index
          %get3A_137 = tpu.vector_load %arg11[%get3A_136] {strides = array<i32>} : memref<4224xi32, #tpu.memory_space<vmem>>, vector<16xi32>,
          %select_n3A = arith.select %lt3A_132, %gather3A, %get3A_137 : vector<16xi1>, vector<16xi32>
          %swap3A = arith.index_cast %mul3A_129 : i32 to index
          %swap3A_138 = tpu.vector_load %arg9[%swap3A] {strides = array<i32>} : memref<4224xi32, #tpu.memory_space<vmem>>, vector<16xi32>,
          tpu.vector_store %arg9[%swap3A], %select_n3A {strides = array<i32>} : memref<4224xi32, #tpu.memory_space<vmem>>, vector<16xi32>,
          %get3A_139 = arith.index_cast %mul3A_129 : i32 to index
          %get3A_140 = tpu.vector_load %arg8[%get3A_139] {strides = array<i32>} : memref<4224xf32, #tpu.memory_space<vmem>>, vector<16xf32>,
          %get3A_141 = arith.index_cast %mul3A_129 : i32 to index
          %get3A_142 = tpu.vector_load %arg12[%get3A_141] {strides = array<i32>} : memref<4224xf32, #tpu.memory_space<vmem>>, vector<16xf32>,
          %select_n3A_143 = arith.select %lt3A_132, %gather3A_135, %get3A_142 : vector<16xi1>, vector<16xf32>
          %add3A_144 = arith.addf %get3A_140, %select_n3A_143 : vector<16xf32>
          %swap3A_145 = arith.index_cast %mul3A_129 : i32 to index
          %swap3A_146 = tpu.vector_load %arg8[%swap3A_145] {strides = array<i32>} : memref<4224xf32, #tpu.memory_space<vmem>>, vector<16xf32>,
          tpu.vector_store %arg8[%swap3A_145], %add3A_144 {strides = array<i32>} : memref<4224xf32, #tpu.memory_space<vmem>>, vector<16xf32>,
        }
        %scan3A_126 = arith.constant 264 : i32
        "tpu.region"() ({
          %run_scoped3A = tpu.sem_alloc : memref<!tpu.dma_semaphore, #tpu.memory_space<semaphore_mem>>
          %dma_start3A = tpu.memref_slice %arg4[%add3A_11] : memref<1081344xi32, #tpu.memory_space<hbm>> -> memref<4224xi32, #tpu.memory_space<hbm>>
          %dma_start3A_127 = tpu.memref_slice %arg4[%add3A_11] : memref<1081344xi32, #tpu.memory_space<hbm>> -> memref<4224xi32, #tpu.memory_space<hbm>>
          tpu.enqueue_dma source(%arg9 : memref<4224xi32, #tpu.memory_space<vmem>>) target(%dma_start3A_127 : memref<4224xi32, #tpu.memory_space<hbm>>) target_semaphore(%run_scoped3A : memref<!tpu.dma_semaphore, #tpu.memory_space<semaphore_mem>>)
          %dma_wait3A = tpu.memref_slice %arg4[%add3A_11] : memref<1081344xi32, #tpu.memory_space<hbm>> -> memref<4224xi32, #tpu.memory_space<hbm>>
          %dma_wait3A_128 = tpu.memref_slice %arg4[%add3A_11] : memref<1081344xi32, #tpu.memory_space<hbm>> -> memref<4224xi32, #tpu.memory_space<hbm>>
          tpu.wait_dma2 semaphore(%run_scoped3A : memref<!tpu.dma_semaphore, #tpu.memory_space<semaphore_mem>>) src(%arg9 : memref<4224xi32, #tpu.memory_space<vmem>>) dst(%dma_wait3A_128 : memref<4224xi32, #tpu.memory_space<hbm>>)
          tpu.yield
        }) : () -> ()
        "tpu.region"() ({
          %run_scoped3A = tpu.sem_alloc : memref<!tpu.dma_semaphore, #tpu.memory_space<semaphore_mem>>
          %dma_start3A = tpu.memref_slice %arg5[%add3A_11] : memref<1081344xf32, #tpu.memory_space<hbm>> -> memref<4224xf32, #tpu.memory_space<hbm>>
          %dma_start3A_127 = tpu.memref_slice %arg5[%add3A_11] : memref<1081344xf32, #tpu.memory_space<hbm>> -> memref<4224xf32, #tpu.memory_space<hbm>>
          tpu.enqueue_dma source(%arg8 : memref<4224xf32, #tpu.memory_space<vmem>>) target(%dma_start3A_127 : memref<4224xf32, #tpu.memory_space<hbm>>) target_semaphore(%run_scoped3A : memref<!tpu.dma_semaphore, #tpu.memory_space<semaphore_mem>>)
          %dma_wait3A = tpu.memref_slice %arg5[%add3A_11] : memref<1081344xf32, #tpu.memory_space<hbm>> -> memref<4224xf32, #tpu.memory_space<hbm>>
          %dma_wait3A_128 = tpu.memref_slice %arg5[%add3A_11] : memref<1081344xf32, #tpu.memory_space<hbm>> -> memref<4224xf32, #tpu.memory_space<hbm>>
          tpu.wait_dma2 semaphore(%run_scoped3A : memref<!tpu.dma_semaphore, #tpu.memory_space<semaphore_mem>>) src(%arg8 : memref<4224xf32, #tpu.memory_space<vmem>>) dst(%dma_wait3A_128 : memref<4224xf32, #tpu.memory_space<hbm>>)
          tpu.yield
        }) : () -> ()
      } else {
      }
      %eq3A = arith.constant 0 : i32
      %eq3A_112 = arith.cmpi eq, %or3A_62, %eq3A : i32
      %convert_element_type3A_113 = arith.extui %eq3A_112 : i1 to i32
      %cond3A_114 = arith.constant 0 : i32
      %cond3A_115 = arith.cmpi ne, %convert_element_type3A_113, %cond3A_114 : i32
      scf.if %cond3A_115 {
        "tpu.region"() ({
          %run_scoped3A = tpu.sem_alloc : memref<!tpu.dma_semaphore, #tpu.memory_space<semaphore_mem>>
          %dma_start3A = tpu.memref_slice %arg4[%add3A_11] : memref<1081344xi32, #tpu.memory_space<hbm>> -> memref<4224xi32, #tpu.memory_space<hbm>>
          %dma_start3A_116 = tpu.memref_slice %arg4[%add3A_11] : memref<1081344xi32, #tpu.memory_space<hbm>> -> memref<4224xi32, #tpu.memory_space<hbm>>
          tpu.enqueue_dma source(%arg6 : memref<4224xi32, #tpu.memory_space<vmem>>) target(%dma_start3A_116 : memref<4224xi32, #tpu.memory_space<hbm>>) target_semaphore(%run_scoped3A : memref<!tpu.dma_semaphore, #tpu.memory_space<semaphore_mem>>)
          %dma_wait3A = tpu.memref_slice %arg4[%add3A_11] : memref<1081344xi32, #tpu.memory_space<hbm>> -> memref<4224xi32, #tpu.memory_space<hbm>>
          %dma_wait3A_117 = tpu.memref_slice %arg4[%add3A_11] : memref<1081344xi32, #tpu.memory_space<hbm>> -> memref<4224xi32, #tpu.memory_space<hbm>>
          tpu.wait_dma2 semaphore(%run_scoped3A : memref<!tpu.dma_semaphore, #tpu.memory_space<semaphore_mem>>) src(%arg6 : memref<4224xi32, #tpu.memory_space<vmem>>) dst(%dma_wait3A_117 : memref<4224xi32, #tpu.memory_space<hbm>>)
          tpu.yield
        }) : () -> ()
        "tpu.region"() ({
          %run_scoped3A = tpu.sem_alloc : memref<!tpu.dma_semaphore, #tpu.memory_space<semaphore_mem>>
          %dma_start3A = tpu.memref_slice %arg5[%add3A_11] : memref<1081344xf32, #tpu.memory_space<hbm>> -> memref<4224xf32, #tpu.memory_space<hbm>>
          %dma_start3A_116 = tpu.memref_slice %arg5[%add3A_11] : memref<1081344xf32, #tpu.memory_space<hbm>> -> memref<4224xf32, #tpu.memory_space<hbm>>
          tpu.enqueue_dma source(%arg8 : memref<4224xf32, #tpu.memory_space<vmem>>) target(%dma_start3A_116 : memref<4224xf32, #tpu.memory_space<hbm>>) target_semaphore(%run_scoped3A : memref<!tpu.dma_semaphore, #tpu.memory_space<semaphore_mem>>)
          %dma_wait3A = tpu.memref_slice %arg5[%add3A_11] : memref<1081344xf32, #tpu.memory_space<hbm>> -> memref<4224xf32, #tpu.memory_space<hbm>>
          %dma_wait3A_117 = tpu.memref_slice %arg5[%add3A_11] : memref<1081344xf32, #tpu.memory_space<hbm>> -> memref<4224xf32, #tpu.memory_space<hbm>>
          tpu.wait_dma2 semaphore(%run_scoped3A : memref<!tpu.dma_semaphore, #tpu.memory_space<semaphore_mem>>) src(%arg8 : memref<4224xf32, #tpu.memory_space<vmem>>) dst(%dma_wait3A_117 : memref<4224xf32, #tpu.memory_space<hbm>>)
          tpu.yield
        }) : () -> ()
      } else {
      }
    }
    %scan3A_7 = arith.constant 8 : i32
    return
  }
}

#map = affine_map<(d0, d1) -> (0)>
module attributes {stable_mosaic.version = 14 : i64} {
  func.func @_tail_body(%arg0: i32, %arg1: i32, %arg2: memref<1081344xi32, #tpu.memory_space<hbm>>, %arg3: memref<1081344xf32, #tpu.memory_space<hbm>>, %arg4: memref<1081344xi32, #tpu.memory_space<hbm>>, %arg5: memref<1081344xf32, #tpu.memory_space<hbm>>, %arg6: memref<1081344xi32, #tpu.memory_space<hbm>>, %arg7: memref<1081344xf32, #tpu.memory_space<hbm>>, %arg8: memref<4224xi32, #tpu.memory_space<vmem>>, %arg9: memref<4224xi32, #tpu.memory_space<vmem>>, %arg10: memref<4224xf32, #tpu.memory_space<vmem>>, %arg11: memref<4224xi32, #tpu.memory_space<vmem>>, %arg12: memref<4224xf32, #tpu.memory_space<vmem>>, %arg13: memref<4224xi32, #tpu.memory_space<vmem>>, %arg14: memref<4224xf32, #tpu.memory_space<vmem>>, %arg15: memref<32768xi32, #tpu.memory_space<vmem>>, %arg16: memref<32768xf32, #tpu.memory_space<vmem>>, %arg17: memref<16xi32, #tpu.memory_space<smem>>, %arg18: memref<!tpu.dma_semaphore, #tpu.memory_space<semaphore_mem>>, %arg19: memref<!tpu.dma_semaphore, #tpu.memory_space<semaphore_mem>>) attributes {dimension_semantics = [#tpu.dimension_semantics<core_parallel>, #tpu.dimension_semantics<subcore_parallel>], iteration_bounds = array<i64: 1, 16>, scalar_prefetch = 0 : i64, scratch_operands = 12 : i64, tpu.core_type = #tpu.core_type<sc_vector_subcore>, window_params = [{transform_indices = #map}, {transform_indices = #map}, {transform_indices = #map}, {transform_indices = #map}, {transform_indices = #map}, {transform_indices = #map}]} {
    %mul3A = arith.constant 67584 : i32
    %mul3A_0 = arith.muli %arg1, %mul3A : i32
    %scan3A = arith.constant 0 : i32
    %scan3A_1 = arith.constant 0 : i32
    %scan3A_2 = arith.constant 16 : i32
    %scan3A_3 = arith.addi %scan3A_1, %scan3A_2 : i32
    %scan3A_4 = arith.constant 1 : i32
    scf.for %scan3A_12 = %scan3A_1 to %scan3A_3 step %scan3A_4  : i32 {
      %swap3A = arith.constant 0 : i32
      %swap3A_13 = arith.index_cast %scan3A_12 : i32 to index
      %swap3A_14 = memref.load %arg17[%swap3A_13] : memref<16xi32, #tpu.memory_space<smem>>
      memref.store %swap3A, %arg17[%swap3A_13] : memref<16xi32, #tpu.memory_space<smem>>
    }
    %scan3A_5 = arith.constant 16 : i32
    %scan3A_6 = arith.constant 0 : i32
    %scan3A_7 = arith.constant 0 : i32
    %scan3A_8 = arith.constant 16 : i32
    %scan3A_9 = arith.addi %scan3A_7, %scan3A_8 : i32
    %scan3A_10 = arith.constant 1 : i32
    scf.for %scan3A_12 = %scan3A_7 to %scan3A_9 step %scan3A_10  : i32 {
      %eq3A = arith.constant 0 : i32
      %eq3A_13 = arith.cmpi eq, %scan3A_12, %eq3A : i32
      %convert_element_type3A = arith.extui %eq3A_13 : i1 to i32
      %cond3A = arith.constant 0 : i32
      %cond3A_14 = arith.cmpi ne, %convert_element_type3A, %cond3A : i32
      scf.if %cond3A_14 {
        %scan3A_55 = arith.constant 0 : i32
        %scan3A_56 = arith.constant 0 : i32
        %scan3A_57 = arith.constant 16 : i32
        %scan3A_58 = arith.addi %scan3A_56, %scan3A_57 : i32
        %scan3A_59 = arith.constant 1 : i32
        %scan3A_60 = scf.for %scan3A_73 = %scan3A_56 to %scan3A_58 step %scan3A_59 iter_args(%scan3A_74 = %scan3A_55) -> (i32)  : i32 {
          %get3A = arith.index_cast %scan3A_73 : i32 to index
          %get3A_75 = memref.load %arg17[%get3A] : memref<16xi32, #tpu.memory_space<smem>>
          %lt3A_76 = arith.constant 1 : i32
          %lt3A_77 = arith.cmpi slt, %get3A_75, %lt3A_76 : i32
          %jit3A_78 = arith.constant 1 : i32
          %jit3A_79 = arith.constant 0 : i32
          %select_n3A_80 = arith.select %lt3A_77, %jit3A_78, %jit3A_79 : i32
          %add3A_81 = arith.addi %scan3A_74, %select_n3A_80 : i32
          scf.yield %add3A_81 : i32
        }
        %scan3A_61 = arith.constant 16 : i32
        %gt3A_62 = arith.constant 0 : i32
        %gt3A_63 = arith.cmpi sgt, %scan3A_60, %gt3A_62 : i32
        %convert_element_type3A_64 = arith.extui %gt3A_63 : i1 to i32
        %cond3A_65 = arith.constant 0 : i32
        %cond3A_66 = arith.cmpi ne, %convert_element_type3A_64, %cond3A_65 : i32
        scf.if %cond3A_66 {
          "tpu.region"() ({
            %run_scoped3A = tpu.sem_alloc : memref<!tpu.dma_semaphore, #tpu.memory_space<semaphore_mem>>
            %dma_start3A = arith.constant 0 : i32
            %dma_start3A_73 = tpu.memref_slice %arg2[%dma_start3A] : memref<1081344xi32, #tpu.memory_space<hbm>> -> memref<32768xi32, #tpu.memory_space<hbm>>
            %dma_start3A_74 = arith.constant 0 : i32
            %dma_start3A_75 = tpu.memref_slice %arg2[%dma_start3A_74] : memref<1081344xi32, #tpu.memory_space<hbm>> -> memref<32768xi32, #tpu.memory_space<hbm>>
            tpu.enqueue_dma source(%dma_start3A_75 : memref<32768xi32, #tpu.memory_space<hbm>>) target(%arg15 : memref<32768xi32, #tpu.memory_space<vmem>>) target_semaphore(%run_scoped3A : memref<!tpu.dma_semaphore, #tpu.memory_space<semaphore_mem>>)
            %dma_wait3A = arith.constant 0 : i32
            %dma_wait3A_76 = tpu.memref_slice %arg2[%dma_wait3A] : memref<1081344xi32, #tpu.memory_space<hbm>> -> memref<32768xi32, #tpu.memory_space<hbm>>
            %dma_wait3A_77 = arith.constant 0 : i32
            %dma_wait3A_78 = tpu.memref_slice %arg2[%dma_wait3A_77] : memref<1081344xi32, #tpu.memory_space<hbm>> -> memref<32768xi32, #tpu.memory_space<hbm>>
            tpu.wait_dma2 semaphore(%run_scoped3A : memref<!tpu.dma_semaphore, #tpu.memory_space<semaphore_mem>>) src(%dma_wait3A_78 : memref<32768xi32, #tpu.memory_space<hbm>>) dst(%arg15 : memref<32768xi32, #tpu.memory_space<vmem>>)
            tpu.yield
          }) : () -> ()
          "tpu.region"() ({
            %run_scoped3A = tpu.sem_alloc : memref<!tpu.dma_semaphore, #tpu.memory_space<semaphore_mem>>
            %dma_start3A = arith.constant 0 : i32
            %dma_start3A_73 = tpu.memref_slice %arg3[%dma_start3A] : memref<1081344xf32, #tpu.memory_space<hbm>> -> memref<32768xf32, #tpu.memory_space<hbm>>
            %dma_start3A_74 = arith.constant 0 : i32
            %dma_start3A_75 = tpu.memref_slice %arg3[%dma_start3A_74] : memref<1081344xf32, #tpu.memory_space<hbm>> -> memref<32768xf32, #tpu.memory_space<hbm>>
            tpu.enqueue_dma source(%dma_start3A_75 : memref<32768xf32, #tpu.memory_space<hbm>>) target(%arg16 : memref<32768xf32, #tpu.memory_space<vmem>>) target_semaphore(%run_scoped3A : memref<!tpu.dma_semaphore, #tpu.memory_space<semaphore_mem>>)
            %dma_wait3A = arith.constant 0 : i32
            %dma_wait3A_76 = tpu.memref_slice %arg3[%dma_wait3A] : memref<1081344xf32, #tpu.memory_space<hbm>> -> memref<32768xf32, #tpu.memory_space<hbm>>
            %dma_wait3A_77 = arith.constant 0 : i32
            %dma_wait3A_78 = tpu.memref_slice %arg3[%dma_wait3A_77] : memref<1081344xf32, #tpu.memory_space<hbm>> -> memref<32768xf32, #tpu.memory_space<hbm>>
            tpu.wait_dma2 semaphore(%run_scoped3A : memref<!tpu.dma_semaphore, #tpu.memory_space<semaphore_mem>>) src(%dma_wait3A_78 : memref<32768xf32, #tpu.memory_space<hbm>>) dst(%arg16 : memref<32768xf32, #tpu.memory_space<vmem>>)
            tpu.yield
          }) : () -> ()
        } else {
        }
        %scan3A_67 = arith.constant 0 : i32
        %scan3A_68 = arith.constant 0 : i32
        %scan3A_69 = arith.constant 16 : i32
        %scan3A_70 = arith.addi %scan3A_68, %scan3A_69 : i32
        %scan3A_71 = arith.constant 1 : i32
        scf.for %scan3A_73 = %scan3A_68 to %scan3A_70 step %scan3A_71  : i32 {
          %get3A = arith.index_cast %scan3A_73 : i32 to index
          %get3A_74 = memref.load %arg17[%get3A] : memref<16xi32, #tpu.memory_space<smem>>
          %lt3A_75 = arith.constant 1 : i32
          %lt3A_76 = arith.cmpi slt, %get3A_74, %lt3A_75 : i32
          %convert_element_type3A_77 = arith.extui %lt3A_76 : i1 to i32
          %cond3A_78 = arith.constant 0 : i32
          %cond3A_79 = arith.cmpi ne, %convert_element_type3A_77, %cond3A_78 : i32
          scf.if %cond3A_79 {
            %mul3A_80 = arith.constant 4224 : i32
            %mul3A_81 = arith.muli %scan3A_73, %mul3A_80 : i32
            %add3A_82 = arith.addi %mul3A_0, %mul3A_81 : i32
            "tpu.region"() ({
              %run_scoped3A = tpu.sem_alloc : memref<!tpu.dma_semaphore, #tpu.memory_space<semaphore_mem>>
              %dma_start3A = tpu.memref_slice %arg2[%add3A_82] : memref<1081344xi32, #tpu.memory_space<hbm>> -> memref<4224xi32, #tpu.memory_space<hbm>>
              %dma_start3A_191 = tpu.memref_slice %arg2[%add3A_82] : memref<1081344xi32, #tpu.memory_space<hbm>> -> memref<4224xi32, #tpu.memory_space<hbm>>
              tpu.enqueue_dma source(%dma_start3A_191 : memref<4224xi32, #tpu.memory_space<hbm>>) target(%arg8 : memref<4224xi32, #tpu.memory_space<vmem>>) target_semaphore(%run_scoped3A : memref<!tpu.dma_semaphore, #tpu.memory_space<semaphore_mem>>)
              %dma_wait3A = tpu.memref_slice %arg2[%add3A_82] : memref<1081344xi32, #tpu.memory_space<hbm>> -> memref<4224xi32, #tpu.memory_space<hbm>>
              %dma_wait3A_192 = tpu.memref_slice %arg2[%add3A_82] : memref<1081344xi32, #tpu.memory_space<hbm>> -> memref<4224xi32, #tpu.memory_space<hbm>>
              tpu.wait_dma2 semaphore(%run_scoped3A : memref<!tpu.dma_semaphore, #tpu.memory_space<semaphore_mem>>) src(%dma_wait3A_192 : memref<4224xi32, #tpu.memory_space<hbm>>) dst(%arg8 : memref<4224xi32, #tpu.memory_space<vmem>>)
              tpu.yield
            }) : () -> ()
            "tpu.region"() ({
              %run_scoped3A = tpu.sem_alloc : memref<!tpu.dma_semaphore, #tpu.memory_space<semaphore_mem>>
              %dma_start3A = tpu.memref_slice %arg3[%add3A_82] : memref<1081344xf32, #tpu.memory_space<hbm>> -> memref<4224xf32, #tpu.memory_space<hbm>>
              %dma_start3A_191 = tpu.memref_slice %arg3[%add3A_82] : memref<1081344xf32, #tpu.memory_space<hbm>> -> memref<4224xf32, #tpu.memory_space<hbm>>
              tpu.enqueue_dma source(%dma_start3A_191 : memref<4224xf32, #tpu.memory_space<hbm>>) target(%arg10 : memref<4224xf32, #tpu.memory_space<vmem>>) target_semaphore(%run_scoped3A : memref<!tpu.dma_semaphore, #tpu.memory_space<semaphore_mem>>)
              %dma_wait3A = tpu.memref_slice %arg3[%add3A_82] : memref<1081344xf32, #tpu.memory_space<hbm>> -> memref<4224xf32, #tpu.memory_space<hbm>>
              %dma_wait3A_192 = tpu.memref_slice %arg3[%add3A_82] : memref<1081344xf32, #tpu.memory_space<hbm>> -> memref<4224xf32, #tpu.memory_space<hbm>>
              tpu.wait_dma2 semaphore(%run_scoped3A : memref<!tpu.dma_semaphore, #tpu.memory_space<semaphore_mem>>) src(%dma_wait3A_192 : memref<4224xf32, #tpu.memory_space<hbm>>) dst(%arg10 : memref<4224xf32, #tpu.memory_space<vmem>>)
              tpu.yield
            }) : () -> ()
            %broadcast_in_dim3A = arith.constant 0 : i32
            %broadcast_in_dim3A_83 = vector.broadcast %broadcast_in_dim3A : i32 to vector<16xi32>
            %scan3A_84 = arith.constant 0 : i32
            %scan3A_85 = arith.constant 264 : i32
            %scan3A_86 = arith.addi %scan3A_84, %scan3A_85 : i32
            %scan3A_87 = arith.constant 1 : i32
            %scan3A_88:2 = scf.for %scan3A_191 = %scan3A_84 to %scan3A_86 step %scan3A_87 iter_args(%scan3A_192 = %broadcast_in_dim3A_83, %scan3A_193 = %broadcast_in_dim3A_83) -> (vector<16xi32>, vector<16xi32>)  : i32 {
              %mul3A_194 = arith.constant 16 : i32
              %mul3A_195 = arith.muli %scan3A_191, %mul3A_194 : i32
              %get3A_196 = arith.index_cast %mul3A_195 : i32 to index
              %get3A_197 = tpu.vector_load %arg8[%get3A_196] {strides = array<i32>} : memref<4224xi32, #tpu.memory_space<vmem>>, vector<16xi32>,
              %or3A_198 = arith.ori %scan3A_192, %get3A_197 : vector<16xi32>
              %shift_right_logical3A = arith.constant 15 : i32
              %shift_right_logical3A_199 = vector.broadcast %shift_right_logical3A : i32 to vector<16xi32>
              %shift_right_logical3A_200 = arith.shrui %get3A_197, %shift_right_logical3A_199 : vector<16xi32>
              %or3A_201 = arith.ori %scan3A_193, %shift_right_logical3A_200 : vector<16xi32>
              scf.yield %or3A_198, %or3A_201 : vector<16xi32>, vector<16xi32>
            }
            %scan3A_89 = arith.constant 264 : i32
            %slice3A = vector.extract_strided_slice %scan3A_88#0 {offsets = [0], sizes = [1], strides = [1]} : vector<16xi32> to vector<1xi32>
            %squeeze3A = vector.extract %slice3A[0] : i32 from vector<1xi32>
            %slice3A_90 = vector.extract_strided_slice %scan3A_88#0 {offsets = [1], sizes = [1], strides = [1]} : vector<16xi32> to vector<1xi32>
            %squeeze3A_91 = vector.extract %slice3A_90[0] : i32 from vector<1xi32>
            %or3A = arith.ori %squeeze3A, %squeeze3A_91 : i32
            %slice3A_92 = vector.extract_strided_slice %scan3A_88#0 {offsets = [2], sizes = [1], strides = [1]} : vector<16xi32> to vector<1xi32>
            %squeeze3A_93 = vector.extract %slice3A_92[0] : i32 from vector<1xi32>
            %or3A_94 = arith.ori %or3A, %squeeze3A_93 : i32
            %slice3A_95 = vector.extract_strided_slice %scan3A_88#0 {offsets = [3], sizes = [1], strides = [1]} : vector<16xi32> to vector<1xi32>
            %squeeze3A_96 = vector.extract %slice3A_95[0] : i32 from vector<1xi32>
            %or3A_97 = arith.ori %or3A_94, %squeeze3A_96 : i32
            %slice3A_98 = vector.extract_strided_slice %scan3A_88#0 {offsets = [4], sizes = [1], strides = [1]} : vector<16xi32> to vector<1xi32>
            %squeeze3A_99 = vector.extract %slice3A_98[0] : i32 from vector<1xi32>
            %or3A_100 = arith.ori %or3A_97, %squeeze3A_99 : i32
            %slice3A_101 = vector.extract_strided_slice %scan3A_88#0 {offsets = [5], sizes = [1], strides = [1]} : vector<16xi32> to vector<1xi32>
            %squeeze3A_102 = vector.extract %slice3A_101[0] : i32 from vector<1xi32>
            %or3A_103 = arith.ori %or3A_100, %squeeze3A_102 : i32
            %slice3A_104 = vector.extract_strided_slice %scan3A_88#0 {offsets = [6], sizes = [1], strides = [1]} : vector<16xi32> to vector<1xi32>
            %squeeze3A_105 = vector.extract %slice3A_104[0] : i32 from vector<1xi32>
            %or3A_106 = arith.ori %or3A_103, %squeeze3A_105 : i32
            %slice3A_107 = vector.extract_strided_slice %scan3A_88#0 {offsets = [7], sizes = [1], strides = [1]} : vector<16xi32> to vector<1xi32>
            %squeeze3A_108 = vector.extract %slice3A_107[0] : i32 from vector<1xi32>
            %or3A_109 = arith.ori %or3A_106, %squeeze3A_108 : i32
            %slice3A_110 = vector.extract_strided_slice %scan3A_88#0 {offsets = [8], sizes = [1], strides = [1]} : vector<16xi32> to vector<1xi32>
            %squeeze3A_111 = vector.extract %slice3A_110[0] : i32 from vector<1xi32>
            %or3A_112 = arith.ori %or3A_109, %squeeze3A_111 : i32
            %slice3A_113 = vector.extract_strided_slice %scan3A_88#0 {offsets = [9], sizes = [1], strides = [1]} : vector<16xi32> to vector<1xi32>
            %squeeze3A_114 = vector.extract %slice3A_113[0] : i32 from vector<1xi32>
            %or3A_115 = arith.ori %or3A_112, %squeeze3A_114 : i32
            %slice3A_116 = vector.extract_strided_slice %scan3A_88#0 {offsets = [10], sizes = [1], strides = [1]} : vector<16xi32> to vector<1xi32>
            %squeeze3A_117 = vector.extract %slice3A_116[0] : i32 from vector<1xi32>
            %or3A_118 = arith.ori %or3A_115, %squeeze3A_117 : i32
            %slice3A_119 = vector.extract_strided_slice %scan3A_88#0 {offsets = [11], sizes = [1], strides = [1]} : vector<16xi32> to vector<1xi32>
            %squeeze3A_120 = vector.extract %slice3A_119[0] : i32 from vector<1xi32>
            %or3A_121 = arith.ori %or3A_118, %squeeze3A_120 : i32
            %slice3A_122 = vector.extract_strided_slice %scan3A_88#0 {offsets = [12], sizes = [1], strides = [1]} : vector<16xi32> to vector<1xi32>
            %squeeze3A_123 = vector.extract %slice3A_122[0] : i32 from vector<1xi32>
            %or3A_124 = arith.ori %or3A_121, %squeeze3A_123 : i32
            %slice3A_125 = vector.extract_strided_slice %scan3A_88#0 {offsets = [13], sizes = [1], strides = [1]} : vector<16xi32> to vector<1xi32>
            %squeeze3A_126 = vector.extract %slice3A_125[0] : i32 from vector<1xi32>
            %or3A_127 = arith.ori %or3A_124, %squeeze3A_126 : i32
            %slice3A_128 = vector.extract_strided_slice %scan3A_88#0 {offsets = [14], sizes = [1], strides = [1]} : vector<16xi32> to vector<1xi32>
            %squeeze3A_129 = vector.extract %slice3A_128[0] : i32 from vector<1xi32>
            %or3A_130 = arith.ori %or3A_127, %squeeze3A_129 : i32
            %slice3A_131 = vector.extract_strided_slice %scan3A_88#0 {offsets = [15], sizes = [1], strides = [1]} : vector<16xi32> to vector<1xi32>
            %squeeze3A_132 = vector.extract %slice3A_131[0] : i32 from vector<1xi32>
            %or3A_133 = arith.ori %or3A_130, %squeeze3A_132 : i32
            %slice3A_134 = vector.extract_strided_slice %scan3A_88#1 {offsets = [0], sizes = [1], strides = [1]} : vector<16xi32> to vector<1xi32>
            %squeeze3A_135 = vector.extract %slice3A_134[0] : i32 from vector<1xi32>
            %slice3A_136 = vector.extract_strided_slice %scan3A_88#1 {offsets = [1], sizes = [1], strides = [1]} : vector<16xi32> to vector<1xi32>
            %squeeze3A_137 = vector.extract %slice3A_136[0] : i32 from vector<1xi32>
            %or3A_138 = arith.ori %squeeze3A_135, %squeeze3A_137 : i32
            %slice3A_139 = vector.extract_strided_slice %scan3A_88#1 {offsets = [2], sizes = [1], strides = [1]} : vector<16xi32> to vector<1xi32>
            %squeeze3A_140 = vector.extract %slice3A_139[0] : i32 from vector<1xi32>
            %or3A_141 = arith.ori %or3A_138, %squeeze3A_140 : i32
            %slice3A_142 = vector.extract_strided_slice %scan3A_88#1 {offsets = [3], sizes = [1], strides = [1]} : vector<16xi32> to vector<1xi32>
            %squeeze3A_143 = vector.extract %slice3A_142[0] : i32 from vector<1xi32>
            %or3A_144 = arith.ori %or3A_141, %squeeze3A_143 : i32
            %slice3A_145 = vector.extract_strided_slice %scan3A_88#1 {offsets = [4], sizes = [1], strides = [1]} : vector<16xi32> to vector<1xi32>
            %squeeze3A_146 = vector.extract %slice3A_145[0] : i32 from vector<1xi32>
            %or3A_147 = arith.ori %or3A_144, %squeeze3A_146 : i32
            %slice3A_148 = vector.extract_strided_slice %scan3A_88#1 {offsets = [5], sizes = [1], strides = [1]} : vector<16xi32> to vector<1xi32>
            %squeeze3A_149 = vector.extract %slice3A_148[0] : i32 from vector<1xi32>
            %or3A_150 = arith.ori %or3A_147, %squeeze3A_149 : i32
            %slice3A_151 = vector.extract_strided_slice %scan3A_88#1 {offsets = [6], sizes = [1], strides = [1]} : vector<16xi32> to vector<1xi32>
            %squeeze3A_152 = vector.extract %slice3A_151[0] : i32 from vector<1xi32>
            %or3A_153 = arith.ori %or3A_150, %squeeze3A_152 : i32
            %slice3A_154 = vector.extract_strided_slice %scan3A_88#1 {offsets = [7], sizes = [1], strides = [1]} : vector<16xi32> to vector<1xi32>
            %squeeze3A_155 = vector.extract %slice3A_154[0] : i32 from vector<1xi32>
            %or3A_156 = arith.ori %or3A_153, %squeeze3A_155 : i32
            %slice3A_157 = vector.extract_strided_slice %scan3A_88#1 {offsets = [8], sizes = [1], strides = [1]} : vector<16xi32> to vector<1xi32>
            %squeeze3A_158 = vector.extract %slice3A_157[0] : i32 from vector<1xi32>
            %or3A_159 = arith.ori %or3A_156, %squeeze3A_158 : i32
            %slice3A_160 = vector.extract_strided_slice %scan3A_88#1 {offsets = [9], sizes = [1], strides = [1]} : vector<16xi32> to vector<1xi32>
            %squeeze3A_161 = vector.extract %slice3A_160[0] : i32 from vector<1xi32>
            %or3A_162 = arith.ori %or3A_159, %squeeze3A_161 : i32
            %slice3A_163 = vector.extract_strided_slice %scan3A_88#1 {offsets = [10], sizes = [1], strides = [1]} : vector<16xi32> to vector<1xi32>
            %squeeze3A_164 = vector.extract %slice3A_163[0] : i32 from vector<1xi32>
            %or3A_165 = arith.ori %or3A_162, %squeeze3A_164 : i32
            %slice3A_166 = vector.extract_strided_slice %scan3A_88#1 {offsets = [11], sizes = [1], strides = [1]} : vector<16xi32> to vector<1xi32>
            %squeeze3A_167 = vector.extract %slice3A_166[0] : i32 from vector<1xi32>
            %or3A_168 = arith.ori %or3A_165, %squeeze3A_167 : i32
            %slice3A_169 = vector.extract_strided_slice %scan3A_88#1 {offsets = [12], sizes = [1], strides = [1]} : vector<16xi32> to vector<1xi32>
            %squeeze3A_170 = vector.extract %slice3A_169[0] : i32 from vector<1xi32>
            %or3A_171 = arith.ori %or3A_168, %squeeze3A_170 : i32
            %slice3A_172 = vector.extract_strided_slice %scan3A_88#1 {offsets = [13], sizes = [1], strides = [1]} : vector<16xi32> to vector<1xi32>
            %squeeze3A_173 = vector.extract %slice3A_172[0] : i32 from vector<1xi32>
            %or3A_174 = arith.ori %or3A_171, %squeeze3A_173 : i32
            %slice3A_175 = vector.extract_strided_slice %scan3A_88#1 {offsets = [14], sizes = [1], strides = [1]} : vector<16xi32> to vector<1xi32>
            %squeeze3A_176 = vector.extract %slice3A_175[0] : i32 from vector<1xi32>
            %or3A_177 = arith.ori %or3A_174, %squeeze3A_176 : i32
            %slice3A_178 = vector.extract_strided_slice %scan3A_88#1 {offsets = [15], sizes = [1], strides = [1]} : vector<16xi32> to vector<1xi32>
            %squeeze3A_179 = vector.extract %slice3A_178[0] : i32 from vector<1xi32>
            %or3A_180 = arith.ori %or3A_177, %squeeze3A_179 : i32
            %gt3A_181 = arith.constant 0 : i32
            %gt3A_182 = arith.cmpi sgt, %or3A_133, %gt3A_181 : i32
            %convert_element_type3A_183 = arith.extui %gt3A_182 : i1 to i32
            %cond3A_184 = arith.constant 0 : i32
            %cond3A_185 = arith.cmpi ne, %convert_element_type3A_183, %cond3A_184 : i32
            scf.if %cond3A_185 {
              %iota3A = tpu.iota {dimensions = array<i32: 0>} : vector<16xi32>
              %gt3A_191 = arith.constant 0 : i32
              %gt3A_192 = arith.cmpi sgt, %or3A_180, %gt3A_191 : i32
              %convert_element_type3A_193 = arith.extui %gt3A_192 : i1 to i32
              %cond3A_194 = arith.constant 0 : i32
              %cond3A_195 = arith.cmpi ne, %convert_element_type3A_193, %cond3A_194 : i32
              scf.if %cond3A_195 {
                %scan3A_202 = arith.constant 0 : i32
                %scan3A_203 = arith.constant 0 : i32
                %scan3A_204 = arith.constant 264 : i32
                %scan3A_205 = arith.addi %scan3A_203, %scan3A_204 : i32
                %scan3A_206 = arith.constant 1 : i32
                scf.for %scan3A_214 = %scan3A_203 to %scan3A_205 step %scan3A_206  : i32 {
                  %mul3A_215 = arith.constant 16 : i32
                  %mul3A_216 = arith.muli %scan3A_214, %mul3A_215 : i32
                  %mul3A_217 = arith.constant 16 : i32
                  %mul3A_218 = arith.muli %scan3A_214, %mul3A_217 : i32
                  %add3A_219 = arith.addi %add3A_82, %mul3A_218 : i32
                  %add3A_220 = vector.broadcast %add3A_219 : i32 to vector<16xi32>
                  %add3A_221 = arith.addi %iota3A, %add3A_220 : vector<16xi32>
                  %get3A_222 = arith.index_cast %mul3A_216 : i32 to index
                  %get3A_223 = tpu.vector_load %arg8[%get3A_222] {strides = array<i32>} : memref<4224xi32, #tpu.memory_space<vmem>>, vector<16xi32>,
                  %lt3A_224 = arith.constant 32768 : i32
                  %lt3A_225 = vector.broadcast %lt3A_224 : i32 to vector<16xi32>
                  %lt3A_226 = arith.cmpi slt, %get3A_223, %lt3A_225 : vector<16xi32>
                  %select_n3A_227 = arith.select %lt3A_226, %add3A_221, %get3A_223 : vector<16xi1>, vector<16xi32>
                  %swap3A = arith.index_cast %mul3A_216 : i32 to index
                  %swap3A_228 = tpu.vector_load %arg9[%swap3A] {strides = array<i32>} : memref<4224xi32, #tpu.memory_space<vmem>>, vector<16xi32>,
                  tpu.vector_store %arg9[%swap3A], %select_n3A_227 {strides = array<i32>} : memref<4224xi32, #tpu.memory_space<vmem>>, vector<16xi32>,
                }
                %scan3A_207 = arith.constant 264 : i32
                %dma_start3A = arith.constant 0 : i32
                %dma_start3A_208 = tpu.memref_slice %arg2[%dma_start3A] : memref<1081344xi32, #tpu.memory_space<hbm>> -> memref<1081344xi32, #tpu.memory_space<hbm>>
                tpu.enqueue_indirect_dma source(%dma_start3A_208 : memref<1081344xi32, #tpu.memory_space<hbm>>) target(%arg13 : memref<4224xi32, #tpu.memory_space<vmem>>) offsets(%arg9 : memref<4224xi32, #tpu.memory_space<vmem>>) semaphore(%arg18 : memref<!tpu.dma_semaphore, #tpu.memory_space<semaphore_mem>>)
                %dma_start3A_209 = arith.constant 0 : i32
                %dma_start3A_210 = tpu.memref_slice %arg3[%dma_start3A_209] : memref<1081344xf32, #tpu.memory_space<hbm>> -> memref<1081344xf32, #tpu.memory_space<hbm>>
                tpu.enqueue_indirect_dma source(%dma_start3A_210 : memref<1081344xf32, #tpu.memory_space<hbm>>) target(%arg14 : memref<4224xf32, #tpu.memory_space<vmem>>) offsets(%arg9 : memref<4224xi32, #tpu.memory_space<vmem>>) semaphore(%arg19 : memref<!tpu.dma_semaphore, #tpu.memory_space<semaphore_mem>>)
                %dma_wait3A = arith.constant 0 : i32
                %dma_wait3A_211 = tpu.memref_slice %arg2[%dma_wait3A] : memref<1081344xi32, #tpu.memory_space<hbm>> -> memref<1081344xi32, #tpu.memory_space<hbm>>
                tpu.wait_indirect_dma semaphore(%arg18 : memref<!tpu.dma_semaphore, #tpu.memory_space<semaphore_mem>>) src(%dma_wait3A_211 : memref<1081344xi32, #tpu.memory_space<hbm>>) dst(%arg13 : memref<4224xi32, #tpu.memory_space<vmem>>)
                %dma_wait3A_212 = arith.constant 0 : i32
                %dma_wait3A_213 = tpu.memref_slice %arg3[%dma_wait3A_212] : memref<1081344xf32, #tpu.memory_space<hbm>> -> memref<1081344xf32, #tpu.memory_space<hbm>>
                tpu.wait_indirect_dma semaphore(%arg19 : memref<!tpu.dma_semaphore, #tpu.memory_space<semaphore_mem>>) src(%dma_wait3A_213 : memref<1081344xf32, #tpu.memory_space<hbm>>) dst(%arg14 : memref<4224xf32, #tpu.memory_space<vmem>>)
              } else {
              }
              %scan3A_196 = arith.constant 0 : i32
              %scan3A_197 = arith.constant 0 : i32
              %scan3A_198 = arith.constant 264 : i32
              %scan3A_199 = arith.addi %scan3A_197, %scan3A_198 : i32
              %scan3A_200 = arith.constant 1 : i32
              scf.for %scan3A_202 = %scan3A_197 to %scan3A_199 step %scan3A_200  : i32 {
                %mul3A_203 = arith.constant 16 : i32
                %mul3A_204 = arith.muli %scan3A_202, %mul3A_203 : i32
                %get3A_205 = arith.index_cast %mul3A_204 : i32 to index
                %get3A_206 = tpu.vector_load %arg8[%get3A_205] {strides = array<i32>} : memref<4224xi32, #tpu.memory_space<vmem>>, vector<16xi32>,
                %lt3A_207 = arith.constant 32768 : i32
                %lt3A_208 = vector.broadcast %lt3A_207 : i32 to vector<16xi32>
                %lt3A_209 = arith.cmpi slt, %get3A_206, %lt3A_208 : vector<16xi32>
                %and3A_210 = arith.constant 32767 : i32
                %and3A_211 = vector.broadcast %and3A_210 : i32 to vector<16xi32>
                %and3A_212 = arith.andi %get3A_206, %and3A_211 : vector<16xi32>
                %gather3A = tpu.vector_load_idx %arg15[%and3A_212] : memref<32768xi32, #tpu.memory_space<vmem>>[vector<16xi32>], vector<16xi32>,
                %gather3A_213 = tpu.vector_load_idx %arg16[%and3A_212] : memref<32768xf32, #tpu.memory_space<vmem>>[vector<16xi32>], vector<16xf32>,
                %get3A_214 = arith.index_cast %mul3A_204 : i32 to index
                %get3A_215 = tpu.vector_load %arg13[%get3A_214] {strides = array<i32>} : memref<4224xi32, #tpu.memory_space<vmem>>, vector<16xi32>,
                %select_n3A_216 = arith.select %lt3A_209, %gather3A, %get3A_215 : vector<16xi1>, vector<16xi32>
                %swap3A = arith.index_cast %mul3A_204 : i32 to index
                %swap3A_217 = tpu.vector_load %arg11[%swap3A] {strides = array<i32>} : memref<4224xi32, #tpu.memory_space<vmem>>, vector<16xi32>,
                tpu.vector_store %arg11[%swap3A], %select_n3A_216 {strides = array<i32>} : memref<4224xi32, #tpu.memory_space<vmem>>, vector<16xi32>,
                %get3A_218 = arith.index_cast %mul3A_204 : i32 to index
                %get3A_219 = tpu.vector_load %arg10[%get3A_218] {strides = array<i32>} : memref<4224xf32, #tpu.memory_space<vmem>>, vector<16xf32>,
                %get3A_220 = arith.index_cast %mul3A_204 : i32 to index
                %get3A_221 = tpu.vector_load %arg14[%get3A_220] {strides = array<i32>} : memref<4224xf32, #tpu.memory_space<vmem>>, vector<16xf32>,
                %select_n3A_222 = arith.select %lt3A_209, %gather3A_213, %get3A_221 : vector<16xi1>, vector<16xf32>
                %add3A_223 = arith.addf %get3A_219, %select_n3A_222 : vector<16xf32>
                %swap3A_224 = arith.index_cast %mul3A_204 : i32 to index
                %swap3A_225 = tpu.vector_load %arg10[%swap3A_224] {strides = array<i32>} : memref<4224xf32, #tpu.memory_space<vmem>>, vector<16xf32>,
                tpu.vector_store %arg10[%swap3A_224], %add3A_223 {strides = array<i32>} : memref<4224xf32, #tpu.memory_space<vmem>>, vector<16xf32>,
              }
              %scan3A_201 = arith.constant 264 : i32
              "tpu.region"() ({
                %run_scoped3A = tpu.sem_alloc : memref<!tpu.dma_semaphore, #tpu.memory_space<semaphore_mem>>
                %dma_start3A = tpu.memref_slice %arg4[%add3A_82] : memref<1081344xi32, #tpu.memory_space<hbm>> -> memref<4224xi32, #tpu.memory_space<hbm>>
                %dma_start3A_202 = tpu.memref_slice %arg4[%add3A_82] : memref<1081344xi32, #tpu.memory_space<hbm>> -> memref<4224xi32, #tpu.memory_space<hbm>>
                tpu.enqueue_dma source(%arg11 : memref<4224xi32, #tpu.memory_space<vmem>>) target(%dma_start3A_202 : memref<4224xi32, #tpu.memory_space<hbm>>) target_semaphore(%run_scoped3A : memref<!tpu.dma_semaphore, #tpu.memory_space<semaphore_mem>>)
                %dma_wait3A = tpu.memref_slice %arg4[%add3A_82] : memref<1081344xi32, #tpu.memory_space<hbm>> -> memref<4224xi32, #tpu.memory_space<hbm>>
                %dma_wait3A_203 = tpu.memref_slice %arg4[%add3A_82] : memref<1081344xi32, #tpu.memory_space<hbm>> -> memref<4224xi32, #tpu.memory_space<hbm>>
                tpu.wait_dma2 semaphore(%run_scoped3A : memref<!tpu.dma_semaphore, #tpu.memory_space<semaphore_mem>>) src(%arg11 : memref<4224xi32, #tpu.memory_space<vmem>>) dst(%dma_wait3A_203 : memref<4224xi32, #tpu.memory_space<hbm>>)
                tpu.yield
              }) : () -> ()
              "tpu.region"() ({
                %run_scoped3A = tpu.sem_alloc : memref<!tpu.dma_semaphore, #tpu.memory_space<semaphore_mem>>
                %dma_start3A = tpu.memref_slice %arg5[%add3A_82] : memref<1081344xf32, #tpu.memory_space<hbm>> -> memref<4224xf32, #tpu.memory_space<hbm>>
                %dma_start3A_202 = tpu.memref_slice %arg5[%add3A_82] : memref<1081344xf32, #tpu.memory_space<hbm>> -> memref<4224xf32, #tpu.memory_space<hbm>>
                tpu.enqueue_dma source(%arg10 : memref<4224xf32, #tpu.memory_space<vmem>>) target(%dma_start3A_202 : memref<4224xf32, #tpu.memory_space<hbm>>) target_semaphore(%run_scoped3A : memref<!tpu.dma_semaphore, #tpu.memory_space<semaphore_mem>>)
                %dma_wait3A = tpu.memref_slice %arg5[%add3A_82] : memref<1081344xf32, #tpu.memory_space<hbm>> -> memref<4224xf32, #tpu.memory_space<hbm>>
                %dma_wait3A_203 = tpu.memref_slice %arg5[%add3A_82] : memref<1081344xf32, #tpu.memory_space<hbm>> -> memref<4224xf32, #tpu.memory_space<hbm>>
                tpu.wait_dma2 semaphore(%run_scoped3A : memref<!tpu.dma_semaphore, #tpu.memory_space<semaphore_mem>>) src(%arg10 : memref<4224xf32, #tpu.memory_space<vmem>>) dst(%dma_wait3A_203 : memref<4224xf32, #tpu.memory_space<hbm>>)
                tpu.yield
              }) : () -> ()
            } else {
            }
            %eq3A_186 = arith.constant 0 : i32
            %eq3A_187 = arith.cmpi eq, %or3A_133, %eq3A_186 : i32
            %convert_element_type3A_188 = arith.extui %eq3A_187 : i1 to i32
            %cond3A_189 = arith.constant 0 : i32
            %cond3A_190 = arith.cmpi ne, %convert_element_type3A_188, %cond3A_189 : i32
            scf.if %cond3A_190 {
              "tpu.region"() ({
                %run_scoped3A = tpu.sem_alloc : memref<!tpu.dma_semaphore, #tpu.memory_space<semaphore_mem>>
                %dma_start3A = tpu.memref_slice %arg4[%add3A_82] : memref<1081344xi32, #tpu.memory_space<hbm>> -> memref<4224xi32, #tpu.memory_space<hbm>>
                %dma_start3A_193 = tpu.memref_slice %arg4[%add3A_82] : memref<1081344xi32, #tpu.memory_space<hbm>> -> memref<4224xi32, #tpu.memory_space<hbm>>
                tpu.enqueue_dma source(%arg8 : memref<4224xi32, #tpu.memory_space<vmem>>) target(%dma_start3A_193 : memref<4224xi32, #tpu.memory_space<hbm>>) target_semaphore(%run_scoped3A : memref<!tpu.dma_semaphore, #tpu.memory_space<semaphore_mem>>)
                %dma_wait3A = tpu.memref_slice %arg4[%add3A_82] : memref<1081344xi32, #tpu.memory_space<hbm>> -> memref<4224xi32, #tpu.memory_space<hbm>>
                %dma_wait3A_194 = tpu.memref_slice %arg4[%add3A_82] : memref<1081344xi32, #tpu.memory_space<hbm>> -> memref<4224xi32, #tpu.memory_space<hbm>>
                tpu.wait_dma2 semaphore(%run_scoped3A : memref<!tpu.dma_semaphore, #tpu.memory_space<semaphore_mem>>) src(%arg8 : memref<4224xi32, #tpu.memory_space<vmem>>) dst(%dma_wait3A_194 : memref<4224xi32, #tpu.memory_space<hbm>>)
                tpu.yield
              }) : () -> ()
              "tpu.region"() ({
                %run_scoped3A = tpu.sem_alloc : memref<!tpu.dma_semaphore, #tpu.memory_space<semaphore_mem>>
                %dma_start3A = tpu.memref_slice %arg5[%add3A_82] : memref<1081344xf32, #tpu.memory_space<hbm>> -> memref<4224xf32, #tpu.memory_space<hbm>>
                %dma_start3A_193 = tpu.memref_slice %arg5[%add3A_82] : memref<1081344xf32, #tpu.memory_space<hbm>> -> memref<4224xf32, #tpu.memory_space<hbm>>
                tpu.enqueue_dma source(%arg10 : memref<4224xf32, #tpu.memory_space<vmem>>) target(%dma_start3A_193 : memref<4224xf32, #tpu.memory_space<hbm>>) target_semaphore(%run_scoped3A : memref<!tpu.dma_semaphore, #tpu.memory_space<semaphore_mem>>)
                %dma_wait3A = tpu.memref_slice %arg5[%add3A_82] : memref<1081344xf32, #tpu.memory_space<hbm>> -> memref<4224xf32, #tpu.memory_space<hbm>>
                %dma_wait3A_194 = tpu.memref_slice %arg5[%add3A_82] : memref<1081344xf32, #tpu.memory_space<hbm>> -> memref<4224xf32, #tpu.memory_space<hbm>>
                tpu.wait_dma2 semaphore(%run_scoped3A : memref<!tpu.dma_semaphore, #tpu.memory_space<semaphore_mem>>) src(%arg10 : memref<4224xf32, #tpu.memory_space<vmem>>) dst(%dma_wait3A_194 : memref<4224xf32, #tpu.memory_space<hbm>>)
                tpu.yield
              }) : () -> ()
              "tpu.region"() ({
                %run_scoped3A = tpu.sem_alloc : memref<!tpu.dma_semaphore, #tpu.memory_space<semaphore_mem>>
                %dma_start3A = tpu.memref_slice %arg6[%add3A_82] : memref<1081344xi32, #tpu.memory_space<hbm>> -> memref<4224xi32, #tpu.memory_space<hbm>>
                %dma_start3A_193 = tpu.memref_slice %arg6[%add3A_82] : memref<1081344xi32, #tpu.memory_space<hbm>> -> memref<4224xi32, #tpu.memory_space<hbm>>
                tpu.enqueue_dma source(%arg8 : memref<4224xi32, #tpu.memory_space<vmem>>) target(%dma_start3A_193 : memref<4224xi32, #tpu.memory_space<hbm>>) target_semaphore(%run_scoped3A : memref<!tpu.dma_semaphore, #tpu.memory_space<semaphore_mem>>)
                %dma_wait3A = tpu.memref_slice %arg6[%add3A_82] : memref<1081344xi32, #tpu.memory_space<hbm>> -> memref<4224xi32, #tpu.memory_space<hbm>>
                %dma_wait3A_194 = tpu.memref_slice %arg6[%add3A_82] : memref<1081344xi32, #tpu.memory_space<hbm>> -> memref<4224xi32, #tpu.memory_space<hbm>>
                tpu.wait_dma2 semaphore(%run_scoped3A : memref<!tpu.dma_semaphore, #tpu.memory_space<semaphore_mem>>) src(%arg8 : memref<4224xi32, #tpu.memory_space<vmem>>) dst(%dma_wait3A_194 : memref<4224xi32, #tpu.memory_space<hbm>>)
                tpu.yield
              }) : () -> ()
              "tpu.region"() ({
                %run_scoped3A = tpu.sem_alloc : memref<!tpu.dma_semaphore, #tpu.memory_space<semaphore_mem>>
                %dma_start3A = tpu.memref_slice %arg7[%add3A_82] : memref<1081344xf32, #tpu.memory_space<hbm>> -> memref<4224xf32, #tpu.memory_space<hbm>>
                %dma_start3A_193 = tpu.memref_slice %arg7[%add3A_82] : memref<1081344xf32, #tpu.memory_space<hbm>> -> memref<4224xf32, #tpu.memory_space<hbm>>
                tpu.enqueue_dma source(%arg10 : memref<4224xf32, #tpu.memory_space<vmem>>) target(%dma_start3A_193 : memref<4224xf32, #tpu.memory_space<hbm>>) target_semaphore(%run_scoped3A : memref<!tpu.dma_semaphore, #tpu.memory_space<semaphore_mem>>)
                %dma_wait3A = tpu.memref_slice %arg7[%add3A_82] : memref<1081344xf32, #tpu.memory_space<hbm>> -> memref<4224xf32, #tpu.memory_space<hbm>>
                %dma_wait3A_194 = tpu.memref_slice %arg7[%add3A_82] : memref<1081344xf32, #tpu.memory_space<hbm>> -> memref<4224xf32, #tpu.memory_space<hbm>>
                tpu.wait_dma2 semaphore(%run_scoped3A : memref<!tpu.dma_semaphore, #tpu.memory_space<semaphore_mem>>) src(%arg10 : memref<4224xf32, #tpu.memory_space<vmem>>) dst(%dma_wait3A_194 : memref<4224xf32, #tpu.memory_space<hbm>>)
                tpu.yield
              }) : () -> ()
              %swap3A = arith.constant 1 : i32
              %swap3A_191 = arith.index_cast %scan3A_73 : i32 to index
              %swap3A_192 = memref.load %arg17[%swap3A_191] : memref<16xi32, #tpu.memory_space<smem>>
              memref.store %swap3A, %arg17[%swap3A_191] : memref<16xi32, #tpu.memory_space<smem>>
            } else {
            }
          } else {
          }
        }
        %scan3A_72 = arith.constant 16 : i32
        %barrier3A = arith.constant 0 : index
        tpu.barrier barrier_id(%barrier3A)
      } else {
      }
      %gt3A = arith.constant 0 : i32
      %gt3A_15 = arith.cmpi sgt, %scan3A_12, %gt3A : i32
      %jit3A = arith.constant 2 : i32
      %eq3A_16 = arith.constant 0 : i32
      %eq3A_17 = arith.cmpi eq, %jit3A, %eq3A_16 : i32
      %jit3A_18 = arith.constant 1 : i32
      %select_n3A = arith.select %eq3A_17, %jit3A_18, %jit3A : i32
      %rem3A = arith.remsi %scan3A_12, %select_n3A : i32
      %ne3A = arith.constant 0 : i32
      %ne3A_19 = arith.cmpi ne, %rem3A, %ne3A : i32
      %lt3A = arith.constant 0 : i32
      %lt3A_20 = arith.cmpi slt, %rem3A, %lt3A : i32
      %lt3A_21 = arith.constant 0 : i32
      %lt3A_22 = arith.cmpi slt, %select_n3A, %lt3A_21 : i32
      %ne3A_23 = arith.xori %lt3A_20, %lt3A_22 : i1
      %and3A = arith.andi %ne3A_23, %ne3A_19 : i1
      %add3A = arith.addi %rem3A, %select_n3A : i32
      %select_n3A_24 = arith.select %and3A, %add3A, %rem3A : i32
      %eq3A_25 = arith.constant 1 : i32
      %eq3A_26 = arith.cmpi eq, %select_n3A_24, %eq3A_25 : i32
      %and3A_27 = arith.andi %gt3A_15, %eq3A_26 : i1
      %convert_element_type3A_28 = arith.extui %and3A_27 : i1 to i32
      %cond3A_29 = arith.constant 0 : i32
      %cond3A_30 = arith.cmpi ne, %convert_element_type3A_28, %cond3A_29 : i32
      scf.if %cond3A_30 {
        %scan3A_55 = arith.constant 0 : i32
        %scan3A_56 = arith.constant 0 : i32
        %scan3A_57 = arith.constant 16 : i32
        %scan3A_58 = arith.addi %scan3A_56, %scan3A_57 : i32
        %scan3A_59 = arith.constant 1 : i32
        %scan3A_60 = scf.for %scan3A_73 = %scan3A_56 to %scan3A_58 step %scan3A_59 iter_args(%scan3A_74 = %scan3A_55) -> (i32)  : i32 {
          %get3A = arith.index_cast %scan3A_73 : i32 to index
          %get3A_75 = memref.load %arg17[%get3A] : memref<16xi32, #tpu.memory_space<smem>>
          %lt3A_76 = arith.constant 1 : i32
          %lt3A_77 = arith.cmpi slt, %get3A_75, %lt3A_76 : i32
          %jit3A_78 = arith.constant 1 : i32
          %jit3A_79 = arith.constant 0 : i32
          %select_n3A_80 = arith.select %lt3A_77, %jit3A_78, %jit3A_79 : i32
          %add3A_81 = arith.addi %scan3A_74, %select_n3A_80 : i32
          scf.yield %add3A_81 : i32
        }
        %scan3A_61 = arith.constant 16 : i32
        %gt3A_62 = arith.constant 0 : i32
        %gt3A_63 = arith.cmpi sgt, %scan3A_60, %gt3A_62 : i32
        %convert_element_type3A_64 = arith.extui %gt3A_63 : i1 to i32
        %cond3A_65 = arith.constant 0 : i32
        %cond3A_66 = arith.cmpi ne, %convert_element_type3A_64, %cond3A_65 : i32
        scf.if %cond3A_66 {
          "tpu.region"() ({
            %run_scoped3A = tpu.sem_alloc : memref<!tpu.dma_semaphore, #tpu.memory_space<semaphore_mem>>
            %dma_start3A = arith.constant 0 : i32
            %dma_start3A_73 = tpu.memref_slice %arg4[%dma_start3A] : memref<1081344xi32, #tpu.memory_space<hbm>> -> memref<32768xi32, #tpu.memory_space<hbm>>
            %dma_start3A_74 = arith.constant 0 : i32
            %dma_start3A_75 = tpu.memref_slice %arg4[%dma_start3A_74] : memref<1081344xi32, #tpu.memory_space<hbm>> -> memref<32768xi32, #tpu.memory_space<hbm>>
            tpu.enqueue_dma source(%dma_start3A_75 : memref<32768xi32, #tpu.memory_space<hbm>>) target(%arg15 : memref<32768xi32, #tpu.memory_space<vmem>>) target_semaphore(%run_scoped3A : memref<!tpu.dma_semaphore, #tpu.memory_space<semaphore_mem>>)
            %dma_wait3A = arith.constant 0 : i32
            %dma_wait3A_76 = tpu.memref_slice %arg4[%dma_wait3A] : memref<1081344xi32, #tpu.memory_space<hbm>> -> memref<32768xi32, #tpu.memory_space<hbm>>
            %dma_wait3A_77 = arith.constant 0 : i32
            %dma_wait3A_78 = tpu.memref_slice %arg4[%dma_wait3A_77] : memref<1081344xi32, #tpu.memory_space<hbm>> -> memref<32768xi32, #tpu.memory_space<hbm>>
            tpu.wait_dma2 semaphore(%run_scoped3A : memref<!tpu.dma_semaphore, #tpu.memory_space<semaphore_mem>>) src(%dma_wait3A_78 : memref<32768xi32, #tpu.memory_space<hbm>>) dst(%arg15 : memref<32768xi32, #tpu.memory_space<vmem>>)
            tpu.yield
          }) : () -> ()
          "tpu.region"() ({
            %run_scoped3A = tpu.sem_alloc : memref<!tpu.dma_semaphore, #tpu.memory_space<semaphore_mem>>
            %dma_start3A = arith.constant 0 : i32
            %dma_start3A_73 = tpu.memref_slice %arg5[%dma_start3A] : memref<1081344xf32, #tpu.memory_space<hbm>> -> memref<32768xf32, #tpu.memory_space<hbm>>
            %dma_start3A_74 = arith.constant 0 : i32
            %dma_start3A_75 = tpu.memref_slice %arg5[%dma_start3A_74] : memref<1081344xf32, #tpu.memory_space<hbm>> -> memref<32768xf32, #tpu.memory_space<hbm>>
            tpu.enqueue_dma source(%dma_start3A_75 : memref<32768xf32, #tpu.memory_space<hbm>>) target(%arg16 : memref<32768xf32, #tpu.memory_space<vmem>>) target_semaphore(%run_scoped3A : memref<!tpu.dma_semaphore, #tpu.memory_space<semaphore_mem>>)
            %dma_wait3A = arith.constant 0 : i32
            %dma_wait3A_76 = tpu.memref_slice %arg5[%dma_wait3A] : memref<1081344xf32, #tpu.memory_space<hbm>> -> memref<32768xf32, #tpu.memory_space<hbm>>
            %dma_wait3A_77 = arith.constant 0 : i32
            %dma_wait3A_78 = tpu.memref_slice %arg5[%dma_wait3A_77] : memref<1081344xf32, #tpu.memory_space<hbm>> -> memref<32768xf32, #tpu.memory_space<hbm>>
            tpu.wait_dma2 semaphore(%run_scoped3A : memref<!tpu.dma_semaphore, #tpu.memory_space<semaphore_mem>>) src(%dma_wait3A_78 : memref<32768xf32, #tpu.memory_space<hbm>>) dst(%arg16 : memref<32768xf32, #tpu.memory_space<vmem>>)
            tpu.yield
          }) : () -> ()
        } else {
        }
        %scan3A_67 = arith.constant 0 : i32
        %scan3A_68 = arith.constant 0 : i32
        %scan3A_69 = arith.constant 16 : i32
        %scan3A_70 = arith.addi %scan3A_68, %scan3A_69 : i32
        %scan3A_71 = arith.constant 1 : i32
        scf.for %scan3A_73 = %scan3A_68 to %scan3A_70 step %scan3A_71  : i32 {
          %get3A = arith.index_cast %scan3A_73 : i32 to index
          %get3A_74 = memref.load %arg17[%get3A] : memref<16xi32, #tpu.memory_space<smem>>
          %lt3A_75 = arith.constant 1 : i32
          %lt3A_76 = arith.cmpi slt, %get3A_74, %lt3A_75 : i32
          %convert_element_type3A_77 = arith.extui %lt3A_76 : i1 to i32
          %cond3A_78 = arith.constant 0 : i32
          %cond3A_79 = arith.cmpi ne, %convert_element_type3A_77, %cond3A_78 : i32
          scf.if %cond3A_79 {
            %mul3A_80 = arith.constant 4224 : i32
            %mul3A_81 = arith.muli %scan3A_73, %mul3A_80 : i32
            %add3A_82 = arith.addi %mul3A_0, %mul3A_81 : i32
            "tpu.region"() ({
              %run_scoped3A = tpu.sem_alloc : memref<!tpu.dma_semaphore, #tpu.memory_space<semaphore_mem>>
              %dma_start3A = tpu.memref_slice %arg4[%add3A_82] : memref<1081344xi32, #tpu.memory_space<hbm>> -> memref<4224xi32, #tpu.memory_space<hbm>>
              %dma_start3A_191 = tpu.memref_slice %arg4[%add3A_82] : memref<1081344xi32, #tpu.memory_space<hbm>> -> memref<4224xi32, #tpu.memory_space<hbm>>
              tpu.enqueue_dma source(%dma_start3A_191 : memref<4224xi32, #tpu.memory_space<hbm>>) target(%arg8 : memref<4224xi32, #tpu.memory_space<vmem>>) target_semaphore(%run_scoped3A : memref<!tpu.dma_semaphore, #tpu.memory_space<semaphore_mem>>)
              %dma_wait3A = tpu.memref_slice %arg4[%add3A_82] : memref<1081344xi32, #tpu.memory_space<hbm>> -> memref<4224xi32, #tpu.memory_space<hbm>>
              %dma_wait3A_192 = tpu.memref_slice %arg4[%add3A_82] : memref<1081344xi32, #tpu.memory_space<hbm>> -> memref<4224xi32, #tpu.memory_space<hbm>>
              tpu.wait_dma2 semaphore(%run_scoped3A : memref<!tpu.dma_semaphore, #tpu.memory_space<semaphore_mem>>) src(%dma_wait3A_192 : memref<4224xi32, #tpu.memory_space<hbm>>) dst(%arg8 : memref<4224xi32, #tpu.memory_space<vmem>>)
              tpu.yield
            }) : () -> ()
            "tpu.region"() ({
              %run_scoped3A = tpu.sem_alloc : memref<!tpu.dma_semaphore, #tpu.memory_space<semaphore_mem>>
              %dma_start3A = tpu.memref_slice %arg5[%add3A_82] : memref<1081344xf32, #tpu.memory_space<hbm>> -> memref<4224xf32, #tpu.memory_space<hbm>>
              %dma_start3A_191 = tpu.memref_slice %arg5[%add3A_82] : memref<1081344xf32, #tpu.memory_space<hbm>> -> memref<4224xf32, #tpu.memory_space<hbm>>
              tpu.enqueue_dma source(%dma_start3A_191 : memref<4224xf32, #tpu.memory_space<hbm>>) target(%arg10 : memref<4224xf32, #tpu.memory_space<vmem>>) target_semaphore(%run_scoped3A : memref<!tpu.dma_semaphore, #tpu.memory_space<semaphore_mem>>)
              %dma_wait3A = tpu.memref_slice %arg5[%add3A_82] : memref<1081344xf32, #tpu.memory_space<hbm>> -> memref<4224xf32, #tpu.memory_space<hbm>>
              %dma_wait3A_192 = tpu.memref_slice %arg5[%add3A_82] : memref<1081344xf32, #tpu.memory_space<hbm>> -> memref<4224xf32, #tpu.memory_space<hbm>>
              tpu.wait_dma2 semaphore(%run_scoped3A : memref<!tpu.dma_semaphore, #tpu.memory_space<semaphore_mem>>) src(%dma_wait3A_192 : memref<4224xf32, #tpu.memory_space<hbm>>) dst(%arg10 : memref<4224xf32, #tpu.memory_space<vmem>>)
              tpu.yield
            }) : () -> ()
            %broadcast_in_dim3A = arith.constant 0 : i32
            %broadcast_in_dim3A_83 = vector.broadcast %broadcast_in_dim3A : i32 to vector<16xi32>
            %scan3A_84 = arith.constant 0 : i32
            %scan3A_85 = arith.constant 264 : i32
            %scan3A_86 = arith.addi %scan3A_84, %scan3A_85 : i32
            %scan3A_87 = arith.constant 1 : i32
            %scan3A_88:2 = scf.for %scan3A_191 = %scan3A_84 to %scan3A_86 step %scan3A_87 iter_args(%scan3A_192 = %broadcast_in_dim3A_83, %scan3A_193 = %broadcast_in_dim3A_83) -> (vector<16xi32>, vector<16xi32>)  : i32 {
              %mul3A_194 = arith.constant 16 : i32
              %mul3A_195 = arith.muli %scan3A_191, %mul3A_194 : i32
              %get3A_196 = arith.index_cast %mul3A_195 : i32 to index
              %get3A_197 = tpu.vector_load %arg8[%get3A_196] {strides = array<i32>} : memref<4224xi32, #tpu.memory_space<vmem>>, vector<16xi32>,
              %or3A_198 = arith.ori %scan3A_192, %get3A_197 : vector<16xi32>
              %shift_right_logical3A = arith.constant 15 : i32
              %shift_right_logical3A_199 = vector.broadcast %shift_right_logical3A : i32 to vector<16xi32>
              %shift_right_logical3A_200 = arith.shrui %get3A_197, %shift_right_logical3A_199 : vector<16xi32>
              %or3A_201 = arith.ori %scan3A_193, %shift_right_logical3A_200 : vector<16xi32>
              scf.yield %or3A_198, %or3A_201 : vector<16xi32>, vector<16xi32>
            }
            %scan3A_89 = arith.constant 264 : i32
            %slice3A = vector.extract_strided_slice %scan3A_88#0 {offsets = [0], sizes = [1], strides = [1]} : vector<16xi32> to vector<1xi32>
            %squeeze3A = vector.extract %slice3A[0] : i32 from vector<1xi32>
            %slice3A_90 = vector.extract_strided_slice %scan3A_88#0 {offsets = [1], sizes = [1], strides = [1]} : vector<16xi32> to vector<1xi32>
            %squeeze3A_91 = vector.extract %slice3A_90[0] : i32 from vector<1xi32>
            %or3A = arith.ori %squeeze3A, %squeeze3A_91 : i32
            %slice3A_92 = vector.extract_strided_slice %scan3A_88#0 {offsets = [2], sizes = [1], strides = [1]} : vector<16xi32> to vector<1xi32>
            %squeeze3A_93 = vector.extract %slice3A_92[0] : i32 from vector<1xi32>
            %or3A_94 = arith.ori %or3A, %squeeze3A_93 : i32
            %slice3A_95 = vector.extract_strided_slice %scan3A_88#0 {offsets = [3], sizes = [1], strides = [1]} : vector<16xi32> to vector<1xi32>
            %squeeze3A_96 = vector.extract %slice3A_95[0] : i32 from vector<1xi32>
            %or3A_97 = arith.ori %or3A_94, %squeeze3A_96 : i32
            %slice3A_98 = vector.extract_strided_slice %scan3A_88#0 {offsets = [4], sizes = [1], strides = [1]} : vector<16xi32> to vector<1xi32>
            %squeeze3A_99 = vector.extract %slice3A_98[0] : i32 from vector<1xi32>
            %or3A_100 = arith.ori %or3A_97, %squeeze3A_99 : i32
            %slice3A_101 = vector.extract_strided_slice %scan3A_88#0 {offsets = [5], sizes = [1], strides = [1]} : vector<16xi32> to vector<1xi32>
            %squeeze3A_102 = vector.extract %slice3A_101[0] : i32 from vector<1xi32>
            %or3A_103 = arith.ori %or3A_100, %squeeze3A_102 : i32
            %slice3A_104 = vector.extract_strided_slice %scan3A_88#0 {offsets = [6], sizes = [1], strides = [1]} : vector<16xi32> to vector<1xi32>
            %squeeze3A_105 = vector.extract %slice3A_104[0] : i32 from vector<1xi32>
            %or3A_106 = arith.ori %or3A_103, %squeeze3A_105 : i32
            %slice3A_107 = vector.extract_strided_slice %scan3A_88#0 {offsets = [7], sizes = [1], strides = [1]} : vector<16xi32> to vector<1xi32>
            %squeeze3A_108 = vector.extract %slice3A_107[0] : i32 from vector<1xi32>
            %or3A_109 = arith.ori %or3A_106, %squeeze3A_108 : i32
            %slice3A_110 = vector.extract_strided_slice %scan3A_88#0 {offsets = [8], sizes = [1], strides = [1]} : vector<16xi32> to vector<1xi32>
            %squeeze3A_111 = vector.extract %slice3A_110[0] : i32 from vector<1xi32>
            %or3A_112 = arith.ori %or3A_109, %squeeze3A_111 : i32
            %slice3A_113 = vector.extract_strided_slice %scan3A_88#0 {offsets = [9], sizes = [1], strides = [1]} : vector<16xi32> to vector<1xi32>
            %squeeze3A_114 = vector.extract %slice3A_113[0] : i32 from vector<1xi32>
            %or3A_115 = arith.ori %or3A_112, %squeeze3A_114 : i32
            %slice3A_116 = vector.extract_strided_slice %scan3A_88#0 {offsets = [10], sizes = [1], strides = [1]} : vector<16xi32> to vector<1xi32>
            %squeeze3A_117 = vector.extract %slice3A_116[0] : i32 from vector<1xi32>
            %or3A_118 = arith.ori %or3A_115, %squeeze3A_117 : i32
            %slice3A_119 = vector.extract_strided_slice %scan3A_88#0 {offsets = [11], sizes = [1], strides = [1]} : vector<16xi32> to vector<1xi32>
            %squeeze3A_120 = vector.extract %slice3A_119[0] : i32 from vector<1xi32>
            %or3A_121 = arith.ori %or3A_118, %squeeze3A_120 : i32
            %slice3A_122 = vector.extract_strided_slice %scan3A_88#0 {offsets = [12], sizes = [1], strides = [1]} : vector<16xi32> to vector<1xi32>
            %squeeze3A_123 = vector.extract %slice3A_122[0] : i32 from vector<1xi32>
            %or3A_124 = arith.ori %or3A_121, %squeeze3A_123 : i32
            %slice3A_125 = vector.extract_strided_slice %scan3A_88#0 {offsets = [13], sizes = [1], strides = [1]} : vector<16xi32> to vector<1xi32>
            %squeeze3A_126 = vector.extract %slice3A_125[0] : i32 from vector<1xi32>
            %or3A_127 = arith.ori %or3A_124, %squeeze3A_126 : i32
            %slice3A_128 = vector.extract_strided_slice %scan3A_88#0 {offsets = [14], sizes = [1], strides = [1]} : vector<16xi32> to vector<1xi32>
            %squeeze3A_129 = vector.extract %slice3A_128[0] : i32 from vector<1xi32>
            %or3A_130 = arith.ori %or3A_127, %squeeze3A_129 : i32
            %slice3A_131 = vector.extract_strided_slice %scan3A_88#0 {offsets = [15], sizes = [1], strides = [1]} : vector<16xi32> to vector<1xi32>
            %squeeze3A_132 = vector.extract %slice3A_131[0] : i32 from vector<1xi32>
            %or3A_133 = arith.ori %or3A_130, %squeeze3A_132 : i32
            %slice3A_134 = vector.extract_strided_slice %scan3A_88#1 {offsets = [0], sizes = [1], strides = [1]} : vector<16xi32> to vector<1xi32>
            %squeeze3A_135 = vector.extract %slice3A_134[0] : i32 from vector<1xi32>
            %slice3A_136 = vector.extract_strided_slice %scan3A_88#1 {offsets = [1], sizes = [1], strides = [1]} : vector<16xi32> to vector<1xi32>
            %squeeze3A_137 = vector.extract %slice3A_136[0] : i32 from vector<1xi32>
            %or3A_138 = arith.ori %squeeze3A_135, %squeeze3A_137 : i32
            %slice3A_139 = vector.extract_strided_slice %scan3A_88#1 {offsets = [2], sizes = [1], strides = [1]} : vector<16xi32> to vector<1xi32>
            %squeeze3A_140 = vector.extract %slice3A_139[0] : i32 from vector<1xi32>
            %or3A_141 = arith.ori %or3A_138, %squeeze3A_140 : i32
            %slice3A_142 = vector.extract_strided_slice %scan3A_88#1 {offsets = [3], sizes = [1], strides = [1]} : vector<16xi32> to vector<1xi32>
            %squeeze3A_143 = vector.extract %slice3A_142[0] : i32 from vector<1xi32>
            %or3A_144 = arith.ori %or3A_141, %squeeze3A_143 : i32
            %slice3A_145 = vector.extract_strided_slice %scan3A_88#1 {offsets = [4], sizes = [1], strides = [1]} : vector<16xi32> to vector<1xi32>
            %squeeze3A_146 = vector.extract %slice3A_145[0] : i32 from vector<1xi32>
            %or3A_147 = arith.ori %or3A_144, %squeeze3A_146 : i32
            %slice3A_148 = vector.extract_strided_slice %scan3A_88#1 {offsets = [5], sizes = [1], strides = [1]} : vector<16xi32> to vector<1xi32>
            %squeeze3A_149 = vector.extract %slice3A_148[0] : i32 from vector<1xi32>
            %or3A_150 = arith.ori %or3A_147, %squeeze3A_149 : i32
            %slice3A_151 = vector.extract_strided_slice %scan3A_88#1 {offsets = [6], sizes = [1], strides = [1]} : vector<16xi32> to vector<1xi32>
            %squeeze3A_152 = vector.extract %slice3A_151[0] : i32 from vector<1xi32>
            %or3A_153 = arith.ori %or3A_150, %squeeze3A_152 : i32
            %slice3A_154 = vector.extract_strided_slice %scan3A_88#1 {offsets = [7], sizes = [1], strides = [1]} : vector<16xi32> to vector<1xi32>
            %squeeze3A_155 = vector.extract %slice3A_154[0] : i32 from vector<1xi32>
            %or3A_156 = arith.ori %or3A_153, %squeeze3A_155 : i32
            %slice3A_157 = vector.extract_strided_slice %scan3A_88#1 {offsets = [8], sizes = [1], strides = [1]} : vector<16xi32> to vector<1xi32>
            %squeeze3A_158 = vector.extract %slice3A_157[0] : i32 from vector<1xi32>
            %or3A_159 = arith.ori %or3A_156, %squeeze3A_158 : i32
            %slice3A_160 = vector.extract_strided_slice %scan3A_88#1 {offsets = [9], sizes = [1], strides = [1]} : vector<16xi32> to vector<1xi32>
            %squeeze3A_161 = vector.extract %slice3A_160[0] : i32 from vector<1xi32>
            %or3A_162 = arith.ori %or3A_159, %squeeze3A_161 : i32
            %slice3A_163 = vector.extract_strided_slice %scan3A_88#1 {offsets = [10], sizes = [1], strides = [1]} : vector<16xi32> to vector<1xi32>
            %squeeze3A_164 = vector.extract %slice3A_163[0] : i32 from vector<1xi32>
            %or3A_165 = arith.ori %or3A_162, %squeeze3A_164 : i32
            %slice3A_166 = vector.extract_strided_slice %scan3A_88#1 {offsets = [11], sizes = [1], strides = [1]} : vector<16xi32> to vector<1xi32>
            %squeeze3A_167 = vector.extract %slice3A_166[0] : i32 from vector<1xi32>
            %or3A_168 = arith.ori %or3A_165, %squeeze3A_167 : i32
            %slice3A_169 = vector.extract_strided_slice %scan3A_88#1 {offsets = [12], sizes = [1], strides = [1]} : vector<16xi32> to vector<1xi32>
            %squeeze3A_170 = vector.extract %slice3A_169[0] : i32 from vector<1xi32>
            %or3A_171 = arith.ori %or3A_168, %squeeze3A_170 : i32
            %slice3A_172 = vector.extract_strided_slice %scan3A_88#1 {offsets = [13], sizes = [1], strides = [1]} : vector<16xi32> to vector<1xi32>
            %squeeze3A_173 = vector.extract %slice3A_172[0] : i32 from vector<1xi32>
            %or3A_174 = arith.ori %or3A_171, %squeeze3A_173 : i32
            %slice3A_175 = vector.extract_strided_slice %scan3A_88#1 {offsets = [14], sizes = [1], strides = [1]} : vector<16xi32> to vector<1xi32>
            %squeeze3A_176 = vector.extract %slice3A_175[0] : i32 from vector<1xi32>
            %or3A_177 = arith.ori %or3A_174, %squeeze3A_176 : i32
            %slice3A_178 = vector.extract_strided_slice %scan3A_88#1 {offsets = [15], sizes = [1], strides = [1]} : vector<16xi32> to vector<1xi32>
            %squeeze3A_179 = vector.extract %slice3A_178[0] : i32 from vector<1xi32>
            %or3A_180 = arith.ori %or3A_177, %squeeze3A_179 : i32
            %gt3A_181 = arith.constant 0 : i32
            %gt3A_182 = arith.cmpi sgt, %or3A_133, %gt3A_181 : i32
            %convert_element_type3A_183 = arith.extui %gt3A_182 : i1 to i32
            %cond3A_184 = arith.constant 0 : i32
            %cond3A_185 = arith.cmpi ne, %convert_element_type3A_183, %cond3A_184 : i32
            scf.if %cond3A_185 {
              %iota3A = tpu.iota {dimensions = array<i32: 0>} : vector<16xi32>
              %gt3A_191 = arith.constant 0 : i32
              %gt3A_192 = arith.cmpi sgt, %or3A_180, %gt3A_191 : i32
              %convert_element_type3A_193 = arith.extui %gt3A_192 : i1 to i32
              %cond3A_194 = arith.constant 0 : i32
              %cond3A_195 = arith.cmpi ne, %convert_element_type3A_193, %cond3A_194 : i32
              scf.if %cond3A_195 {
                %scan3A_202 = arith.constant 0 : i32
                %scan3A_203 = arith.constant 0 : i32
                %scan3A_204 = arith.constant 264 : i32
                %scan3A_205 = arith.addi %scan3A_203, %scan3A_204 : i32
                %scan3A_206 = arith.constant 1 : i32
                scf.for %scan3A_214 = %scan3A_203 to %scan3A_205 step %scan3A_206  : i32 {
                  %mul3A_215 = arith.constant 16 : i32
                  %mul3A_216 = arith.muli %scan3A_214, %mul3A_215 : i32
                  %mul3A_217 = arith.constant 16 : i32
                  %mul3A_218 = arith.muli %scan3A_214, %mul3A_217 : i32
                  %add3A_219 = arith.addi %add3A_82, %mul3A_218 : i32
                  %add3A_220 = vector.broadcast %add3A_219 : i32 to vector<16xi32>
                  %add3A_221 = arith.addi %iota3A, %add3A_220 : vector<16xi32>
                  %get3A_222 = arith.index_cast %mul3A_216 : i32 to index
                  %get3A_223 = tpu.vector_load %arg8[%get3A_222] {strides = array<i32>} : memref<4224xi32, #tpu.memory_space<vmem>>, vector<16xi32>,
                  %lt3A_224 = arith.constant 32768 : i32
                  %lt3A_225 = vector.broadcast %lt3A_224 : i32 to vector<16xi32>
                  %lt3A_226 = arith.cmpi slt, %get3A_223, %lt3A_225 : vector<16xi32>
                  %select_n3A_227 = arith.select %lt3A_226, %add3A_221, %get3A_223 : vector<16xi1>, vector<16xi32>
                  %swap3A = arith.index_cast %mul3A_216 : i32 to index
                  %swap3A_228 = tpu.vector_load %arg9[%swap3A] {strides = array<i32>} : memref<4224xi32, #tpu.memory_space<vmem>>, vector<16xi32>,
                  tpu.vector_store %arg9[%swap3A], %select_n3A_227 {strides = array<i32>} : memref<4224xi32, #tpu.memory_space<vmem>>, vector<16xi32>,
                }
                %scan3A_207 = arith.constant 264 : i32
                %dma_start3A = arith.constant 0 : i32
                %dma_start3A_208 = tpu.memref_slice %arg4[%dma_start3A] : memref<1081344xi32, #tpu.memory_space<hbm>> -> memref<1081344xi32, #tpu.memory_space<hbm>>
                tpu.enqueue_indirect_dma source(%dma_start3A_208 : memref<1081344xi32, #tpu.memory_space<hbm>>) target(%arg13 : memref<4224xi32, #tpu.memory_space<vmem>>) offsets(%arg9 : memref<4224xi32, #tpu.memory_space<vmem>>) semaphore(%arg18 : memref<!tpu.dma_semaphore, #tpu.memory_space<semaphore_mem>>)
                %dma_start3A_209 = arith.constant 0 : i32
                %dma_start3A_210 = tpu.memref_slice %arg5[%dma_start3A_209] : memref<1081344xf32, #tpu.memory_space<hbm>> -> memref<1081344xf32, #tpu.memory_space<hbm>>
                tpu.enqueue_indirect_dma source(%dma_start3A_210 : memref<1081344xf32, #tpu.memory_space<hbm>>) target(%arg14 : memref<4224xf32, #tpu.memory_space<vmem>>) offsets(%arg9 : memref<4224xi32, #tpu.memory_space<vmem>>) semaphore(%arg19 : memref<!tpu.dma_semaphore, #tpu.memory_space<semaphore_mem>>)
                %dma_wait3A = arith.constant 0 : i32
                %dma_wait3A_211 = tpu.memref_slice %arg4[%dma_wait3A] : memref<1081344xi32, #tpu.memory_space<hbm>> -> memref<1081344xi32, #tpu.memory_space<hbm>>
                tpu.wait_indirect_dma semaphore(%arg18 : memref<!tpu.dma_semaphore, #tpu.memory_space<semaphore_mem>>) src(%dma_wait3A_211 : memref<1081344xi32, #tpu.memory_space<hbm>>) dst(%arg13 : memref<4224xi32, #tpu.memory_space<vmem>>)
                %dma_wait3A_212 = arith.constant 0 : i32
                %dma_wait3A_213 = tpu.memref_slice %arg5[%dma_wait3A_212] : memref<1081344xf32, #tpu.memory_space<hbm>> -> memref<1081344xf32, #tpu.memory_space<hbm>>
                tpu.wait_indirect_dma semaphore(%arg19 : memref<!tpu.dma_semaphore, #tpu.memory_space<semaphore_mem>>) src(%dma_wait3A_213 : memref<1081344xf32, #tpu.memory_space<hbm>>) dst(%arg14 : memref<4224xf32, #tpu.memory_space<vmem>>)
              } else {
              }
              %scan3A_196 = arith.constant 0 : i32
              %scan3A_197 = arith.constant 0 : i32
              %scan3A_198 = arith.constant 264 : i32
              %scan3A_199 = arith.addi %scan3A_197, %scan3A_198 : i32
              %scan3A_200 = arith.constant 1 : i32
              scf.for %scan3A_202 = %scan3A_197 to %scan3A_199 step %scan3A_200  : i32 {
                %mul3A_203 = arith.constant 16 : i32
                %mul3A_204 = arith.muli %scan3A_202, %mul3A_203 : i32
                %get3A_205 = arith.index_cast %mul3A_204 : i32 to index
                %get3A_206 = tpu.vector_load %arg8[%get3A_205] {strides = array<i32>} : memref<4224xi32, #tpu.memory_space<vmem>>, vector<16xi32>,
                %lt3A_207 = arith.constant 32768 : i32
                %lt3A_208 = vector.broadcast %lt3A_207 : i32 to vector<16xi32>
                %lt3A_209 = arith.cmpi slt, %get3A_206, %lt3A_208 : vector<16xi32>
                %and3A_210 = arith.constant 32767 : i32
                %and3A_211 = vector.broadcast %and3A_210 : i32 to vector<16xi32>
                %and3A_212 = arith.andi %get3A_206, %and3A_211 : vector<16xi32>
                %gather3A = tpu.vector_load_idx %arg15[%and3A_212] : memref<32768xi32, #tpu.memory_space<vmem>>[vector<16xi32>], vector<16xi32>,
                %gather3A_213 = tpu.vector_load_idx %arg16[%and3A_212] : memref<32768xf32, #tpu.memory_space<vmem>>[vector<16xi32>], vector<16xf32>,
                %get3A_214 = arith.index_cast %mul3A_204 : i32 to index
                %get3A_215 = tpu.vector_load %arg13[%get3A_214] {strides = array<i32>} : memref<4224xi32, #tpu.memory_space<vmem>>, vector<16xi32>,
                %select_n3A_216 = arith.select %lt3A_209, %gather3A, %get3A_215 : vector<16xi1>, vector<16xi32>
                %swap3A = arith.index_cast %mul3A_204 : i32 to index
                %swap3A_217 = tpu.vector_load %arg11[%swap3A] {strides = array<i32>} : memref<4224xi32, #tpu.memory_space<vmem>>, vector<16xi32>,
                tpu.vector_store %arg11[%swap3A], %select_n3A_216 {strides = array<i32>} : memref<4224xi32, #tpu.memory_space<vmem>>, vector<16xi32>,
                %get3A_218 = arith.index_cast %mul3A_204 : i32 to index
                %get3A_219 = tpu.vector_load %arg10[%get3A_218] {strides = array<i32>} : memref<4224xf32, #tpu.memory_space<vmem>>, vector<16xf32>,
                %get3A_220 = arith.index_cast %mul3A_204 : i32 to index
                %get3A_221 = tpu.vector_load %arg14[%get3A_220] {strides = array<i32>} : memref<4224xf32, #tpu.memory_space<vmem>>, vector<16xf32>,
                %select_n3A_222 = arith.select %lt3A_209, %gather3A_213, %get3A_221 : vector<16xi1>, vector<16xf32>
                %add3A_223 = arith.addf %get3A_219, %select_n3A_222 : vector<16xf32>
                %swap3A_224 = arith.index_cast %mul3A_204 : i32 to index
                %swap3A_225 = tpu.vector_load %arg10[%swap3A_224] {strides = array<i32>} : memref<4224xf32, #tpu.memory_space<vmem>>, vector<16xf32>,
                tpu.vector_store %arg10[%swap3A_224], %add3A_223 {strides = array<i32>} : memref<4224xf32, #tpu.memory_space<vmem>>, vector<16xf32>,
              }
              %scan3A_201 = arith.constant 264 : i32
              "tpu.region"() ({
                %run_scoped3A = tpu.sem_alloc : memref<!tpu.dma_semaphore, #tpu.memory_space<semaphore_mem>>
                %dma_start3A = tpu.memref_slice %arg6[%add3A_82] : memref<1081344xi32, #tpu.memory_space<hbm>> -> memref<4224xi32, #tpu.memory_space<hbm>>
                %dma_start3A_202 = tpu.memref_slice %arg6[%add3A_82] : memref<1081344xi32, #tpu.memory_space<hbm>> -> memref<4224xi32, #tpu.memory_space<hbm>>
                tpu.enqueue_dma source(%arg11 : memref<4224xi32, #tpu.memory_space<vmem>>) target(%dma_start3A_202 : memref<4224xi32, #tpu.memory_space<hbm>>) target_semaphore(%run_scoped3A : memref<!tpu.dma_semaphore, #tpu.memory_space<semaphore_mem>>)
                %dma_wait3A = tpu.memref_slice %arg6[%add3A_82] : memref<1081344xi32, #tpu.memory_space<hbm>> -> memref<4224xi32, #tpu.memory_space<hbm>>
                %dma_wait3A_203 = tpu.memref_slice %arg6[%add3A_82] : memref<1081344xi32, #tpu.memory_space<hbm>> -> memref<4224xi32, #tpu.memory_space<hbm>>
                tpu.wait_dma2 semaphore(%run_scoped3A : memref<!tpu.dma_semaphore, #tpu.memory_space<semaphore_mem>>) src(%arg11 : memref<4224xi32, #tpu.memory_space<vmem>>) dst(%dma_wait3A_203 : memref<4224xi32, #tpu.memory_space<hbm>>)
                tpu.yield
              }) : () -> ()
              "tpu.region"() ({
                %run_scoped3A = tpu.sem_alloc : memref<!tpu.dma_semaphore, #tpu.memory_space<semaphore_mem>>
                %dma_start3A = tpu.memref_slice %arg7[%add3A_82] : memref<1081344xf32, #tpu.memory_space<hbm>> -> memref<4224xf32, #tpu.memory_space<hbm>>
                %dma_start3A_202 = tpu.memref_slice %arg7[%add3A_82] : memref<1081344xf32, #tpu.memory_space<hbm>> -> memref<4224xf32, #tpu.memory_space<hbm>>
                tpu.enqueue_dma source(%arg10 : memref<4224xf32, #tpu.memory_space<vmem>>) target(%dma_start3A_202 : memref<4224xf32, #tpu.memory_space<hbm>>) target_semaphore(%run_scoped3A : memref<!tpu.dma_semaphore, #tpu.memory_space<semaphore_mem>>)
                %dma_wait3A = tpu.memref_slice %arg7[%add3A_82] : memref<1081344xf32, #tpu.memory_space<hbm>> -> memref<4224xf32, #tpu.memory_space<hbm>>
                %dma_wait3A_203 = tpu.memref_slice %arg7[%add3A_82] : memref<1081344xf32, #tpu.memory_space<hbm>> -> memref<4224xf32, #tpu.memory_space<hbm>>
                tpu.wait_dma2 semaphore(%run_scoped3A : memref<!tpu.dma_semaphore, #tpu.memory_space<semaphore_mem>>) src(%arg10 : memref<4224xf32, #tpu.memory_space<vmem>>) dst(%dma_wait3A_203 : memref<4224xf32, #tpu.memory_space<hbm>>)
                tpu.yield
              }) : () -> ()
            } else {
            }
            %eq3A_186 = arith.constant 0 : i32
            %eq3A_187 = arith.cmpi eq, %or3A_133, %eq3A_186 : i32
            %convert_element_type3A_188 = arith.extui %eq3A_187 : i1 to i32
            %cond3A_189 = arith.constant 0 : i32
            %cond3A_190 = arith.cmpi ne, %convert_element_type3A_188, %cond3A_189 : i32
            scf.if %cond3A_190 {
              "tpu.region"() ({
                %run_scoped3A = tpu.sem_alloc : memref<!tpu.dma_semaphore, #tpu.memory_space<semaphore_mem>>
                %dma_start3A = tpu.memref_slice %arg6[%add3A_82] : memref<1081344xi32, #tpu.memory_space<hbm>> -> memref<4224xi32, #tpu.memory_space<hbm>>
                %dma_start3A_193 = tpu.memref_slice %arg6[%add3A_82] : memref<1081344xi32, #tpu.memory_space<hbm>> -> memref<4224xi32, #tpu.memory_space<hbm>>
                tpu.enqueue_dma source(%arg8 : memref<4224xi32, #tpu.memory_space<vmem>>) target(%dma_start3A_193 : memref<4224xi32, #tpu.memory_space<hbm>>) target_semaphore(%run_scoped3A : memref<!tpu.dma_semaphore, #tpu.memory_space<semaphore_mem>>)
                %dma_wait3A = tpu.memref_slice %arg6[%add3A_82] : memref<1081344xi32, #tpu.memory_space<hbm>> -> memref<4224xi32, #tpu.memory_space<hbm>>
                %dma_wait3A_194 = tpu.memref_slice %arg6[%add3A_82] : memref<1081344xi32, #tpu.memory_space<hbm>> -> memref<4224xi32, #tpu.memory_space<hbm>>
                tpu.wait_dma2 semaphore(%run_scoped3A : memref<!tpu.dma_semaphore, #tpu.memory_space<semaphore_mem>>) src(%arg8 : memref<4224xi32, #tpu.memory_space<vmem>>) dst(%dma_wait3A_194 : memref<4224xi32, #tpu.memory_space<hbm>>)
                tpu.yield
              }) : () -> ()
              "tpu.region"() ({
                %run_scoped3A = tpu.sem_alloc : memref<!tpu.dma_semaphore, #tpu.memory_space<semaphore_mem>>
                %dma_start3A = tpu.memref_slice %arg7[%add3A_82] : memref<1081344xf32, #tpu.memory_space<hbm>> -> memref<4224xf32, #tpu.memory_space<hbm>>
                %dma_start3A_193 = tpu.memref_slice %arg7[%add3A_82] : memref<1081344xf32, #tpu.memory_space<hbm>> -> memref<4224xf32, #tpu.memory_space<hbm>>
                tpu.enqueue_dma source(%arg10 : memref<4224xf32, #tpu.memory_space<vmem>>) target(%dma_start3A_193 : memref<4224xf32, #tpu.memory_space<hbm>>) target_semaphore(%run_scoped3A : memref<!tpu.dma_semaphore, #tpu.memory_space<semaphore_mem>>)
                %dma_wait3A = tpu.memref_slice %arg7[%add3A_82] : memref<1081344xf32, #tpu.memory_space<hbm>> -> memref<4224xf32, #tpu.memory_space<hbm>>
                %dma_wait3A_194 = tpu.memref_slice %arg7[%add3A_82] : memref<1081344xf32, #tpu.memory_space<hbm>> -> memref<4224xf32, #tpu.memory_space<hbm>>
                tpu.wait_dma2 semaphore(%run_scoped3A : memref<!tpu.dma_semaphore, #tpu.memory_space<semaphore_mem>>) src(%arg10 : memref<4224xf32, #tpu.memory_space<vmem>>) dst(%dma_wait3A_194 : memref<4224xf32, #tpu.memory_space<hbm>>)
                tpu.yield
              }) : () -> ()
              %swap3A = arith.constant 1 : i32
              %swap3A_191 = arith.index_cast %scan3A_73 : i32 to index
              %swap3A_192 = memref.load %arg17[%swap3A_191] : memref<16xi32, #tpu.memory_space<smem>>
              memref.store %swap3A, %arg17[%swap3A_191] : memref<16xi32, #tpu.memory_space<smem>>
            } else {
            }
          } else {
          }
        }
        %scan3A_72 = arith.constant 16 : i32
        %barrier3A = arith.constant 0 : index
        tpu.barrier barrier_id(%barrier3A)
      } else {
      }
      %gt3A_31 = arith.constant 0 : i32
      %gt3A_32 = arith.cmpi sgt, %scan3A_12, %gt3A_31 : i32
      %jit3A_33 = arith.constant 2 : i32
      %eq3A_34 = arith.constant 0 : i32
      %eq3A_35 = arith.cmpi eq, %jit3A_33, %eq3A_34 : i32
      %jit3A_36 = arith.constant 1 : i32
      %select_n3A_37 = arith.select %eq3A_35, %jit3A_36, %jit3A_33 : i32
      %rem3A_38 = arith.remsi %scan3A_12, %select_n3A_37 : i32
      %ne3A_39 = arith.constant 0 : i32
      %ne3A_40 = arith.cmpi ne, %rem3A_38, %ne3A_39 : i32
      %lt3A_41 = arith.constant 0 : i32
      %lt3A_42 = arith.cmpi slt, %rem3A_38, %lt3A_41 : i32
      %lt3A_43 = arith.constant 0 : i32
      %lt3A_44 = arith.cmpi slt, %select_n3A_37, %lt3A_43 : i32
      %ne3A_45 = arith.xori %lt3A_42, %lt3A_44 : i1
      %and3A_46 = arith.andi %ne3A_45, %ne3A_40 : i1
      %add3A_47 = arith.addi %rem3A_38, %select_n3A_37 : i32
      %select_n3A_48 = arith.select %and3A_46, %add3A_47, %rem3A_38 : i32
      %eq3A_49 = arith.constant 0 : i32
      %eq3A_50 = arith.cmpi eq, %select_n3A_48, %eq3A_49 : i32
      %and3A_51 = arith.andi %gt3A_32, %eq3A_50 : i1
      %convert_element_type3A_52 = arith.extui %and3A_51 : i1 to i32
      %cond3A_53 = arith.constant 0 : i32
      %cond3A_54 = arith.cmpi ne, %convert_element_type3A_52, %cond3A_53 : i32
      scf.if %cond3A_54 {
        %scan3A_55 = arith.constant 0 : i32
        %scan3A_56 = arith.constant 0 : i32
        %scan3A_57 = arith.constant 16 : i32
        %scan3A_58 = arith.addi %scan3A_56, %scan3A_57 : i32
        %scan3A_59 = arith.constant 1 : i32
        %scan3A_60 = scf.for %scan3A_73 = %scan3A_56 to %scan3A_58 step %scan3A_59 iter_args(%scan3A_74 = %scan3A_55) -> (i32)  : i32 {
          %get3A = arith.index_cast %scan3A_73 : i32 to index
          %get3A_75 = memref.load %arg17[%get3A] : memref<16xi32, #tpu.memory_space<smem>>
          %lt3A_76 = arith.constant 1 : i32
          %lt3A_77 = arith.cmpi slt, %get3A_75, %lt3A_76 : i32
          %jit3A_78 = arith.constant 1 : i32
          %jit3A_79 = arith.constant 0 : i32
          %select_n3A_80 = arith.select %lt3A_77, %jit3A_78, %jit3A_79 : i32
          %add3A_81 = arith.addi %scan3A_74, %select_n3A_80 : i32
          scf.yield %add3A_81 : i32
        }
        %scan3A_61 = arith.constant 16 : i32
        %gt3A_62 = arith.constant 0 : i32
        %gt3A_63 = arith.cmpi sgt, %scan3A_60, %gt3A_62 : i32
        %convert_element_type3A_64 = arith.extui %gt3A_63 : i1 to i32
        %cond3A_65 = arith.constant 0 : i32
        %cond3A_66 = arith.cmpi ne, %convert_element_type3A_64, %cond3A_65 : i32
        scf.if %cond3A_66 {
          "tpu.region"() ({
            %run_scoped3A = tpu.sem_alloc : memref<!tpu.dma_semaphore, #tpu.memory_space<semaphore_mem>>
            %dma_start3A = arith.constant 0 : i32
            %dma_start3A_73 = tpu.memref_slice %arg6[%dma_start3A] : memref<1081344xi32, #tpu.memory_space<hbm>> -> memref<32768xi32, #tpu.memory_space<hbm>>
            %dma_start3A_74 = arith.constant 0 : i32
            %dma_start3A_75 = tpu.memref_slice %arg6[%dma_start3A_74] : memref<1081344xi32, #tpu.memory_space<hbm>> -> memref<32768xi32, #tpu.memory_space<hbm>>
            tpu.enqueue_dma source(%dma_start3A_75 : memref<32768xi32, #tpu.memory_space<hbm>>) target(%arg15 : memref<32768xi32, #tpu.memory_space<vmem>>) target_semaphore(%run_scoped3A : memref<!tpu.dma_semaphore, #tpu.memory_space<semaphore_mem>>)
            %dma_wait3A = arith.constant 0 : i32
            %dma_wait3A_76 = tpu.memref_slice %arg6[%dma_wait3A] : memref<1081344xi32, #tpu.memory_space<hbm>> -> memref<32768xi32, #tpu.memory_space<hbm>>
            %dma_wait3A_77 = arith.constant 0 : i32
            %dma_wait3A_78 = tpu.memref_slice %arg6[%dma_wait3A_77] : memref<1081344xi32, #tpu.memory_space<hbm>> -> memref<32768xi32, #tpu.memory_space<hbm>>
            tpu.wait_dma2 semaphore(%run_scoped3A : memref<!tpu.dma_semaphore, #tpu.memory_space<semaphore_mem>>) src(%dma_wait3A_78 : memref<32768xi32, #tpu.memory_space<hbm>>) dst(%arg15 : memref<32768xi32, #tpu.memory_space<vmem>>)
            tpu.yield
          }) : () -> ()
          "tpu.region"() ({
            %run_scoped3A = tpu.sem_alloc : memref<!tpu.dma_semaphore, #tpu.memory_space<semaphore_mem>>
            %dma_start3A = arith.constant 0 : i32
            %dma_start3A_73 = tpu.memref_slice %arg7[%dma_start3A] : memref<1081344xf32, #tpu.memory_space<hbm>> -> memref<32768xf32, #tpu.memory_space<hbm>>
            %dma_start3A_74 = arith.constant 0 : i32
            %dma_start3A_75 = tpu.memref_slice %arg7[%dma_start3A_74] : memref<1081344xf32, #tpu.memory_space<hbm>> -> memref<32768xf32, #tpu.memory_space<hbm>>
            tpu.enqueue_dma source(%dma_start3A_75 : memref<32768xf32, #tpu.memory_space<hbm>>) target(%arg16 : memref<32768xf32, #tpu.memory_space<vmem>>) target_semaphore(%run_scoped3A : memref<!tpu.dma_semaphore, #tpu.memory_space<semaphore_mem>>)
            %dma_wait3A = arith.constant 0 : i32
            %dma_wait3A_76 = tpu.memref_slice %arg7[%dma_wait3A] : memref<1081344xf32, #tpu.memory_space<hbm>> -> memref<32768xf32, #tpu.memory_space<hbm>>
            %dma_wait3A_77 = arith.constant 0 : i32
            %dma_wait3A_78 = tpu.memref_slice %arg7[%dma_wait3A_77] : memref<1081344xf32, #tpu.memory_space<hbm>> -> memref<32768xf32, #tpu.memory_space<hbm>>
            tpu.wait_dma2 semaphore(%run_scoped3A : memref<!tpu.dma_semaphore, #tpu.memory_space<semaphore_mem>>) src(%dma_wait3A_78 : memref<32768xf32, #tpu.memory_space<hbm>>) dst(%arg16 : memref<32768xf32, #tpu.memory_space<vmem>>)
            tpu.yield
          }) : () -> ()
        } else {
        }
        %scan3A_67 = arith.constant 0 : i32
        %scan3A_68 = arith.constant 0 : i32
        %scan3A_69 = arith.constant 16 : i32
        %scan3A_70 = arith.addi %scan3A_68, %scan3A_69 : i32
        %scan3A_71 = arith.constant 1 : i32
        scf.for %scan3A_73 = %scan3A_68 to %scan3A_70 step %scan3A_71  : i32 {
          %get3A = arith.index_cast %scan3A_73 : i32 to index
          %get3A_74 = memref.load %arg17[%get3A] : memref<16xi32, #tpu.memory_space<smem>>
          %lt3A_75 = arith.constant 1 : i32
          %lt3A_76 = arith.cmpi slt, %get3A_74, %lt3A_75 : i32
          %convert_element_type3A_77 = arith.extui %lt3A_76 : i1 to i32
          %cond3A_78 = arith.constant 0 : i32
          %cond3A_79 = arith.cmpi ne, %convert_element_type3A_77, %cond3A_78 : i32
          scf.if %cond3A_79 {
            %mul3A_80 = arith.constant 4224 : i32
            %mul3A_81 = arith.muli %scan3A_73, %mul3A_80 : i32
            %add3A_82 = arith.addi %mul3A_0, %mul3A_81 : i32
            "tpu.region"() ({
              %run_scoped3A = tpu.sem_alloc : memref<!tpu.dma_semaphore, #tpu.memory_space<semaphore_mem>>
              %dma_start3A = tpu.memref_slice %arg6[%add3A_82] : memref<1081344xi32, #tpu.memory_space<hbm>> -> memref<4224xi32, #tpu.memory_space<hbm>>
              %dma_start3A_191 = tpu.memref_slice %arg6[%add3A_82] : memref<1081344xi32, #tpu.memory_space<hbm>> -> memref<4224xi32, #tpu.memory_space<hbm>>
              tpu.enqueue_dma source(%dma_start3A_191 : memref<4224xi32, #tpu.memory_space<hbm>>) target(%arg8 : memref<4224xi32, #tpu.memory_space<vmem>>) target_semaphore(%run_scoped3A : memref<!tpu.dma_semaphore, #tpu.memory_space<semaphore_mem>>)
              %dma_wait3A = tpu.memref_slice %arg6[%add3A_82] : memref<1081344xi32, #tpu.memory_space<hbm>> -> memref<4224xi32, #tpu.memory_space<hbm>>
              %dma_wait3A_192 = tpu.memref_slice %arg6[%add3A_82] : memref<1081344xi32, #tpu.memory_space<hbm>> -> memref<4224xi32, #tpu.memory_space<hbm>>
              tpu.wait_dma2 semaphore(%run_scoped3A : memref<!tpu.dma_semaphore, #tpu.memory_space<semaphore_mem>>) src(%dma_wait3A_192 : memref<4224xi32, #tpu.memory_space<hbm>>) dst(%arg8 : memref<4224xi32, #tpu.memory_space<vmem>>)
              tpu.yield
            }) : () -> ()
            "tpu.region"() ({
              %run_scoped3A = tpu.sem_alloc : memref<!tpu.dma_semaphore, #tpu.memory_space<semaphore_mem>>
              %dma_start3A = tpu.memref_slice %arg7[%add3A_82] : memref<1081344xf32, #tpu.memory_space<hbm>> -> memref<4224xf32, #tpu.memory_space<hbm>>
              %dma_start3A_191 = tpu.memref_slice %arg7[%add3A_82] : memref<1081344xf32, #tpu.memory_space<hbm>> -> memref<4224xf32, #tpu.memory_space<hbm>>
              tpu.enqueue_dma source(%dma_start3A_191 : memref<4224xf32, #tpu.memory_space<hbm>>) target(%arg10 : memref<4224xf32, #tpu.memory_space<vmem>>) target_semaphore(%run_scoped3A : memref<!tpu.dma_semaphore, #tpu.memory_space<semaphore_mem>>)
              %dma_wait3A = tpu.memref_slice %arg7[%add3A_82] : memref<1081344xf32, #tpu.memory_space<hbm>> -> memref<4224xf32, #tpu.memory_space<hbm>>
              %dma_wait3A_192 = tpu.memref_slice %arg7[%add3A_82] : memref<1081344xf32, #tpu.memory_space<hbm>> -> memref<4224xf32, #tpu.memory_space<hbm>>
              tpu.wait_dma2 semaphore(%run_scoped3A : memref<!tpu.dma_semaphore, #tpu.memory_space<semaphore_mem>>) src(%dma_wait3A_192 : memref<4224xf32, #tpu.memory_space<hbm>>) dst(%arg10 : memref<4224xf32, #tpu.memory_space<vmem>>)
              tpu.yield
            }) : () -> ()
            %broadcast_in_dim3A = arith.constant 0 : i32
            %broadcast_in_dim3A_83 = vector.broadcast %broadcast_in_dim3A : i32 to vector<16xi32>
            %scan3A_84 = arith.constant 0 : i32
            %scan3A_85 = arith.constant 264 : i32
            %scan3A_86 = arith.addi %scan3A_84, %scan3A_85 : i32
            %scan3A_87 = arith.constant 1 : i32
            %scan3A_88:2 = scf.for %scan3A_191 = %scan3A_84 to %scan3A_86 step %scan3A_87 iter_args(%scan3A_192 = %broadcast_in_dim3A_83, %scan3A_193 = %broadcast_in_dim3A_83) -> (vector<16xi32>, vector<16xi32>)  : i32 {
              %mul3A_194 = arith.constant 16 : i32
              %mul3A_195 = arith.muli %scan3A_191, %mul3A_194 : i32
              %get3A_196 = arith.index_cast %mul3A_195 : i32 to index
              %get3A_197 = tpu.vector_load %arg8[%get3A_196] {strides = array<i32>} : memref<4224xi32, #tpu.memory_space<vmem>>, vector<16xi32>,
              %or3A_198 = arith.ori %scan3A_192, %get3A_197 : vector<16xi32>
              %shift_right_logical3A = arith.constant 15 : i32
              %shift_right_logical3A_199 = vector.broadcast %shift_right_logical3A : i32 to vector<16xi32>
              %shift_right_logical3A_200 = arith.shrui %get3A_197, %shift_right_logical3A_199 : vector<16xi32>
              %or3A_201 = arith.ori %scan3A_193, %shift_right_logical3A_200 : vector<16xi32>
              scf.yield %or3A_198, %or3A_201 : vector<16xi32>, vector<16xi32>
            }
            %scan3A_89 = arith.constant 264 : i32
            %slice3A = vector.extract_strided_slice %scan3A_88#0 {offsets = [0], sizes = [1], strides = [1]} : vector<16xi32> to vector<1xi32>
            %squeeze3A = vector.extract %slice3A[0] : i32 from vector<1xi32>
            %slice3A_90 = vector.extract_strided_slice %scan3A_88#0 {offsets = [1], sizes = [1], strides = [1]} : vector<16xi32> to vector<1xi32>
            %squeeze3A_91 = vector.extract %slice3A_90[0] : i32 from vector<1xi32>
            %or3A = arith.ori %squeeze3A, %squeeze3A_91 : i32
            %slice3A_92 = vector.extract_strided_slice %scan3A_88#0 {offsets = [2], sizes = [1], strides = [1]} : vector<16xi32> to vector<1xi32>
            %squeeze3A_93 = vector.extract %slice3A_92[0] : i32 from vector<1xi32>
            %or3A_94 = arith.ori %or3A, %squeeze3A_93 : i32
            %slice3A_95 = vector.extract_strided_slice %scan3A_88#0 {offsets = [3], sizes = [1], strides = [1]} : vector<16xi32> to vector<1xi32>
            %squeeze3A_96 = vector.extract %slice3A_95[0] : i32 from vector<1xi32>
            %or3A_97 = arith.ori %or3A_94, %squeeze3A_96 : i32
            %slice3A_98 = vector.extract_strided_slice %scan3A_88#0 {offsets = [4], sizes = [1], strides = [1]} : vector<16xi32> to vector<1xi32>
            %squeeze3A_99 = vector.extract %slice3A_98[0] : i32 from vector<1xi32>
            %or3A_100 = arith.ori %or3A_97, %squeeze3A_99 : i32
            %slice3A_101 = vector.extract_strided_slice %scan3A_88#0 {offsets = [5], sizes = [1], strides = [1]} : vector<16xi32> to vector<1xi32>
            %squeeze3A_102 = vector.extract %slice3A_101[0] : i32 from vector<1xi32>
            %or3A_103 = arith.ori %or3A_100, %squeeze3A_102 : i32
            %slice3A_104 = vector.extract_strided_slice %scan3A_88#0 {offsets = [6], sizes = [1], strides = [1]} : vector<16xi32> to vector<1xi32>
            %squeeze3A_105 = vector.extract %slice3A_104[0] : i32 from vector<1xi32>
            %or3A_106 = arith.ori %or3A_103, %squeeze3A_105 : i32
            %slice3A_107 = vector.extract_strided_slice %scan3A_88#0 {offsets = [7], sizes = [1], strides = [1]} : vector<16xi32> to vector<1xi32>
            %squeeze3A_108 = vector.extract %slice3A_107[0] : i32 from vector<1xi32>
            %or3A_109 = arith.ori %or3A_106, %squeeze3A_108 : i32
            %slice3A_110 = vector.extract_strided_slice %scan3A_88#0 {offsets = [8], sizes = [1], strides = [1]} : vector<16xi32> to vector<1xi32>
            %squeeze3A_111 = vector.extract %slice3A_110[0] : i32 from vector<1xi32>
            %or3A_112 = arith.ori %or3A_109, %squeeze3A_111 : i32
            %slice3A_113 = vector.extract_strided_slice %scan3A_88#0 {offsets = [9], sizes = [1], strides = [1]} : vector<16xi32> to vector<1xi32>
            %squeeze3A_114 = vector.extract %slice3A_113[0] : i32 from vector<1xi32>
            %or3A_115 = arith.ori %or3A_112, %squeeze3A_114 : i32
            %slice3A_116 = vector.extract_strided_slice %scan3A_88#0 {offsets = [10], sizes = [1], strides = [1]} : vector<16xi32> to vector<1xi32>
            %squeeze3A_117 = vector.extract %slice3A_116[0] : i32 from vector<1xi32>
            %or3A_118 = arith.ori %or3A_115, %squeeze3A_117 : i32
            %slice3A_119 = vector.extract_strided_slice %scan3A_88#0 {offsets = [11], sizes = [1], strides = [1]} : vector<16xi32> to vector<1xi32>
            %squeeze3A_120 = vector.extract %slice3A_119[0] : i32 from vector<1xi32>
            %or3A_121 = arith.ori %or3A_118, %squeeze3A_120 : i32
            %slice3A_122 = vector.extract_strided_slice %scan3A_88#0 {offsets = [12], sizes = [1], strides = [1]} : vector<16xi32> to vector<1xi32>
            %squeeze3A_123 = vector.extract %slice3A_122[0] : i32 from vector<1xi32>
            %or3A_124 = arith.ori %or3A_121, %squeeze3A_123 : i32
            %slice3A_125 = vector.extract_strided_slice %scan3A_88#0 {offsets = [13], sizes = [1], strides = [1]} : vector<16xi32> to vector<1xi32>
            %squeeze3A_126 = vector.extract %slice3A_125[0] : i32 from vector<1xi32>
            %or3A_127 = arith.ori %or3A_124, %squeeze3A_126 : i32
            %slice3A_128 = vector.extract_strided_slice %scan3A_88#0 {offsets = [14], sizes = [1], strides = [1]} : vector<16xi32> to vector<1xi32>
            %squeeze3A_129 = vector.extract %slice3A_128[0] : i32 from vector<1xi32>
            %or3A_130 = arith.ori %or3A_127, %squeeze3A_129 : i32
            %slice3A_131 = vector.extract_strided_slice %scan3A_88#0 {offsets = [15], sizes = [1], strides = [1]} : vector<16xi32> to vector<1xi32>
            %squeeze3A_132 = vector.extract %slice3A_131[0] : i32 from vector<1xi32>
            %or3A_133 = arith.ori %or3A_130, %squeeze3A_132 : i32
            %slice3A_134 = vector.extract_strided_slice %scan3A_88#1 {offsets = [0], sizes = [1], strides = [1]} : vector<16xi32> to vector<1xi32>
            %squeeze3A_135 = vector.extract %slice3A_134[0] : i32 from vector<1xi32>
            %slice3A_136 = vector.extract_strided_slice %scan3A_88#1 {offsets = [1], sizes = [1], strides = [1]} : vector<16xi32> to vector<1xi32>
            %squeeze3A_137 = vector.extract %slice3A_136[0] : i32 from vector<1xi32>
            %or3A_138 = arith.ori %squeeze3A_135, %squeeze3A_137 : i32
            %slice3A_139 = vector.extract_strided_slice %scan3A_88#1 {offsets = [2], sizes = [1], strides = [1]} : vector<16xi32> to vector<1xi32>
            %squeeze3A_140 = vector.extract %slice3A_139[0] : i32 from vector<1xi32>
            %or3A_141 = arith.ori %or3A_138, %squeeze3A_140 : i32
            %slice3A_142 = vector.extract_strided_slice %scan3A_88#1 {offsets = [3], sizes = [1], strides = [1]} : vector<16xi32> to vector<1xi32>
            %squeeze3A_143 = vector.extract %slice3A_142[0] : i32 from vector<1xi32>
            %or3A_144 = arith.ori %or3A_141, %squeeze3A_143 : i32
            %slice3A_145 = vector.extract_strided_slice %scan3A_88#1 {offsets = [4], sizes = [1], strides = [1]} : vector<16xi32> to vector<1xi32>
            %squeeze3A_146 = vector.extract %slice3A_145[0] : i32 from vector<1xi32>
            %or3A_147 = arith.ori %or3A_144, %squeeze3A_146 : i32
            %slice3A_148 = vector.extract_strided_slice %scan3A_88#1 {offsets = [5], sizes = [1], strides = [1]} : vector<16xi32> to vector<1xi32>
            %squeeze3A_149 = vector.extract %slice3A_148[0] : i32 from vector<1xi32>
            %or3A_150 = arith.ori %or3A_147, %squeeze3A_149 : i32
            %slice3A_151 = vector.extract_strided_slice %scan3A_88#1 {offsets = [6], sizes = [1], strides = [1]} : vector<16xi32> to vector<1xi32>
            %squeeze3A_152 = vector.extract %slice3A_151[0] : i32 from vector<1xi32>
            %or3A_153 = arith.ori %or3A_150, %squeeze3A_152 : i32
            %slice3A_154 = vector.extract_strided_slice %scan3A_88#1 {offsets = [7], sizes = [1], strides = [1]} : vector<16xi32> to vector<1xi32>
            %squeeze3A_155 = vector.extract %slice3A_154[0] : i32 from vector<1xi32>
            %or3A_156 = arith.ori %or3A_153, %squeeze3A_155 : i32
            %slice3A_157 = vector.extract_strided_slice %scan3A_88#1 {offsets = [8], sizes = [1], strides = [1]} : vector<16xi32> to vector<1xi32>
            %squeeze3A_158 = vector.extract %slice3A_157[0] : i32 from vector<1xi32>
            %or3A_159 = arith.ori %or3A_156, %squeeze3A_158 : i32
            %slice3A_160 = vector.extract_strided_slice %scan3A_88#1 {offsets = [9], sizes = [1], strides = [1]} : vector<16xi32> to vector<1xi32>
            %squeeze3A_161 = vector.extract %slice3A_160[0] : i32 from vector<1xi32>
            %or3A_162 = arith.ori %or3A_159, %squeeze3A_161 : i32
            %slice3A_163 = vector.extract_strided_slice %scan3A_88#1 {offsets = [10], sizes = [1], strides = [1]} : vector<16xi32> to vector<1xi32>
            %squeeze3A_164 = vector.extract %slice3A_163[0] : i32 from vector<1xi32>
            %or3A_165 = arith.ori %or3A_162, %squeeze3A_164 : i32
            %slice3A_166 = vector.extract_strided_slice %scan3A_88#1 {offsets = [11], sizes = [1], strides = [1]} : vector<16xi32> to vector<1xi32>
            %squeeze3A_167 = vector.extract %slice3A_166[0] : i32 from vector<1xi32>
            %or3A_168 = arith.ori %or3A_165, %squeeze3A_167 : i32
            %slice3A_169 = vector.extract_strided_slice %scan3A_88#1 {offsets = [12], sizes = [1], strides = [1]} : vector<16xi32> to vector<1xi32>
            %squeeze3A_170 = vector.extract %slice3A_169[0] : i32 from vector<1xi32>
            %or3A_171 = arith.ori %or3A_168, %squeeze3A_170 : i32
            %slice3A_172 = vector.extract_strided_slice %scan3A_88#1 {offsets = [13], sizes = [1], strides = [1]} : vector<16xi32> to vector<1xi32>
            %squeeze3A_173 = vector.extract %slice3A_172[0] : i32 from vector<1xi32>
            %or3A_174 = arith.ori %or3A_171, %squeeze3A_173 : i32
            %slice3A_175 = vector.extract_strided_slice %scan3A_88#1 {offsets = [14], sizes = [1], strides = [1]} : vector<16xi32> to vector<1xi32>
            %squeeze3A_176 = vector.extract %slice3A_175[0] : i32 from vector<1xi32>
            %or3A_177 = arith.ori %or3A_174, %squeeze3A_176 : i32
            %slice3A_178 = vector.extract_strided_slice %scan3A_88#1 {offsets = [15], sizes = [1], strides = [1]} : vector<16xi32> to vector<1xi32>
            %squeeze3A_179 = vector.extract %slice3A_178[0] : i32 from vector<1xi32>
            %or3A_180 = arith.ori %or3A_177, %squeeze3A_179 : i32
            %gt3A_181 = arith.constant 0 : i32
            %gt3A_182 = arith.cmpi sgt, %or3A_133, %gt3A_181 : i32
            %convert_element_type3A_183 = arith.extui %gt3A_182 : i1 to i32
            %cond3A_184 = arith.constant 0 : i32
            %cond3A_185 = arith.cmpi ne, %convert_element_type3A_183, %cond3A_184 : i32
            scf.if %cond3A_185 {
              %iota3A = tpu.iota {dimensions = array<i32: 0>} : vector<16xi32>
              %gt3A_191 = arith.constant 0 : i32
              %gt3A_192 = arith.cmpi sgt, %or3A_180, %gt3A_191 : i32
              %convert_element_type3A_193 = arith.extui %gt3A_192 : i1 to i32
              %cond3A_194 = arith.constant 0 : i32
              %cond3A_195 = arith.cmpi ne, %convert_element_type3A_193, %cond3A_194 : i32
              scf.if %cond3A_195 {
                %scan3A_202 = arith.constant 0 : i32
                %scan3A_203 = arith.constant 0 : i32
                %scan3A_204 = arith.constant 264 : i32
                %scan3A_205 = arith.addi %scan3A_203, %scan3A_204 : i32
                %scan3A_206 = arith.constant 1 : i32
                scf.for %scan3A_214 = %scan3A_203 to %scan3A_205 step %scan3A_206  : i32 {
                  %mul3A_215 = arith.constant 16 : i32
                  %mul3A_216 = arith.muli %scan3A_214, %mul3A_215 : i32
                  %mul3A_217 = arith.constant 16 : i32
                  %mul3A_218 = arith.muli %scan3A_214, %mul3A_217 : i32
                  %add3A_219 = arith.addi %add3A_82, %mul3A_218 : i32
                  %add3A_220 = vector.broadcast %add3A_219 : i32 to vector<16xi32>
                  %add3A_221 = arith.addi %iota3A, %add3A_220 : vector<16xi32>
                  %get3A_222 = arith.index_cast %mul3A_216 : i32 to index
                  %get3A_223 = tpu.vector_load %arg8[%get3A_222] {strides = array<i32>} : memref<4224xi32, #tpu.memory_space<vmem>>, vector<16xi32>,
                  %lt3A_224 = arith.constant 32768 : i32
                  %lt3A_225 = vector.broadcast %lt3A_224 : i32 to vector<16xi32>
                  %lt3A_226 = arith.cmpi slt, %get3A_223, %lt3A_225 : vector<16xi32>
                  %select_n3A_227 = arith.select %lt3A_226, %add3A_221, %get3A_223 : vector<16xi1>, vector<16xi32>
                  %swap3A = arith.index_cast %mul3A_216 : i32 to index
                  %swap3A_228 = tpu.vector_load %arg9[%swap3A] {strides = array<i32>} : memref<4224xi32, #tpu.memory_space<vmem>>, vector<16xi32>,
                  tpu.vector_store %arg9[%swap3A], %select_n3A_227 {strides = array<i32>} : memref<4224xi32, #tpu.memory_space<vmem>>, vector<16xi32>,
                }
                %scan3A_207 = arith.constant 264 : i32
                %dma_start3A = arith.constant 0 : i32
                %dma_start3A_208 = tpu.memref_slice %arg6[%dma_start3A] : memref<1081344xi32, #tpu.memory_space<hbm>> -> memref<1081344xi32, #tpu.memory_space<hbm>>
                tpu.enqueue_indirect_dma source(%dma_start3A_208 : memref<1081344xi32, #tpu.memory_space<hbm>>) target(%arg13 : memref<4224xi32, #tpu.memory_space<vmem>>) offsets(%arg9 : memref<4224xi32, #tpu.memory_space<vmem>>) semaphore(%arg18 : memref<!tpu.dma_semaphore, #tpu.memory_space<semaphore_mem>>)
                %dma_start3A_209 = arith.constant 0 : i32
                %dma_start3A_210 = tpu.memref_slice %arg7[%dma_start3A_209] : memref<1081344xf32, #tpu.memory_space<hbm>> -> memref<1081344xf32, #tpu.memory_space<hbm>>
                tpu.enqueue_indirect_dma source(%dma_start3A_210 : memref<1081344xf32, #tpu.memory_space<hbm>>) target(%arg14 : memref<4224xf32, #tpu.memory_space<vmem>>) offsets(%arg9 : memref<4224xi32, #tpu.memory_space<vmem>>) semaphore(%arg19 : memref<!tpu.dma_semaphore, #tpu.memory_space<semaphore_mem>>)
                %dma_wait3A = arith.constant 0 : i32
                %dma_wait3A_211 = tpu.memref_slice %arg6[%dma_wait3A] : memref<1081344xi32, #tpu.memory_space<hbm>> -> memref<1081344xi32, #tpu.memory_space<hbm>>
                tpu.wait_indirect_dma semaphore(%arg18 : memref<!tpu.dma_semaphore, #tpu.memory_space<semaphore_mem>>) src(%dma_wait3A_211 : memref<1081344xi32, #tpu.memory_space<hbm>>) dst(%arg13 : memref<4224xi32, #tpu.memory_space<vmem>>)
                %dma_wait3A_212 = arith.constant 0 : i32
                %dma_wait3A_213 = tpu.memref_slice %arg7[%dma_wait3A_212] : memref<1081344xf32, #tpu.memory_space<hbm>> -> memref<1081344xf32, #tpu.memory_space<hbm>>
                tpu.wait_indirect_dma semaphore(%arg19 : memref<!tpu.dma_semaphore, #tpu.memory_space<semaphore_mem>>) src(%dma_wait3A_213 : memref<1081344xf32, #tpu.memory_space<hbm>>) dst(%arg14 : memref<4224xf32, #tpu.memory_space<vmem>>)
              } else {
              }
              %scan3A_196 = arith.constant 0 : i32
              %scan3A_197 = arith.constant 0 : i32
              %scan3A_198 = arith.constant 264 : i32
              %scan3A_199 = arith.addi %scan3A_197, %scan3A_198 : i32
              %scan3A_200 = arith.constant 1 : i32
              scf.for %scan3A_202 = %scan3A_197 to %scan3A_199 step %scan3A_200  : i32 {
                %mul3A_203 = arith.constant 16 : i32
                %mul3A_204 = arith.muli %scan3A_202, %mul3A_203 : i32
                %get3A_205 = arith.index_cast %mul3A_204 : i32 to index
                %get3A_206 = tpu.vector_load %arg8[%get3A_205] {strides = array<i32>} : memref<4224xi32, #tpu.memory_space<vmem>>, vector<16xi32>,
                %lt3A_207 = arith.constant 32768 : i32
                %lt3A_208 = vector.broadcast %lt3A_207 : i32 to vector<16xi32>
                %lt3A_209 = arith.cmpi slt, %get3A_206, %lt3A_208 : vector<16xi32>
                %and3A_210 = arith.constant 32767 : i32
                %and3A_211 = vector.broadcast %and3A_210 : i32 to vector<16xi32>
                %and3A_212 = arith.andi %get3A_206, %and3A_211 : vector<16xi32>
                %gather3A = tpu.vector_load_idx %arg15[%and3A_212] : memref<32768xi32, #tpu.memory_space<vmem>>[vector<16xi32>], vector<16xi32>,
                %gather3A_213 = tpu.vector_load_idx %arg16[%and3A_212] : memref<32768xf32, #tpu.memory_space<vmem>>[vector<16xi32>], vector<16xf32>,
                %get3A_214 = arith.index_cast %mul3A_204 : i32 to index
                %get3A_215 = tpu.vector_load %arg13[%get3A_214] {strides = array<i32>} : memref<4224xi32, #tpu.memory_space<vmem>>, vector<16xi32>,
                %select_n3A_216 = arith.select %lt3A_209, %gather3A, %get3A_215 : vector<16xi1>, vector<16xi32>
                %swap3A = arith.index_cast %mul3A_204 : i32 to index
                %swap3A_217 = tpu.vector_load %arg11[%swap3A] {strides = array<i32>} : memref<4224xi32, #tpu.memory_space<vmem>>, vector<16xi32>,
                tpu.vector_store %arg11[%swap3A], %select_n3A_216 {strides = array<i32>} : memref<4224xi32, #tpu.memory_space<vmem>>, vector<16xi32>,
                %get3A_218 = arith.index_cast %mul3A_204 : i32 to index
                %get3A_219 = tpu.vector_load %arg10[%get3A_218] {strides = array<i32>} : memref<4224xf32, #tpu.memory_space<vmem>>, vector<16xf32>,
                %get3A_220 = arith.index_cast %mul3A_204 : i32 to index
                %get3A_221 = tpu.vector_load %arg14[%get3A_220] {strides = array<i32>} : memref<4224xf32, #tpu.memory_space<vmem>>, vector<16xf32>,
                %select_n3A_222 = arith.select %lt3A_209, %gather3A_213, %get3A_221 : vector<16xi1>, vector<16xf32>
                %add3A_223 = arith.addf %get3A_219, %select_n3A_222 : vector<16xf32>
                %swap3A_224 = arith.index_cast %mul3A_204 : i32 to index
                %swap3A_225 = tpu.vector_load %arg10[%swap3A_224] {strides = array<i32>} : memref<4224xf32, #tpu.memory_space<vmem>>, vector<16xf32>,
                tpu.vector_store %arg10[%swap3A_224], %add3A_223 {strides = array<i32>} : memref<4224xf32, #tpu.memory_space<vmem>>, vector<16xf32>,
              }
              %scan3A_201 = arith.constant 264 : i32
              "tpu.region"() ({
                %run_scoped3A = tpu.sem_alloc : memref<!tpu.dma_semaphore, #tpu.memory_space<semaphore_mem>>
                %dma_start3A = tpu.memref_slice %arg4[%add3A_82] : memref<1081344xi32, #tpu.memory_space<hbm>> -> memref<4224xi32, #tpu.memory_space<hbm>>
                %dma_start3A_202 = tpu.memref_slice %arg4[%add3A_82] : memref<1081344xi32, #tpu.memory_space<hbm>> -> memref<4224xi32, #tpu.memory_space<hbm>>
                tpu.enqueue_dma source(%arg11 : memref<4224xi32, #tpu.memory_space<vmem>>) target(%dma_start3A_202 : memref<4224xi32, #tpu.memory_space<hbm>>) target_semaphore(%run_scoped3A : memref<!tpu.dma_semaphore, #tpu.memory_space<semaphore_mem>>)
                %dma_wait3A = tpu.memref_slice %arg4[%add3A_82] : memref<1081344xi32, #tpu.memory_space<hbm>> -> memref<4224xi32, #tpu.memory_space<hbm>>
                %dma_wait3A_203 = tpu.memref_slice %arg4[%add3A_82] : memref<1081344xi32, #tpu.memory_space<hbm>> -> memref<4224xi32, #tpu.memory_space<hbm>>
                tpu.wait_dma2 semaphore(%run_scoped3A : memref<!tpu.dma_semaphore, #tpu.memory_space<semaphore_mem>>) src(%arg11 : memref<4224xi32, #tpu.memory_space<vmem>>) dst(%dma_wait3A_203 : memref<4224xi32, #tpu.memory_space<hbm>>)
                tpu.yield
              }) : () -> ()
              "tpu.region"() ({
                %run_scoped3A = tpu.sem_alloc : memref<!tpu.dma_semaphore, #tpu.memory_space<semaphore_mem>>
                %dma_start3A = tpu.memref_slice %arg5[%add3A_82] : memref<1081344xf32, #tpu.memory_space<hbm>> -> memref<4224xf32, #tpu.memory_space<hbm>>
                %dma_start3A_202 = tpu.memref_slice %arg5[%add3A_82] : memref<1081344xf32, #tpu.memory_space<hbm>> -> memref<4224xf32, #tpu.memory_space<hbm>>
                tpu.enqueue_dma source(%arg10 : memref<4224xf32, #tpu.memory_space<vmem>>) target(%dma_start3A_202 : memref<4224xf32, #tpu.memory_space<hbm>>) target_semaphore(%run_scoped3A : memref<!tpu.dma_semaphore, #tpu.memory_space<semaphore_mem>>)
                %dma_wait3A = tpu.memref_slice %arg5[%add3A_82] : memref<1081344xf32, #tpu.memory_space<hbm>> -> memref<4224xf32, #tpu.memory_space<hbm>>
                %dma_wait3A_203 = tpu.memref_slice %arg5[%add3A_82] : memref<1081344xf32, #tpu.memory_space<hbm>> -> memref<4224xf32, #tpu.memory_space<hbm>>
                tpu.wait_dma2 semaphore(%run_scoped3A : memref<!tpu.dma_semaphore, #tpu.memory_space<semaphore_mem>>) src(%arg10 : memref<4224xf32, #tpu.memory_space<vmem>>) dst(%dma_wait3A_203 : memref<4224xf32, #tpu.memory_space<hbm>>)
                tpu.yield
              }) : () -> ()
            } else {
            }
            %eq3A_186 = arith.constant 0 : i32
            %eq3A_187 = arith.cmpi eq, %or3A_133, %eq3A_186 : i32
            %convert_element_type3A_188 = arith.extui %eq3A_187 : i1 to i32
            %cond3A_189 = arith.constant 0 : i32
            %cond3A_190 = arith.cmpi ne, %convert_element_type3A_188, %cond3A_189 : i32
            scf.if %cond3A_190 {
              "tpu.region"() ({
                %run_scoped3A = tpu.sem_alloc : memref<!tpu.dma_semaphore, #tpu.memory_space<semaphore_mem>>
                %dma_start3A = tpu.memref_slice %arg4[%add3A_82] : memref<1081344xi32, #tpu.memory_space<hbm>> -> memref<4224xi32, #tpu.memory_space<hbm>>
                %dma_start3A_193 = tpu.memref_slice %arg4[%add3A_82] : memref<1081344xi32, #tpu.memory_space<hbm>> -> memref<4224xi32, #tpu.memory_space<hbm>>
                tpu.enqueue_dma source(%arg8 : memref<4224xi32, #tpu.memory_space<vmem>>) target(%dma_start3A_193 : memref<4224xi32, #tpu.memory_space<hbm>>) target_semaphore(%run_scoped3A : memref<!tpu.dma_semaphore, #tpu.memory_space<semaphore_mem>>)
                %dma_wait3A = tpu.memref_slice %arg4[%add3A_82] : memref<1081344xi32, #tpu.memory_space<hbm>> -> memref<4224xi32, #tpu.memory_space<hbm>>
                %dma_wait3A_194 = tpu.memref_slice %arg4[%add3A_82] : memref<1081344xi32, #tpu.memory_space<hbm>> -> memref<4224xi32, #tpu.memory_space<hbm>>
                tpu.wait_dma2 semaphore(%run_scoped3A : memref<!tpu.dma_semaphore, #tpu.memory_space<semaphore_mem>>) src(%arg8 : memref<4224xi32, #tpu.memory_space<vmem>>) dst(%dma_wait3A_194 : memref<4224xi32, #tpu.memory_space<hbm>>)
                tpu.yield
              }) : () -> ()
              "tpu.region"() ({
                %run_scoped3A = tpu.sem_alloc : memref<!tpu.dma_semaphore, #tpu.memory_space<semaphore_mem>>
                %dma_start3A = tpu.memref_slice %arg5[%add3A_82] : memref<1081344xf32, #tpu.memory_space<hbm>> -> memref<4224xf32, #tpu.memory_space<hbm>>
                %dma_start3A_193 = tpu.memref_slice %arg5[%add3A_82] : memref<1081344xf32, #tpu.memory_space<hbm>> -> memref<4224xf32, #tpu.memory_space<hbm>>
                tpu.enqueue_dma source(%arg10 : memref<4224xf32, #tpu.memory_space<vmem>>) target(%dma_start3A_193 : memref<4224xf32, #tpu.memory_space<hbm>>) target_semaphore(%run_scoped3A : memref<!tpu.dma_semaphore, #tpu.memory_space<semaphore_mem>>)
                %dma_wait3A = tpu.memref_slice %arg5[%add3A_82] : memref<1081344xf32, #tpu.memory_space<hbm>> -> memref<4224xf32, #tpu.memory_space<hbm>>
                %dma_wait3A_194 = tpu.memref_slice %arg5[%add3A_82] : memref<1081344xf32, #tpu.memory_space<hbm>> -> memref<4224xf32, #tpu.memory_space<hbm>>
                tpu.wait_dma2 semaphore(%run_scoped3A : memref<!tpu.dma_semaphore, #tpu.memory_space<semaphore_mem>>) src(%arg10 : memref<4224xf32, #tpu.memory_space<vmem>>) dst(%dma_wait3A_194 : memref<4224xf32, #tpu.memory_space<hbm>>)
                tpu.yield
              }) : () -> ()
              %swap3A = arith.constant 1 : i32
              %swap3A_191 = arith.index_cast %scan3A_73 : i32 to index
              %swap3A_192 = memref.load %arg17[%swap3A_191] : memref<16xi32, #tpu.memory_space<smem>>
              memref.store %swap3A, %arg17[%swap3A_191] : memref<16xi32, #tpu.memory_space<smem>>
            } else {
            }
          } else {
          }
        }
        %scan3A_72 = arith.constant 16 : i32
        %barrier3A = arith.constant 0 : index
        tpu.barrier barrier_id(%barrier3A)
      } else {
      }
    }
    %scan3A_11 = arith.constant 16 : i32
    return
  }
}

#map = affine_map<(d0, d1) -> (0)>
module attributes {stable_mosaic.version = 14 : i64} {
  func.func @_pix_body(%arg0: i32, %arg1: i32, %arg2: memref<4194304xi32, #tpu.memory_space<hbm>>, %arg3: memref<1081344xf32, #tpu.memory_space<hbm>>, %arg4: memref<4194304xf32, #tpu.memory_space<hbm>>, %arg5: memref<4096xi32, #tpu.memory_space<vmem>>, %arg6: memref<4096xi32, #tpu.memory_space<vmem>>, %arg7: memref<4096xf32, #tpu.memory_space<vmem>>, %arg8: memref<4096xf32, #tpu.memory_space<vmem>>, %arg9: memref<!tpu.dma_semaphore, #tpu.memory_space<semaphore_mem>>, %arg10: memref<!tpu.dma_semaphore, #tpu.memory_space<semaphore_mem>>, %arg11: memref<!tpu.dma_semaphore, #tpu.memory_space<semaphore_mem>>, %arg12: memref<!tpu.dma_semaphore, #tpu.memory_space<semaphore_mem>>) attributes {dimension_semantics = [#tpu.dimension_semantics<core_parallel>, #tpu.dimension_semantics<subcore_parallel>], iteration_bounds = array<i64: 2, 16>, scalar_prefetch = 0 : i64, scratch_operands = 8 : i64, tpu.core_type = #tpu.core_type<sc_vector_subcore>, window_params = [{transform_indices = #map}, {transform_indices = #map}, {transform_indices = #map}]} {
    %mul3A = arith.constant 2 : i32
    %mul3A_0 = arith.muli %arg1, %mul3A : i32
    %add3A = arith.addi %mul3A_0, %arg0 : i32
    %mul3A_1 = arith.constant 131072 : i32
    %mul3A_2 = arith.muli %add3A, %mul3A_1 : i32
    %scan3A = arith.constant 0 : i32
    %scan3A_3 = arith.constant 0 : i32
    %scan3A_4 = arith.constant 16 : i32
    %scan3A_5 = arith.addi %scan3A_3, %scan3A_4 : i32
    %scan3A_6 = arith.constant 1 : i32
    scf.for %scan3A_8 = %scan3A_3 to %scan3A_5 step %scan3A_6  : i32 {
      %mul3A_9 = arith.constant 2 : i32
      %mul3A_10 = arith.muli %mul3A_9, %scan3A_8 : i32
      %mul3A_11 = arith.constant 4096 : i32
      %mul3A_12 = arith.muli %mul3A_10, %mul3A_11 : i32
      %add3A_13 = arith.addi %mul3A_2, %mul3A_12 : i32
      %add3A_14 = arith.constant 4096 : i32
      %add3A_15 = arith.addi %add3A_13, %add3A_14 : i32
      "tpu.region"() ({
        %run_scoped3A = tpu.sem_alloc : memref<!tpu.dma_semaphore, #tpu.memory_space<semaphore_mem>>
        %dma_start3A_30 = tpu.memref_slice %arg2[%add3A_13] : memref<4194304xi32, #tpu.memory_space<hbm>> -> memref<4096xi32, #tpu.memory_space<hbm>>
        %dma_start3A_31 = tpu.memref_slice %arg2[%add3A_13] : memref<4194304xi32, #tpu.memory_space<hbm>> -> memref<4096xi32, #tpu.memory_space<hbm>>
        tpu.enqueue_dma source(%dma_start3A_31 : memref<4096xi32, #tpu.memory_space<hbm>>) target(%arg5 : memref<4096xi32, #tpu.memory_space<vmem>>) target_semaphore(%run_scoped3A : memref<!tpu.dma_semaphore, #tpu.memory_space<semaphore_mem>>)
        %dma_wait3A_32 = tpu.memref_slice %arg2[%add3A_13] : memref<4194304xi32, #tpu.memory_space<hbm>> -> memref<4096xi32, #tpu.memory_space<hbm>>
        %dma_wait3A_33 = tpu.memref_slice %arg2[%add3A_13] : memref<4194304xi32, #tpu.memory_space<hbm>> -> memref<4096xi32, #tpu.memory_space<hbm>>
        tpu.wait_dma2 semaphore(%run_scoped3A : memref<!tpu.dma_semaphore, #tpu.memory_space<semaphore_mem>>) src(%dma_wait3A_33 : memref<4096xi32, #tpu.memory_space<hbm>>) dst(%arg5 : memref<4096xi32, #tpu.memory_space<vmem>>)
        tpu.yield
      }) : () -> ()
      %dma_start3A = arith.constant 0 : i32
      %dma_start3A_16 = tpu.memref_slice %arg3[%dma_start3A] : memref<1081344xf32, #tpu.memory_space<hbm>> -> memref<1081344xf32, #tpu.memory_space<hbm>>
      tpu.enqueue_indirect_dma source(%dma_start3A_16 : memref<1081344xf32, #tpu.memory_space<hbm>>) target(%arg7 : memref<4096xf32, #tpu.memory_space<vmem>>) offsets(%arg5 : memref<4096xi32, #tpu.memory_space<vmem>>) semaphore(%arg9 : memref<!tpu.dma_semaphore, #tpu.memory_space<semaphore_mem>>)
      "tpu.region"() ({
        %run_scoped3A = tpu.sem_alloc : memref<!tpu.dma_semaphore, #tpu.memory_space<semaphore_mem>>
        %dma_start3A_30 = tpu.memref_slice %arg2[%add3A_15] : memref<4194304xi32, #tpu.memory_space<hbm>> -> memref<4096xi32, #tpu.memory_space<hbm>>
        %dma_start3A_31 = tpu.memref_slice %arg2[%add3A_15] : memref<4194304xi32, #tpu.memory_space<hbm>> -> memref<4096xi32, #tpu.memory_space<hbm>>
        tpu.enqueue_dma source(%dma_start3A_31 : memref<4096xi32, #tpu.memory_space<hbm>>) target(%arg6 : memref<4096xi32, #tpu.memory_space<vmem>>) target_semaphore(%run_scoped3A : memref<!tpu.dma_semaphore, #tpu.memory_space<semaphore_mem>>)
        %dma_wait3A_32 = tpu.memref_slice %arg2[%add3A_15] : memref<4194304xi32, #tpu.memory_space<hbm>> -> memref<4096xi32, #tpu.memory_space<hbm>>
        %dma_wait3A_33 = tpu.memref_slice %arg2[%add3A_15] : memref<4194304xi32, #tpu.memory_space<hbm>> -> memref<4096xi32, #tpu.memory_space<hbm>>
        tpu.wait_dma2 semaphore(%run_scoped3A : memref<!tpu.dma_semaphore, #tpu.memory_space<semaphore_mem>>) src(%dma_wait3A_33 : memref<4096xi32, #tpu.memory_space<hbm>>) dst(%arg6 : memref<4096xi32, #tpu.memory_space<vmem>>)
        tpu.yield
      }) : () -> ()
      %dma_wait3A = arith.constant 0 : i32
      %dma_wait3A_17 = tpu.memref_slice %arg3[%dma_wait3A] : memref<1081344xf32, #tpu.memory_space<hbm>> -> memref<1081344xf32, #tpu.memory_space<hbm>>
      tpu.wait_indirect_dma semaphore(%arg9 : memref<!tpu.dma_semaphore, #tpu.memory_space<semaphore_mem>>) src(%dma_wait3A_17 : memref<1081344xf32, #tpu.memory_space<hbm>>) dst(%arg7 : memref<4096xf32, #tpu.memory_space<vmem>>)
      %dma_start3A_18 = tpu.memref_slice %arg4[%add3A_13] : memref<4194304xf32, #tpu.memory_space<hbm>> -> memref<4096xf32, #tpu.memory_space<hbm>>
      %dma_start3A_19 = tpu.memref_slice %arg4[%add3A_13] : memref<4194304xf32, #tpu.memory_space<hbm>> -> memref<4096xf32, #tpu.memory_space<hbm>>
      tpu.enqueue_dma source(%arg7 : memref<4096xf32, #tpu.memory_space<vmem>>) target(%dma_start3A_19 : memref<4096xf32, #tpu.memory_space<hbm>>) target_semaphore(%arg11 : memref<!tpu.dma_semaphore, #tpu.memory_space<semaphore_mem>>)
      %dma_start3A_20 = arith.constant 0 : i32
      %dma_start3A_21 = tpu.memref_slice %arg3[%dma_start3A_20] : memref<1081344xf32, #tpu.memory_space<hbm>> -> memref<1081344xf32, #tpu.memory_space<hbm>>
      tpu.enqueue_indirect_dma source(%dma_start3A_21 : memref<1081344xf32, #tpu.memory_space<hbm>>) target(%arg8 : memref<4096xf32, #tpu.memory_space<vmem>>) offsets(%arg6 : memref<4096xi32, #tpu.memory_space<vmem>>) semaphore(%arg10 : memref<!tpu.dma_semaphore, #tpu.memory_space<semaphore_mem>>)
      %dma_wait3A_22 = arith.constant 0 : i32
      %dma_wait3A_23 = tpu.memref_slice %arg3[%dma_wait3A_22] : memref<1081344xf32, #tpu.memory_space<hbm>> -> memref<1081344xf32, #tpu.memory_space<hbm>>
      tpu.wait_indirect_dma semaphore(%arg10 : memref<!tpu.dma_semaphore, #tpu.memory_space<semaphore_mem>>) src(%dma_wait3A_23 : memref<1081344xf32, #tpu.memory_space<hbm>>) dst(%arg8 : memref<4096xf32, #tpu.memory_space<vmem>>)
      %dma_start3A_24 = tpu.memref_slice %arg4[%add3A_15] : memref<4194304xf32, #tpu.memory_space<hbm>> -> memref<4096xf32, #tpu.memory_space<hbm>>
      %dma_start3A_25 = tpu.memref_slice %arg4[%add3A_15] : memref<4194304xf32, #tpu.memory_space<hbm>> -> memref<4096xf32, #tpu.memory_space<hbm>>
      tpu.enqueue_dma source(%arg8 : memref<4096xf32, #tpu.memory_space<vmem>>) target(%dma_start3A_25 : memref<4096xf32, #tpu.memory_space<hbm>>) target_semaphore(%arg12 : memref<!tpu.dma_semaphore, #tpu.memory_space<semaphore_mem>>)
      %dma_wait3A_26 = tpu.memref_slice %arg4[%add3A_13] : memref<4194304xf32, #tpu.memory_space<hbm>> -> memref<4096xf32, #tpu.memory_space<hbm>>
      %dma_wait3A_27 = tpu.memref_slice %arg4[%add3A_13] : memref<4194304xf32, #tpu.memory_space<hbm>> -> memref<4096xf32, #tpu.memory_space<hbm>>
      tpu.wait_dma2 semaphore(%arg11 : memref<!tpu.dma_semaphore, #tpu.memory_space<semaphore_mem>>) src(%arg7 : memref<4096xf32, #tpu.memory_space<vmem>>) dst(%dma_wait3A_27 : memref<4096xf32, #tpu.memory_space<hbm>>)
      %dma_wait3A_28 = tpu.memref_slice %arg4[%add3A_15] : memref<4194304xf32, #tpu.memory_space<hbm>> -> memref<4096xf32, #tpu.memory_space<hbm>>
      %dma_wait3A_29 = tpu.memref_slice %arg4[%add3A_15] : memref<4194304xf32, #tpu.memory_space<hbm>> -> memref<4096xf32, #tpu.memory_space<hbm>>
      tpu.wait_dma2 semaphore(%arg12 : memref<!tpu.dma_semaphore, #tpu.memory_space<semaphore_mem>>) src(%arg8 : memref<4096xf32, #tpu.memory_space<vmem>>) dst(%dma_wait3A_29 : memref<4096xf32, #tpu.memory_space<hbm>>)
    }
    %scan3A_7 = arith.constant 16 : i32
    return
  }
}

module attributes {stable_mosaic.version = 14 : i64} {
  func.func @_score_body(%arg0: i32, %arg1: memref<15x8192xf32, #tpu.memory_space<vmem>>, %arg2: memref<1x1x8192xf32, #tpu.memory_space<vmem>>, %arg3: memref<17x1xf32, #tpu.memory_space<vmem>>, %arg4: memref<17x1xf32, #tpu.memory_space<vmem>>, %arg5: memref<1x1x8192xf32, #tpu.memory_space<vmem>>) attributes {dimension_semantics = [#tpu.dimension_semantics<arbitrary>], iteration_bounds = array<i64: 128>, scalar_prefetch = 0 : i64, scratch_operands = 0 : i64, tpu.core_type = #tpu.core_type<tc>, window_params = [{transform_indices = @transform_0, window_bounds = array<i64: 15, 8192>}, {transform_indices = @transform_1, window_bounds = array<i64: 1, 1, 8192>}, {pipeline_mode = #tpu.pipeline_mode<synchronous>, transform_indices = @transform_2, window_bounds = array<i64: 17, 1>}, {pipeline_mode = #tpu.pipeline_mode<synchronous>, transform_indices = @transform_3, window_bounds = array<i64: 17, 1>}, {transform_indices = @transform_4, window_bounds = array<i64: 1, 1, 8192>}]} {
    %get3A = arith.constant 0 : index
    %get3A_0 = arith.constant 0 : index
    %get3A_1 = vector.load %arg1[%get3A, %get3A_0] : memref<15x8192xf32, #tpu.memory_space<vmem>>, vector<15x8192xf32>
    %get3A_2 = arith.constant 0 : index
    %get3A_3 = arith.constant 0 : index
    %get3A_4 = vector.load %arg3[%get3A_2, %get3A_3] : memref<17x1xf32, #tpu.memory_space<vmem>>, vector<17x1xf32>
    %get3A_5 = arith.constant 0 : index
    %get3A_6 = arith.constant 0 : index
    %get3A_7 = vector.load %arg4[%get3A_5, %get3A_6] : memref<17x1xf32, #tpu.memory_space<vmem>>, vector<17x1xf32>
    %max3A = arith.constant 0.000000e+00 : f32
    %max3A_8 = vector.broadcast %max3A : f32 to vector<17x1xf32>
    %max3A_9 = arith.maximumf %get3A_7, %max3A_8 : vector<17x1xf32>
    %slice3A = vector.extract_strided_slice %get3A_1 {offsets = [0, 0], sizes = [5, 8192], strides = [1, 1]} : vector<15x8192xf32> to vector<5x8192xf32>
    %slice3A_10 = vector.extract_strided_slice %get3A_4 {offsets = [0, 0], sizes = [5, 1], strides = [1, 1]} : vector<17x1xf32> to vector<5x1xf32>
    %sub3A = vector.broadcast %slice3A_10 : vector<5x1xf32> to vector<5x8192xf32>
    %sub3A_11 = arith.subf %slice3A, %sub3A : vector<5x8192xf32>
    %slice3A_12 = vector.extract_strided_slice %get3A_1 {offsets = [6, 0], sizes = [9, 8192], strides = [1, 1]} : vector<15x8192xf32> to vector<9x8192xf32>
    %abs3A = math.absf %slice3A_12 : vector<9x8192xf32>
    %add3A = arith.constant 1.000000e-10 : f32
    %add3A_13 = vector.broadcast %add3A : f32 to vector<9x8192xf32>
    %add3A_14 = arith.addf %abs3A, %add3A_13 : vector<9x8192xf32>
    %log3A = math.log %add3A_14 : vector<9x8192xf32>
    %slice3A_15 = vector.extract_strided_slice %get3A_4 {offsets = [5, 0], sizes = [9, 1], strides = [1, 1]} : vector<17x1xf32> to vector<9x1xf32>
    %sub3A_16 = vector.broadcast %slice3A_15 : vector<9x1xf32> to vector<9x8192xf32>
    %sub3A_17 = arith.subf %log3A, %sub3A_16 : vector<9x8192xf32>
    %slice3A_18 = vector.extract_strided_slice %get3A_1 {offsets = [7, 0], sizes = [1, 8192], strides = [1, 1]} : vector<15x8192xf32> to vector<1x8192xf32>
    %sqrt3A = math.sqrt %slice3A_18 : vector<1x8192xf32>
    %slice3A_19 = vector.extract_strided_slice %get3A_1 {offsets = [6, 0], sizes = [1, 8192], strides = [1, 1]} : vector<15x8192xf32> to vector<1x8192xf32>
    %sqrt3A_20 = math.sqrt %slice3A_19 : vector<1x8192xf32>
    %add3A_21 = arith.constant 1.000000e-10 : f32
    %add3A_22 = vector.broadcast %add3A_21 : f32 to vector<1x8192xf32>
    %add3A_23 = arith.addf %sqrt3A_20, %add3A_22 : vector<1x8192xf32>
    %div3A = arith.divf %sqrt3A, %add3A_23 : vector<1x8192xf32>
    %slice3A_24 = vector.extract_strided_slice %get3A_4 {offsets = [14, 0], sizes = [1, 1], strides = [1, 1]} : vector<17x1xf32> to vector<1x1xf32>
    %sub3A_25 = vector.broadcast %slice3A_24 : vector<1x1xf32> to vector<1x8192xf32>
    %sub3A_26 = arith.subf %div3A, %sub3A_25 : vector<1x8192xf32>
    %slice3A_27 = vector.extract_strided_slice %get3A_1 {offsets = [5, 0], sizes = [1, 8192], strides = [1, 1]} : vector<15x8192xf32> to vector<1x8192xf32>
    %cos3A = math.cos %slice3A_27 : vector<1x8192xf32>
    %slice3A_28 = vector.extract_strided_slice %get3A_4 {offsets = [15, 0], sizes = [1, 1], strides = [1, 1]} : vector<17x1xf32> to vector<1x1xf32>
    %sub3A_29 = vector.broadcast %slice3A_28 : vector<1x1xf32> to vector<1x8192xf32>
    %sub3A_30 = arith.subf %cos3A, %sub3A_29 : vector<1x8192xf32>
    %slice3A_31 = vector.extract_strided_slice %get3A_1 {offsets = [5, 0], sizes = [1, 8192], strides = [1, 1]} : vector<15x8192xf32> to vector<1x8192xf32>
    %sin3A = math.sin %slice3A_31 : vector<1x8192xf32>
    %slice3A_32 = vector.extract_strided_slice %get3A_4 {offsets = [16, 0], sizes = [1, 1], strides = [1, 1]} : vector<17x1xf32> to vector<1x1xf32>
    %sub3A_33 = vector.broadcast %slice3A_32 : vector<1x1xf32> to vector<1x8192xf32>
    %sub3A_34 = arith.subf %sin3A, %sub3A_33 : vector<1x8192xf32>
    %mul3A = arith.mulf %sub3A_11, %sub3A_11 : vector<5x8192xf32>
    %slice3A_35 = vector.extract_strided_slice %max3A_9 {offsets = [0, 0], sizes = [5, 1], strides = [1, 1]} : vector<17x1xf32> to vector<5x1xf32>
    %mul3A_36 = vector.broadcast %slice3A_35 : vector<5x1xf32> to vector<5x8192xf32>
    %mul3A_37 = arith.mulf %mul3A, %mul3A_36 : vector<5x8192xf32>
    %reduce_sum3A = arith.constant dense<0.000000e+00> : vector<8192xf32>
    %reduce_sum3A_38 = vector.multi_reduction <add>, %mul3A_37, %reduce_sum3A [0] : vector<5x8192xf32> to vector<8192xf32>
    %broadcast_in_dim3A = vector.shape_cast %reduce_sum3A_38 : vector<8192xf32> to vector<1x8192xf32>
    %mul3A_39 = arith.mulf %sub3A_17, %sub3A_17 : vector<9x8192xf32>
    %slice3A_40 = vector.extract_strided_slice %max3A_9 {offsets = [5, 0], sizes = [9, 1], strides = [1, 1]} : vector<17x1xf32> to vector<9x1xf32>
    %mul3A_41 = vector.broadcast %slice3A_40 : vector<9x1xf32> to vector<9x8192xf32>
    %mul3A_42 = arith.mulf %mul3A_39, %mul3A_41 : vector<9x8192xf32>
    %reduce_sum3A_43 = arith.constant dense<0.000000e+00> : vector<8192xf32>
    %reduce_sum3A_44 = vector.multi_reduction <add>, %mul3A_42, %reduce_sum3A_43 [0] : vector<9x8192xf32> to vector<8192xf32>
    %broadcast_in_dim3A_45 = vector.shape_cast %reduce_sum3A_44 : vector<8192xf32> to vector<1x8192xf32>
    %add3A_46 = arith.addf %broadcast_in_dim3A, %broadcast_in_dim3A_45 : vector<1x8192xf32>
    %mul3A_47 = arith.mulf %sub3A_26, %sub3A_26 : vector<1x8192xf32>
    %slice3A_48 = vector.extract_strided_slice %max3A_9 {offsets = [14, 0], sizes = [1, 1], strides = [1, 1]} : vector<17x1xf32> to vector<1x1xf32>
    %mul3A_49 = vector.broadcast %slice3A_48 : vector<1x1xf32> to vector<1x8192xf32>
    %mul3A_50 = arith.mulf %mul3A_47, %mul3A_49 : vector<1x8192xf32>
    %add3A_51 = arith.addf %add3A_46, %mul3A_50 : vector<1x8192xf32>
    %mul3A_52 = arith.mulf %sub3A_30, %sub3A_30 : vector<1x8192xf32>
    %slice3A_53 = vector.extract_strided_slice %max3A_9 {offsets = [15, 0], sizes = [1, 1], strides = [1, 1]} : vector<17x1xf32> to vector<1x1xf32>
    %mul3A_54 = vector.broadcast %slice3A_53 : vector<1x1xf32> to vector<1x8192xf32>
    %mul3A_55 = arith.mulf %mul3A_52, %mul3A_54 : vector<1x8192xf32>
    %add3A_56 = arith.addf %add3A_51, %mul3A_55 : vector<1x8192xf32>
    %mul3A_57 = arith.mulf %sub3A_34, %sub3A_34 : vector<1x8192xf32>
    %slice3A_58 = vector.extract_strided_slice %max3A_9 {offsets = [16, 0], sizes = [1, 1], strides = [1, 1]} : vector<17x1xf32> to vector<1x1xf32>
    %mul3A_59 = vector.broadcast %slice3A_58 : vector<1x1xf32> to vector<1x8192xf32>
    %mul3A_60 = arith.mulf %mul3A_57, %mul3A_59 : vector<1x8192xf32>
    %add3A_61 = arith.addf %add3A_56, %mul3A_60 : vector<1x8192xf32>
    %neg3A = arith.constant 0.000000e+00 : f32
    %neg3A_62 = vector.broadcast %neg3A : f32 to vector<1x8192xf32>
    %neg3A_63 = arith.subf %neg3A_62, %add3A_61 : vector<1x8192xf32>
    %exp3A = math.exp %neg3A_63 : vector<1x8192xf32>
    %get3A_64 = arith.constant 0 : index
    %get3A_65 = arith.constant 0 : index
    %get3A_66 = arith.constant 0 : index
    %get3A_67 = vector.load %arg2[%get3A_64, %get3A_65, %get3A_66] : memref<1x1x8192xf32, #tpu.memory_space<vmem>>, vector<1x1x8192xf32>
    %get3A_68 = vector.shape_cast %get3A_67 : vector<1x1x8192xf32> to vector<1x8192xf32>
    %mul3A_69 = arith.mulf %exp3A, %get3A_68 : vector<1x8192xf32>
    %broadcast_in_dim3A_70 = vector.shape_cast %mul3A_69 : vector<1x8192xf32> to vector<1x1x8192xf32>
    %swap3A = arith.constant 0 : index
    %swap3A_71 = arith.constant 0 : index
    %swap3A_72 = arith.constant 0 : index
    %swap3A_73 = vector.load %arg5[%swap3A, %swap3A_71, %swap3A_72] : memref<1x1x8192xf32, #tpu.memory_space<vmem>>, vector<1x1x8192xf32>
    tpu.vector_store %arg5[%swap3A, %swap3A_71, %swap3A_72], %broadcast_in_dim3A_70 {strides = array<i32>} : memref<1x1x8192xf32, #tpu.memory_space<vmem>>, vector<1x1x8192xf32>,
    return
  }
  func.func @transform_0(%arg0: i32) -> (i32, i32) {
    %c0_i32 = arith.constant 0 : i32
    %c0_i32_0 = arith.constant 0 : i32
    return %c0_i32, %arg0 : i32, i32
  }
  func.func @transform_1(%arg0: i32) -> (i32, i32, i32) {
    %c0_i32 = arith.constant 0 : i32
    %c0_i32_0 = arith.constant 0 : i32
    %c0_i32_1 = arith.constant 0 : i32
    return %arg0, %c0_i32, %c0_i32_0 : i32, i32, i32
  }
  func.func @transform_2(%arg0: i32) -> (i32, i32) {
    %c0_i32 = arith.constant 0 : i32
    %c0_i32_0 = arith.constant 0 : i32
    %c0_i32_1 = arith.constant 0 : i32
    return %c0_i32, %c0_i32_0 : i32, i32
  }
  func.func @transform_3(%arg0: i32) -> (i32, i32) {
    %c0_i32 = arith.constant 0 : i32
    %c0_i32_0 = arith.constant 0 : i32
    %c0_i32_1 = arith.constant 0 : i32
    return %c0_i32, %c0_i32_0 : i32, i32
  }
  func.func @transform_4(%arg0: i32) -> (i32, i32, i32) {
    %c0_i32 = arith.constant 0 : i32
    %c0_i32_0 = arith.constant 0 : i32
    %c0_i32_1 = arith.constant 0 : i32
    return %arg0, %c0_i32, %c0_i32_0 : i32, i32, i32
  }
}

</mosaic_0001>

<sc_bundles>
// kernel: kernel.10.cloned.1.call-start
scs
__scs_entry_jumppad:
0x0: {  	(pc) =	sbr.rel $0x88, $3  }
0x1: {  	(tag) =	ssettag $0x0;
	lr =	simm.s32 $0x1  }
0x2: {  	[smem:$0x3F9B] =	sst lr;
	_ =	strace $0xD0000000  }
0x3: {  	_ = 	snop  }
0x4: {  	_ = 	snop  }
0x5: {  	_ = 	snop  }
0x6: {  	_ = 	snop  }
0x7: {  	_ = 	snop  }
__scs_overlays_trampoline_lowered:
0x8: {  	[smem:$0x3FAA] =	sst s0  }
0x9: {  	[smem:$0x3FAB] =	sst s1  }
0xa: {  	[smem:$0x3FAC] =	sst s2  }
0xb: {  	[smem:$0x3FAD] =	sst s3  }
0xc: {  	[smem:$0x3FAE] =	sst s4  }
0xd: {  	[smem:$0x3FAF] =	sst s5  }
0xe: {  	[smem:$0x3FB0] =	sst s6  }
0xf: {  	[smem:$0x3FB1] =	sst s7  }
0x10: {  	[smem:$0x3FB2] =	sst s8  }
0x11: {  	[smem:$0x3FB3] =	sst s9;
	s0 =	simm.s32 @!p0 $0x0  }
0x12: {  	s1 =	sld [smem:$0x3F99];
	s0 =	simm.s32 @p0 $0x1  }
0x13: {  	[smem:$0x3FB4] =	sst s0;
	s0 =	simm.s32 @!p1 $0x0  }
0x14: {  	s2 =	sld [smem:$0x3F98];
	s0 =	simm.s32 @p1 $0x1  }
0x15: {  	[smem:$0x3FB5] =	sst s0;
	s0 =	simm.s32 @!p2 $0x0  }
0x16: {  	s3 =	sld [smem:$0x3FDB];
	s0 =	simm.s32 @p2 $0x1  }
0x17: {  	s4 =	simm.s32 $0x1BF5;
	[smem:$0x3FB7] =	sst s0  }
0x18: {  	s0 =	sld [smem:$0x3F9A];
	_ =	swait.ge [sflag:s4], $0x0  }
0x19: {  	s7 =	sld [smem:$0x3F9B]  }
0x1a: {  	s8 =	sadd.s32 $0xFFFFE003, lr  }
0x1b: {  	s9 =	sadd.s32 $0xFFFFFEF7, lr;
	s5 =	simm.s32 $0xFFFFFFFF;
	p2 =	slt.u32 s8, $0xFFFFF086  }
0x1c: {  	p1 =	slt.u32 s9, $0xF7A;
	s5 =	simm.s32 @!p2 $0x0  }
0x1d: {  	s5 =	simm.s32 @p1 $0x1;
	p0 =	seq.s32 s7, s2  }
0x1e: {  	s7 =	smul.u32 @!p0 $0xF7A, s2;
	p2 =	seq.s32 @!p0 s5, $0x0  }
0x1f: {  	s9 =	smul.u32 $0xF7A, s1;
	s8 =	simm.s32 @!p0 $0x1BF5;
	p2 =	por !p2, p0  }
0x20: {  	[sflag:s8] =	ssyncset.s32 @!p0 $0xFFFFF086;
	s6 =	sadd.s32 @!p0 s3, s7;
	s7 =	simm.s32 @!p0 $0x108  }
0x21: {  	s3 =	sadd.s32 s3, s9;
	s6 =	sadd.s32 @!p0 $0x88, s6;
	s7 =	simm.s32 @p2 $0x1082  }
0x22: {  	[simem:s7], [sflag:s8] =	dma.local @!p0 [hbm:s6], $0xF7A  }
0x23: {  	s9 =	sor.u32 $0xD0000000, s2;
	s6 =	simm.s32 $0x108;
	_ =	swait.ge @!p0 [sflag:s8], $0x0  }
0x24: {  	s3 =	sadd.s32 $0x88, s3;
	s6 =	simm.s32 @!p1 $0x1082;
	[sflag:s4] =	ssyncset.s32 $0xFFFFF086  }
0x25: {  	[simem:s6], [sflag:s4] =	dma.local [hbm:s3], $0xF7A  }
0x26: {  	[smem:$0x3F9B] =	sst s1;
	(tag) =	ssettag s2;
	_ =	strace s9  }
0x27: {  	s1 =	sld [smem:$0x3FAB]  }
0x28: {  	s2 =	sld [smem:$0x3FAC]  }
0x29: {  	s4 =	sld [smem:$0x3FAE]  }
0x2a: {  	p0 =	seq.s32 s5, $0x0;
	s5 =	sld [smem:$0x3FAF]  }
0x2b: {  	s6 =	sld [smem:$0x3FB0]  }
0x2c: {  	s7 =	sld [smem:$0x3FB1]  }
0x2d: {  	s3 =	simm.s32 $0x108;
	s8 =	sld [smem:$0x3FB2]  }
0x2e: {  	s3 =	simm.s32 @!p0 $0x1082;
	s9 =	sld [smem:$0x3FB3]  }
0x2f: {  	lr =	sadd.s32 s0, s3;
	s0 =	sld [smem:$0x3FAA]  }
0x30: {  	s3 =	sld [smem:$0x3FAD]  }
0x31: {  	[smem:$0x3FB6] =	sst s10  }
0x32: {  	s10 =	sld [smem:$0x3FB4];
	_ =	sdelay $0x3  }
0x33: {  	p0 =	seq.s32 s10, $0x1;
	s10 =	sld [smem:$0x3FB6];
	_ =	sdelay $0x3  }
0x34: {  	[smem:$0x3FB6] =	sst s10  }
0x35: {  	s10 =	sld [smem:$0x3FB5];
	_ =	sdelay $0x3  }
0x36: {  	p1 =	seq.s32 s10, $0x1;
	s10 =	sld [smem:$0x3FB6];
	_ =	sdelay $0x3  }
0x37: {  	[smem:$0x3FB6] =	sst s10  }
0x38: {  	s10 =	sld [smem:$0x3FB7]  }
0x39: {  	_ = 	snop;
	(pc) =	sbr.ind lr, $3  }
0x3a: {  	_ = 	snop  }
0x3b: {  	_ = 	snop  }
0x3c: {  	p2 =	seq.s32 s10, $0x1;
	s10 =	sld [smem:$0x3FB6]  }
0x3d: {  	_ =	shalt  }
0x3e: {  	_ =	shalt  }
0x3f: {  	_ =	shalt  }
0x40: {  	_ =	shalt  }
0x41: {  	_ =	shalt  }
0x42: {  	_ =	shalt  }
0x43: {  	_ =	shalt  }
0x44: {  	_ =	shalt  }
0x45: {  	_ =	shalt  }
0x46: {  	_ =	shalt  }
0x47: {  	_ =	shalt  }
0x48: {  	_ =	shalt  }
0x49: {  	_ =	shalt  }
0x4a: {  	_ =	shalt  }
0x4b: {  	_ =	shalt  }
0x4c: {  	_ =	shalt  }
0x4d: {  	_ =	shalt  }
0x4e: {  	_ =	shalt  }
0x4f: {  	_ =	shalt  }
0x50: {  	_ =	shalt  }
0x51: {  	_ =	shalt  }
0x52: {  	_ =	shalt  }
0x53: {  	_ =	shalt  }
0x54: {  	_ =	shalt  }
0x55: {  	_ =	shalt  }
0x56: {  	_ =	shalt  }
0x57: {  	_ =	shalt  }
0x58: {  	_ =	shalt  }
0x59: {  	_ =	shalt  }
0x5a: {  	_ =	shalt  }
0x5b: {  	_ =	shalt  }
0x5c: {  	_ =	shalt  }
0x5d: {  	_ =	shalt  }
0x5e: {  	_ =	shalt  }
0x5f: {  	_ =	shalt  }
0x60: {  	_ =	shalt  }
0x61: {  	_ =	shalt  }
0x62: {  	_ =	shalt  }
0x63: {  	_ =	shalt  }
0x64: {  	_ =	shalt  }
0x65: {  	_ =	shalt  }
0x66: {  	_ =	shalt  }
0x67: {  	_ =	shalt  }
0x68: {  	_ =	shalt  }
0x69: {  	_ =	shalt  }
0x6a: {  	_ =	shalt  }
0x6b: {  	_ =	shalt  }
0x6c: {  	_ =	shalt  }
0x6d: {  	_ =	shalt  }
0x6e: {  	_ =	shalt  }
0x6f: {  	_ =	shalt  }
0x70: {  	_ =	shalt  }
0x71: {  	_ =	shalt  }
0x72: {  	_ =	shalt  }
0x73: {  	_ =	shalt  }
0x74: {  	_ =	shalt  }
0x75: {  	_ =	shalt  }
0x76: {  	_ =	shalt  }
0x77: {  	_ =	shalt  }
0x78: {  	_ =	shalt  }
0x79: {  	_ =	shalt  }
0x7a: {  	_ =	shalt  }
0x7b: {  	_ =	shalt  }
0x7c: {  	_ =	shalt  }
0x7d: {  	_ =	shalt  }
0x7e: {  	_ =	shalt  }
0x7f: {  	_ =	shalt  }
0x80: {  	_ =	shalt  }
0x81: {  	_ =	shalt  }
0x82: {  	_ =	shalt  }
0x83: {  	_ =	shalt  }
0x84: {  	_ =	shalt  }
0x85: {  	_ =	shalt  }
0x86: {  	_ =	shalt  }
0x87: {  	_ =	shalt  }
.Lfunc_end0:
.L_simem_size_0:
called_computation_lowered:
.L_overlay_start_0:
0x88: {  	s2 =	sld [smem:$0x3FD9]  }
0x89: {  	s3 =	sld [smem:$0x3FFE];
	_ =	sdelay $0x1  }
0x8a: {  	s1 =	srdreg.scid  }
0x8b: {  	s0 =	sand.u32 $0x1, s1  }
0x8c: {  	s17 =	sshll.u32 s0, $0xA;
	s2 =	sadd.s32 s3, s2  }
0x8d: {  	s2 =	sadd.s32 s2, s17  }
0x8e: {  	[smem:$0x3FC2] =	sst s2  }
0x8f: {  	_ = 	snop  }
0x90: {  	s2 =	sld [smem:$0x3FD0];
	(tm) =	ssettm $0x1  }
0x91: {  	s18 =	sld [smem:$0x3FFB];
	_ =	sdelay $0x3  }
0x92: {  	_ =	strace s18  }
0x93: {  	s3 =	sld [smem:$0x3FFC];
	_ =	sdelay $0x3  }
0x94: {  	_ =	strace s3  }
0x95: {  	s3 =	sld [smem:$0x3FFD];
	_ =	sdelay $0x3  }
0x96: {  	_ =	strace s3  }
0x97: {  	_ =	strace $0x8FFFFFFF  }
0x98: {  	s19 =	sld [smem:$0x3FDB];
	_ =	sdelay $0x1  }
0x99: {  	s4 =	simm.s32 $_scs_section_size  }
0x9a: {  	s5 =	simm.s32 $_size__tile_overlayer_lowered;
	s6 =	simm.s32 $_tile_overlayer_lowered  }
0x9b: {  	s22 =	simm.s32 $0x1BFF;
	s21 =	sshll.u32 s6, $0x1;
	s3 =	sadd.s32 s4, s19  }
0x9c: {  	s7 =	simm.s32 $0x0;
	s20 =	sshll.u32 s5, $0x1;
	s5 =	sadd.s32 s21, s3  }
0x9d: {  	[timem:s7], [sflag:s22] =	dma.local [hbm:s5], s20  }
0x9e: {  	_ =	swait.ge [sflag:s22], s20  }
0x9f: {  	s4 =	ssub.s32 $0x0, s20;
	[sflag:s22] =	ssyncset.done $0x0  }
0xa0: {  	[sflag:s22] =	ssyncadd.s32 s4;
	_ =	sdelay $0x1  }
0xa1: {  	s23 =	simm.s32 $0x1B8B  }
0xa2: {  	_ =	swait.ge [sflag:s23], $0x1  }
0xa3: {  	[sflag:s23] =	ssyncset.done $0x0  }
0xa4: {  	s25 =	simm.s32 $0x1B8E;
	s24 =	sld [smem:$0x3FFE];
	[sflag:s23] =	ssyncadd.s32 $0xFFFFFFFF  }
0xa5: {  	s26 =	simm.s32 $execute0_lowered;
	[smem:$0x3FD2] =	sst s25  }
0xa6: {  	s5 =	sshll.u32 s26, $0x1;
	_ =	strace $0x80000046;
	[dreg:$0x1] =	wrdreg $0xFFFFFFFF  }
0xa7: {  	s28 =	simm.s32 $_size_execute0_lowered;
	s3 =	sadd.s32 s3, s5;
	[dreg:$0x0] =	wrdreg $0x0  }
0xa8: {  	s5 =	sshll.u32 s28, $0x1;
	[dreg:$0x2] =	wrdreg s3  }
0xa9: {  	[dreg:$0x3] =	wrdreg s5  }
0xaa: {  	[dreg:$0x4] =	wrdreg $0xC0  }
0xab: {  	_ =	task [dreg:s7], $0x5FFFF  }
0xac: {  	[dreg:$0x1] =	wrdreg $0xFFFFFFFF  }
0xad: {  	[dreg:$0x0] =	wrdreg $0x60  }
0xae: {  	[dreg:$0x2] =	wrdreg s2  }
0xaf: {  	[dreg:$0x3] =	wrdreg s24  }
0xb0: {  	[dreg:$0x4] =	wrdreg $0x9  }
0xb1: {  	_ =	task.clear_ibuf [dreg:s7], $0x5FFFF;
	_ =	strace $0x90000046  }
0xb2: {  	s29 =	simm.s32 $0x9;
	_ =	strace $0x80000048  }
0xb3: {  	_ =	swait.ge [sflag:s29], $0x1  }
0xb4: {  	[sflag:s29] =	ssyncadd.s32 $0xFFFFFFFF  }
0xb5: {  	_ =	strace $0x90000048  }
0xb6: {  	_ =	sfence  }
0xb7: {  	s30 =	sld [smem:$0x0];
	_ =	sdelay $0x2  }
0xb8: {  	s31 =	sshll.u32 s1, $0xD;
	s1 =	sshrl.u32 s1, $0x2  }
0xb9: {  	s3 =	sand.u32 $0x4000, s31;
	s1 =	sadd.s32 s1, s30  }
0xba: {  	s0 =	sor.u32 s3, s0;
	s1 =	sshll.u32 s1, $0x11  }
0xbb: {  	s0 =	sor.u32 s1, s0  }
0xbc: {  	s0 =	sadd.s32 $0x8F2B, s0  }
0xbd: {  	[sflag:s0] =	ssyncadd.remote.s32 $0x1  }
0xbe: {  	_ =	sfence.sel $0xFFFF  }
0xbf: {  	[dreg:$0x0] =	wrdreg $0xFFFFFFFF;
	(pc) =	sbr.abs _section_cstart, $3  }
0xc0: {  	[dreg:$0x1] =	wrdreg $0xFFFFFFFF  }
0xc1: {  	_ =	task.clear_ibuf [dreg:s7], $0x2FFFF;
	_ =	strace $0x9FFFFFFF  }
0xc2: {  	(tm) =	ssettm $0x7FFFFFFF  }
0xc3: {  	_ =	shalt  }
tec
execute0_lowered:
.L_overlay_start_1:
0x0: {  	(tag) =	ssettag $0x1  }
0x1: {  	s1 =	rddreg [dreg:$0x0]  }
0x2: {  	s6 =	rddreg [dreg:$0x1]  }
0x3: {  	s0 =	rddreg [dreg:$0x2];
	s2 =	simm.s32 $0x0  }
0x4: {  	s3 =	srdreg.scid;
	s12 =	simm.s32 $0xE300;
	s13 =	simm.s32 $0x4  }
0x5: {  	s14 =	simm.s32 $0x2100;
	s15 =	simm.s32 $0x1080;
	s16 =	simm.s32 $0x4200  }
0x6: {  	s17 =	simm.s32 $0x5280;
	s18 =	simm.s32 $0x1;
	s19 =	simm.s32 $0x2  }
0x7: {  	s20 =	simm.s32 $0x0;
	[smem:$0x7FF] =	sst s2;
	s4 =	sadd.s32 $0x4600, s6  }
0x8: {  	s7 =	sand.u32 $0x1, s3;
	s5 =	sadd.s32 $0x25600, s6;
	s3 =	stileid.u32  }
.Ltmp0:
0x9: {  	s6 =	sadd.s32 $0x46600, s6;
	_ =	strace $0x80000047;
	(pc) =	sbr.rel .LBB2_1-.Ltmp0, $4  }
0xa: {  	s8 =	ssub.s32 $0x2, s7;
	s10 =	sshll.u32 s3, $0x1;
	s11 =	smul.u32 $0x10800, s3  }
0xb: {  	s31 =	smul.u32 $0x8400, s7;
	s9 =	sshrl.u32 s8, $0x1;
	s30 =	sor.u32 s7, s10  }
0xc: {  	s10 =	simm.s32 $0x6300;
	s8 =	ssub.s32 s8, s9;
	s7 =	smul.u32 $0x8400, s30  }
0xd: {  	v0 =	vlaneseq.u32;
	s9 =	sadd.s32 s31, s11;
	s11 =	simm.s32 $0x3;
	s8 =	smax.u32 s8, $0x1  }
.LBB2_20:
0xe: {  	s20 =	sadd.s32 $0x1, s20  }
0xf: {  	p0 =	sne.s32 s20, s8  }
.Ltmp1:
0x10: {  	_ = 	snop;
	(pc) =	sbr.rel @!p0 .LBB2_21-.Ltmp1, $1  }
0x11: {  	_ =	sdelay $0x3  }
.LBB2_1:
0x12: {  	[tilespmem:s10], [sflag:$0x3] =	stream.linear.gather [hbm4b:s1+s2], $0x8000, $0x38;
	[tilespmem:$0x16300] =	vst v63  }
0x13: {  	_ =	swait.ge [sflag:s11], $0x8000  }
0x14: {  	[sflag:s11] =	ssyncset.done $0x0  }
.Ltmp2:
0x15: {  	[sflag:s11] =	ssyncadd.s32 $0xFFFF8000;
	(pc) =	sbr.rel .LBB2_2-.Ltmp2, $4  }
0x16: {  	[tilespmem:s12], [sflag:$0x3] =	stream.linear.gather [hbm4b:s4+s2], $0x8000, $0x38;
	[tilespmem:$0x16300] =	vst v63  }
0x17: {  	_ =	swait.ge [sflag:s11], $0x8000  }
0x18: {  	[sflag:s11] =	ssyncset.done $0x0  }
0x19: {  	s21 =	smov.u32 s9;
	s22 =	simm.s32 $0x0;
	[sflag:s11] =	ssyncadd.s32 $0xFFFF8000  }
.LBB2_10:
0x1a: {  	s24 =	simm.s32 $0x0  }
.LBB2_15:
0x1b: {  	_ =	sdelay $0x1  }
0x1c: {  	v2 =	vld [tilespmem:s24+$0x5280];
	[tilespmem:s25+$0x2100] =	vst @p0 v5  }
0x1d: {  	v5 =	vld [tilespmem:s24+$0x2100];
	[tilespmem:s25+$0x3180] =	vst @p0 v4  }
0x1e: {  	v4 =	vld.idx.msk [tilespmem:v1+s12+$0x0], $0xffff  }
0x1f: {  	v1 =	vld.idx.msk [tilespmem:v1+s10+$0x0], $0xffff  }
0x20: {  	v6 =	vld [tilespmem:s24+$0x4200];
	_ =	sdelay $0x2  }
0x21: {  	vm0 =	vlt.s32 v3, $0x8000  }
0x22: {  	v2 =	vsel vm0, v4, v2  }
0x23: {  	v1 =	vsel vm0, v1, v6;
	v2 =	vadd.f32 v2, v5  }
0x24: {  	[tilespmem:s24+$0x3180] =	vst v1  }
0x25: {  	s25 =	simm.s32 $0x3180;
	[tilespmem:s24+$0x2100] =	vst v2;
	s24 =	simm.s32 $0x4  }
.LBB2_18:
0x26: {  	s26 =	sadd.s32 s5, s23  }
0x27: {  	[hbm4b:s26+s2] =	stream.linear.scatter [tilespmem:s25], [sflag:$0x4], $0x1080, $0x38;
	[tilespmem:$0x16300] =	vst v63  }
0x28: {  	_ =	swait.ge [sflag:s13], $0x1080  }
0x29: {  	[sflag:s13] =	ssyncset.done $0x0  }
0x2a: {  	s31 =	sadd.s32 s6, s23;
	[sflag:s13] =	ssyncadd.s32 $0xFFFFEF80  }
0x2b: {  	[hbm4b:s31+s2] =	stream.linear.scatter [tilespmem:s14], [sflag:s24], $0x1080, $0x38;
	[tilespmem:$0x16300] =	vst v63  }
0x2c: {  	_ =	swait.ge [sflag:s24], $0x1080  }
0x2d: {  	[sflag:s24] =	ssyncset.done $0x0  }
0x2e: {  	[sflag:s24] =	ssyncadd.s32 $0xFFFFEF80  }
.LBB2_19:
0x2f: {  	s22 =	sadd.s32 $0x1, s22  }
0x30: {  	p0 =	sne.s32 s22, $0x8  }
.Ltmp3:
0x31: {  	_ = 	snop;
	(pc) =	sbr.rel @!p0 .LBB2_20-.Ltmp3, $2  }
0x32: {  	_ =	sdelay $0x2  }
0x33: {  	s21 =	sadd.s32 $0x1080, s21  }
.LBB2_2:
0x34: {  	s23 =	smul.u32 $0x1080, s22;
	_ =	sdelay $0x1  }
0x35: {  	s23 =	sadd.s32 s7, s23  }
0x36: {  	s23 =	sshrl.u32 s23, $0x3  }
0x37: {  	s25 =	simm.s32 $0x0;
	s24 =	sadd.s32 s1, s23  }
0x38: {  	[tilespmem:s25], [sflag:$0x4] =	stream.linear.gather [hbm4b:s24+s25], $0x1080, $0x38;
	[tilespmem:$0x16300] =	vst v63  }
0x39: {  	_ =	swait.ge [sflag:s13], $0x1080  }
0x3a: {  	[sflag:s13] =	ssyncset.done $0x0  }
0x3b: {  	s30 =	sadd.s32 s4, s23;
	[sflag:s13] =	ssyncadd.s32 $0xFFFFEF80  }
0x3c: {  	[tilespmem:s14], [sflag:$0x4] =	stream.linear.gather [hbm4b:s30+s25], $0x1080, $0x38;
	[tilespmem:$0x16300] =	vst v63  }
0x3d: {  	_ =	swait.ge [sflag:s13], $0x1080  }
0x3e: {  	[sflag:s13] =	ssyncset.done $0x0  }
0x3f: {  	s31 =	simm.s32 $0x0;
	[sflag:s13] =	ssyncadd.s32 $0xFFFFEF80  }
0x40: {  	v3 =	vimm.s32 $0x0;
	v1 =	vimm.s32 $0x0;
	s24 =	simm.s32 $0x40;
	v2 =	vld [tilespmem:s31+$0x0]  }
.LBB2_3:
0x41: {  	p0 =	sne.s32 s24, $0x41C0  }
.Ltmp4:
0x42: {  	_ = 	snop;
	(pc) =	sbr.rel @p0 .LBB2_3-.Ltmp4, $3  }
0x43: {  	_ =	sdelay $0x1  }
0x44: {  	s25 =	sshra.s32 s24, $0x2;
	s24 =	sadd.s32 $0x40, s24;
	v3 =	vor.u32 v3, v2;
	v4 =	vshrl.u32 v2, $0xF  }
0x45: {  	v2 =	vld [tilespmem:s25+$0x0];
	v1 =	vor.u32 v1, v4  }
0x46: {  	_ =	sdelay $0x3  }
0x47: {  	v3 =	vor.u32 v3, v2  }
0x48: {  	(v2sf) =	vpush v3, $0x0  }
0x49: {  	(v2sf) =	vpush v3, $0x1  }
0x4a: {  	(v2sf) =	vpush v3, $0x2  }
0x4b: {  	(v2sf) =	vpush v3, $0x3  }
0x4c: {  	(v2sf) =	vpush v3, $0x4  }
0x4d: {  	(v2sf) =	vpush v3, $0x5  }
0x4e: {  	(v2sf) =	vpush v3, $0x6  }
0x4f: {  	(v2sf) =	vpush v3, $0x7  }
0x50: {  	(v2sf) =	vpush v3, $0x8  }
0x51: {  	(v2sf) =	vpush v3, $0x9  }
0x52: {  	(v2sf) =	vpush v3, $0xA  }
0x53: {  	(v2sf) =	vpush v3, $0xB  }
0x54: {  	(v2sf) =	vpush v3, $0xC  }
0x55: {  	(v2sf) =	vpush v3, $0xD  }
0x56: {  	(v2sf) =	vpush v3, $0xE  }
0x57: {  	s24 =	spop (v2sf);
	(v2sf) =	vpush v3, $0xF  }
0x58: {  	s25 =	spop (v2sf)  }
0x59: {  	s24 =	sor.u32 s25, s24;
	s28 =	spop (v2sf)  }
0x5a: {  	s24 =	sor.u32 s28, s24;
	s29 =	spop (v2sf)  }
0x5b: {  	s24 =	sor.u32 s29, s24;
	s30 =	spop (v2sf)  }
0x5c: {  	s24 =	sor.u32 s30, s24;
	s31 =	spop (v2sf)  }
0x5d: {  	s24 =	sor.u32 s31, s24;
	s26 =	spop (v2sf)  }
0x5e: {  	s24 =	sor.u32 s26, s24;
	s28 =	spop (v2sf)  }
0x5f: {  	s24 =	sor.u32 s28, s24;
	s29 =	spop (v2sf)  }
0x60: {  	s24 =	sor.u32 s29, s24;
	s30 =	spop (v2sf)  }
0x61: {  	s24 =	sor.u32 s30, s24;
	s31 =	spop (v2sf)  }
0x62: {  	s24 =	sor.u32 s31, s24;
	s26 =	spop (v2sf)  }
0x63: {  	s24 =	sor.u32 s26, s24;
	s28 =	spop (v2sf)  }
0x64: {  	s24 =	sor.u32 s28, s24;
	s29 =	spop (v2sf)  }
0x65: {  	s24 =	sor.u32 s29, s24;
	s30 =	spop (v2sf)  }
0x66: {  	s24 =	sor.u32 s30, s24;
	s31 =	spop (v2sf)  }
0x67: {  	s24 =	sor.u32 s31, s24  }
0x68: {  	p0 =	slt.s32 s24, $0x1  }
.Ltmp5:
0x69: {  	_ = 	snop;
	(pc) =	sbr.rel @p0 .LBB2_16-.Ltmp5, $3  }
0x6a: {  	_ =	sdelay $0x1  }
0x6b: {  	v2 =	vshrl.u32 v2, $0xF  }
0x6c: {  	v1 =	vor.u32 v1, v2  }
0x6d: {  	(v2sf) =	vpush v1, $0x0  }
0x6e: {  	(v2sf) =	vpush v1, $0x1  }
0x6f: {  	(v2sf) =	vpush v1, $0x2  }
0x70: {  	(v2sf) =	vpush v1, $0x3  }
0x71: {  	(v2sf) =	vpush v1, $0x4  }
0x72: {  	(v2sf) =	vpush v1, $0x5  }
0x73: {  	(v2sf) =	vpush v1, $0x6  }
0x74: {  	(v2sf) =	vpush v1, $0x7  }
0x75: {  	(v2sf) =	vpush v1, $0x8  }
0x76: {  	(v2sf) =	vpush v1, $0x9  }
0x77: {  	(v2sf) =	vpush v1, $0xA  }
0x78: {  	(v2sf) =	vpush v1, $0xB  }
0x79: {  	(v2sf) =	vpush v1, $0xC  }
0x7a: {  	(v2sf) =	vpush v1, $0xD  }
0x7b: {  	(v2sf) =	vpush v1, $0xE  }
0x7c: {  	s24 =	spop (v2sf);
	(v2sf) =	vpush v1, $0xF  }
0x7d: {  	s25 =	spop (v2sf)  }
0x7e: {  	s24 =	sor.u32 s25, s24;
	s28 =	spop (v2sf)  }
0x7f: {  	s24 =	sor.u32 s28, s24;
	s29 =	spop (v2sf)  }
0x80: {  	s24 =	sor.u32 s29, s24;
	s30 =	spop (v2sf)  }
0x81: {  	s24 =	sor.u32 s30, s24;
	s31 =	spop (v2sf)  }
0x82: {  	s24 =	sor.u32 s31, s24;
	s26 =	spop (v2sf)  }
0x83: {  	s24 =	sor.u32 s26, s24;
	s28 =	spop (v2sf)  }
0x84: {  	s24 =	sor.u32 s28, s24;
	s29 =	spop (v2sf)  }
0x85: {  	s24 =	sor.u32 s29, s24;
	s30 =	spop (v2sf)  }
0x86: {  	s24 =	sor.u32 s30, s24;
	s31 =	spop (v2sf)  }
0x87: {  	s24 =	sor.u32 s31, s24;
	s26 =	spop (v2sf)  }
0x88: {  	s24 =	sor.u32 s26, s24;
	s28 =	spop (v2sf)  }
0x89: {  	s24 =	sor.u32 s28, s24;
	s29 =	spop (v2sf)  }
0x8a: {  	s24 =	sor.u32 s29, s24;
	s30 =	spop (v2sf)  }
0x8b: {  	s24 =	sor.u32 s30, s24;
	s31 =	spop (v2sf)  }
0x8c: {  	s24 =	sor.u32 s31, s24  }
0x8d: {  	p0 =	slt.s32 s24, $0x1  }
.Ltmp6:
0x8e: {  	_ = 	snop;
	(pc) =	sbr.rel @p0 .LBB2_9-.Ltmp6, $1  }
0x8f: {  	_ =	sdelay $0x3  }
0x90: {  	s24 =	simm.s32 $0x0  }
0x91: {  	v1 =	vld [tilespmem:s24+$0x0];
	_ =	sdelay $0x3  }
0x92: {  	s25 =	simm.s32 $0x40;
	s26 =	smov.u32 s21  }
.LBB2_7:
0x93: {  	s28 =	sshra.s32 s25, $0x2;
	p0 =	sne.s32 s25, $0x41C0;
	s25 =	sadd.s32 $0x40, s25;
	v2 =	vor.u32 s26, v0;
	vm0 =	vlt.s32 v1, $0x8000  }
.Ltmp7:
0x94: {  	v2 =	vsel vm0, v2, v1;
	v1 =	vld [tilespmem:s28+$0x0];
	(pc) =	sbr.rel @p0 .LBB2_7-.Ltmp7, $2  }
0x95: {  	[tilespmem:s24+$0x1080] =	vst v2;
	s24 =	smov.u32 s28;
	_ =	sdelay $0x2  }
0x96: {  	s26 =	sadd.s32 $0x10, s26  }
0x97: {  	v2 =	vor.u32 s26, v0;
	vm0 =	vlt.s32 v1, $0x8000  }
0x98: {  	v1 =	vsel vm0, v2, v1  }
0x99: {  	[tilespmem:s24+$0x1080] =	vst v1  }
0x9a: {  	[tilespmem:s16], [sflag:$0x1] =	stream.indirect.gather [hbm4b:s1+s15], $0x1, s15, s15, $0xb8;
	[tilespmem:$0x16300] =	vst v63  }
0x9b: {  	_ = 	snop  }
0x9c: {  	[tilespmem:s17], [sflag:$0x2] =	stream.indirect.gather [hbm4b:s4+s15], $0x1, s15, s15, $0xb8;
	[tilespmem:$0x16300] =	vst v63  }
0x9d: {  	_ =	swait.ge [sflag:s18], $0x1080  }
0x9e: {  	[sflag:s18] =	ssyncset.done $0x0  }
0x9f: {  	[sflag:s18] =	ssyncadd.s32 $0xFFFFEF80  }
0xa0: {  	_ =	swait.ge [sflag:s19], $0x1080  }
0xa1: {  	[sflag:s19] =	ssyncset.done $0x0  }
0xa2: {  	[sflag:s19] =	ssyncadd.s32 $0xFFFFEF80  }
.LBB2_9:
0xa3: {  	s25 =	simm.s32 $0x0  }
0xa4: {  	p1 =	por $0x0, $0x0;
	v3 =	vld [tilespmem:s25+$0x0]  }
.Ltmp8:
0xa5: {  	_ = 	snop;
	(pc) =	sbr.rel @p1 .LBB2_10-.Ltmp8, $2  }
0xa6: {  	_ =	sdelay $0x2  }
0xa7: {  	p0 =	por $0x0, $0x0;
	v1 =	vand.u32 $0x7FFF, v3  }
0xa8: {  	_ =	sdelay $0x1  }
0xa9: {  	v4 =	vld [tilespmem:s25+$0x5280]  }
0xaa: {  	v5 =	vld [tilespmem:s25+$0x2100]  }
0xab: {  	s24 =	simm.s32 $0x10;
	v6 =	vld.idx.msk [tilespmem:v1+s12+$0x0], $0xffff  }
0xac: {  	v2 =	vld [tilespmem:s24+$0x0]  }
0xad: {  	v7 =	vld.idx.msk [tilespmem:v1+s10+$0x0], $0xffff  }
0xae: {  	v8 =	vld [tilespmem:s25+$0x4200];
	p1 =	por $0x0, $0x0  }
.Ltmp9:
0xaf: {  	_ = 	snop;
	(pc) =	sbr.rel @p1 .LBB2_12-.Ltmp9, $4  }
0xb0: {  	vm0 =	vlt.s32 v3, $0x8000  }
0xb1: {  	v3 =	vsel vm0, v6, v4;
	v1 =	vand.u32 $0x7FFF, v2  }
0xb2: {  	v5 =	vadd.f32 v3, v5  }
0xb3: {  	s26 =	simm.s32 $0x80;
	p0 =	por $0x1, $0x1;
	v4 =	vsel vm0, v7, v8  }
.LBB2_13:
0xb4: {  	p1 =	seq.s32 s26, $0x41C0;
	v3 =	vld [tilespmem:s24+$0x5280];
	[tilespmem:s25+$0x2100] =	vst v5;
	s28 =	smov.u32 s26;
	s26 =	sadd.s32 $0x40, s26  }
0xb5: {  	v5 =	vld [tilespmem:s24+$0x2100];
	[tilespmem:s25+$0x3180] =	vst v4;
	s25 =	smov.u32 s24  }
0xb6: {  	s24 =	sshra.s32 s28, $0x2;
	v4 =	vld.idx.msk [tilespmem:v1+s12+$0x0], $0xffff  }
0xb7: {  	v6 =	vld [tilespmem:s24+$0x0]  }
0xb8: {  	v7 =	vld.idx.msk [tilespmem:v1+s10+$0x0], $0xffff  }
0xb9: {  	v8 =	vld [tilespmem:s25+$0x4200]  }
.Ltmp10:
0xba: {  	(pc) =	sbr.rel @!p1 .LBB2_13-.Ltmp10, $4  }
0xbb: {  	vm0 =	vlt.s32 v2, $0x8000  }
0xbc: {  	v3 =	vsel vm0, v4, v3;
	v1 =	vand.u32 $0x7FFF, v6;
	v2 =	vmov v6  }
0xbd: {  	v5 =	vadd.f32 v3, v5  }
0xbe: {  	v4 =	vsel vm0, v7, v8  }
.Ltmp11:
0xbf: {  	(pc) =	sbr.rel .LBB2_15-.Ltmp11, $2  }
0xc0: {  	_ =	sdelay $0x2  }
0xc1: {  	v3 =	vmov v2  }
.LBB2_16:
0xc2: {  	p0 =	sne.s32 s24, $0x0  }
.Ltmp12:
0xc3: {  	_ = 	snop;
	(pc) =	sbr.rel @p0 .LBB2_19-.Ltmp12, $1  }
0xc4: {  	_ =	sdelay $0x3  }
.Ltmp13:
0xc5: {  	(pc) =	sbr.rel .LBB2_18-.Ltmp13, $2  }
0xc6: {  	_ =	sdelay $0x2  }
0xc7: {  	s24 =	simm.s32 $0x3;
	s25 =	simm.s32 $0x0  }
.LBB2_12:
.Ltmp14:
0xc8: {  	(pc) =	sbr.rel .LBB2_15-.Ltmp14, $2  }
0xc9: {  	_ =	sdelay $0x2  }
0xca: {  	v3 =	vmov v2  }
.LBB2_21:
0xcb: {  	_ =	sfence.sel $0x180000  }
0xcc: {  	[bflag:$0x0] =	sbarrier.arrive $0xFFFF  }
0xcd: {  	p0 =	sne.s32 s3, $0x0;
	_ =	strace $0x90000047  }
0xce: {  	s0 =	sadd.s32 @!p0 $0x100000, s0;
	[bflag:$0x2] =	sbarrier.arrive $0xFFFF  }
0xcf: {  	[sflag:s0] =	ssyncadd.tile.s32 @!p0 $0x1;
	_ =	shalt  }
.Lfunc_end2:
_tile_overlayer_lowered:
.L_overlay_start_2:
0xd0: {  	(tag) =	ssettag $0x2  }
0xd1: {  	s0 =	rddreg [dreg:$0x0];
	s2 =	stileid.u32  }
0xd2: {  	s1 =	rddreg [dreg:$0x1];
	p0 =	sne.s32 s2, $0x0  }
0xd3: {  	s3 =	rddreg [dreg:$0x2];
	[bflag:$0x3] =	sbarrier.arrive $0xFFFF;
	s2 =	simm.s32 @!p0 $0x1C03  }
0xd4: {  	[timem:s3], [sflag:s2] =	dma.local @!p0 [hbm:s0], s1  }
0xd5: {  	s0 =	simm.s32 @!p0 $0x3  }
0xd6: {  	_ =	swait.ge @!p0 [sflag:s0], s1  }
0xd7: {  	s1 =	ssub.s32 @!p0 $0x0, s1;
	[sflag:s0] =	ssyncset.done @!p0 $0x0  }
0xd8: {  	[sflag:s0] =	ssyncadd.s32 @!p0 s1  }
0xd9: {  	[bflag:$0x3] =	sbarrier.arrive $0xFFFF  }
0xda: {  	_ =	shalt  }

// kernel: kernel.13.cloned.1.call-start
scs
__scs_entry_jumppad:
0x0: {  	(pc) =	sbr.rel $0x88, $3  }
0x1: {  	(tag) =	ssettag $0x0;
	lr =	simm.s32 $0x1  }
0x2: {  	[smem:$0x3F9B] =	sst lr;
	_ =	strace $0xD0000000  }
0x3: {  	_ = 	snop  }
0x4: {  	_ = 	snop  }
0x5: {  	_ = 	snop  }
0x6: {  	_ = 	snop  }
0x7: {  	_ = 	snop  }
__scs_overlays_trampoline_lowered:
0x8: {  	[smem:$0x3FAA] =	sst s0  }
0x9: {  	[smem:$0x3FAB] =	sst s1  }
0xa: {  	[smem:$0x3FAC] =	sst s2  }
0xb: {  	[smem:$0x3FAD] =	sst s3  }
0xc: {  	[smem:$0x3FAE] =	sst s4  }
0xd: {  	[smem:$0x3FAF] =	sst s5  }
0xe: {  	[smem:$0x3FB0] =	sst s6  }
0xf: {  	[smem:$0x3FB1] =	sst s7  }
0x10: {  	[smem:$0x3FB2] =	sst s8  }
0x11: {  	[smem:$0x3FB3] =	sst s9;
	s0 =	simm.s32 @!p0 $0x0  }
0x12: {  	s1 =	sld [smem:$0x3F99];
	s0 =	simm.s32 @p0 $0x1  }
0x13: {  	[smem:$0x3FB4] =	sst s0;
	s0 =	simm.s32 @!p1 $0x0  }
0x14: {  	s2 =	sld [smem:$0x3F98];
	s0 =	simm.s32 @p1 $0x1  }
0x15: {  	[smem:$0x3FB5] =	sst s0;
	s0 =	simm.s32 @!p2 $0x0  }
0x16: {  	s3 =	sld [smem:$0x3FDB];
	s0 =	simm.s32 @p2 $0x1  }
0x17: {  	s4 =	simm.s32 $0x1BF5;
	[smem:$0x3FB7] =	sst s0  }
0x18: {  	s0 =	sld [smem:$0x3F9A];
	_ =	swait.ge [sflag:s4], $0x0  }
0x19: {  	s7 =	sld [smem:$0x3F9B]  }
0x1a: {  	s8 =	sadd.s32 $0xFFFFE003, lr  }
0x1b: {  	s9 =	sadd.s32 $0xFFFFFEF7, lr;
	s5 =	simm.s32 $0xFFFFFFFF;
	p2 =	slt.u32 s8, $0xFFFFF086  }
0x1c: {  	p1 =	slt.u32 s9, $0xF7A;
	s5 =	simm.s32 @!p2 $0x0  }
0x1d: {  	s5 =	simm.s32 @p1 $0x1;
	p0 =	seq.s32 s7, s2  }
0x1e: {  	s7 =	smul.u32 @!p0 $0xF7A, s2;
	p2 =	seq.s32 @!p0 s5, $0x0  }
0x1f: {  	s9 =	smul.u32 $0xF7A, s1;
	s8 =	simm.s32 @!p0 $0x1BF5;
	p2 =	por !p2, p0  }
0x20: {  	[sflag:s8] =	ssyncset.s32 @!p0 $0xFFFFF086;
	s6 =	sadd.s32 @!p0 s3, s7;
	s7 =	simm.s32 @!p0 $0x108  }
0x21: {  	s3 =	sadd.s32 s3, s9;
	s6 =	sadd.s32 @!p0 $0x88, s6;
	s7 =	simm.s32 @p2 $0x1082  }
0x22: {  	[simem:s7], [sflag:s8] =	dma.local @!p0 [hbm:s6], $0xF7A  }
0x23: {  	s9 =	sor.u32 $0xD0000000, s2;
	s6 =	simm.s32 $0x108;
	_ =	swait.ge @!p0 [sflag:s8], $0x0  }
0x24: {  	s3 =	sadd.s32 $0x88, s3;
	s6 =	simm.s32 @!p1 $0x1082;
	[sflag:s4] =	ssyncset.s32 $0xFFFFF086  }
0x25: {  	[simem:s6], [sflag:s4] =	dma.local [hbm:s3], $0xF7A  }
0x26: {  	[smem:$0x3F9B] =	sst s1;
	(tag) =	ssettag s2;
	_ =	strace s9  }
0x27: {  	s1 =	sld [smem:$0x3FAB]  }
0x28: {  	s2 =	sld [smem:$0x3FAC]  }
0x29: {  	s4 =	sld [smem:$0x3FAE]  }
0x2a: {  	p0 =	seq.s32 s5, $0x0;
	s5 =	sld [smem:$0x3FAF]  }
0x2b: {  	s6 =	sld [smem:$0x3FB0]  }
0x2c: {  	s7 =	sld [smem:$0x3FB1]  }
0x2d: {  	s3 =	simm.s32 $0x108;
	s8 =	sld [smem:$0x3FB2]  }
0x2e: {  	s3 =	simm.s32 @!p0 $0x1082;
	s9 =	sld [smem:$0x3FB3]  }
0x2f: {  	lr =	sadd.s32 s0, s3;
	s0 =	sld [smem:$0x3FAA]  }
0x30: {  	s3 =	sld [smem:$0x3FAD]  }
0x31: {  	[smem:$0x3FB6] =	sst s10  }
0x32: {  	s10 =	sld [smem:$0x3FB4];
	_ =	sdelay $0x3  }
0x33: {  	p0 =	seq.s32 s10, $0x1;
	s10 =	sld [smem:$0x3FB6];
	_ =	sdelay $0x3  }
0x34: {  	[smem:$0x3FB6] =	sst s10  }
0x35: {  	s10 =	sld [smem:$0x3FB5];
	_ =	sdelay $0x3  }
0x36: {  	p1 =	seq.s32 s10, $0x1;
	s10 =	sld [smem:$0x3FB6];
	_ =	sdelay $0x3  }
0x37: {  	[smem:$0x3FB6] =	sst s10  }
0x38: {  	s10 =	sld [smem:$0x3FB7]  }
0x39: {  	_ = 	snop;
	(pc) =	sbr.ind lr, $3  }
0x3a: {  	_ = 	snop  }
0x3b: {  	_ = 	snop  }
0x3c: {  	p2 =	seq.s32 s10, $0x1;
	s10 =	sld [smem:$0x3FB6]  }
0x3d: {  	_ =	shalt  }
0x3e: {  	_ =	shalt  }
0x3f: {  	_ =	shalt  }
0x40: {  	_ =	shalt  }
0x41: {  	_ =	shalt  }
0x42: {  	_ =	shalt  }
0x43: {  	_ =	shalt  }
0x44: {  	_ =	shalt  }
0x45: {  	_ =	shalt  }
0x46: {  	_ =	shalt  }
0x47: {  	_ =	shalt  }
0x48: {  	_ =	shalt  }
0x49: {  	_ =	shalt  }
0x4a: {  	_ =	shalt  }
0x4b: {  	_ =	shalt  }
0x4c: {  	_ =	shalt  }
0x4d: {  	_ =	shalt  }
0x4e: {  	_ =	shalt  }
0x4f: {  	_ =	shalt  }
0x50: {  	_ =	shalt  }
0x51: {  	_ =	shalt  }
0x52: {  	_ =	shalt  }
0x53: {  	_ =	shalt  }
0x54: {  	_ =	shalt  }
0x55: {  	_ =	shalt  }
0x56: {  	_ =	shalt  }
0x57: {  	_ =	shalt  }
0x58: {  	_ =	shalt  }
0x59: {  	_ =	shalt  }
0x5a: {  	_ =	shalt  }
0x5b: {  	_ =	shalt  }
0x5c: {  	_ =	shalt  }
0x5d: {  	_ =	shalt  }
0x5e: {  	_ =	shalt  }
0x5f: {  	_ =	shalt  }
0x60: {  	_ =	shalt  }
0x61: {  	_ =	shalt  }
0x62: {  	_ =	shalt  }
0x63: {  	_ =	shalt  }
0x64: {  	_ =	shalt  }
0x65: {  	_ =	shalt  }
0x66: {  	_ =	shalt  }
0x67: {  	_ =	shalt  }
0x68: {  	_ =	shalt  }
0x69: {  	_ =	shalt  }
0x6a: {  	_ =	shalt  }
0x6b: {  	_ =	shalt  }
0x6c: {  	_ =	shalt  }
0x6d: {  	_ =	shalt  }
0x6e: {  	_ =	shalt  }
0x6f: {  	_ =	shalt  }
0x70: {  	_ =	shalt  }
0x71: {  	_ =	shalt  }
0x72: {  	_ =	shalt  }
0x73: {  	_ =	shalt  }
0x74: {  	_ =	shalt  }
0x75: {  	_ =	shalt  }
0x76: {  	_ =	shalt  }
0x77: {  	_ =	shalt  }
0x78: {  	_ =	shalt  }
0x79: {  	_ =	shalt  }
0x7a: {  	_ =	shalt  }
0x7b: {  	_ =	shalt  }
0x7c: {  	_ =	shalt  }
0x7d: {  	_ =	shalt  }
0x7e: {  	_ =	shalt  }
0x7f: {  	_ =	shalt  }
0x80: {  	_ =	shalt  }
0x81: {  	_ =	shalt  }
0x82: {  	_ =	shalt  }
0x83: {  	_ =	shalt  }
0x84: {  	_ =	shalt  }
0x85: {  	_ =	shalt  }
0x86: {  	_ =	shalt  }
0x87: {  	_ =	shalt  }
.Lfunc_end0:
.L_simem_size_0:
called_computation.1_lowered:
.L_overlay_start_0:
0x88: {  	s2 =	sld [smem:$0x3FD9]  }
0x89: {  	s3 =	sld [smem:$0x3FFE];
	_ =	sdelay $0x1  }
0x8a: {  	s1 =	srdreg.scid  }
0x8b: {  	s0 =	sand.u32 $0x1, s1  }
0x8c: {  	s17 =	sshll.u32 s0, $0xA;
	s2 =	sadd.s32 s3, s2  }
0x8d: {  	s2 =	sadd.s32 s2, s17  }
0x8e: {  	[smem:$0x3FC2] =	sst s2  }
0x8f: {  	_ = 	snop  }
0x90: {  	s2 =	sld [smem:$0x3FD0];
	(tm) =	ssettm $0x1  }
0x91: {  	s18 =	sld [smem:$0x3FFB];
	_ =	sdelay $0x3  }
0x92: {  	_ =	strace s18  }
0x93: {  	s3 =	sld [smem:$0x3FFC];
	_ =	sdelay $0x3  }
0x94: {  	_ =	strace s3  }
0x95: {  	s3 =	sld [smem:$0x3FFD];
	_ =	sdelay $0x3  }
0x96: {  	_ =	strace s3  }
0x97: {  	_ =	strace $0x8FFFFFFF  }
0x98: {  	s19 =	sld [smem:$0x3FDB];
	_ =	sdelay $0x1  }
0x99: {  	s4 =	simm.s32 $_scs_section_size  }
0x9a: {  	s5 =	simm.s32 $_size__tile_overlayer_lowered;
	s6 =	simm.s32 $_tile_overlayer_lowered  }
0x9b: {  	s22 =	simm.s32 $0x1BFF;
	s21 =	sshll.u32 s6, $0x1;
	s3 =	sadd.s32 s4, s19  }
0x9c: {  	s7 =	simm.s32 $0x0;
	s20 =	sshll.u32 s5, $0x1;
	s5 =	sadd.s32 s21, s3  }
0x9d: {  	[timem:s7], [sflag:s22] =	dma.local [hbm:s5], s20  }
0x9e: {  	_ =	swait.ge [sflag:s22], s20  }
0x9f: {  	s4 =	ssub.s32 $0x0, s20;
	[sflag:s22] =	ssyncset.done $0x0  }
0xa0: {  	[sflag:s22] =	ssyncadd.s32 s4;
	_ =	sdelay $0x1  }
0xa1: {  	s23 =	simm.s32 $0x1B8B  }
0xa2: {  	_ =	swait.ge [sflag:s23], $0x1  }
0xa3: {  	[sflag:s23] =	ssyncset.done $0x0  }
0xa4: {  	s25 =	simm.s32 $0x1B8E;
	s24 =	sld [smem:$0x3FFE];
	[sflag:s23] =	ssyncadd.s32 $0xFFFFFFFF  }
0xa5: {  	s26 =	simm.s32 $execute0_lowered;
	[smem:$0x3FD2] =	sst s25  }
0xa6: {  	s5 =	sshll.u32 s26, $0x1;
	_ =	strace $0x80000049;
	[dreg:$0x1] =	wrdreg $0xFFFFFFFF  }
0xa7: {  	s28 =	simm.s32 $_size_execute0_lowered;
	s3 =	sadd.s32 s3, s5;
	[dreg:$0x0] =	wrdreg $0x0  }
0xa8: {  	s5 =	sshll.u32 s28, $0x1;
	[dreg:$0x2] =	wrdreg s3  }
0xa9: {  	[dreg:$0x3] =	wrdreg s5  }
0xaa: {  	[dreg:$0x4] =	wrdreg $0xC0  }
0xab: {  	_ =	task [dreg:s7], $0x5FFFF  }
0xac: {  	[dreg:$0x1] =	wrdreg $0xFFFFFFFF  }
0xad: {  	[dreg:$0x0] =	wrdreg $0x60  }
0xae: {  	[dreg:$0x2] =	wrdreg s24  }
0xaf: {  	[dreg:$0x3] =	wrdreg s2  }
0xb0: {  	[dreg:$0x4] =	wrdreg $0x9  }
0xb1: {  	_ =	task.clear_ibuf [dreg:s7], $0x5FFFF;
	_ =	strace $0x90000049  }
0xb2: {  	s29 =	simm.s32 $0x9;
	_ =	strace $0x8000004B  }
0xb3: {  	_ =	swait.ge [sflag:s29], $0x1  }
0xb4: {  	[sflag:s29] =	ssyncadd.s32 $0xFFFFFFFF  }
0xb5: {  	_ =	strace $0x9000004B  }
0xb6: {  	_ =	sfence  }
0xb7: {  	s30 =	sld [smem:$0x0];
	_ =	sdelay $0x2  }
0xb8: {  	s31 =	sshll.u32 s1, $0xD;
	s1 =	sshrl.u32 s1, $0x2  }
0xb9: {  	s3 =	sand.u32 $0x4000, s31;
	s1 =	sadd.s32 s1, s30  }
0xba: {  	s0 =	sor.u32 s3, s0;
	s1 =	sshll.u32 s1, $0x11  }
0xbb: {  	s0 =	sor.u32 s1, s0  }
0xbc: {  	s0 =	sadd.s32 $0x8F2B, s0  }
0xbd: {  	[sflag:s0] =	ssyncadd.remote.s32 $0x1  }
0xbe: {  	_ =	sfence.sel $0xFFFF  }
0xbf: {  	[dreg:$0x0] =	wrdreg $0xFFFFFFFF;
	(pc) =	sbr.abs _section_cstart, $3  }
0xc0: {  	[dreg:$0x1] =	wrdreg $0xFFFFFFFF  }
0xc1: {  	_ =	task.clear_ibuf [dreg:s7], $0x2FFFF;
	_ =	strace $0x9FFFFFFF  }
0xc2: {  	(tm) =	ssettm $0x7FFFFFFF  }
0xc3: {  	_ =	shalt  }
tec
execute0_lowered:
.L_overlay_start_1:
0x0: {  	(tag) =	ssettag $0x1  }
0x1: {  	s6 =	rddreg [dreg:$0x0]  }
0x2: {  	s1 =	rddreg [dreg:$0x1]  }
0x3: {  	s0 =	rddreg [dreg:$0x2];
	s2 =	simm.s32 $0x0  }
0x4: {  	s3 =	srdreg.scid;
	s12 =	simm.s32 $0xE300;
	s13 =	simm.s32 $0x4  }
0x5: {  	s14 =	simm.s32 $0x2100;
	s15 =	simm.s32 $0x1080;
	s16 =	simm.s32 $0x4200  }
0x6: {  	s17 =	simm.s32 $0x5280;
	s18 =	simm.s32 $0x1;
	s19 =	simm.s32 $0x2  }
0x7: {  	s20 =	simm.s32 $0x0;
	[smem:$0x7FF] =	sst s2;
	s4 =	sadd.s32 $0x25600, s6  }
0x8: {  	s7 =	sand.u32 $0x1, s3;
	s5 =	sadd.s32 $0x46600, s6;
	s3 =	stileid.u32  }
.Ltmp0:
0x9: {  	s6 =	sadd.s32 $0x4600, s6;
	_ =	strace $0x8000004A;
	(pc) =	sbr.rel .LBB2_1-.Ltmp0, $4  }
0xa: {  	s8 =	ssub.s32 $0x2, s7;
	s10 =	sshll.u32 s3, $0x1;
	s11 =	smul.u32 $0x10800, s3  }
0xb: {  	s31 =	smul.u32 $0x8400, s7;
	s9 =	sshrl.u32 s8, $0x1;
	s30 =	sor.u32 s7, s10  }
0xc: {  	s10 =	simm.s32 $0x6300;
	s8 =	ssub.s32 s8, s9;
	s7 =	smul.u32 $0x8400, s30  }
0xd: {  	v0 =	vlaneseq.u32;
	s9 =	sadd.s32 s31, s11;
	s11 =	simm.s32 $0x3;
	s8 =	smax.u32 s8, $0x1  }
.LBB2_20:
0xe: {  	s20 =	sadd.s32 $0x1, s20  }
0xf: {  	p0 =	sne.s32 s20, s8  }
.Ltmp1:
0x10: {  	_ = 	snop;
	(pc) =	sbr.rel @!p0 .LBB2_21-.Ltmp1, $1  }
0x11: {  	_ =	sdelay $0x3  }
.LBB2_1:
0x12: {  	[tilespmem:s10], [sflag:$0x3] =	stream.linear.gather [hbm4b:s4+s2], $0x8000, $0x38;
	[tilespmem:$0x16300] =	vst v63  }
0x13: {  	_ =	swait.ge [sflag:s11], $0x8000  }
0x14: {  	[sflag:s11] =	ssyncset.done $0x0  }
.Ltmp2:
0x15: {  	[sflag:s11] =	ssyncadd.s32 $0xFFFF8000;
	(pc) =	sbr.rel .LBB2_2-.Ltmp2, $4  }
0x16: {  	[tilespmem:s12], [sflag:$0x3] =	stream.linear.gather [hbm4b:s5+s2], $0x8000, $0x38;
	[tilespmem:$0x16300] =	vst v63  }
0x17: {  	_ =	swait.ge [sflag:s11], $0x8000  }
0x18: {  	[sflag:s11] =	ssyncset.done $0x0  }
0x19: {  	s21 =	smov.u32 s9;
	s22 =	simm.s32 $0x0;
	[sflag:s11] =	ssyncadd.s32 $0xFFFF8000  }
.LBB2_10:
0x1a: {  	s24 =	simm.s32 $0x0  }
.LBB2_15:
0x1b: {  	_ =	sdelay $0x1  }
0x1c: {  	v2 =	vld [tilespmem:s24+$0x5280];
	[tilespmem:s25+$0x2100] =	vst @p0 v5  }
0x1d: {  	v5 =	vld [tilespmem:s24+$0x2100];
	[tilespmem:s25+$0x3180] =	vst @p0 v4  }
0x1e: {  	v4 =	vld.idx.msk [tilespmem:v1+s12+$0x0], $0xffff  }
0x1f: {  	v1 =	vld.idx.msk [tilespmem:v1+s10+$0x0], $0xffff  }
0x20: {  	v6 =	vld [tilespmem:s24+$0x4200];
	_ =	sdelay $0x2  }
0x21: {  	vm0 =	vlt.s32 v3, $0x8000  }
0x22: {  	v2 =	vsel vm0, v4, v2  }
0x23: {  	v1 =	vsel vm0, v1, v6;
	v2 =	vadd.f32 v2, v5  }
0x24: {  	[tilespmem:s24+$0x3180] =	vst v1  }
0x25: {  	s25 =	simm.s32 $0x3180;
	[tilespmem:s24+$0x2100] =	vst v2;
	s24 =	simm.s32 $0x4  }
.LBB2_18:
0x26: {  	s26 =	sadd.s32 s1, s23  }
0x27: {  	[hbm4b:s26+s2] =	stream.linear.scatter [tilespmem:s25], [sflag:$0x4], $0x1080, $0x38;
	[tilespmem:$0x16300] =	vst v63  }
0x28: {  	_ =	swait.ge [sflag:s13], $0x1080  }
0x29: {  	[sflag:s13] =	ssyncset.done $0x0  }
0x2a: {  	s31 =	sadd.s32 s6, s23;
	[sflag:s13] =	ssyncadd.s32 $0xFFFFEF80  }
0x2b: {  	[hbm4b:s31+s2] =	stream.linear.scatter [tilespmem:s14], [sflag:s24], $0x1080, $0x38;
	[tilespmem:$0x16300] =	vst v63  }
0x2c: {  	_ =	swait.ge [sflag:s24], $0x1080  }
0x2d: {  	[sflag:s24] =	ssyncset.done $0x0  }
0x2e: {  	[sflag:s24] =	ssyncadd.s32 $0xFFFFEF80  }
.LBB2_19:
0x2f: {  	s22 =	sadd.s32 $0x1, s22  }
0x30: {  	p0 =	sne.s32 s22, $0x8  }
.Ltmp3:
0x31: {  	_ = 	snop;
	(pc) =	sbr.rel @!p0 .LBB2_20-.Ltmp3, $2  }
0x32: {  	_ =	sdelay $0x2  }
0x33: {  	s21 =	sadd.s32 $0x1080, s21  }
.LBB2_2:
0x34: {  	s23 =	smul.u32 $0x1080, s22;
	_ =	sdelay $0x1  }
0x35: {  	s23 =	sadd.s32 s7, s23  }
0x36: {  	s23 =	sshrl.u32 s23, $0x3  }
0x37: {  	s25 =	simm.s32 $0x0;
	s24 =	sadd.s32 s4, s23  }
0x38: {  	[tilespmem:s25], [sflag:$0x4] =	stream.linear.gather [hbm4b:s24+s25], $0x1080, $0x38;
	[tilespmem:$0x16300] =	vst v63  }
0x39: {  	_ =	swait.ge [sflag:s13], $0x1080  }
0x3a: {  	[sflag:s13] =	ssyncset.done $0x0  }
0x3b: {  	s30 =	sadd.s32 s5, s23;
	[sflag:s13] =	ssyncadd.s32 $0xFFFFEF80  }
0x3c: {  	[tilespmem:s14], [sflag:$0x4] =	stream.linear.gather [hbm4b:s30+s25], $0x1080, $0x38;
	[tilespmem:$0x16300] =	vst v63  }
0x3d: {  	_ =	swait.ge [sflag:s13], $0x1080  }
0x3e: {  	[sflag:s13] =	ssyncset.done $0x0  }
0x3f: {  	s31 =	simm.s32 $0x0;
	[sflag:s13] =	ssyncadd.s32 $0xFFFFEF80  }
0x40: {  	v3 =	vimm.s32 $0x0;
	v1 =	vimm.s32 $0x0;
	s24 =	simm.s32 $0x40;
	v2 =	vld [tilespmem:s31+$0x0]  }
.LBB2_3:
0x41: {  	p0 =	sne.s32 s24, $0x41C0  }
.Ltmp4:
0x42: {  	_ = 	snop;
	(pc) =	sbr.rel @p0 .LBB2_3-.Ltmp4, $3  }
0x43: {  	_ =	sdelay $0x1  }
0x44: {  	s25 =	sshra.s32 s24, $0x2;
	s24 =	sadd.s32 $0x40, s24;
	v3 =	vor.u32 v3, v2;
	v4 =	vshrl.u32 v2, $0xF  }
0x45: {  	v2 =	vld [tilespmem:s25+$0x0];
	v1 =	vor.u32 v1, v4  }
0x46: {  	_ =	sdelay $0x3  }
0x47: {  	v3 =	vor.u32 v3, v2  }
0x48: {  	(v2sf) =	vpush v3, $0x0  }
0x49: {  	(v2sf) =	vpush v3, $0x1  }
0x4a: {  	(v2sf) =	vpush v3, $0x2  }
0x4b: {  	(v2sf) =	vpush v3, $0x3  }
0x4c: {  	(v2sf) =	vpush v3, $0x4  }
0x4d: {  	(v2sf) =	vpush v3, $0x5  }
0x4e: {  	(v2sf) =	vpush v3, $0x6  }
0x4f: {  	(v2sf) =	vpush v3, $0x7  }
0x50: {  	(v2sf) =	vpush v3, $0x8  }
0x51: {  	(v2sf) =	vpush v3, $0x9  }
0x52: {  	(v2sf) =	vpush v3, $0xA  }
0x53: {  	(v2sf) =	vpush v3, $0xB  }
0x54: {  	(v2sf) =	vpush v3, $0xC  }
0x55: {  	(v2sf) =	vpush v3, $0xD  }
0x56: {  	(v2sf) =	vpush v3, $0xE  }
0x57: {  	s24 =	spop (v2sf);
	(v2sf) =	vpush v3, $0xF  }
0x58: {  	s25 =	spop (v2sf)  }
0x59: {  	s24 =	sor.u32 s25, s24;
	s28 =	spop (v2sf)  }
0x5a: {  	s24 =	sor.u32 s28, s24;
	s29 =	spop (v2sf)  }
0x5b: {  	s24 =	sor.u32 s29, s24;
	s30 =	spop (v2sf)  }
0x5c: {  	s24 =	sor.u32 s30, s24;
	s31 =	spop (v2sf)  }
0x5d: {  	s24 =	sor.u32 s31, s24;
	s26 =	spop (v2sf)  }
0x5e: {  	s24 =	sor.u32 s26, s24;
	s28 =	spop (v2sf)  }
0x5f: {  	s24 =	sor.u32 s28, s24;
	s29 =	spop (v2sf)  }
0x60: {  	s24 =	sor.u32 s29, s24;
	s30 =	spop (v2sf)  }
0x61: {  	s24 =	sor.u32 s30, s24;
	s31 =	spop (v2sf)  }
0x62: {  	s24 =	sor.u32 s31, s24;
	s26 =	spop (v2sf)  }
0x63: {  	s24 =	sor.u32 s26, s24;
	s28 =	spop (v2sf)  }
0x64: {  	s24 =	sor.u32 s28, s24;
	s29 =	spop (v2sf)  }
0x65: {  	s24 =	sor.u32 s29, s24;
	s30 =	spop (v2sf)  }
0x66: {  	s24 =	sor.u32 s30, s24;
	s31 =	spop (v2sf)  }
0x67: {  	s24 =	sor.u32 s31, s24  }
0x68: {  	p0 =	slt.s32 s24, $0x1  }
.Ltmp5:
0x69: {  	_ = 	snop;
	(pc) =	sbr.rel @p0 .LBB2_16-.Ltmp5, $3  }
0x6a: {  	_ =	sdelay $0x1  }
0x6b: {  	v2 =	vshrl.u32 v2, $0xF  }
0x6c: {  	v1 =	vor.u32 v1, v2  }
0x6d: {  	(v2sf) =	vpush v1, $0x0  }
0x6e: {  	(v2sf) =	vpush v1, $0x1  }
0x6f: {  	(v2sf) =	vpush v1, $0x2  }
0x70: {  	(v2sf) =	vpush v1, $0x3  }
0x71: {  	(v2sf) =	vpush v1, $0x4  }
0x72: {  	(v2sf) =	vpush v1, $0x5  }
0x73: {  	(v2sf) =	vpush v1, $0x6  }
0x74: {  	(v2sf) =	vpush v1, $0x7  }
0x75: {  	(v2sf) =	vpush v1, $0x8  }
0x76: {  	(v2sf) =	vpush v1, $0x9  }
0x77: {  	(v2sf) =	vpush v1, $0xA  }
0x78: {  	(v2sf) =	vpush v1, $0xB  }
0x79: {  	(v2sf) =	vpush v1, $0xC  }
0x7a: {  	(v2sf) =	vpush v1, $0xD  }
0x7b: {  	(v2sf) =	vpush v1, $0xE  }
0x7c: {  	s24 =	spop (v2sf);
	(v2sf) =	vpush v1, $0xF  }
0x7d: {  	s25 =	spop (v2sf)  }
0x7e: {  	s24 =	sor.u32 s25, s24;
	s28 =	spop (v2sf)  }
0x7f: {  	s24 =	sor.u32 s28, s24;
	s29 =	spop (v2sf)  }
0x80: {  	s24 =	sor.u32 s29, s24;
	s30 =	spop (v2sf)  }
0x81: {  	s24 =	sor.u32 s30, s24;
	s31 =	spop (v2sf)  }
0x82: {  	s24 =	sor.u32 s31, s24;
	s26 =	spop (v2sf)  }
0x83: {  	s24 =	sor.u32 s26, s24;
	s28 =	spop (v2sf)  }
0x84: {  	s24 =	sor.u32 s28, s24;
	s29 =	spop (v2sf)  }
0x85: {  	s24 =	sor.u32 s29, s24;
	s30 =	spop (v2sf)  }
0x86: {  	s24 =	sor.u32 s30, s24;
	s31 =	spop (v2sf)  }
0x87: {  	s24 =	sor.u32 s31, s24;
	s26 =	spop (v2sf)  }
0x88: {  	s24 =	sor.u32 s26, s24;
	s28 =	spop (v2sf)  }
0x89: {  	s24 =	sor.u32 s28, s24;
	s29 =	spop (v2sf)  }
0x8a: {  	s24 =	sor.u32 s29, s24;
	s30 =	spop (v2sf)  }
0x8b: {  	s24 =	sor.u32 s30, s24;
	s31 =	spop (v2sf)  }
0x8c: {  	s24 =	sor.u32 s31, s24  }
0x8d: {  	p0 =	slt.s32 s24, $0x1  }
.Ltmp6:
0x8e: {  	_ = 	snop;
	(pc) =	sbr.rel @p0 .LBB2_9-.Ltmp6, $1  }
0x8f: {  	_ =	sdelay $0x3  }
0x90: {  	s24 =	simm.s32 $0x0  }
0x91: {  	v1 =	vld [tilespmem:s24+$0x0];
	_ =	sdelay $0x3  }
0x92: {  	s25 =	simm.s32 $0x40;
	s26 =	smov.u32 s21  }
.LBB2_7:
0x93: {  	s28 =	sshra.s32 s25, $0x2;
	p0 =	sne.s32 s25, $0x41C0;
	s25 =	sadd.s32 $0x40, s25;
	v2 =	vor.u32 s26, v0;
	vm0 =	vlt.s32 v1, $0x8000  }
.Ltmp7:
0x94: {  	v2 =	vsel vm0, v2, v1;
	v1 =	vld [tilespmem:s28+$0x0];
	(pc) =	sbr.rel @p0 .LBB2_7-.Ltmp7, $2  }
0x95: {  	[tilespmem:s24+$0x1080] =	vst v2;
	s24 =	smov.u32 s28;
	_ =	sdelay $0x2  }
0x96: {  	s26 =	sadd.s32 $0x10, s26  }
0x97: {  	v2 =	vor.u32 s26, v0;
	vm0 =	vlt.s32 v1, $0x8000  }
0x98: {  	v1 =	vsel vm0, v2, v1  }
0x99: {  	[tilespmem:s24+$0x1080] =	vst v1  }
0x9a: {  	[tilespmem:s16], [sflag:$0x1] =	stream.indirect.gather [hbm4b:s4+s15], $0x1, s15, s15, $0xb8;
	[tilespmem:$0x16300] =	vst v63  }
0x9b: {  	_ = 	snop  }
0x9c: {  	[tilespmem:s17], [sflag:$0x2] =	stream.indirect.gather [hbm4b:s5+s15], $0x1, s15, s15, $0xb8;
	[tilespmem:$0x16300] =	vst v63  }
0x9d: {  	_ =	swait.ge [sflag:s18], $0x1080  }
0x9e: {  	[sflag:s18] =	ssyncset.done $0x0  }
0x9f: {  	[sflag:s18] =	ssyncadd.s32 $0xFFFFEF80  }
0xa0: {  	_ =	swait.ge [sflag:s19], $0x1080  }
0xa1: {  	[sflag:s19] =	ssyncset.done $0x0  }
0xa2: {  	[sflag:s19] =	ssyncadd.s32 $0xFFFFEF80  }
.LBB2_9:
0xa3: {  	s25 =	simm.s32 $0x0  }
0xa4: {  	p1 =	por $0x0, $0x0;
	v3 =	vld [tilespmem:s25+$0x0]  }
.Ltmp8:
0xa5: {  	_ = 	snop;
	(pc) =	sbr.rel @p1 .LBB2_10-.Ltmp8, $2  }
0xa6: {  	_ =	sdelay $0x2  }
0xa7: {  	p0 =	por $0x0, $0x0;
	v1 =	vand.u32 $0x7FFF, v3  }
0xa8: {  	_ =	sdelay $0x1  }
0xa9: {  	v4 =	vld [tilespmem:s25+$0x5280]  }
0xaa: {  	v5 =	vld [tilespmem:s25+$0x2100]  }
0xab: {  	s24 =	simm.s32 $0x10;
	v6 =	vld.idx.msk [tilespmem:v1+s12+$0x0], $0xffff  }
0xac: {  	v2 =	vld [tilespmem:s24+$0x0]  }
0xad: {  	v7 =	vld.idx.msk [tilespmem:v1+s10+$0x0], $0xffff  }
0xae: {  	v8 =	vld [tilespmem:s25+$0x4200];
	p1 =	por $0x0, $0x0  }
.Ltmp9:
0xaf: {  	_ = 	snop;
	(pc) =	sbr.rel @p1 .LBB2_12-.Ltmp9, $4  }
0xb0: {  	vm0 =	vlt.s32 v3, $0x8000  }
0xb1: {  	v3 =	vsel vm0, v6, v4;
	v1 =	vand.u32 $0x7FFF, v2  }
0xb2: {  	v5 =	vadd.f32 v3, v5  }
0xb3: {  	s26 =	simm.s32 $0x80;
	p0 =	por $0x1, $0x1;
	v4 =	vsel vm0, v7, v8  }
.LBB2_13:
0xb4: {  	p1 =	seq.s32 s26, $0x41C0;
	v3 =	vld [tilespmem:s24+$0x5280];
	[tilespmem:s25+$0x2100] =	vst v5;
	s28 =	smov.u32 s26;
	s26 =	sadd.s32 $0x40, s26  }
0xb5: {  	v5 =	vld [tilespmem:s24+$0x2100];
	[tilespmem:s25+$0x3180] =	vst v4;
	s25 =	smov.u32 s24  }
0xb6: {  	s24 =	sshra.s32 s28, $0x2;
	v4 =	vld.idx.msk [tilespmem:v1+s12+$0x0], $0xffff  }
0xb7: {  	v6 =	vld [tilespmem:s24+$0x0]  }
0xb8: {  	v7 =	vld.idx.msk [tilespmem:v1+s10+$0x0], $0xffff  }
0xb9: {  	v8 =	vld [tilespmem:s25+$0x4200]  }
.Ltmp10:
0xba: {  	(pc) =	sbr.rel @!p1 .LBB2_13-.Ltmp10, $4  }
0xbb: {  	vm0 =	vlt.s32 v2, $0x8000  }
0xbc: {  	v3 =	vsel vm0, v4, v3;
	v1 =	vand.u32 $0x7FFF, v6;
	v2 =	vmov v6  }
0xbd: {  	v5 =	vadd.f32 v3, v5  }
0xbe: {  	v4 =	vsel vm0, v7, v8  }
.Ltmp11:
0xbf: {  	(pc) =	sbr.rel .LBB2_15-.Ltmp11, $2  }
0xc0: {  	_ =	sdelay $0x2  }
0xc1: {  	v3 =	vmov v2  }
.LBB2_16:
0xc2: {  	p0 =	sne.s32 s24, $0x0  }
.Ltmp12:
0xc3: {  	_ = 	snop;
	(pc) =	sbr.rel @p0 .LBB2_19-.Ltmp12, $1  }
0xc4: {  	_ =	sdelay $0x3  }
.Ltmp13:
0xc5: {  	(pc) =	sbr.rel .LBB2_18-.Ltmp13, $2  }
0xc6: {  	_ =	sdelay $0x2  }
0xc7: {  	s24 =	simm.s32 $0x3;
	s25 =	simm.s32 $0x0  }
.LBB2_12:
.Ltmp14:
0xc8: {  	(pc) =	sbr.rel .LBB2_15-.Ltmp14, $2  }
0xc9: {  	_ =	sdelay $0x2  }
0xca: {  	v3 =	vmov v2  }
.LBB2_21:
0xcb: {  	_ =	sfence.sel $0x180000  }
0xcc: {  	[bflag:$0x0] =	sbarrier.arrive $0xFFFF  }
0xcd: {  	p0 =	sne.s32 s3, $0x0;
	_ =	strace $0x9000004A  }
0xce: {  	s0 =	sadd.s32 @!p0 $0x100000, s0;
	[bflag:$0x2] =	sbarrier.arrive $0xFFFF  }
0xcf: {  	[sflag:s0] =	ssyncadd.tile.s32 @!p0 $0x1;
	_ =	shalt  }
.Lfunc_end2:
_tile_overlayer_lowered:
.L_overlay_start_2:
0xd0: {  	(tag) =	ssettag $0x2  }
0xd1: {  	s0 =	rddreg [dreg:$0x0];
	s2 =	stileid.u32  }
0xd2: {  	s1 =	rddreg [dreg:$0x1];
	p0 =	sne.s32 s2, $0x0  }
0xd3: {  	s3 =	rddreg [dreg:$0x2];
	[bflag:$0x3] =	sbarrier.arrive $0xFFFF;
	s2 =	simm.s32 @!p0 $0x1C03  }
0xd4: {  	[timem:s3], [sflag:s2] =	dma.local @!p0 [hbm:s0], s1  }
0xd5: {  	s0 =	simm.s32 @!p0 $0x3  }
0xd6: {  	_ =	swait.ge @!p0 [sflag:s0], s1  }
0xd7: {  	s1 =	ssub.s32 @!p0 $0x0, s1;
	[sflag:s0] =	ssyncset.done @!p0 $0x0  }
0xd8: {  	[sflag:s0] =	ssyncadd.s32 @!p0 s1  }
0xd9: {  	[bflag:$0x3] =	sbarrier.arrive $0xFFFF  }
0xda: {  	_ =	shalt  }

// kernel: kernel.16.cloned.1.call-start
scs
__scs_entry_jumppad:
0x0: {  	(pc) =	sbr.rel $0x88, $3  }
0x1: {  	(tag) =	ssettag $0x0;
	lr =	simm.s32 $0x1  }
0x2: {  	[smem:$0x3F9B] =	sst lr;
	_ =	strace $0xD0000000  }
0x3: {  	_ = 	snop  }
0x4: {  	_ = 	snop  }
0x5: {  	_ = 	snop  }
0x6: {  	_ = 	snop  }
0x7: {  	_ = 	snop  }
__scs_overlays_trampoline_lowered:
0x8: {  	[smem:$0x3FAA] =	sst s0  }
0x9: {  	[smem:$0x3FAB] =	sst s1  }
0xa: {  	[smem:$0x3FAC] =	sst s2  }
0xb: {  	[smem:$0x3FAD] =	sst s3  }
0xc: {  	[smem:$0x3FAE] =	sst s4  }
0xd: {  	[smem:$0x3FAF] =	sst s5  }
0xe: {  	[smem:$0x3FB0] =	sst s6  }
0xf: {  	[smem:$0x3FB1] =	sst s7  }
0x10: {  	[smem:$0x3FB2] =	sst s8  }
0x11: {  	[smem:$0x3FB3] =	sst s9;
	s0 =	simm.s32 @!p0 $0x0  }
0x12: {  	s1 =	sld [smem:$0x3F99];
	s0 =	simm.s32 @p0 $0x1  }
0x13: {  	[smem:$0x3FB4] =	sst s0;
	s0 =	simm.s32 @!p1 $0x0  }
0x14: {  	s2 =	sld [smem:$0x3F98];
	s0 =	simm.s32 @p1 $0x1  }
0x15: {  	[smem:$0x3FB5] =	sst s0;
	s0 =	simm.s32 @!p2 $0x0  }
0x16: {  	s3 =	sld [smem:$0x3FDB];
	s0 =	simm.s32 @p2 $0x1  }
0x17: {  	s4 =	simm.s32 $0x1BF5;
	[smem:$0x3FB7] =	sst s0  }
0x18: {  	s0 =	sld [smem:$0x3F9A];
	_ =	swait.ge [sflag:s4], $0x0  }
0x19: {  	s7 =	sld [smem:$0x3F9B]  }
0x1a: {  	s8 =	sadd.s32 $0xFFFFE003, lr  }
0x1b: {  	s9 =	sadd.s32 $0xFFFFFEF7, lr;
	s5 =	simm.s32 $0xFFFFFFFF;
	p2 =	slt.u32 s8, $0xFFFFF086  }
0x1c: {  	p1 =	slt.u32 s9, $0xF7A;
	s5 =	simm.s32 @!p2 $0x0  }
0x1d: {  	s5 =	simm.s32 @p1 $0x1;
	p0 =	seq.s32 s7, s2  }
0x1e: {  	s7 =	smul.u32 @!p0 $0xF7A, s2;
	p2 =	seq.s32 @!p0 s5, $0x0  }
0x1f: {  	s9 =	smul.u32 $0xF7A, s1;
	s8 =	simm.s32 @!p0 $0x1BF5;
	p2 =	por !p2, p0  }
0x20: {  	[sflag:s8] =	ssyncset.s32 @!p0 $0xFFFFF086;
	s6 =	sadd.s32 @!p0 s3, s7;
	s7 =	simm.s32 @!p0 $0x108  }
0x21: {  	s3 =	sadd.s32 s3, s9;
	s6 =	sadd.s32 @!p0 $0x88, s6;
	s7 =	simm.s32 @p2 $0x1082  }
0x22: {  	[simem:s7], [sflag:s8] =	dma.local @!p0 [hbm:s6], $0xF7A  }
0x23: {  	s9 =	sor.u32 $0xD0000000, s2;
	s6 =	simm.s32 $0x108;
	_ =	swait.ge @!p0 [sflag:s8], $0x0  }
0x24: {  	s3 =	sadd.s32 $0x88, s3;
	s6 =	simm.s32 @!p1 $0x1082;
	[sflag:s4] =	ssyncset.s32 $0xFFFFF086  }
0x25: {  	[simem:s6], [sflag:s4] =	dma.local [hbm:s3], $0xF7A  }
0x26: {  	[smem:$0x3F9B] =	sst s1;
	(tag) =	ssettag s2;
	_ =	strace s9  }
0x27: {  	s1 =	sld [smem:$0x3FAB]  }
0x28: {  	s2 =	sld [smem:$0x3FAC]  }
0x29: {  	s4 =	sld [smem:$0x3FAE]  }
0x2a: {  	p0 =	seq.s32 s5, $0x0;
	s5 =	sld [smem:$0x3FAF]  }
0x2b: {  	s6 =	sld [smem:$0x3FB0]  }
0x2c: {  	s7 =	sld [smem:$0x3FB1]  }
0x2d: {  	s3 =	simm.s32 $0x108;
	s8 =	sld [smem:$0x3FB2]  }
0x2e: {  	s3 =	simm.s32 @!p0 $0x1082;
	s9 =	sld [smem:$0x3FB3]  }
0x2f: {  	lr =	sadd.s32 s0, s3;
	s0 =	sld [smem:$0x3FAA]  }
0x30: {  	s3 =	sld [smem:$0x3FAD]  }
0x31: {  	[smem:$0x3FB6] =	sst s10  }
0x32: {  	s10 =	sld [smem:$0x3FB4];
	_ =	sdelay $0x3  }
0x33: {  	p0 =	seq.s32 s10, $0x1;
	s10 =	sld [smem:$0x3FB6];
	_ =	sdelay $0x3  }
0x34: {  	[smem:$0x3FB6] =	sst s10  }
0x35: {  	s10 =	sld [smem:$0x3FB5];
	_ =	sdelay $0x3  }
0x36: {  	p1 =	seq.s32 s10, $0x1;
	s10 =	sld [smem:$0x3FB6];
	_ =	sdelay $0x3  }
0x37: {  	[smem:$0x3FB6] =	sst s10  }
0x38: {  	s10 =	sld [smem:$0x3FB7]  }
0x39: {  	_ = 	snop;
	(pc) =	sbr.ind lr, $3  }
0x3a: {  	_ = 	snop  }
0x3b: {  	_ = 	snop  }
0x3c: {  	p2 =	seq.s32 s10, $0x1;
	s10 =	sld [smem:$0x3FB6]  }
0x3d: {  	_ =	shalt  }
0x3e: {  	_ =	shalt  }
0x3f: {  	_ =	shalt  }
0x40: {  	_ =	shalt  }
0x41: {  	_ =	shalt  }
0x42: {  	_ =	shalt  }
0x43: {  	_ =	shalt  }
0x44: {  	_ =	shalt  }
0x45: {  	_ =	shalt  }
0x46: {  	_ =	shalt  }
0x47: {  	_ =	shalt  }
0x48: {  	_ =	shalt  }
0x49: {  	_ =	shalt  }
0x4a: {  	_ =	shalt  }
0x4b: {  	_ =	shalt  }
0x4c: {  	_ =	shalt  }
0x4d: {  	_ =	shalt  }
0x4e: {  	_ =	shalt  }
0x4f: {  	_ =	shalt  }
0x50: {  	_ =	shalt  }
0x51: {  	_ =	shalt  }
0x52: {  	_ =	shalt  }
0x53: {  	_ =	shalt  }
0x54: {  	_ =	shalt  }
0x55: {  	_ =	shalt  }
0x56: {  	_ =	shalt  }
0x57: {  	_ =	shalt  }
0x58: {  	_ =	shalt  }
0x59: {  	_ =	shalt  }
0x5a: {  	_ =	shalt  }
0x5b: {  	_ =	shalt  }
0x5c: {  	_ =	shalt  }
0x5d: {  	_ =	shalt  }
0x5e: {  	_ =	shalt  }
0x5f: {  	_ =	shalt  }
0x60: {  	_ =	shalt  }
0x61: {  	_ =	shalt  }
0x62: {  	_ =	shalt  }
0x63: {  	_ =	shalt  }
0x64: {  	_ =	shalt  }
0x65: {  	_ =	shalt  }
0x66: {  	_ =	shalt  }
0x67: {  	_ =	shalt  }
0x68: {  	_ =	shalt  }
0x69: {  	_ =	shalt  }
0x6a: {  	_ =	shalt  }
0x6b: {  	_ =	shalt  }
0x6c: {  	_ =	shalt  }
0x6d: {  	_ =	shalt  }
0x6e: {  	_ =	shalt  }
0x6f: {  	_ =	shalt  }
0x70: {  	_ =	shalt  }
0x71: {  	_ =	shalt  }
0x72: {  	_ =	shalt  }
0x73: {  	_ =	shalt  }
0x74: {  	_ =	shalt  }
0x75: {  	_ =	shalt  }
0x76: {  	_ =	shalt  }
0x77: {  	_ =	shalt  }
0x78: {  	_ =	shalt  }
0x79: {  	_ =	shalt  }
0x7a: {  	_ =	shalt  }
0x7b: {  	_ =	shalt  }
0x7c: {  	_ =	shalt  }
0x7d: {  	_ =	shalt  }
0x7e: {  	_ =	shalt  }
0x7f: {  	_ =	shalt  }
0x80: {  	_ =	shalt  }
0x81: {  	_ =	shalt  }
0x82: {  	_ =	shalt  }
0x83: {  	_ =	shalt  }
0x84: {  	_ =	shalt  }
0x85: {  	_ =	shalt  }
0x86: {  	_ =	shalt  }
0x87: {  	_ =	shalt  }
.Lfunc_end0:
.L_simem_size_0:
called_computation.2_lowered:
.L_overlay_start_0:
0x88: {  	s2 =	sld [smem:$0x3FD9]  }
0x89: {  	s3 =	sld [smem:$0x3FFE];
	_ =	sdelay $0x1  }
0x8a: {  	s1 =	srdreg.scid  }
0x8b: {  	s0 =	sand.u32 $0x1, s1  }
0x8c: {  	s17 =	sshll.u32 s0, $0xA;
	s2 =	sadd.s32 s3, s2  }
0x8d: {  	s2 =	sadd.s32 s2, s17  }
0x8e: {  	[smem:$0x3FC2] =	sst s2  }
0x8f: {  	_ = 	snop  }
0x90: {  	s2 =	sld [smem:$0x3FD0];
	(tm) =	ssettm $0x1  }
0x91: {  	s18 =	sld [smem:$0x3FFB];
	_ =	sdelay $0x3  }
0x92: {  	_ =	strace s18  }
0x93: {  	s3 =	sld [smem:$0x3FFC];
	_ =	sdelay $0x3  }
0x94: {  	_ =	strace s3  }
0x95: {  	s3 =	sld [smem:$0x3FFD];
	_ =	sdelay $0x3  }
0x96: {  	_ =	strace s3  }
0x97: {  	_ =	strace $0x8FFFFFFF  }
0x98: {  	s19 =	sld [smem:$0x3FDB];
	_ =	sdelay $0x1  }
0x99: {  	s4 =	simm.s32 $_scs_section_size  }
0x9a: {  	s5 =	simm.s32 $_size__tile_overlayer_lowered;
	s6 =	simm.s32 $_tile_overlayer_lowered  }
0x9b: {  	s22 =	simm.s32 $0x1BFF;
	s21 =	sshll.u32 s6, $0x1;
	s3 =	sadd.s32 s4, s19  }
0x9c: {  	s7 =	simm.s32 $0x0;
	s20 =	sshll.u32 s5, $0x1;
	s5 =	sadd.s32 s21, s3  }
0x9d: {  	[timem:s7], [sflag:s22] =	dma.local [hbm:s5], s20  }
0x9e: {  	_ =	swait.ge [sflag:s22], s20  }
0x9f: {  	s4 =	ssub.s32 $0x0, s20;
	[sflag:s22] =	ssyncset.done $0x0  }
0xa0: {  	[sflag:s22] =	ssyncadd.s32 s4;
	_ =	sdelay $0x1  }
0xa1: {  	s23 =	simm.s32 $0x1B8B  }
0xa2: {  	_ =	swait.ge [sflag:s23], $0x1  }
0xa3: {  	[sflag:s23] =	ssyncset.done $0x0  }
0xa4: {  	s25 =	simm.s32 $0x1B8E;
	s24 =	sld [smem:$0x3FFE];
	[sflag:s23] =	ssyncadd.s32 $0xFFFFFFFF  }
0xa5: {  	s26 =	simm.s32 $execute0_lowered;
	[smem:$0x3FD2] =	sst s25  }
0xa6: {  	s5 =	sshll.u32 s26, $0x1;
	_ =	strace $0x8000004C;
	[dreg:$0x1] =	wrdreg $0xFFFFFFFF  }
0xa7: {  	s28 =	simm.s32 $_size_execute0_lowered;
	s3 =	sadd.s32 s3, s5;
	[dreg:$0x0] =	wrdreg $0x0  }
0xa8: {  	s5 =	sshll.u32 s28, $0x1;
	[dreg:$0x2] =	wrdreg s3  }
0xa9: {  	[dreg:$0x3] =	wrdreg s5  }
0xaa: {  	[dreg:$0x4] =	wrdreg $0xC0  }
0xab: {  	_ =	task [dreg:s7], $0x5FFFF  }
0xac: {  	[dreg:$0x1] =	wrdreg $0xFFFFFFFF  }
0xad: {  	[dreg:$0x0] =	wrdreg $0x60  }
0xae: {  	[dreg:$0x2] =	wrdreg s2  }
0xaf: {  	[dreg:$0x3] =	wrdreg s24  }
0xb0: {  	[dreg:$0x4] =	wrdreg $0x9  }
0xb1: {  	_ =	task.clear_ibuf [dreg:s7], $0x5FFFF;
	_ =	strace $0x9000004C  }
0xb2: {  	s29 =	simm.s32 $0x9;
	_ =	strace $0x8000004E  }
0xb3: {  	_ =	swait.ge [sflag:s29], $0x1  }
0xb4: {  	[sflag:s29] =	ssyncadd.s32 $0xFFFFFFFF  }
0xb5: {  	_ =	strace $0x9000004E  }
0xb6: {  	_ =	sfence  }
0xb7: {  	s30 =	sld [smem:$0x0];
	_ =	sdelay $0x2  }
0xb8: {  	s31 =	sshll.u32 s1, $0xD;
	s1 =	sshrl.u32 s1, $0x2  }
0xb9: {  	s3 =	sand.u32 $0x4000, s31;
	s1 =	sadd.s32 s1, s30  }
0xba: {  	s0 =	sor.u32 s3, s0;
	s1 =	sshll.u32 s1, $0x11  }
0xbb: {  	s0 =	sor.u32 s1, s0  }
0xbc: {  	s0 =	sadd.s32 $0x8F2B, s0  }
0xbd: {  	[sflag:s0] =	ssyncadd.remote.s32 $0x1  }
0xbe: {  	_ =	sfence.sel $0xFFFF  }
0xbf: {  	[dreg:$0x0] =	wrdreg $0xFFFFFFFF;
	(pc) =	sbr.abs _section_cstart, $3  }
0xc0: {  	[dreg:$0x1] =	wrdreg $0xFFFFFFFF  }
0xc1: {  	_ =	task.clear_ibuf [dreg:s7], $0x2FFFF;
	_ =	strace $0x9FFFFFFF  }
0xc2: {  	(tm) =	ssettm $0x7FFFFFFF  }
0xc3: {  	_ =	shalt  }
tec
execute0_lowered:
.L_overlay_start_1:
0x0: {  	(tag) =	ssettag $0x1  }
0x1: {  	s1 =	rddreg [dreg:$0x0]  }
0x2: {  	s6 =	rddreg [dreg:$0x1]  }
0x3: {  	s0 =	rddreg [dreg:$0x2];
	s2 =	simm.s32 $0x0  }
0x4: {  	s3 =	srdreg.scid;
	s12 =	simm.s32 $0xE300;
	s13 =	simm.s32 $0x4  }
0x5: {  	s14 =	simm.s32 $0x2100;
	s15 =	simm.s32 $0x1080;
	s16 =	simm.s32 $0x4200  }
0x6: {  	s17 =	simm.s32 $0x5280;
	s18 =	simm.s32 $0x1;
	s19 =	simm.s32 $0x2  }
0x7: {  	s20 =	simm.s32 $0x0;
	[smem:$0x7FF] =	sst s2;
	s4 =	sadd.s32 $0x4600, s6  }
0x8: {  	s7 =	sand.u32 $0x1, s3;
	s5 =	sadd.s32 $0x25600, s6;
	s3 =	stileid.u32  }
.Ltmp0:
0x9: {  	s6 =	sadd.s32 $0x46600, s6;
	_ =	strace $0x8000004D;
	(pc) =	sbr.rel .LBB2_1-.Ltmp0, $4  }
0xa: {  	s8 =	ssub.s32 $0x2, s7;
	s10 =	sshll.u32 s3, $0x1;
	s11 =	smul.u32 $0x10800, s3  }
0xb: {  	s31 =	smul.u32 $0x8400, s7;
	s9 =	sshrl.u32 s8, $0x1;
	s30 =	sor.u32 s7, s10  }
0xc: {  	s10 =	simm.s32 $0x6300;
	s8 =	ssub.s32 s8, s9;
	s7 =	smul.u32 $0x8400, s30  }
0xd: {  	v0 =	vlaneseq.u32;
	s9 =	sadd.s32 s31, s11;
	s11 =	simm.s32 $0x3;
	s8 =	smax.u32 s8, $0x1  }
.LBB2_20:
0xe: {  	s20 =	sadd.s32 $0x1, s20  }
0xf: {  	p0 =	sne.s32 s20, s8  }
.Ltmp1:
0x10: {  	_ = 	snop;
	(pc) =	sbr.rel @!p0 .LBB2_21-.Ltmp1, $1  }
0x11: {  	_ =	sdelay $0x3  }
.LBB2_1:
0x12: {  	[tilespmem:s10], [sflag:$0x3] =	stream.linear.gather [hbm4b:s1+s2], $0x8000, $0x38;
	[tilespmem:$0x16300] =	vst v63  }
0x13: {  	_ =	swait.ge [sflag:s11], $0x8000  }
0x14: {  	[sflag:s11] =	ssyncset.done $0x0  }
.Ltmp2:
0x15: {  	[sflag:s11] =	ssyncadd.s32 $0xFFFF8000;
	(pc) =	sbr.rel .LBB2_2-.Ltmp2, $4  }
0x16: {  	[tilespmem:s12], [sflag:$0x3] =	stream.linear.gather [hbm4b:s4+s2], $0x8000, $0x38;
	[tilespmem:$0x16300] =	vst v63  }
0x17: {  	_ =	swait.ge [sflag:s11], $0x8000  }
0x18: {  	[sflag:s11] =	ssyncset.done $0x0  }
0x19: {  	s21 =	smov.u32 s9;
	s22 =	simm.s32 $0x0;
	[sflag:s11] =	ssyncadd.s32 $0xFFFF8000  }
.LBB2_10:
0x1a: {  	s24 =	simm.s32 $0x0  }
.LBB2_15:
0x1b: {  	_ =	sdelay $0x1  }
0x1c: {  	v2 =	vld [tilespmem:s24+$0x5280];
	[tilespmem:s25+$0x2100] =	vst @p0 v5  }
0x1d: {  	v5 =	vld [tilespmem:s24+$0x2100];
	[tilespmem:s25+$0x3180] =	vst @p0 v4  }
0x1e: {  	v4 =	vld.idx.msk [tilespmem:v1+s12+$0x0], $0xffff  }
0x1f: {  	v1 =	vld.idx.msk [tilespmem:v1+s10+$0x0], $0xffff  }
0x20: {  	v6 =	vld [tilespmem:s24+$0x4200];
	_ =	sdelay $0x2  }
0x21: {  	vm0 =	vlt.s32 v3, $0x8000  }
0x22: {  	v2 =	vsel vm0, v4, v2  }
0x23: {  	v1 =	vsel vm0, v1, v6;
	v2 =	vadd.f32 v2, v5  }
0x24: {  	[tilespmem:s24+$0x3180] =	vst v1  }
0x25: {  	s25 =	simm.s32 $0x3180;
	[tilespmem:s24+$0x2100] =	vst v2;
	s24 =	simm.s32 $0x4  }
.LBB2_18:
0x26: {  	s26 =	sadd.s32 s5, s23  }
0x27: {  	[hbm4b:s26+s2] =	stream.linear.scatter [tilespmem:s25], [sflag:$0x4], $0x1080, $0x38;
	[tilespmem:$0x16300] =	vst v63  }
0x28: {  	_ =	swait.ge [sflag:s13], $0x1080  }
0x29: {  	[sflag:s13] =	ssyncset.done $0x0  }
0x2a: {  	s31 =	sadd.s32 s6, s23;
	[sflag:s13] =	ssyncadd.s32 $0xFFFFEF80  }
0x2b: {  	[hbm4b:s31+s2] =	stream.linear.scatter [tilespmem:s14], [sflag:s24], $0x1080, $0x38;
	[tilespmem:$0x16300] =	vst v63  }
0x2c: {  	_ =	swait.ge [sflag:s24], $0x1080  }
0x2d: {  	[sflag:s24] =	ssyncset.done $0x0  }
0x2e: {  	[sflag:s24] =	ssyncadd.s32 $0xFFFFEF80  }
.LBB2_19:
0x2f: {  	s22 =	sadd.s32 $0x1, s22  }
0x30: {  	p0 =	sne.s32 s22, $0x8  }
.Ltmp3:
0x31: {  	_ = 	snop;
	(pc) =	sbr.rel @!p0 .LBB2_20-.Ltmp3, $2  }
0x32: {  	_ =	sdelay $0x2  }
0x33: {  	s21 =	sadd.s32 $0x1080, s21  }
.LBB2_2:
0x34: {  	s23 =	smul.u32 $0x1080, s22;
	_ =	sdelay $0x1  }
0x35: {  	s23 =	sadd.s32 s7, s23  }
0x36: {  	s23 =	sshrl.u32 s23, $0x3  }
0x37: {  	s25 =	simm.s32 $0x0;
	s24 =	sadd.s32 s1, s23  }
0x38: {  	[tilespmem:s25], [sflag:$0x4] =	stream.linear.gather [hbm4b:s24+s25], $0x1080, $0x38;
	[tilespmem:$0x16300] =	vst v63  }
0x39: {  	_ =	swait.ge [sflag:s13], $0x1080  }
0x3a: {  	[sflag:s13] =	ssyncset.done $0x0  }
0x3b: {  	s30 =	sadd.s32 s4, s23;
	[sflag:s13] =	ssyncadd.s32 $0xFFFFEF80  }
0x3c: {  	[tilespmem:s14], [sflag:$0x4] =	stream.linear.gather [hbm4b:s30+s25], $0x1080, $0x38;
	[tilespmem:$0x16300] =	vst v63  }
0x3d: {  	_ =	swait.ge [sflag:s13], $0x1080  }
0x3e: {  	[sflag:s13] =	ssyncset.done $0x0  }
0x3f: {  	s31 =	simm.s32 $0x0;
	[sflag:s13] =	ssyncadd.s32 $0xFFFFEF80  }
0x40: {  	v3 =	vimm.s32 $0x0;
	v1 =	vimm.s32 $0x0;
	s24 =	simm.s32 $0x40;
	v2 =	vld [tilespmem:s31+$0x0]  }
.LBB2_3:
0x41: {  	p0 =	sne.s32 s24, $0x41C0  }
.Ltmp4:
0x42: {  	_ = 	snop;
	(pc) =	sbr.rel @p0 .LBB2_3-.Ltmp4, $3  }
0x43: {  	_ =	sdelay $0x1  }
0x44: {  	s25 =	sshra.s32 s24, $0x2;
	s24 =	sadd.s32 $0x40, s24;
	v3 =	vor.u32 v3, v2;
	v4 =	vshrl.u32 v2, $0xF  }
0x45: {  	v2 =	vld [tilespmem:s25+$0x0];
	v1 =	vor.u32 v1, v4  }
0x46: {  	_ =	sdelay $0x3  }
0x47: {  	v3 =	vor.u32 v3, v2  }
0x48: {  	(v2sf) =	vpush v3, $0x0  }
0x49: {  	(v2sf) =	vpush v3, $0x1  }
0x4a: {  	(v2sf) =	vpush v3, $0x2  }
0x4b: {  	(v2sf) =	vpush v3, $0x3  }
0x4c: {  	(v2sf) =	vpush v3, $0x4  }
0x4d: {  	(v2sf) =	vpush v3, $0x5  }
0x4e: {  	(v2sf) =	vpush v3, $0x6  }
0x4f: {  	(v2sf) =	vpush v3, $0x7  }
0x50: {  	(v2sf) =	vpush v3, $0x8  }
0x51: {  	(v2sf) =	vpush v3, $0x9  }
0x52: {  	(v2sf) =	vpush v3, $0xA  }
0x53: {  	(v2sf) =	vpush v3, $0xB  }
0x54: {  	(v2sf) =	vpush v3, $0xC  }
0x55: {  	(v2sf) =	vpush v3, $0xD  }
0x56: {  	(v2sf) =	vpush v3, $0xE  }
0x57: {  	s24 =	spop (v2sf);
	(v2sf) =	vpush v3, $0xF  }
0x58: {  	s25 =	spop (v2sf)  }
0x59: {  	s24 =	sor.u32 s25, s24;
	s28 =	spop (v2sf)  }
0x5a: {  	s24 =	sor.u32 s28, s24;
	s29 =	spop (v2sf)  }
0x5b: {  	s24 =	sor.u32 s29, s24;
	s30 =	spop (v2sf)  }
0x5c: {  	s24 =	sor.u32 s30, s24;
	s31 =	spop (v2sf)  }
0x5d: {  	s24 =	sor.u32 s31, s24;
	s26 =	spop (v2sf)  }
0x5e: {  	s24 =	sor.u32 s26, s24;
	s28 =	spop (v2sf)  }
0x5f: {  	s24 =	sor.u32 s28, s24;
	s29 =	spop (v2sf)  }
0x60: {  	s24 =	sor.u32 s29, s24;
	s30 =	spop (v2sf)  }
0x61: {  	s24 =	sor.u32 s30, s24;
	s31 =	spop (v2sf)  }
0x62: {  	s24 =	sor.u32 s31, s24;
	s26 =	spop (v2sf)  }
0x63: {  	s24 =	sor.u32 s26, s24;
	s28 =	spop (v2sf)  }
0x64: {  	s24 =	sor.u32 s28, s24;
	s29 =	spop (v2sf)  }
0x65: {  	s24 =	sor.u32 s29, s24;
	s30 =	spop (v2sf)  }
0x66: {  	s24 =	sor.u32 s30, s24;
	s31 =	spop (v2sf)  }
0x67: {  	s24 =	sor.u32 s31, s24  }
0x68: {  	p0 =	slt.s32 s24, $0x1  }
.Ltmp5:
0x69: {  	_ = 	snop;
	(pc) =	sbr.rel @p0 .LBB2_16-.Ltmp5, $3  }
0x6a: {  	_ =	sdelay $0x1  }
0x6b: {  	v2 =	vshrl.u32 v2, $0xF  }
0x6c: {  	v1 =	vor.u32 v1, v2  }
0x6d: {  	(v2sf) =	vpush v1, $0x0  }
0x6e: {  	(v2sf) =	vpush v1, $0x1  }
0x6f: {  	(v2sf) =	vpush v1, $0x2  }
0x70: {  	(v2sf) =	vpush v1, $0x3  }
0x71: {  	(v2sf) =	vpush v1, $0x4  }
0x72: {  	(v2sf) =	vpush v1, $0x5  }
0x73: {  	(v2sf) =	vpush v1, $0x6  }
0x74: {  	(v2sf) =	vpush v1, $0x7  }
0x75: {  	(v2sf) =	vpush v1, $0x8  }
0x76: {  	(v2sf) =	vpush v1, $0x9  }
0x77: {  	(v2sf) =	vpush v1, $0xA  }
0x78: {  	(v2sf) =	vpush v1, $0xB  }
0x79: {  	(v2sf) =	vpush v1, $0xC  }
0x7a: {  	(v2sf) =	vpush v1, $0xD  }
0x7b: {  	(v2sf) =	vpush v1, $0xE  }
0x7c: {  	s24 =	spop (v2sf);
	(v2sf) =	vpush v1, $0xF  }
0x7d: {  	s25 =	spop (v2sf)  }
0x7e: {  	s24 =	sor.u32 s25, s24;
	s28 =	spop (v2sf)  }
0x7f: {  	s24 =	sor.u32 s28, s24;
	s29 =	spop (v2sf)  }
0x80: {  	s24 =	sor.u32 s29, s24;
	s30 =	spop (v2sf)  }
0x81: {  	s24 =	sor.u32 s30, s24;
	s31 =	spop (v2sf)  }
0x82: {  	s24 =	sor.u32 s31, s24;
	s26 =	spop (v2sf)  }
0x83: {  	s24 =	sor.u32 s26, s24;
	s28 =	spop (v2sf)  }
0x84: {  	s24 =	sor.u32 s28, s24;
	s29 =	spop (v2sf)  }
0x85: {  	s24 =	sor.u32 s29, s24;
	s30 =	spop (v2sf)  }
0x86: {  	s24 =	sor.u32 s30, s24;
	s31 =	spop (v2sf)  }
0x87: {  	s24 =	sor.u32 s31, s24;
	s26 =	spop (v2sf)  }
0x88: {  	s24 =	sor.u32 s26, s24;
	s28 =	spop (v2sf)  }
0x89: {  	s24 =	sor.u32 s28, s24;
	s29 =	spop (v2sf)  }
0x8a: {  	s24 =	sor.u32 s29, s24;
	s30 =	spop (v2sf)  }
0x8b: {  	s24 =	sor.u32 s30, s24;
	s31 =	spop (v2sf)  }
0x8c: {  	s24 =	sor.u32 s31, s24  }
0x8d: {  	p0 =	slt.s32 s24, $0x1  }
.Ltmp6:
0x8e: {  	_ = 	snop;
	(pc) =	sbr.rel @p0 .LBB2_9-.Ltmp6, $1  }
0x8f: {  	_ =	sdelay $0x3  }
0x90: {  	s24 =	simm.s32 $0x0  }
0x91: {  	v1 =	vld [tilespmem:s24+$0x0];
	_ =	sdelay $0x3  }
0x92: {  	s25 =	simm.s32 $0x40;
	s26 =	smov.u32 s21  }
.LBB2_7:
0x93: {  	s28 =	sshra.s32 s25, $0x2;
	p0 =	sne.s32 s25, $0x41C0;
	s25 =	sadd.s32 $0x40, s25;
	v2 =	vor.u32 s26, v0;
	vm0 =	vlt.s32 v1, $0x8000  }
.Ltmp7:
0x94: {  	v2 =	vsel vm0, v2, v1;
	v1 =	vld [tilespmem:s28+$0x0];
	(pc) =	sbr.rel @p0 .LBB2_7-.Ltmp7, $2  }
0x95: {  	[tilespmem:s24+$0x1080] =	vst v2;
	s24 =	smov.u32 s28;
	_ =	sdelay $0x2  }
0x96: {  	s26 =	sadd.s32 $0x10, s26  }
0x97: {  	v2 =	vor.u32 s26, v0;
	vm0 =	vlt.s32 v1, $0x8000  }
0x98: {  	v1 =	vsel vm0, v2, v1  }
0x99: {  	[tilespmem:s24+$0x1080] =	vst v1  }
0x9a: {  	[tilespmem:s16], [sflag:$0x1] =	stream.indirect.gather [hbm4b:s1+s15], $0x1, s15, s15, $0xb8;
	[tilespmem:$0x16300] =	vst v63  }
0x9b: {  	_ = 	snop  }
0x9c: {  	[tilespmem:s17], [sflag:$0x2] =	stream.indirect.gather [hbm4b:s4+s15], $0x1, s15, s15, $0xb8;
	[tilespmem:$0x16300] =	vst v63  }
0x9d: {  	_ =	swait.ge [sflag:s18], $0x1080  }
0x9e: {  	[sflag:s18] =	ssyncset.done $0x0  }
0x9f: {  	[sflag:s18] =	ssyncadd.s32 $0xFFFFEF80  }
0xa0: {  	_ =	swait.ge [sflag:s19], $0x1080  }
0xa1: {  	[sflag:s19] =	ssyncset.done $0x0  }
0xa2: {  	[sflag:s19] =	ssyncadd.s32 $0xFFFFEF80  }
.LBB2_9:
0xa3: {  	s25 =	simm.s32 $0x0  }
0xa4: {  	p1 =	por $0x0, $0x0;
	v3 =	vld [tilespmem:s25+$0x0]  }
.Ltmp8:
0xa5: {  	_ = 	snop;
	(pc) =	sbr.rel @p1 .LBB2_10-.Ltmp8, $2  }
0xa6: {  	_ =	sdelay $0x2  }
0xa7: {  	p0 =	por $0x0, $0x0;
	v1 =	vand.u32 $0x7FFF, v3  }
0xa8: {  	_ =	sdelay $0x1  }
0xa9: {  	v4 =	vld [tilespmem:s25+$0x5280]  }
0xaa: {  	v5 =	vld [tilespmem:s25+$0x2100]  }
0xab: {  	s24 =	simm.s32 $0x10;
	v6 =	vld.idx.msk [tilespmem:v1+s12+$0x0], $0xffff  }
0xac: {  	v2 =	vld [tilespmem:s24+$0x0]  }
0xad: {  	v7 =	vld.idx.msk [tilespmem:v1+s10+$0x0], $0xffff  }
0xae: {  	v8 =	vld [tilespmem:s25+$0x4200];
	p1 =	por $0x0, $0x0  }
.Ltmp9:
0xaf: {  	_ = 	snop;
	(pc) =	sbr.rel @p1 .LBB2_12-.Ltmp9, $4  }
0xb0: {  	vm0 =	vlt.s32 v3, $0x8000  }
0xb1: {  	v3 =	vsel vm0, v6, v4;
	v1 =	vand.u32 $0x7FFF, v2  }
0xb2: {  	v5 =	vadd.f32 v3, v5  }
0xb3: {  	s26 =	simm.s32 $0x80;
	p0 =	por $0x1, $0x1;
	v4 =	vsel vm0, v7, v8  }
.LBB2_13:
0xb4: {  	p1 =	seq.s32 s26, $0x41C0;
	v3 =	vld [tilespmem:s24+$0x5280];
	[tilespmem:s25+$0x2100] =	vst v5;
	s28 =	smov.u32 s26;
	s26 =	sadd.s32 $0x40, s26  }
0xb5: {  	v5 =	vld [tilespmem:s24+$0x2100];
	[tilespmem:s25+$0x3180] =	vst v4;
	s25 =	smov.u32 s24  }
0xb6: {  	s24 =	sshra.s32 s28, $0x2;
	v4 =	vld.idx.msk [tilespmem:v1+s12+$0x0], $0xffff  }
0xb7: {  	v6 =	vld [tilespmem:s24+$0x0]  }
0xb8: {  	v7 =	vld.idx.msk [tilespmem:v1+s10+$0x0], $0xffff  }
0xb9: {  	v8 =	vld [tilespmem:s25+$0x4200]  }
.Ltmp10:
0xba: {  	(pc) =	sbr.rel @!p1 .LBB2_13-.Ltmp10, $4  }
0xbb: {  	vm0 =	vlt.s32 v2, $0x8000  }
0xbc: {  	v3 =	vsel vm0, v4, v3;
	v1 =	vand.u32 $0x7FFF, v6;
	v2 =	vmov v6  }
0xbd: {  	v5 =	vadd.f32 v3, v5  }
0xbe: {  	v4 =	vsel vm0, v7, v8  }
.Ltmp11:
0xbf: {  	(pc) =	sbr.rel .LBB2_15-.Ltmp11, $2  }
0xc0: {  	_ =	sdelay $0x2  }
0xc1: {  	v3 =	vmov v2  }
.LBB2_16:
0xc2: {  	p0 =	sne.s32 s24, $0x0  }
.Ltmp12:
0xc3: {  	_ = 	snop;
	(pc) =	sbr.rel @p0 .LBB2_19-.Ltmp12, $1  }
0xc4: {  	_ =	sdelay $0x3  }
.Ltmp13:
0xc5: {  	(pc) =	sbr.rel .LBB2_18-.Ltmp13, $2  }
0xc6: {  	_ =	sdelay $0x2  }
0xc7: {  	s24 =	simm.s32 $0x3;
	s25 =	simm.s32 $0x0  }
.LBB2_12:
.Ltmp14:
0xc8: {  	(pc) =	sbr.rel .LBB2_15-.Ltmp14, $2  }
0xc9: {  	_ =	sdelay $0x2  }
0xca: {  	v3 =	vmov v2  }
.LBB2_21:
0xcb: {  	_ =	sfence.sel $0x180000  }
0xcc: {  	[bflag:$0x0] =	sbarrier.arrive $0xFFFF  }
0xcd: {  	p0 =	sne.s32 s3, $0x0;
	_ =	strace $0x9000004D  }
0xce: {  	s0 =	sadd.s32 @!p0 $0x100000, s0;
	[bflag:$0x2] =	sbarrier.arrive $0xFFFF  }
0xcf: {  	[sflag:s0] =	ssyncadd.tile.s32 @!p0 $0x1;
	_ =	shalt  }
.Lfunc_end2:
_tile_overlayer_lowered:
.L_overlay_start_2:
0xd0: {  	(tag) =	ssettag $0x2  }
0xd1: {  	s0 =	rddreg [dreg:$0x0];
	s2 =	stileid.u32  }
0xd2: {  	s1 =	rddreg [dreg:$0x1];
	p0 =	sne.s32 s2, $0x0  }
0xd3: {  	s3 =	rddreg [dreg:$0x2];
	[bflag:$0x3] =	sbarrier.arrive $0xFFFF;
	s2 =	simm.s32 @!p0 $0x1C03  }
0xd4: {  	[timem:s3], [sflag:s2] =	dma.local @!p0 [hbm:s0], s1  }
0xd5: {  	s0 =	simm.s32 @!p0 $0x3  }
0xd6: {  	_ =	swait.ge @!p0 [sflag:s0], s1  }
0xd7: {  	s1 =	ssub.s32 @!p0 $0x0, s1;
	[sflag:s0] =	ssyncset.done @!p0 $0x0  }
0xd8: {  	[sflag:s0] =	ssyncadd.s32 @!p0 s1  }
0xd9: {  	[bflag:$0x3] =	sbarrier.arrive $0xFFFF  }
0xda: {  	_ =	shalt  }

// kernel: kernel.19.cloned.1.call-start
scs
__scs_entry_jumppad:
0x0: {  	(pc) =	sbr.rel $0x88, $3  }
0x1: {  	(tag) =	ssettag $0x0;
	lr =	simm.s32 $0x1  }
0x2: {  	[smem:$0x3F9B] =	sst lr;
	_ =	strace $0xD0000000  }
0x3: {  	_ = 	snop  }
0x4: {  	_ = 	snop  }
0x5: {  	_ = 	snop  }
0x6: {  	_ = 	snop  }
0x7: {  	_ = 	snop  }
__scs_overlays_trampoline_lowered:
0x8: {  	[smem:$0x3FAA] =	sst s0  }
0x9: {  	[smem:$0x3FAB] =	sst s1  }
0xa: {  	[smem:$0x3FAC] =	sst s2  }
0xb: {  	[smem:$0x3FAD] =	sst s3  }
0xc: {  	[smem:$0x3FAE] =	sst s4  }
0xd: {  	[smem:$0x3FAF] =	sst s5  }
0xe: {  	[smem:$0x3FB0] =	sst s6  }
0xf: {  	[smem:$0x3FB1] =	sst s7  }
0x10: {  	[smem:$0x3FB2] =	sst s8  }
0x11: {  	[smem:$0x3FB3] =	sst s9;
	s0 =	simm.s32 @!p0 $0x0  }
0x12: {  	s1 =	sld [smem:$0x3F99];
	s0 =	simm.s32 @p0 $0x1  }
0x13: {  	[smem:$0x3FB4] =	sst s0;
	s0 =	simm.s32 @!p1 $0x0  }
0x14: {  	s2 =	sld [smem:$0x3F98];
	s0 =	simm.s32 @p1 $0x1  }
0x15: {  	[smem:$0x3FB5] =	sst s0;
	s0 =	simm.s32 @!p2 $0x0  }
0x16: {  	s3 =	sld [smem:$0x3FDB];
	s0 =	simm.s32 @p2 $0x1  }
0x17: {  	s4 =	simm.s32 $0x1BF5;
	[smem:$0x3FB7] =	sst s0  }
0x18: {  	s0 =	sld [smem:$0x3F9A];
	_ =	swait.ge [sflag:s4], $0x0  }
0x19: {  	s7 =	sld [smem:$0x3F9B]  }
0x1a: {  	s8 =	sadd.s32 $0xFFFFE003, lr  }
0x1b: {  	s9 =	sadd.s32 $0xFFFFFEF7, lr;
	s5 =	simm.s32 $0xFFFFFFFF;
	p2 =	slt.u32 s8, $0xFFFFF086  }
0x1c: {  	p1 =	slt.u32 s9, $0xF7A;
	s5 =	simm.s32 @!p2 $0x0  }
0x1d: {  	s5 =	simm.s32 @p1 $0x1;
	p0 =	seq.s32 s7, s2  }
0x1e: {  	s7 =	smul.u32 @!p0 $0xF7A, s2;
	p2 =	seq.s32 @!p0 s5, $0x0  }
0x1f: {  	s9 =	smul.u32 $0xF7A, s1;
	s8 =	simm.s32 @!p0 $0x1BF5;
	p2 =	por !p2, p0  }
0x20: {  	[sflag:s8] =	ssyncset.s32 @!p0 $0xFFFFF086;
	s6 =	sadd.s32 @!p0 s3, s7;
	s7 =	simm.s32 @!p0 $0x108  }
0x21: {  	s3 =	sadd.s32 s3, s9;
	s6 =	sadd.s32 @!p0 $0x88, s6;
	s7 =	simm.s32 @p2 $0x1082  }
0x22: {  	[simem:s7], [sflag:s8] =	dma.local @!p0 [hbm:s6], $0xF7A  }
0x23: {  	s9 =	sor.u32 $0xD0000000, s2;
	s6 =	simm.s32 $0x108;
	_ =	swait.ge @!p0 [sflag:s8], $0x0  }
0x24: {  	s3 =	sadd.s32 $0x88, s3;
	s6 =	simm.s32 @!p1 $0x1082;
	[sflag:s4] =	ssyncset.s32 $0xFFFFF086  }
0x25: {  	[simem:s6], [sflag:s4] =	dma.local [hbm:s3], $0xF7A  }
0x26: {  	[smem:$0x3F9B] =	sst s1;
	(tag) =	ssettag s2;
	_ =	strace s9  }
0x27: {  	s1 =	sld [smem:$0x3FAB]  }
0x28: {  	s2 =	sld [smem:$0x3FAC]  }
0x29: {  	s4 =	sld [smem:$0x3FAE]  }
0x2a: {  	p0 =	seq.s32 s5, $0x0;
	s5 =	sld [smem:$0x3FAF]  }
0x2b: {  	s6 =	sld [smem:$0x3FB0]  }
0x2c: {  	s7 =	sld [smem:$0x3FB1]  }
0x2d: {  	s3 =	simm.s32 $0x108;
	s8 =	sld [smem:$0x3FB2]  }
0x2e: {  	s3 =	simm.s32 @!p0 $0x1082;
	s9 =	sld [smem:$0x3FB3]  }
0x2f: {  	lr =	sadd.s32 s0, s3;
	s0 =	sld [smem:$0x3FAA]  }
0x30: {  	s3 =	sld [smem:$0x3FAD]  }
0x31: {  	[smem:$0x3FB6] =	sst s10  }
0x32: {  	s10 =	sld [smem:$0x3FB4];
	_ =	sdelay $0x3  }
0x33: {  	p0 =	seq.s32 s10, $0x1;
	s10 =	sld [smem:$0x3FB6];
	_ =	sdelay $0x3  }
0x34: {  	[smem:$0x3FB6] =	sst s10  }
0x35: {  	s10 =	sld [smem:$0x3FB5];
	_ =	sdelay $0x3  }
0x36: {  	p1 =	seq.s32 s10, $0x1;
	s10 =	sld [smem:$0x3FB6];
	_ =	sdelay $0x3  }
0x37: {  	[smem:$0x3FB6] =	sst s10  }
0x38: {  	s10 =	sld [smem:$0x3FB7]  }
0x39: {  	_ = 	snop;
	(pc) =	sbr.ind lr, $3  }
0x3a: {  	_ = 	snop  }
0x3b: {  	_ = 	snop  }
0x3c: {  	p2 =	seq.s32 s10, $0x1;
	s10 =	sld [smem:$0x3FB6]  }
0x3d: {  	_ =	shalt  }
0x3e: {  	_ =	shalt  }
0x3f: {  	_ =	shalt  }
0x40: {  	_ =	shalt  }
0x41: {  	_ =	shalt  }
0x42: {  	_ =	shalt  }
0x43: {  	_ =	shalt  }
0x44: {  	_ =	shalt  }
0x45: {  	_ =	shalt  }
0x46: {  	_ =	shalt  }
0x47: {  	_ =	shalt  }
0x48: {  	_ =	shalt  }
0x49: {  	_ =	shalt  }
0x4a: {  	_ =	shalt  }
0x4b: {  	_ =	shalt  }
0x4c: {  	_ =	shalt  }
0x4d: {  	_ =	shalt  }
0x4e: {  	_ =	shalt  }
0x4f: {  	_ =	shalt  }
0x50: {  	_ =	shalt  }
0x51: {  	_ =	shalt  }
0x52: {  	_ =	shalt  }
0x53: {  	_ =	shalt  }
0x54: {  	_ =	shalt  }
0x55: {  	_ =	shalt  }
0x56: {  	_ =	shalt  }
0x57: {  	_ =	shalt  }
0x58: {  	_ =	shalt  }
0x59: {  	_ =	shalt  }
0x5a: {  	_ =	shalt  }
0x5b: {  	_ =	shalt  }
0x5c: {  	_ =	shalt  }
0x5d: {  	_ =	shalt  }
0x5e: {  	_ =	shalt  }
0x5f: {  	_ =	shalt  }
0x60: {  	_ =	shalt  }
0x61: {  	_ =	shalt  }
0x62: {  	_ =	shalt  }
0x63: {  	_ =	shalt  }
0x64: {  	_ =	shalt  }
0x65: {  	_ =	shalt  }
0x66: {  	_ =	shalt  }
0x67: {  	_ =	shalt  }
0x68: {  	_ =	shalt  }
0x69: {  	_ =	shalt  }
0x6a: {  	_ =	shalt  }
0x6b: {  	_ =	shalt  }
0x6c: {  	_ =	shalt  }
0x6d: {  	_ =	shalt  }
0x6e: {  	_ =	shalt  }
0x6f: {  	_ =	shalt  }
0x70: {  	_ =	shalt  }
0x71: {  	_ =	shalt  }
0x72: {  	_ =	shalt  }
0x73: {  	_ =	shalt  }
0x74: {  	_ =	shalt  }
0x75: {  	_ =	shalt  }
0x76: {  	_ =	shalt  }
0x77: {  	_ =	shalt  }
0x78: {  	_ =	shalt  }
0x79: {  	_ =	shalt  }
0x7a: {  	_ =	shalt  }
0x7b: {  	_ =	shalt  }
0x7c: {  	_ =	shalt  }
0x7d: {  	_ =	shalt  }
0x7e: {  	_ =	shalt  }
0x7f: {  	_ =	shalt  }
0x80: {  	_ =	shalt  }
0x81: {  	_ =	shalt  }
0x82: {  	_ =	shalt  }
0x83: {  	_ =	shalt  }
0x84: {  	_ =	shalt  }
0x85: {  	_ =	shalt  }
0x86: {  	_ =	shalt  }
0x87: {  	_ =	shalt  }
.Lfunc_end0:
.L_simem_size_0:
called_computation.3_lowered:
.L_overlay_start_0:
0x88: {  	s2 =	sld [smem:$0x3FD9]  }
0x89: {  	s3 =	sld [smem:$0x3FFE];
	_ =	sdelay $0x1  }
0x8a: {  	s1 =	srdreg.scid  }
0x8b: {  	s0 =	sand.u32 $0x1, s1  }
0x8c: {  	s17 =	sshll.u32 s0, $0xA;
	s2 =	sadd.s32 s3, s2  }
0x8d: {  	s2 =	sadd.s32 s2, s17  }
0x8e: {  	[smem:$0x3FC2] =	sst s2  }
0x8f: {  	_ = 	snop  }
0x90: {  	s2 =	sld [smem:$0x3FD0];
	(tm) =	ssettm $0x1  }
0x91: {  	s18 =	sld [smem:$0x3FFB];
	_ =	sdelay $0x3  }
0x92: {  	_ =	strace s18  }
0x93: {  	s3 =	sld [smem:$0x3FFC];
	_ =	sdelay $0x3  }
0x94: {  	_ =	strace s3  }
0x95: {  	s3 =	sld [smem:$0x3FFD];
	_ =	sdelay $0x3  }
0x96: {  	_ =	strace s3  }
0x97: {  	_ =	strace $0x8FFFFFFF  }
0x98: {  	s19 =	sld [smem:$0x3FDB];
	_ =	sdelay $0x1  }
0x99: {  	s4 =	simm.s32 $_scs_section_size  }
0x9a: {  	s5 =	simm.s32 $_size__tile_overlayer_lowered;
	s6 =	simm.s32 $_tile_overlayer_lowered  }
0x9b: {  	s22 =	simm.s32 $0x1BFF;
	s21 =	sshll.u32 s6, $0x1;
	s3 =	sadd.s32 s4, s19  }
0x9c: {  	s7 =	simm.s32 $0x0;
	s20 =	sshll.u32 s5, $0x1;
	s5 =	sadd.s32 s21, s3  }
0x9d: {  	[timem:s7], [sflag:s22] =	dma.local [hbm:s5], s20  }
0x9e: {  	_ =	swait.ge [sflag:s22], s20  }
0x9f: {  	s4 =	ssub.s32 $0x0, s20;
	[sflag:s22] =	ssyncset.done $0x0  }
0xa0: {  	[sflag:s22] =	ssyncadd.s32 s4;
	_ =	sdelay $0x1  }
0xa1: {  	s23 =	simm.s32 $0x1B8B  }
0xa2: {  	_ =	swait.ge [sflag:s23], $0x1  }
0xa3: {  	[sflag:s23] =	ssyncset.done $0x0  }
0xa4: {  	s25 =	simm.s32 $0x1B8E;
	s24 =	sld [smem:$0x3FFE];
	[sflag:s23] =	ssyncadd.s32 $0xFFFFFFFF  }
0xa5: {  	s26 =	simm.s32 $execute0_lowered;
	[smem:$0x3FD2] =	sst s25  }
0xa6: {  	s5 =	sshll.u32 s26, $0x1;
	_ =	strace $0x8000004F;
	[dreg:$0x1] =	wrdreg $0xFFFFFFFF  }
0xa7: {  	s28 =	simm.s32 $_size_execute0_lowered;
	s3 =	sadd.s32 s3, s5;
	[dreg:$0x0] =	wrdreg $0x0  }
0xa8: {  	s5 =	sshll.u32 s28, $0x1;
	[dreg:$0x2] =	wrdreg s3  }
0xa9: {  	[dreg:$0x3] =	wrdreg s5  }
0xaa: {  	[dreg:$0x4] =	wrdreg $0xC0  }
0xab: {  	_ =	task [dreg:s7], $0x5FFFF  }
0xac: {  	[dreg:$0x1] =	wrdreg $0xFFFFFFFF  }
0xad: {  	[dreg:$0x0] =	wrdreg $0x60  }
0xae: {  	[dreg:$0x2] =	wrdreg s24  }
0xaf: {  	[dreg:$0x3] =	wrdreg s2  }
0xb0: {  	[dreg:$0x4] =	wrdreg $0x9  }
0xb1: {  	_ =	task.clear_ibuf [dreg:s7], $0x5FFFF;
	_ =	strace $0x9000004F  }
0xb2: {  	s29 =	simm.s32 $0x9;
	_ =	strace $0x80000051  }
0xb3: {  	_ =	swait.ge [sflag:s29], $0x1  }
0xb4: {  	[sflag:s29] =	ssyncadd.s32 $0xFFFFFFFF  }
0xb5: {  	_ =	strace $0x90000051  }
0xb6: {  	_ =	sfence  }
0xb7: {  	s30 =	sld [smem:$0x0];
	_ =	sdelay $0x2  }
0xb8: {  	s31 =	sshll.u32 s1, $0xD;
	s1 =	sshrl.u32 s1, $0x2  }
0xb9: {  	s3 =	sand.u32 $0x4000, s31;
	s1 =	sadd.s32 s1, s30  }
0xba: {  	s0 =	sor.u32 s3, s0;
	s1 =	sshll.u32 s1, $0x11  }
0xbb: {  	s0 =	sor.u32 s1, s0  }
0xbc: {  	s0 =	sadd.s32 $0x8F2B, s0  }
0xbd: {  	[sflag:s0] =	ssyncadd.remote.s32 $0x1  }
0xbe: {  	_ =	sfence.sel $0xFFFF  }
0xbf: {  	[dreg:$0x0] =	wrdreg $0xFFFFFFFF;
	(pc) =	sbr.abs _section_cstart, $3  }
0xc0: {  	[dreg:$0x1] =	wrdreg $0xFFFFFFFF  }
0xc1: {  	_ =	task.clear_ibuf [dreg:s7], $0x2FFFF;
	_ =	strace $0x9FFFFFFF  }
0xc2: {  	(tm) =	ssettm $0x7FFFFFFF  }
0xc3: {  	_ =	shalt  }
tec
execute0_lowered:
.L_overlay_start_1:
0x0: {  	(tag) =	ssettag $0x1  }
0x1: {  	s6 =	rddreg [dreg:$0x0]  }
0x2: {  	s1 =	rddreg [dreg:$0x1]  }
0x3: {  	s0 =	rddreg [dreg:$0x2];
	s2 =	simm.s32 $0x0  }
0x4: {  	s3 =	srdreg.scid;
	s12 =	simm.s32 $0xE300;
	s13 =	simm.s32 $0x4  }
0x5: {  	s14 =	simm.s32 $0x2100;
	s15 =	simm.s32 $0x1080;
	s16 =	simm.s32 $0x4200  }
0x6: {  	s17 =	simm.s32 $0x5280;
	s18 =	simm.s32 $0x1;
	s19 =	simm.s32 $0x2  }
0x7: {  	s20 =	simm.s32 $0x0;
	[smem:$0x7FF] =	sst s2;
	s4 =	sadd.s32 $0x25600, s6  }
0x8: {  	s7 =	sand.u32 $0x1, s3;
	s5 =	sadd.s32 $0x46600, s6;
	s3 =	stileid.u32  }
.Ltmp0:
0x9: {  	s6 =	sadd.s32 $0x4600, s6;
	_ =	strace $0x80000050;
	(pc) =	sbr.rel .LBB2_1-.Ltmp0, $4  }
0xa: {  	s8 =	ssub.s32 $0x2, s7;
	s10 =	sshll.u32 s3, $0x1;
	s11 =	smul.u32 $0x10800, s3  }
0xb: {  	s31 =	smul.u32 $0x8400, s7;
	s9 =	sshrl.u32 s8, $0x1;
	s30 =	sor.u32 s7, s10  }
0xc: {  	s10 =	simm.s32 $0x6300;
	s8 =	ssub.s32 s8, s9;
	s7 =	smul.u32 $0x8400, s30  }
0xd: {  	v0 =	vlaneseq.u32;
	s9 =	sadd.s32 s31, s11;
	s11 =	simm.s32 $0x3;
	s8 =	smax.u32 s8, $0x1  }
.LBB2_20:
0xe: {  	s20 =	sadd.s32 $0x1, s20  }
0xf: {  	p0 =	sne.s32 s20, s8  }
.Ltmp1:
0x10: {  	_ = 	snop;
	(pc) =	sbr.rel @!p0 .LBB2_21-.Ltmp1, $1  }
0x11: {  	_ =	sdelay $0x3  }
.LBB2_1:
0x12: {  	[tilespmem:s10], [sflag:$0x3] =	stream.linear.gather [hbm4b:s4+s2], $0x8000, $0x38;
	[tilespmem:$0x16300] =	vst v63  }
0x13: {  	_ =	swait.ge [sflag:s11], $0x8000  }
0x14: {  	[sflag:s11] =	ssyncset.done $0x0  }
.Ltmp2:
0x15: {  	[sflag:s11] =	ssyncadd.s32 $0xFFFF8000;
	(pc) =	sbr.rel .LBB2_2-.Ltmp2, $4  }
0x16: {  	[tilespmem:s12], [sflag:$0x3] =	stream.linear.gather [hbm4b:s5+s2], $0x8000, $0x38;
	[tilespmem:$0x16300] =	vst v63  }
0x17: {  	_ =	swait.ge [sflag:s11], $0x8000  }
0x18: {  	[sflag:s11] =	ssyncset.done $0x0  }
0x19: {  	s21 =	smov.u32 s9;
	s22 =	simm.s32 $0x0;
	[sflag:s11] =	ssyncadd.s32 $0xFFFF8000  }
.LBB2_10:
0x1a: {  	s24 =	simm.s32 $0x0  }
.LBB2_15:
0x1b: {  	_ =	sdelay $0x1  }
0x1c: {  	v2 =	vld [tilespmem:s24+$0x5280];
	[tilespmem:s25+$0x2100] =	vst @p0 v5  }
0x1d: {  	v5 =	vld [tilespmem:s24+$0x2100];
	[tilespmem:s25+$0x3180] =	vst @p0 v4  }
0x1e: {  	v4 =	vld.idx.msk [tilespmem:v1+s12+$0x0], $0xffff  }
0x1f: {  	v1 =	vld.idx.msk [tilespmem:v1+s10+$0x0], $0xffff  }
0x20: {  	v6 =	vld [tilespmem:s24+$0x4200];
	_ =	sdelay $0x2  }
0x21: {  	vm0 =	vlt.s32 v3, $0x8000  }
0x22: {  	v2 =	vsel vm0, v4, v2  }
0x23: {  	v1 =	vsel vm0, v1, v6;
	v2 =	vadd.f32 v2, v5  }
0x24: {  	[tilespmem:s24+$0x3180] =	vst v1  }
0x25: {  	s25 =	simm.s32 $0x3180;
	[tilespmem:s24+$0x2100] =	vst v2;
	s24 =	simm.s32 $0x4  }
.LBB2_18:
0x26: {  	s26 =	sadd.s32 s1, s23  }
0x27: {  	[hbm4b:s26+s2] =	stream.linear.scatter [tilespmem:s25], [sflag:$0x4], $0x1080, $0x38;
	[tilespmem:$0x16300] =	vst v63  }
0x28: {  	_ =	swait.ge [sflag:s13], $0x1080  }
0x29: {  	[sflag:s13] =	ssyncset.done $0x0  }
0x2a: {  	s31 =	sadd.s32 s6, s23;
	[sflag:s13] =	ssyncadd.s32 $0xFFFFEF80  }
0x2b: {  	[hbm4b:s31+s2] =	stream.linear.scatter [tilespmem:s14], [sflag:s24], $0x1080, $0x38;
	[tilespmem:$0x16300] =	vst v63  }
0x2c: {  	_ =	swait.ge [sflag:s24], $0x1080  }
0x2d: {  	[sflag:s24] =	ssyncset.done $0x0  }
0x2e: {  	[sflag:s24] =	ssyncadd.s32 $0xFFFFEF80  }
.LBB2_19:
0x2f: {  	s22 =	sadd.s32 $0x1, s22  }
0x30: {  	p0 =	sne.s32 s22, $0x8  }
.Ltmp3:
0x31: {  	_ = 	snop;
	(pc) =	sbr.rel @!p0 .LBB2_20-.Ltmp3, $2  }
0x32: {  	_ =	sdelay $0x2  }
0x33: {  	s21 =	sadd.s32 $0x1080, s21  }
.LBB2_2:
0x34: {  	s23 =	smul.u32 $0x1080, s22;
	_ =	sdelay $0x1  }
0x35: {  	s23 =	sadd.s32 s7, s23  }
0x36: {  	s23 =	sshrl.u32 s23, $0x3  }
0x37: {  	s25 =	simm.s32 $0x0;
	s24 =	sadd.s32 s4, s23  }
0x38: {  	[tilespmem:s25], [sflag:$0x4] =	stream.linear.gather [hbm4b:s24+s25], $0x1080, $0x38;
	[tilespmem:$0x16300] =	vst v63  }
0x39: {  	_ =	swait.ge [sflag:s13], $0x1080  }
0x3a: {  	[sflag:s13] =	ssyncset.done $0x0  }
0x3b: {  	s30 =	sadd.s32 s5, s23;
	[sflag:s13] =	ssyncadd.s32 $0xFFFFEF80  }
0x3c: {  	[tilespmem:s14], [sflag:$0x4] =	stream.linear.gather [hbm4b:s30+s25], $0x1080, $0x38;
	[tilespmem:$0x16300] =	vst v63  }
0x3d: {  	_ =	swait.ge [sflag:s13], $0x1080  }
0x3e: {  	[sflag:s13] =	ssyncset.done $0x0  }
0x3f: {  	s31 =	simm.s32 $0x0;
	[sflag:s13] =	ssyncadd.s32 $0xFFFFEF80  }
0x40: {  	v3 =	vimm.s32 $0x0;
	v1 =	vimm.s32 $0x0;
	s24 =	simm.s32 $0x40;
	v2 =	vld [tilespmem:s31+$0x0]  }
.LBB2_3:
0x41: {  	p0 =	sne.s32 s24, $0x41C0  }
.Ltmp4:
0x42: {  	_ = 	snop;
	(pc) =	sbr.rel @p0 .LBB2_3-.Ltmp4, $3  }
0x43: {  	_ =	sdelay $0x1  }
0x44: {  	s25 =	sshra.s32 s24, $0x2;
	s24 =	sadd.s32 $0x40, s24;
	v3 =	vor.u32 v3, v2;
	v4 =	vshrl.u32 v2, $0xF  }
0x45: {  	v2 =	vld [tilespmem:s25+$0x0];
	v1 =	vor.u32 v1, v4  }
0x46: {  	_ =	sdelay $0x3  }
0x47: {  	v3 =	vor.u32 v3, v2  }
0x48: {  	(v2sf) =	vpush v3, $0x0  }
0x49: {  	(v2sf) =	vpush v3, $0x1  }
0x4a: {  	(v2sf) =	vpush v3, $0x2  }
0x4b: {  	(v2sf) =	vpush v3, $0x3  }
0x4c: {  	(v2sf) =	vpush v3, $0x4  }
0x4d: {  	(v2sf) =	vpush v3, $0x5  }
0x4e: {  	(v2sf) =	vpush v3, $0x6  }
0x4f: {  	(v2sf) =	vpush v3, $0x7  }
0x50: {  	(v2sf) =	vpush v3, $0x8  }
0x51: {  	(v2sf) =	vpush v3, $0x9  }
0x52: {  	(v2sf) =	vpush v3, $0xA  }
0x53: {  	(v2sf) =	vpush v3, $0xB  }
0x54: {  	(v2sf) =	vpush v3, $0xC  }
0x55: {  	(v2sf) =	vpush v3, $0xD  }
0x56: {  	(v2sf) =	vpush v3, $0xE  }
0x57: {  	s24 =	spop (v2sf);
	(v2sf) =	vpush v3, $0xF  }
0x58: {  	s25 =	spop (v2sf)  }
0x59: {  	s24 =	sor.u32 s25, s24;
	s28 =	spop (v2sf)  }
0x5a: {  	s24 =	sor.u32 s28, s24;
	s29 =	spop (v2sf)  }
0x5b: {  	s24 =	sor.u32 s29, s24;
	s30 =	spop (v2sf)  }
0x5c: {  	s24 =	sor.u32 s30, s24;
	s31 =	spop (v2sf)  }
0x5d: {  	s24 =	sor.u32 s31, s24;
	s26 =	spop (v2sf)  }
0x5e: {  	s24 =	sor.u32 s26, s24;
	s28 =	spop (v2sf)  }
0x5f: {  	s24 =	sor.u32 s28, s24;
	s29 =	spop (v2sf)  }
0x60: {  	s24 =	sor.u32 s29, s24;
	s30 =	spop (v2sf)  }
0x61: {  	s24 =	sor.u32 s30, s24;
	s31 =	spop (v2sf)  }
0x62: {  	s24 =	sor.u32 s31, s24;
	s26 =	spop (v2sf)  }
0x63: {  	s24 =	sor.u32 s26, s24;
	s28 =	spop (v2sf)  }
0x64: {  	s24 =	sor.u32 s28, s24;
	s29 =	spop (v2sf)  }
0x65: {  	s24 =	sor.u32 s29, s24;
	s30 =	spop (v2sf)  }
0x66: {  	s24 =	sor.u32 s30, s24;
	s31 =	spop (v2sf)  }
0x67: {  	s24 =	sor.u32 s31, s24  }
0x68: {  	p0 =	slt.s32 s24, $0x1  }
.Ltmp5:
0x69: {  	_ = 	snop;
	(pc) =	sbr.rel @p0 .LBB2_16-.Ltmp5, $3  }
0x6a: {  	_ =	sdelay $0x1  }
0x6b: {  	v2 =	vshrl.u32 v2, $0xF  }
0x6c: {  	v1 =	vor.u32 v1, v2  }
0x6d: {  	(v2sf) =	vpush v1, $0x0  }
0x6e: {  	(v2sf) =	vpush v1, $0x1  }
0x6f: {  	(v2sf) =	vpush v1, $0x2  }
0x70: {  	(v2sf) =	vpush v1, $0x3  }
0x71: {  	(v2sf) =	vpush v1, $0x4  }
0x72: {  	(v2sf) =	vpush v1, $0x5  }
0x73: {  	(v2sf) =	vpush v1, $0x6  }
0x74: {  	(v2sf) =	vpush v1, $0x7  }
0x75: {  	(v2sf) =	vpush v1, $0x8  }
0x76: {  	(v2sf) =	vpush v1, $0x9  }
0x77: {  	(v2sf) =	vpush v1, $0xA  }
0x78: {  	(v2sf) =	vpush v1, $0xB  }
0x79: {  	(v2sf) =	vpush v1, $0xC  }
0x7a: {  	(v2sf) =	vpush v1, $0xD  }
0x7b: {  	(v2sf) =	vpush v1, $0xE  }
0x7c: {  	s24 =	spop (v2sf);
	(v2sf) =	vpush v1, $0xF  }
0x7d: {  	s25 =	spop (v2sf)  }
0x7e: {  	s24 =	sor.u32 s25, s24;
	s28 =	spop (v2sf)  }
0x7f: {  	s24 =	sor.u32 s28, s24;
	s29 =	spop (v2sf)  }
0x80: {  	s24 =	sor.u32 s29, s24;
	s30 =	spop (v2sf)  }
0x81: {  	s24 =	sor.u32 s30, s24;
	s31 =	spop (v2sf)  }
0x82: {  	s24 =	sor.u32 s31, s24;
	s26 =	spop (v2sf)  }
0x83: {  	s24 =	sor.u32 s26, s24;
	s28 =	spop (v2sf)  }
0x84: {  	s24 =	sor.u32 s28, s24;
	s29 =	spop (v2sf)  }
0x85: {  	s24 =	sor.u32 s29, s24;
	s30 =	spop (v2sf)  }
0x86: {  	s24 =	sor.u32 s30, s24;
	s31 =	spop (v2sf)  }
0x87: {  	s24 =	sor.u32 s31, s24;
	s26 =	spop (v2sf)  }
0x88: {  	s24 =	sor.u32 s26, s24;
	s28 =	spop (v2sf)  }
0x89: {  	s24 =	sor.u32 s28, s24;
	s29 =	spop (v2sf)  }
0x8a: {  	s24 =	sor.u32 s29, s24;
	s30 =	spop (v2sf)  }
0x8b: {  	s24 =	sor.u32 s30, s24;
	s31 =	spop (v2sf)  }
0x8c: {  	s24 =	sor.u32 s31, s24  }
0x8d: {  	p0 =	slt.s32 s24, $0x1  }
.Ltmp6:
0x8e: {  	_ = 	snop;
	(pc) =	sbr.rel @p0 .LBB2_9-.Ltmp6, $1  }
0x8f: {  	_ =	sdelay $0x3  }
0x90: {  	s24 =	simm.s32 $0x0  }
0x91: {  	v1 =	vld [tilespmem:s24+$0x0];
	_ =	sdelay $0x3  }
0x92: {  	s25 =	simm.s32 $0x40;
	s26 =	smov.u32 s21  }
.LBB2_7:
0x93: {  	s28 =	sshra.s32 s25, $0x2;
	p0 =	sne.s32 s25, $0x41C0;
	s25 =	sadd.s32 $0x40, s25;
	v2 =	vor.u32 s26, v0;
	vm0 =	vlt.s32 v1, $0x8000  }
.Ltmp7:
0x94: {  	v2 =	vsel vm0, v2, v1;
	v1 =	vld [tilespmem:s28+$0x0];
	(pc) =	sbr.rel @p0 .LBB2_7-.Ltmp7, $2  }
0x95: {  	[tilespmem:s24+$0x1080] =	vst v2;
	s24 =	smov.u32 s28;
	_ =	sdelay $0x2  }
0x96: {  	s26 =	sadd.s32 $0x10, s26  }
0x97: {  	v2 =	vor.u32 s26, v0;
	vm0 =	vlt.s32 v1, $0x8000  }
0x98: {  	v1 =	vsel vm0, v2, v1  }
0x99: {  	[tilespmem:s24+$0x1080] =	vst v1  }
0x9a: {  	[tilespmem:s16], [sflag:$0x1] =	stream.indirect.gather [hbm4b:s4+s15], $0x1, s15, s15, $0xb8;
	[tilespmem:$0x16300] =	vst v63  }
0x9b: {  	_ = 	snop  }
0x9c: {  	[tilespmem:s17], [sflag:$0x2] =	stream.indirect.gather [hbm4b:s5+s15], $0x1, s15, s15, $0xb8;
	[tilespmem:$0x16300] =	vst v63  }
0x9d: {  	_ =	swait.ge [sflag:s18], $0x1080  }
0x9e: {  	[sflag:s18] =	ssyncset.done $0x0  }
0x9f: {  	[sflag:s18] =	ssyncadd.s32 $0xFFFFEF80  }
0xa0: {  	_ =	swait.ge [sflag:s19], $0x1080  }
0xa1: {  	[sflag:s19] =	ssyncset.done $0x0  }
0xa2: {  	[sflag:s19] =	ssyncadd.s32 $0xFFFFEF80  }
.LBB2_9:
0xa3: {  	s25 =	simm.s32 $0x0  }
0xa4: {  	p1 =	por $0x0, $0x0;
	v3 =	vld [tilespmem:s25+$0x0]  }
.Ltmp8:
0xa5: {  	_ = 	snop;
	(pc) =	sbr.rel @p1 .LBB2_10-.Ltmp8, $2  }
0xa6: {  	_ =	sdelay $0x2  }
0xa7: {  	p0 =	por $0x0, $0x0;
	v1 =	vand.u32 $0x7FFF, v3  }
0xa8: {  	_ =	sdelay $0x1  }
0xa9: {  	v4 =	vld [tilespmem:s25+$0x5280]  }
0xaa: {  	v5 =	vld [tilespmem:s25+$0x2100]  }
0xab: {  	s24 =	simm.s32 $0x10;
	v6 =	vld.idx.msk [tilespmem:v1+s12+$0x0], $0xffff  }
0xac: {  	v2 =	vld [tilespmem:s24+$0x0]  }
0xad: {  	v7 =	vld.idx.msk [tilespmem:v1+s10+$0x0], $0xffff  }
0xae: {  	v8 =	vld [tilespmem:s25+$0x4200];
	p1 =	por $0x0, $0x0  }
.Ltmp9:
0xaf: {  	_ = 	snop;
	(pc) =	sbr.rel @p1 .LBB2_12-.Ltmp9, $4  }
0xb0: {  	vm0 =	vlt.s32 v3, $0x8000  }
0xb1: {  	v3 =	vsel vm0, v6, v4;
	v1 =	vand.u32 $0x7FFF, v2  }
0xb2: {  	v5 =	vadd.f32 v3, v5  }
0xb3: {  	s26 =	simm.s32 $0x80;
	p0 =	por $0x1, $0x1;
	v4 =	vsel vm0, v7, v8  }
.LBB2_13:
0xb4: {  	p1 =	seq.s32 s26, $0x41C0;
	v3 =	vld [tilespmem:s24+$0x5280];
	[tilespmem:s25+$0x2100] =	vst v5;
	s28 =	smov.u32 s26;
	s26 =	sadd.s32 $0x40, s26  }
0xb5: {  	v5 =	vld [tilespmem:s24+$0x2100];
	[tilespmem:s25+$0x3180] =	vst v4;
	s25 =	smov.u32 s24  }
0xb6: {  	s24 =	sshra.s32 s28, $0x2;
	v4 =	vld.idx.msk [tilespmem:v1+s12+$0x0], $0xffff  }
0xb7: {  	v6 =	vld [tilespmem:s24+$0x0]  }
0xb8: {  	v7 =	vld.idx.msk [tilespmem:v1+s10+$0x0], $0xffff  }
0xb9: {  	v8 =	vld [tilespmem:s25+$0x4200]  }
.Ltmp10:
0xba: {  	(pc) =	sbr.rel @!p1 .LBB2_13-.Ltmp10, $4  }
0xbb: {  	vm0 =	vlt.s32 v2, $0x8000  }
0xbc: {  	v3 =	vsel vm0, v4, v3;
	v1 =	vand.u32 $0x7FFF, v6;
	v2 =	vmov v6  }
0xbd: {  	v5 =	vadd.f32 v3, v5  }
0xbe: {  	v4 =	vsel vm0, v7, v8  }
.Ltmp11:
0xbf: {  	(pc) =	sbr.rel .LBB2_15-.Ltmp11, $2  }
0xc0: {  	_ =	sdelay $0x2  }
0xc1: {  	v3 =	vmov v2  }
.LBB2_16:
0xc2: {  	p0 =	sne.s32 s24, $0x0  }
.Ltmp12:
0xc3: {  	_ = 	snop;
	(pc) =	sbr.rel @p0 .LBB2_19-.Ltmp12, $1  }
0xc4: {  	_ =	sdelay $0x3  }
.Ltmp13:
0xc5: {  	(pc) =	sbr.rel .LBB2_18-.Ltmp13, $2  }
0xc6: {  	_ =	sdelay $0x2  }
0xc7: {  	s24 =	simm.s32 $0x3;
	s25 =	simm.s32 $0x0  }
.LBB2_12:
.Ltmp14:
0xc8: {  	(pc) =	sbr.rel .LBB2_15-.Ltmp14, $2  }
0xc9: {  	_ =	sdelay $0x2  }
0xca: {  	v3 =	vmov v2  }
.LBB2_21:
0xcb: {  	_ =	sfence.sel $0x180000  }
0xcc: {  	[bflag:$0x0] =	sbarrier.arrive $0xFFFF  }
0xcd: {  	p0 =	sne.s32 s3, $0x0;
	_ =	strace $0x90000050  }
0xce: {  	s0 =	sadd.s32 @!p0 $0x100000, s0;
	[bflag:$0x2] =	sbarrier.arrive $0xFFFF  }
0xcf: {  	[sflag:s0] =	ssyncadd.tile.s32 @!p0 $0x1;
	_ =	shalt  }
.Lfunc_end2:
_tile_overlayer_lowered:
.L_overlay_start_2:
0xd0: {  	(tag) =	ssettag $0x2  }
0xd1: {  	s0 =	rddreg [dreg:$0x0];
	s2 =	stileid.u32  }
0xd2: {  	s1 =	rddreg [dreg:$0x1];
	p0 =	sne.s32 s2, $0x0  }
0xd3: {  	s3 =	rddreg [dreg:$0x2];
	[bflag:$0x3] =	sbarrier.arrive $0xFFFF;
	s2 =	simm.s32 @!p0 $0x1C03  }
0xd4: {  	[timem:s3], [sflag:s2] =	dma.local @!p0 [hbm:s0], s1  }
0xd5: {  	s0 =	simm.s32 @!p0 $0x3  }
0xd6: {  	_ =	swait.ge @!p0 [sflag:s0], s1  }
0xd7: {  	s1 =	ssub.s32 @!p0 $0x0, s1;
	[sflag:s0] =	ssyncset.done @!p0 $0x0  }
0xd8: {  	[sflag:s0] =	ssyncadd.s32 @!p0 s1  }
0xd9: {  	[bflag:$0x3] =	sbarrier.arrive $0xFFFF  }
0xda: {  	_ =	shalt  }

// kernel: kernel.22.cloned.1.call-start
scs
__scs_entry_jumppad:
0x0: {  	(pc) =	sbr.rel $0x88, $3  }
0x1: {  	(tag) =	ssettag $0x0;
	lr =	simm.s32 $0x1  }
0x2: {  	[smem:$0x3F9B] =	sst lr;
	_ =	strace $0xD0000000  }
0x3: {  	_ = 	snop  }
0x4: {  	_ = 	snop  }
0x5: {  	_ = 	snop  }
0x6: {  	_ = 	snop  }
0x7: {  	_ = 	snop  }
__scs_overlays_trampoline_lowered:
0x8: {  	[smem:$0x3FAA] =	sst s0  }
0x9: {  	[smem:$0x3FAB] =	sst s1  }
0xa: {  	[smem:$0x3FAC] =	sst s2  }
0xb: {  	[smem:$0x3FAD] =	sst s3  }
0xc: {  	[smem:$0x3FAE] =	sst s4  }
0xd: {  	[smem:$0x3FAF] =	sst s5  }
0xe: {  	[smem:$0x3FB0] =	sst s6  }
0xf: {  	[smem:$0x3FB1] =	sst s7  }
0x10: {  	[smem:$0x3FB2] =	sst s8  }
0x11: {  	[smem:$0x3FB3] =	sst s9;
	s0 =	simm.s32 @!p0 $0x0  }
0x12: {  	s1 =	sld [smem:$0x3F99];
	s0 =	simm.s32 @p0 $0x1  }
0x13: {  	[smem:$0x3FB4] =	sst s0;
	s0 =	simm.s32 @!p1 $0x0  }
0x14: {  	s2 =	sld [smem:$0x3F98];
	s0 =	simm.s32 @p1 $0x1  }
0x15: {  	[smem:$0x3FB5] =	sst s0;
	s0 =	simm.s32 @!p2 $0x0  }
0x16: {  	s3 =	sld [smem:$0x3FDB];
	s0 =	simm.s32 @p2 $0x1  }
0x17: {  	s4 =	simm.s32 $0x1BF5;
	[smem:$0x3FB7] =	sst s0  }
0x18: {  	s0 =	sld [smem:$0x3F9A];
	_ =	swait.ge [sflag:s4], $0x0  }
0x19: {  	s7 =	sld [smem:$0x3F9B]  }
0x1a: {  	s8 =	sadd.s32 $0xFFFFE003, lr  }
0x1b: {  	s9 =	sadd.s32 $0xFFFFFEF7, lr;
	s5 =	simm.s32 $0xFFFFFFFF;
	p2 =	slt.u32 s8, $0xFFFFF086  }
0x1c: {  	p1 =	slt.u32 s9, $0xF7A;
	s5 =	simm.s32 @!p2 $0x0  }
0x1d: {  	s5 =	simm.s32 @p1 $0x1;
	p0 =	seq.s32 s7, s2  }
0x1e: {  	s7 =	smul.u32 @!p0 $0xF7A, s2;
	p2 =	seq.s32 @!p0 s5, $0x0  }
0x1f: {  	s9 =	smul.u32 $0xF7A, s1;
	s8 =	simm.s32 @!p0 $0x1BF5;
	p2 =	por !p2, p0  }
0x20: {  	[sflag:s8] =	ssyncset.s32 @!p0 $0xFFFFF086;
	s6 =	sadd.s32 @!p0 s3, s7;
	s7 =	simm.s32 @!p0 $0x108  }
0x21: {  	s3 =	sadd.s32 s3, s9;
	s6 =	sadd.s32 @!p0 $0x88, s6;
	s7 =	simm.s32 @p2 $0x1082  }
0x22: {  	[simem:s7], [sflag:s8] =	dma.local @!p0 [hbm:s6], $0xF7A  }
0x23: {  	s9 =	sor.u32 $0xD0000000, s2;
	s6 =	simm.s32 $0x108;
	_ =	swait.ge @!p0 [sflag:s8], $0x0  }
0x24: {  	s3 =	sadd.s32 $0x88, s3;
	s6 =	simm.s32 @!p1 $0x1082;
	[sflag:s4] =	ssyncset.s32 $0xFFFFF086  }
0x25: {  	[simem:s6], [sflag:s4] =	dma.local [hbm:s3], $0xF7A  }
0x26: {  	[smem:$0x3F9B] =	sst s1;
	(tag) =	ssettag s2;
	_ =	strace s9  }
0x27: {  	s1 =	sld [smem:$0x3FAB]  }
0x28: {  	s2 =	sld [smem:$0x3FAC]  }
0x29: {  	s4 =	sld [smem:$0x3FAE]  }
0x2a: {  	p0 =	seq.s32 s5, $0x0;
	s5 =	sld [smem:$0x3FAF]  }
0x2b: {  	s6 =	sld [smem:$0x3FB0]  }
0x2c: {  	s7 =	sld [smem:$0x3FB1]  }
0x2d: {  	s3 =	simm.s32 $0x108;
	s8 =	sld [smem:$0x3FB2]  }
0x2e: {  	s3 =	simm.s32 @!p0 $0x1082;
	s9 =	sld [smem:$0x3FB3]  }
0x2f: {  	lr =	sadd.s32 s0, s3;
	s0 =	sld [smem:$0x3FAA]  }
0x30: {  	s3 =	sld [smem:$0x3FAD]  }
0x31: {  	[smem:$0x3FB6] =	sst s10  }
0x32: {  	s10 =	sld [smem:$0x3FB4];
	_ =	sdelay $0x3  }
0x33: {  	p0 =	seq.s32 s10, $0x1;
	s10 =	sld [smem:$0x3FB6];
	_ =	sdelay $0x3  }
0x34: {  	[smem:$0x3FB6] =	sst s10  }
0x35: {  	s10 =	sld [smem:$0x3FB5];
	_ =	sdelay $0x3  }
0x36: {  	p1 =	seq.s32 s10, $0x1;
	s10 =	sld [smem:$0x3FB6];
	_ =	sdelay $0x3  }
0x37: {  	[smem:$0x3FB6] =	sst s10  }
0x38: {  	s10 =	sld [smem:$0x3FB7]  }
0x39: {  	_ = 	snop;
	(pc) =	sbr.ind lr, $3  }
0x3a: {  	_ = 	snop  }
0x3b: {  	_ = 	snop  }
0x3c: {  	p2 =	seq.s32 s10, $0x1;
	s10 =	sld [smem:$0x3FB6]  }
0x3d: {  	_ =	shalt  }
0x3e: {  	_ =	shalt  }
0x3f: {  	_ =	shalt  }
0x40: {  	_ =	shalt  }
0x41: {  	_ =	shalt  }
0x42: {  	_ =	shalt  }
0x43: {  	_ =	shalt  }
0x44: {  	_ =	shalt  }
0x45: {  	_ =	shalt  }
0x46: {  	_ =	shalt  }
0x47: {  	_ =	shalt  }
0x48: {  	_ =	shalt  }
0x49: {  	_ =	shalt  }
0x4a: {  	_ =	shalt  }
0x4b: {  	_ =	shalt  }
0x4c: {  	_ =	shalt  }
0x4d: {  	_ =	shalt  }
0x4e: {  	_ =	shalt  }
0x4f: {  	_ =	shalt  }
0x50: {  	_ =	shalt  }
0x51: {  	_ =	shalt  }
0x52: {  	_ =	shalt  }
0x53: {  	_ =	shalt  }
0x54: {  	_ =	shalt  }
0x55: {  	_ =	shalt  }
0x56: {  	_ =	shalt  }
0x57: {  	_ =	shalt  }
0x58: {  	_ =	shalt  }
0x59: {  	_ =	shalt  }
0x5a: {  	_ =	shalt  }
0x5b: {  	_ =	shalt  }
0x5c: {  	_ =	shalt  }
0x5d: {  	_ =	shalt  }
0x5e: {  	_ =	shalt  }
0x5f: {  	_ =	shalt  }
0x60: {  	_ =	shalt  }
0x61: {  	_ =	shalt  }
0x62: {  	_ =	shalt  }
0x63: {  	_ =	shalt  }
0x64: {  	_ =	shalt  }
0x65: {  	_ =	shalt  }
0x66: {  	_ =	shalt  }
0x67: {  	_ =	shalt  }
0x68: {  	_ =	shalt  }
0x69: {  	_ =	shalt  }
0x6a: {  	_ =	shalt  }
0x6b: {  	_ =	shalt  }
0x6c: {  	_ =	shalt  }
0x6d: {  	_ =	shalt  }
0x6e: {  	_ =	shalt  }
0x6f: {  	_ =	shalt  }
0x70: {  	_ =	shalt  }
0x71: {  	_ =	shalt  }
0x72: {  	_ =	shalt  }
0x73: {  	_ =	shalt  }
0x74: {  	_ =	shalt  }
0x75: {  	_ =	shalt  }
0x76: {  	_ =	shalt  }
0x77: {  	_ =	shalt  }
0x78: {  	_ =	shalt  }
0x79: {  	_ =	shalt  }
0x7a: {  	_ =	shalt  }
0x7b: {  	_ =	shalt  }
0x7c: {  	_ =	shalt  }
0x7d: {  	_ =	shalt  }
0x7e: {  	_ =	shalt  }
0x7f: {  	_ =	shalt  }
0x80: {  	_ =	shalt  }
0x81: {  	_ =	shalt  }
0x82: {  	_ =	shalt  }
0x83: {  	_ =	shalt  }
0x84: {  	_ =	shalt  }
0x85: {  	_ =	shalt  }
0x86: {  	_ =	shalt  }
0x87: {  	_ =	shalt  }
.Lfunc_end0:
.L_simem_size_0:
called_computation.4_lowered:
.L_overlay_start_0:
0x88: {  	s2 =	sld [smem:$0x3FD9]  }
0x89: {  	s3 =	sld [smem:$0x3FFE];
	_ =	sdelay $0x1  }
0x8a: {  	s1 =	srdreg.scid  }
0x8b: {  	s0 =	sand.u32 $0x1, s1  }
0x8c: {  	s17 =	sshll.u32 s0, $0xA;
	s2 =	sadd.s32 s3, s2  }
0x8d: {  	s2 =	sadd.s32 s2, s17  }
0x8e: {  	[smem:$0x3FC2] =	sst s2  }
0x8f: {  	_ = 	snop  }
0x90: {  	s2 =	sld [smem:$0x3FD0];
	(tm) =	ssettm $0x1  }
0x91: {  	s18 =	sld [smem:$0x3FFB];
	_ =	sdelay $0x3  }
0x92: {  	_ =	strace s18  }
0x93: {  	s3 =	sld [smem:$0x3FFC];
	_ =	sdelay $0x3  }
0x94: {  	_ =	strace s3  }
0x95: {  	s3 =	sld [smem:$0x3FFD];
	_ =	sdelay $0x3  }
0x96: {  	_ =	strace s3  }
0x97: {  	_ =	strace $0x8FFFFFFF  }
0x98: {  	s19 =	sld [smem:$0x3FDB];
	_ =	sdelay $0x1  }
0x99: {  	s4 =	simm.s32 $_scs_section_size  }
0x9a: {  	s5 =	simm.s32 $_size__tile_overlayer_lowered;
	s6 =	simm.s32 $_tile_overlayer_lowered  }
0x9b: {  	s22 =	simm.s32 $0x1BFF;
	s21 =	sshll.u32 s6, $0x1;
	s3 =	sadd.s32 s4, s19  }
0x9c: {  	s7 =	simm.s32 $0x0;
	s20 =	sshll.u32 s5, $0x1;
	s5 =	sadd.s32 s21, s3  }
0x9d: {  	[timem:s7], [sflag:s22] =	dma.local [hbm:s5], s20  }
0x9e: {  	_ =	swait.ge [sflag:s22], s20  }
0x9f: {  	s4 =	ssub.s32 $0x0, s20;
	[sflag:s22] =	ssyncset.done $0x0  }
0xa0: {  	[sflag:s22] =	ssyncadd.s32 s4;
	_ =	sdelay $0x1  }
0xa1: {  	s23 =	simm.s32 $0x1B8B  }
0xa2: {  	_ =	swait.ge [sflag:s23], $0x1  }
0xa3: {  	[sflag:s23] =	ssyncset.done $0x0  }
0xa4: {  	s25 =	simm.s32 $0x1B8E;
	s24 =	sld [smem:$0x3FFE];
	[sflag:s23] =	ssyncadd.s32 $0xFFFFFFFF  }
0xa5: {  	s26 =	simm.s32 $execute0_lowered;
	[smem:$0x3FD2] =	sst s25  }
0xa6: {  	s5 =	sshll.u32 s26, $0x1;
	_ =	strace $0x80000052;
	[dreg:$0x1] =	wrdreg $0xFFFFFFFF  }
0xa7: {  	s28 =	simm.s32 $_size_execute0_lowered;
	s3 =	sadd.s32 s3, s5;
	[dreg:$0x0] =	wrdreg $0x0  }
0xa8: {  	s5 =	sshll.u32 s28, $0x1;
	[dreg:$0x2] =	wrdreg s3  }
0xa9: {  	[dreg:$0x3] =	wrdreg s5  }
0xaa: {  	[dreg:$0x4] =	wrdreg $0xC0  }
0xab: {  	_ =	task [dreg:s7], $0x5FFFF  }
0xac: {  	[dreg:$0x1] =	wrdreg $0xFFFFFFFF  }
0xad: {  	[dreg:$0x0] =	wrdreg $0x60  }
0xae: {  	[dreg:$0x2] =	wrdreg s2  }
0xaf: {  	[dreg:$0x3] =	wrdreg s24  }
0xb0: {  	[dreg:$0x4] =	wrdreg $0x9  }
0xb1: {  	_ =	task.clear_ibuf [dreg:s7], $0x5FFFF;
	_ =	strace $0x90000052  }
0xb2: {  	s29 =	simm.s32 $0x9;
	_ =	strace $0x80000054  }
0xb3: {  	_ =	swait.ge [sflag:s29], $0x1  }
0xb4: {  	[sflag:s29] =	ssyncadd.s32 $0xFFFFFFFF  }
0xb5: {  	_ =	strace $0x90000054  }
0xb6: {  	_ =	sfence  }
0xb7: {  	s30 =	sld [smem:$0x0];
	_ =	sdelay $0x2  }
0xb8: {  	s31 =	sshll.u32 s1, $0xD;
	s1 =	sshrl.u32 s1, $0x2  }
0xb9: {  	s3 =	sand.u32 $0x4000, s31;
	s1 =	sadd.s32 s1, s30  }
0xba: {  	s0 =	sor.u32 s3, s0;
	s1 =	sshll.u32 s1, $0x11  }
0xbb: {  	s0 =	sor.u32 s1, s0  }
0xbc: {  	s0 =	sadd.s32 $0x8F2B, s0  }
0xbd: {  	[sflag:s0] =	ssyncadd.remote.s32 $0x1  }
0xbe: {  	_ =	sfence.sel $0xFFFF  }
0xbf: {  	[dreg:$0x0] =	wrdreg $0xFFFFFFFF;
	(pc) =	sbr.abs _section_cstart, $3  }
0xc0: {  	[dreg:$0x1] =	wrdreg $0xFFFFFFFF  }
0xc1: {  	_ =	task.clear_ibuf [dreg:s7], $0x2FFFF;
	_ =	strace $0x9FFFFFFF  }
0xc2: {  	(tm) =	ssettm $0x7FFFFFFF  }
0xc3: {  	_ =	shalt  }
tec
execute0_lowered:
.L_overlay_start_1:
0x0: {  	(tag) =	ssettag $0x1  }
0x1: {  	s1 =	rddreg [dreg:$0x0]  }
0x2: {  	s6 =	rddreg [dreg:$0x1]  }
0x3: {  	s0 =	rddreg [dreg:$0x2];
	s2 =	simm.s32 $0x0  }
0x4: {  	s3 =	srdreg.scid;
	s12 =	simm.s32 $0xE300;
	s13 =	simm.s32 $0x4  }
0x5: {  	s14 =	simm.s32 $0x2100;
	s15 =	simm.s32 $0x1080;
	s16 =	simm.s32 $0x4200  }
0x6: {  	s17 =	simm.s32 $0x5280;
	s18 =	simm.s32 $0x1;
	s19 =	simm.s32 $0x2  }
0x7: {  	s20 =	simm.s32 $0x0;
	[smem:$0x7FF] =	sst s2;
	s4 =	sadd.s32 $0x4600, s6  }
0x8: {  	s7 =	sand.u32 $0x1, s3;
	s5 =	sadd.s32 $0x25600, s6;
	s3 =	stileid.u32  }
.Ltmp0:
0x9: {  	s6 =	sadd.s32 $0x46600, s6;
	_ =	strace $0x80000053;
	(pc) =	sbr.rel .LBB2_1-.Ltmp0, $4  }
0xa: {  	s8 =	ssub.s32 $0x2, s7;
	s10 =	sshll.u32 s3, $0x1;
	s11 =	smul.u32 $0x10800, s3  }
0xb: {  	s31 =	smul.u32 $0x8400, s7;
	s9 =	sshrl.u32 s8, $0x1;
	s30 =	sor.u32 s7, s10  }
0xc: {  	s10 =	simm.s32 $0x6300;
	s8 =	ssub.s32 s8, s9;
	s7 =	smul.u32 $0x8400, s30  }
0xd: {  	v0 =	vlaneseq.u32;
	s9 =	sadd.s32 s31, s11;
	s11 =	simm.s32 $0x3;
	s8 =	smax.u32 s8, $0x1  }
.LBB2_20:
0xe: {  	s20 =	sadd.s32 $0x1, s20  }
0xf: {  	p0 =	sne.s32 s20, s8  }
.Ltmp1:
0x10: {  	_ = 	snop;
	(pc) =	sbr.rel @!p0 .LBB2_21-.Ltmp1, $1  }
0x11: {  	_ =	sdelay $0x3  }
.LBB2_1:
0x12: {  	[tilespmem:s10], [sflag:$0x3] =	stream.linear.gather [hbm4b:s1+s2], $0x8000, $0x38;
	[tilespmem:$0x16300] =	vst v63  }
0x13: {  	_ =	swait.ge [sflag:s11], $0x8000  }
0x14: {  	[sflag:s11] =	ssyncset.done $0x0  }
.Ltmp2:
0x15: {  	[sflag:s11] =	ssyncadd.s32 $0xFFFF8000;
	(pc) =	sbr.rel .LBB2_2-.Ltmp2, $4  }
0x16: {  	[tilespmem:s12], [sflag:$0x3] =	stream.linear.gather [hbm4b:s4+s2], $0x8000, $0x38;
	[tilespmem:$0x16300] =	vst v63  }
0x17: {  	_ =	swait.ge [sflag:s11], $0x8000  }
0x18: {  	[sflag:s11] =	ssyncset.done $0x0  }
0x19: {  	s21 =	smov.u32 s9;
	s22 =	simm.s32 $0x0;
	[sflag:s11] =	ssyncadd.s32 $0xFFFF8000  }
.LBB2_10:
0x1a: {  	s24 =	simm.s32 $0x0  }
.LBB2_15:
0x1b: {  	_ =	sdelay $0x1  }
0x1c: {  	v2 =	vld [tilespmem:s24+$0x5280];
	[tilespmem:s25+$0x2100] =	vst @p0 v5  }
0x1d: {  	v5 =	vld [tilespmem:s24+$0x2100];
	[tilespmem:s25+$0x3180] =	vst @p0 v4  }
0x1e: {  	v4 =	vld.idx.msk [tilespmem:v1+s12+$0x0], $0xffff  }
0x1f: {  	v1 =	vld.idx.msk [tilespmem:v1+s10+$0x0], $0xffff  }
0x20: {  	v6 =	vld [tilespmem:s24+$0x4200];
	_ =	sdelay $0x2  }
0x21: {  	vm0 =	vlt.s32 v3, $0x8000  }
0x22: {  	v2 =	vsel vm0, v4, v2  }
0x23: {  	v1 =	vsel vm0, v1, v6;
	v2 =	vadd.f32 v2, v5  }
0x24: {  	[tilespmem:s24+$0x3180] =	vst v1  }
0x25: {  	s25 =	simm.s32 $0x3180;
	[tilespmem:s24+$0x2100] =	vst v2;
	s24 =	simm.s32 $0x4  }
.LBB2_18:
0x26: {  	s26 =	sadd.s32 s5, s23  }
0x27: {  	[hbm4b:s26+s2] =	stream.linear.scatter [tilespmem:s25], [sflag:$0x4], $0x1080, $0x38;
	[tilespmem:$0x16300] =	vst v63  }
0x28: {  	_ =	swait.ge [sflag:s13], $0x1080  }
0x29: {  	[sflag:s13] =	ssyncset.done $0x0  }
0x2a: {  	s31 =	sadd.s32 s6, s23;
	[sflag:s13] =	ssyncadd.s32 $0xFFFFEF80  }
0x2b: {  	[hbm4b:s31+s2] =	stream.linear.scatter [tilespmem:s14], [sflag:s24], $0x1080, $0x38;
	[tilespmem:$0x16300] =	vst v63  }
0x2c: {  	_ =	swait.ge [sflag:s24], $0x1080  }
0x2d: {  	[sflag:s24] =	ssyncset.done $0x0  }
0x2e: {  	[sflag:s24] =	ssyncadd.s32 $0xFFFFEF80  }
.LBB2_19:
0x2f: {  	s22 =	sadd.s32 $0x1, s22  }
0x30: {  	p0 =	sne.s32 s22, $0x8  }
.Ltmp3:
0x31: {  	_ = 	snop;
	(pc) =	sbr.rel @!p0 .LBB2_20-.Ltmp3, $2  }
0x32: {  	_ =	sdelay $0x2  }
0x33: {  	s21 =	sadd.s32 $0x1080, s21  }
.LBB2_2:
0x34: {  	s23 =	smul.u32 $0x1080, s22;
	_ =	sdelay $0x1  }
0x35: {  	s23 =	sadd.s32 s7, s23  }
0x36: {  	s23 =	sshrl.u32 s23, $0x3  }
0x37: {  	s25 =	simm.s32 $0x0;
	s24 =	sadd.s32 s1, s23  }
0x38: {  	[tilespmem:s25], [sflag:$0x4] =	stream.linear.gather [hbm4b:s24+s25], $0x1080, $0x38;
	[tilespmem:$0x16300] =	vst v63  }
0x39: {  	_ =	swait.ge [sflag:s13], $0x1080  }
0x3a: {  	[sflag:s13] =	ssyncset.done $0x0  }
0x3b: {  	s30 =	sadd.s32 s4, s23;
	[sflag:s13] =	ssyncadd.s32 $0xFFFFEF80  }
0x3c: {  	[tilespmem:s14], [sflag:$0x4] =	stream.linear.gather [hbm4b:s30+s25], $0x1080, $0x38;
	[tilespmem:$0x16300] =	vst v63  }
0x3d: {  	_ =	swait.ge [sflag:s13], $0x1080  }
0x3e: {  	[sflag:s13] =	ssyncset.done $0x0  }
0x3f: {  	s31 =	simm.s32 $0x0;
	[sflag:s13] =	ssyncadd.s32 $0xFFFFEF80  }
0x40: {  	v3 =	vimm.s32 $0x0;
	v1 =	vimm.s32 $0x0;
	s24 =	simm.s32 $0x40;
	v2 =	vld [tilespmem:s31+$0x0]  }
.LBB2_3:
0x41: {  	p0 =	sne.s32 s24, $0x41C0  }
.Ltmp4:
0x42: {  	_ = 	snop;
	(pc) =	sbr.rel @p0 .LBB2_3-.Ltmp4, $3  }
0x43: {  	_ =	sdelay $0x1  }
0x44: {  	s25 =	sshra.s32 s24, $0x2;
	s24 =	sadd.s32 $0x40, s24;
	v3 =	vor.u32 v3, v2;
	v4 =	vshrl.u32 v2, $0xF  }
0x45: {  	v2 =	vld [tilespmem:s25+$0x0];
	v1 =	vor.u32 v1, v4  }
0x46: {  	_ =	sdelay $0x3  }
0x47: {  	v3 =	vor.u32 v3, v2  }
0x48: {  	(v2sf) =	vpush v3, $0x0  }
0x49: {  	(v2sf) =	vpush v3, $0x1  }
0x4a: {  	(v2sf) =	vpush v3, $0x2  }
0x4b: {  	(v2sf) =	vpush v3, $0x3  }
0x4c: {  	(v2sf) =	vpush v3, $0x4  }
0x4d: {  	(v2sf) =	vpush v3, $0x5  }
0x4e: {  	(v2sf) =	vpush v3, $0x6  }
0x4f: {  	(v2sf) =	vpush v3, $0x7  }
0x50: {  	(v2sf) =	vpush v3, $0x8  }
0x51: {  	(v2sf) =	vpush v3, $0x9  }
0x52: {  	(v2sf) =	vpush v3, $0xA  }
0x53: {  	(v2sf) =	vpush v3, $0xB  }
0x54: {  	(v2sf) =	vpush v3, $0xC  }
0x55: {  	(v2sf) =	vpush v3, $0xD  }
0x56: {  	(v2sf) =	vpush v3, $0xE  }
0x57: {  	s24 =	spop (v2sf);
	(v2sf) =	vpush v3, $0xF  }
0x58: {  	s25 =	spop (v2sf)  }
0x59: {  	s24 =	sor.u32 s25, s24;
	s28 =	spop (v2sf)  }
0x5a: {  	s24 =	sor.u32 s28, s24;
	s29 =	spop (v2sf)  }
0x5b: {  	s24 =	sor.u32 s29, s24;
	s30 =	spop (v2sf)  }
0x5c: {  	s24 =	sor.u32 s30, s24;
	s31 =	spop (v2sf)  }
0x5d: {  	s24 =	sor.u32 s31, s24;
	s26 =	spop (v2sf)  }
0x5e: {  	s24 =	sor.u32 s26, s24;
	s28 =	spop (v2sf)  }
0x5f: {  	s24 =	sor.u32 s28, s24;
	s29 =	spop (v2sf)  }
0x60: {  	s24 =	sor.u32 s29, s24;
	s30 =	spop (v2sf)  }
0x61: {  	s24 =	sor.u32 s30, s24;
	s31 =	spop (v2sf)  }
0x62: {  	s24 =	sor.u32 s31, s24;
	s26 =	spop (v2sf)  }
0x63: {  	s24 =	sor.u32 s26, s24;
	s28 =	spop (v2sf)  }
0x64: {  	s24 =	sor.u32 s28, s24;
	s29 =	spop (v2sf)  }
0x65: {  	s24 =	sor.u32 s29, s24;
	s30 =	spop (v2sf)  }
0x66: {  	s24 =	sor.u32 s30, s24;
	s31 =	spop (v2sf)  }
0x67: {  	s24 =	sor.u32 s31, s24  }
0x68: {  	p0 =	slt.s32 s24, $0x1  }
.Ltmp5:
0x69: {  	_ = 	snop;
	(pc) =	sbr.rel @p0 .LBB2_16-.Ltmp5, $3  }
0x6a: {  	_ =	sdelay $0x1  }
0x6b: {  	v2 =	vshrl.u32 v2, $0xF  }
0x6c: {  	v1 =	vor.u32 v1, v2  }
0x6d: {  	(v2sf) =	vpush v1, $0x0  }
0x6e: {  	(v2sf) =	vpush v1, $0x1  }
0x6f: {  	(v2sf) =	vpush v1, $0x2  }
0x70: {  	(v2sf) =	vpush v1, $0x3  }
0x71: {  	(v2sf) =	vpush v1, $0x4  }
0x72: {  	(v2sf) =	vpush v1, $0x5  }
0x73: {  	(v2sf) =	vpush v1, $0x6  }
0x74: {  	(v2sf) =	vpush v1, $0x7  }
0x75: {  	(v2sf) =	vpush v1, $0x8  }
0x76: {  	(v2sf) =	vpush v1, $0x9  }
0x77: {  	(v2sf) =	vpush v1, $0xA  }
0x78: {  	(v2sf) =	vpush v1, $0xB  }
0x79: {  	(v2sf) =	vpush v1, $0xC  }
0x7a: {  	(v2sf) =	vpush v1, $0xD  }
0x7b: {  	(v2sf) =	vpush v1, $0xE  }
0x7c: {  	s24 =	spop (v2sf);
	(v2sf) =	vpush v1, $0xF  }
0x7d: {  	s25 =	spop (v2sf)  }
0x7e: {  	s24 =	sor.u32 s25, s24;
	s28 =	spop (v2sf)  }
0x7f: {  	s24 =	sor.u32 s28, s24;
	s29 =	spop (v2sf)  }
0x80: {  	s24 =	sor.u32 s29, s24;
	s30 =	spop (v2sf)  }
0x81: {  	s24 =	sor.u32 s30, s24;
	s31 =	spop (v2sf)  }
0x82: {  	s24 =	sor.u32 s31, s24;
	s26 =	spop (v2sf)  }
0x83: {  	s24 =	sor.u32 s26, s24;
	s28 =	spop (v2sf)  }
0x84: {  	s24 =	sor.u32 s28, s24;
	s29 =	spop (v2sf)  }
0x85: {  	s24 =	sor.u32 s29, s24;
	s30 =	spop (v2sf)  }
0x86: {  	s24 =	sor.u32 s30, s24;
	s31 =	spop (v2sf)  }
0x87: {  	s24 =	sor.u32 s31, s24;
	s26 =	spop (v2sf)  }
0x88: {  	s24 =	sor.u32 s26, s24;
	s28 =	spop (v2sf)  }
0x89: {  	s24 =	sor.u32 s28, s24;
	s29 =	spop (v2sf)  }
0x8a: {  	s24 =	sor.u32 s29, s24;
	s30 =	spop (v2sf)  }
0x8b: {  	s24 =	sor.u32 s30, s24;
	s31 =	spop (v2sf)  }
0x8c: {  	s24 =	sor.u32 s31, s24  }
0x8d: {  	p0 =	slt.s32 s24, $0x1  }
.Ltmp6:
0x8e: {  	_ = 	snop;
	(pc) =	sbr.rel @p0 .LBB2_9-.Ltmp6, $1  }
0x8f: {  	_ =	sdelay $0x3  }
0x90: {  	s24 =	simm.s32 $0x0  }
0x91: {  	v1 =	vld [tilespmem:s24+$0x0];
	_ =	sdelay $0x3  }
0x92: {  	s25 =	simm.s32 $0x40;
	s26 =	smov.u32 s21  }
.LBB2_7:
0x93: {  	s28 =	sshra.s32 s25, $0x2;
	p0 =	sne.s32 s25, $0x41C0;
	s25 =	sadd.s32 $0x40, s25;
	v2 =	vor.u32 s26, v0;
	vm0 =	vlt.s32 v1, $0x8000  }
.Ltmp7:
0x94: {  	v2 =	vsel vm0, v2, v1;
	v1 =	vld [tilespmem:s28+$0x0];
	(pc) =	sbr.rel @p0 .LBB2_7-.Ltmp7, $2  }
0x95: {  	[tilespmem:s24+$0x1080] =	vst v2;
	s24 =	smov.u32 s28;
	_ =	sdelay $0x2  }
0x96: {  	s26 =	sadd.s32 $0x10, s26  }
0x97: {  	v2 =	vor.u32 s26, v0;
	vm0 =	vlt.s32 v1, $0x8000  }
0x98: {  	v1 =	vsel vm0, v2, v1  }
0x99: {  	[tilespmem:s24+$0x1080] =	vst v1  }
0x9a: {  	[tilespmem:s16], [sflag:$0x1] =	stream.indirect.gather [hbm4b:s1+s15], $0x1, s15, s15, $0xb8;
	[tilespmem:$0x16300] =	vst v63  }
0x9b: {  	_ = 	snop  }
0x9c: {  	[tilespmem:s17], [sflag:$0x2] =	stream.indirect.gather [hbm4b:s4+s15], $0x1, s15, s15, $0xb8;
	[tilespmem:$0x16300] =	vst v63  }
0x9d: {  	_ =	swait.ge [sflag:s18], $0x1080  }
0x9e: {  	[sflag:s18] =	ssyncset.done $0x0  }
0x9f: {  	[sflag:s18] =	ssyncadd.s32 $0xFFFFEF80  }
0xa0: {  	_ =	swait.ge [sflag:s19], $0x1080  }
0xa1: {  	[sflag:s19] =	ssyncset.done $0x0  }
0xa2: {  	[sflag:s19] =	ssyncadd.s32 $0xFFFFEF80  }
.LBB2_9:
0xa3: {  	s25 =	simm.s32 $0x0  }
0xa4: {  	p1 =	por $0x0, $0x0;
	v3 =	vld [tilespmem:s25+$0x0]  }
.Ltmp8:
0xa5: {  	_ = 	snop;
	(pc) =	sbr.rel @p1 .LBB2_10-.Ltmp8, $2  }
0xa6: {  	_ =	sdelay $0x2  }
0xa7: {  	p0 =	por $0x0, $0x0;
	v1 =	vand.u32 $0x7FFF, v3  }
0xa8: {  	_ =	sdelay $0x1  }
0xa9: {  	v4 =	vld [tilespmem:s25+$0x5280]  }
0xaa: {  	v5 =	vld [tilespmem:s25+$0x2100]  }
0xab: {  	s24 =	simm.s32 $0x10;
	v6 =	vld.idx.msk [tilespmem:v1+s12+$0x0], $0xffff  }
0xac: {  	v2 =	vld [tilespmem:s24+$0x0]  }
0xad: {  	v7 =	vld.idx.msk [tilespmem:v1+s10+$0x0], $0xffff  }
0xae: {  	v8 =	vld [tilespmem:s25+$0x4200];
	p1 =	por $0x0, $0x0  }
.Ltmp9:
0xaf: {  	_ = 	snop;
	(pc) =	sbr.rel @p1 .LBB2_12-.Ltmp9, $4  }
0xb0: {  	vm0 =	vlt.s32 v3, $0x8000  }
0xb1: {  	v3 =	vsel vm0, v6, v4;
	v1 =	vand.u32 $0x7FFF, v2  }
0xb2: {  	v5 =	vadd.f32 v3, v5  }
0xb3: {  	s26 =	simm.s32 $0x80;
	p0 =	por $0x1, $0x1;
	v4 =	vsel vm0, v7, v8  }
.LBB2_13:
0xb4: {  	p1 =	seq.s32 s26, $0x41C0;
	v3 =	vld [tilespmem:s24+$0x5280];
	[tilespmem:s25+$0x2100] =	vst v5;
	s28 =	smov.u32 s26;
	s26 =	sadd.s32 $0x40, s26  }
0xb5: {  	v5 =	vld [tilespmem:s24+$0x2100];
	[tilespmem:s25+$0x3180] =	vst v4;
	s25 =	smov.u32 s24  }
0xb6: {  	s24 =	sshra.s32 s28, $0x2;
	v4 =	vld.idx.msk [tilespmem:v1+s12+$0x0], $0xffff  }
0xb7: {  	v6 =	vld [tilespmem:s24+$0x0]  }
0xb8: {  	v7 =	vld.idx.msk [tilespmem:v1+s10+$0x0], $0xffff  }
0xb9: {  	v8 =	vld [tilespmem:s25+$0x4200]  }
.Ltmp10:
0xba: {  	(pc) =	sbr.rel @!p1 .LBB2_13-.Ltmp10, $4  }
0xbb: {  	vm0 =	vlt.s32 v2, $0x8000  }
0xbc: {  	v3 =	vsel vm0, v4, v3;
	v1 =	vand.u32 $0x7FFF, v6;
	v2 =	vmov v6  }
0xbd: {  	v5 =	vadd.f32 v3, v5  }
0xbe: {  	v4 =	vsel vm0, v7, v8  }
.Ltmp11:
0xbf: {  	(pc) =	sbr.rel .LBB2_15-.Ltmp11, $2  }
0xc0: {  	_ =	sdelay $0x2  }
0xc1: {  	v3 =	vmov v2  }
.LBB2_16:
0xc2: {  	p0 =	sne.s32 s24, $0x0  }
.Ltmp12:
0xc3: {  	_ = 	snop;
	(pc) =	sbr.rel @p0 .LBB2_19-.Ltmp12, $1  }
0xc4: {  	_ =	sdelay $0x3  }
.Ltmp13:
0xc5: {  	(pc) =	sbr.rel .LBB2_18-.Ltmp13, $2  }
0xc6: {  	_ =	sdelay $0x2  }
0xc7: {  	s24 =	simm.s32 $0x3;
	s25 =	simm.s32 $0x0  }
.LBB2_12:
.Ltmp14:
0xc8: {  	(pc) =	sbr.rel .LBB2_15-.Ltmp14, $2  }
0xc9: {  	_ =	sdelay $0x2  }
0xca: {  	v3 =	vmov v2  }
.LBB2_21:
0xcb: {  	_ =	sfence.sel $0x180000  }
0xcc: {  	[bflag:$0x0] =	sbarrier.arrive $0xFFFF  }
0xcd: {  	p0 =	sne.s32 s3, $0x0;
	_ =	strace $0x90000053  }
0xce: {  	s0 =	sadd.s32 @!p0 $0x100000, s0;
	[bflag:$0x2] =	sbarrier.arrive $0xFFFF  }
0xcf: {  	[sflag:s0] =	ssyncadd.tile.s32 @!p0 $0x1;
	_ =	shalt  }
.Lfunc_end2:
_tile_overlayer_lowered:
.L_overlay_start_2:
0xd0: {  	(tag) =	ssettag $0x2  }
0xd1: {  	s0 =	rddreg [dreg:$0x0];
	s2 =	stileid.u32  }
0xd2: {  	s1 =	rddreg [dreg:$0x1];
	p0 =	sne.s32 s2, $0x0  }
0xd3: {  	s3 =	rddreg [dreg:$0x2];
	[bflag:$0x3] =	sbarrier.arrive $0xFFFF;
	s2 =	simm.s32 @!p0 $0x1C03  }
0xd4: {  	[timem:s3], [sflag:s2] =	dma.local @!p0 [hbm:s0], s1  }
0xd5: {  	s0 =	simm.s32 @!p0 $0x3  }
0xd6: {  	_ =	swait.ge @!p0 [sflag:s0], s1  }
0xd7: {  	s1 =	ssub.s32 @!p0 $0x0, s1;
	[sflag:s0] =	ssyncset.done @!p0 $0x0  }
0xd8: {  	[sflag:s0] =	ssyncadd.s32 @!p0 s1  }
0xd9: {  	[bflag:$0x3] =	sbarrier.arrive $0xFFFF  }
0xda: {  	_ =	shalt  }

// kernel: kernel.25.cloned.1.call-start
scs
__scs_entry_jumppad:
0x0: {  	(pc) =	sbr.rel $0x88, $3  }
0x1: {  	(tag) =	ssettag $0x0;
	lr =	simm.s32 $0x1  }
0x2: {  	[smem:$0x3F9B] =	sst lr;
	_ =	strace $0xD0000000  }
0x3: {  	_ = 	snop  }
0x4: {  	_ = 	snop  }
0x5: {  	_ = 	snop  }
0x6: {  	_ = 	snop  }
0x7: {  	_ = 	snop  }
__scs_overlays_trampoline_lowered:
0x8: {  	[smem:$0x3FAA] =	sst s0  }
0x9: {  	[smem:$0x3FAB] =	sst s1  }
0xa: {  	[smem:$0x3FAC] =	sst s2  }
0xb: {  	[smem:$0x3FAD] =	sst s3  }
0xc: {  	[smem:$0x3FAE] =	sst s4  }
0xd: {  	[smem:$0x3FAF] =	sst s5  }
0xe: {  	[smem:$0x3FB0] =	sst s6  }
0xf: {  	[smem:$0x3FB1] =	sst s7  }
0x10: {  	[smem:$0x3FB2] =	sst s8  }
0x11: {  	[smem:$0x3FB3] =	sst s9;
	s0 =	simm.s32 @!p0 $0x0  }
0x12: {  	s1 =	sld [smem:$0x3F99];
	s0 =	simm.s32 @p0 $0x1  }
0x13: {  	[smem:$0x3FB4] =	sst s0;
	s0 =	simm.s32 @!p1 $0x0  }
0x14: {  	s2 =	sld [smem:$0x3F98];
	s0 =	simm.s32 @p1 $0x1  }
0x15: {  	[smem:$0x3FB5] =	sst s0;
	s0 =	simm.s32 @!p2 $0x0  }
0x16: {  	s3 =	sld [smem:$0x3FDB];
	s0 =	simm.s32 @p2 $0x1  }
0x17: {  	s4 =	simm.s32 $0x1BF5;
	[smem:$0x3FB7] =	sst s0  }
0x18: {  	s0 =	sld [smem:$0x3F9A];
	_ =	swait.ge [sflag:s4], $0x0  }
0x19: {  	s7 =	sld [smem:$0x3F9B]  }
0x1a: {  	s8 =	sadd.s32 $0xFFFFE003, lr  }
0x1b: {  	s9 =	sadd.s32 $0xFFFFFEF7, lr;
	s5 =	simm.s32 $0xFFFFFFFF;
	p2 =	slt.u32 s8, $0xFFFFF086  }
0x1c: {  	p1 =	slt.u32 s9, $0xF7A;
	s5 =	simm.s32 @!p2 $0x0  }
0x1d: {  	s5 =	simm.s32 @p1 $0x1;
	p0 =	seq.s32 s7, s2  }
0x1e: {  	s7 =	smul.u32 @!p0 $0xF7A, s2;
	p2 =	seq.s32 @!p0 s5, $0x0  }
0x1f: {  	s9 =	smul.u32 $0xF7A, s1;
	s8 =	simm.s32 @!p0 $0x1BF5;
	p2 =	por !p2, p0  }
0x20: {  	[sflag:s8] =	ssyncset.s32 @!p0 $0xFFFFF086;
	s6 =	sadd.s32 @!p0 s3, s7;
	s7 =	simm.s32 @!p0 $0x108  }
0x21: {  	s3 =	sadd.s32 s3, s9;
	s6 =	sadd.s32 @!p0 $0x88, s6;
	s7 =	simm.s32 @p2 $0x1082  }
0x22: {  	[simem:s7], [sflag:s8] =	dma.local @!p0 [hbm:s6], $0xF7A  }
0x23: {  	s9 =	sor.u32 $0xD0000000, s2;
	s6 =	simm.s32 $0x108;
	_ =	swait.ge @!p0 [sflag:s8], $0x0  }
0x24: {  	s3 =	sadd.s32 $0x88, s3;
	s6 =	simm.s32 @!p1 $0x1082;
	[sflag:s4] =	ssyncset.s32 $0xFFFFF086  }
0x25: {  	[simem:s6], [sflag:s4] =	dma.local [hbm:s3], $0xF7A  }
0x26: {  	[smem:$0x3F9B] =	sst s1;
	(tag) =	ssettag s2;
	_ =	strace s9  }
0x27: {  	s1 =	sld [smem:$0x3FAB]  }
0x28: {  	s2 =	sld [smem:$0x3FAC]  }
0x29: {  	s4 =	sld [smem:$0x3FAE]  }
0x2a: {  	p0 =	seq.s32 s5, $0x0;
	s5 =	sld [smem:$0x3FAF]  }
0x2b: {  	s6 =	sld [smem:$0x3FB0]  }
0x2c: {  	s7 =	sld [smem:$0x3FB1]  }
0x2d: {  	s3 =	simm.s32 $0x108;
	s8 =	sld [smem:$0x3FB2]  }
0x2e: {  	s3 =	simm.s32 @!p0 $0x1082;
	s9 =	sld [smem:$0x3FB3]  }
0x2f: {  	lr =	sadd.s32 s0, s3;
	s0 =	sld [smem:$0x3FAA]  }
0x30: {  	s3 =	sld [smem:$0x3FAD]  }
0x31: {  	[smem:$0x3FB6] =	sst s10  }
0x32: {  	s10 =	sld [smem:$0x3FB4];
	_ =	sdelay $0x3  }
0x33: {  	p0 =	seq.s32 s10, $0x1;
	s10 =	sld [smem:$0x3FB6];
	_ =	sdelay $0x3  }
0x34: {  	[smem:$0x3FB6] =	sst s10  }
0x35: {  	s10 =	sld [smem:$0x3FB5];
	_ =	sdelay $0x3  }
0x36: {  	p1 =	seq.s32 s10, $0x1;
	s10 =	sld [smem:$0x3FB6];
	_ =	sdelay $0x3  }
0x37: {  	[smem:$0x3FB6] =	sst s10  }
0x38: {  	s10 =	sld [smem:$0x3FB7]  }
0x39: {  	_ = 	snop;
	(pc) =	sbr.ind lr, $3  }
0x3a: {  	_ = 	snop  }
0x3b: {  	_ = 	snop  }
0x3c: {  	p2 =	seq.s32 s10, $0x1;
	s10 =	sld [smem:$0x3FB6]  }
0x3d: {  	_ =	shalt  }
0x3e: {  	_ =	shalt  }
0x3f: {  	_ =	shalt  }
0x40: {  	_ =	shalt  }
0x41: {  	_ =	shalt  }
0x42: {  	_ =	shalt  }
0x43: {  	_ =	shalt  }
0x44: {  	_ =	shalt  }
0x45: {  	_ =	shalt  }
0x46: {  	_ =	shalt  }
0x47: {  	_ =	shalt  }
0x48: {  	_ =	shalt  }
0x49: {  	_ =	shalt  }
0x4a: {  	_ =	shalt  }
0x4b: {  	_ =	shalt  }
0x4c: {  	_ =	shalt  }
0x4d: {  	_ =	shalt  }
0x4e: {  	_ =	shalt  }
0x4f: {  	_ =	shalt  }
0x50: {  	_ =	shalt  }
0x51: {  	_ =	shalt  }
0x52: {  	_ =	shalt  }
0x53: {  	_ =	shalt  }
0x54: {  	_ =	shalt  }
0x55: {  	_ =	shalt  }
0x56: {  	_ =	shalt  }
0x57: {  	_ =	shalt  }
0x58: {  	_ =	shalt  }
0x59: {  	_ =	shalt  }
0x5a: {  	_ =	shalt  }
0x5b: {  	_ =	shalt  }
0x5c: {  	_ =	shalt  }
0x5d: {  	_ =	shalt  }
0x5e: {  	_ =	shalt  }
0x5f: {  	_ =	shalt  }
0x60: {  	_ =	shalt  }
0x61: {  	_ =	shalt  }
0x62: {  	_ =	shalt  }
0x63: {  	_ =	shalt  }
0x64: {  	_ =	shalt  }
0x65: {  	_ =	shalt  }
0x66: {  	_ =	shalt  }
0x67: {  	_ =	shalt  }
0x68: {  	_ =	shalt  }
0x69: {  	_ =	shalt  }
0x6a: {  	_ =	shalt  }
0x6b: {  	_ =	shalt  }
0x6c: {  	_ =	shalt  }
0x6d: {  	_ =	shalt  }
0x6e: {  	_ =	shalt  }
0x6f: {  	_ =	shalt  }
0x70: {  	_ =	shalt  }
0x71: {  	_ =	shalt  }
0x72: {  	_ =	shalt  }
0x73: {  	_ =	shalt  }
0x74: {  	_ =	shalt  }
0x75: {  	_ =	shalt  }
0x76: {  	_ =	shalt  }
0x77: {  	_ =	shalt  }
0x78: {  	_ =	shalt  }
0x79: {  	_ =	shalt  }
0x7a: {  	_ =	shalt  }
0x7b: {  	_ =	shalt  }
0x7c: {  	_ =	shalt  }
0x7d: {  	_ =	shalt  }
0x7e: {  	_ =	shalt  }
0x7f: {  	_ =	shalt  }
0x80: {  	_ =	shalt  }
0x81: {  	_ =	shalt  }
0x82: {  	_ =	shalt  }
0x83: {  	_ =	shalt  }
0x84: {  	_ =	shalt  }
0x85: {  	_ =	shalt  }
0x86: {  	_ =	shalt  }
0x87: {  	_ =	shalt  }
.Lfunc_end0:
.L_simem_size_0:
called_computation.5_lowered:
.L_overlay_start_0:
0x88: {  	s0 =	sld [smem:$0x3FD9]  }
0x89: {  	s1 =	sld [smem:$0x3FFE];
	_ =	sdelay $0x3  }
0x8a: {  	s0 =	sadd.s32 s1, s0  }
0x8b: {  	[smem:$0x3FC2] =	sst s0  }
0x8c: {  	_ = 	snop  }
0x8d: {  	(tm) =	ssettm $0x1  }
0x8e: {  	s15 =	sld [smem:$0x3FFB];
	_ =	sdelay $0x3  }
0x8f: {  	_ =	strace s15  }
0x90: {  	s0 =	sld [smem:$0x3FFC];
	_ =	sdelay $0x3  }
0x91: {  	_ =	strace s0  }
0x92: {  	s0 =	sld [smem:$0x3FFD];
	_ =	sdelay $0x3  }
0x93: {  	_ =	strace s0  }
0x94: {  	_ =	strace $0x8FFFFFFF  }
0x95: {  	s16 =	sld [smem:$0x3FDB];
	_ =	sdelay $0x1  }
0x96: {  	s17 =	simm.s32 $_scs_section_size  }
0x97: {  	s2 =	simm.s32 $_size__tile_overlayer_lowered;
	s3 =	simm.s32 $_tile_overlayer_lowered  }
0x98: {  	s20 =	simm.s32 $0x1BFF;
	s19 =	sshll.u32 s3, $0x1;
	s0 =	sadd.s32 s17, s16  }
0x99: {  	s4 =	simm.s32 $0x0;
	s18 =	sshll.u32 s2, $0x1;
	s2 =	sadd.s32 s19, s0  }
0x9a: {  	[timem:s4], [sflag:s20] =	dma.local [hbm:s2], s18  }
0x9b: {  	_ =	swait.ge [sflag:s20], s18  }
0x9c: {  	s1 =	ssub.s32 $0x0, s18;
	[sflag:s20] =	ssyncset.done $0x0  }
0x9d: {  	[sflag:s20] =	ssyncadd.s32 s1;
	_ =	sdelay $0x1  }
0x9e: {  	s21 =	simm.s32 $0x1B8B  }
0x9f: {  	_ =	swait.ge [sflag:s21], $0x1  }
0xa0: {  	[sflag:s21] =	ssyncset.done $0x0  }
0xa1: {  	s23 =	simm.s32 $0x1B8E;
	s22 =	sld [smem:$0x3FFE];
	[sflag:s21] =	ssyncadd.s32 $0xFFFFFFFF  }
0xa2: {  	s24 =	simm.s32 $execute0_lowered;
	[smem:$0x3FD2] =	sst s23  }
0xa3: {  	s2 =	sshll.u32 s24, $0x1;
	_ =	strace $0x80000055;
	[dreg:$0x1] =	wrdreg $0xFFFFFFFF  }
0xa4: {  	s25 =	simm.s32 $_size_execute0_lowered;
	s0 =	sadd.s32 s0, s2;
	[dreg:$0x0] =	wrdreg $0x0  }
0xa5: {  	s2 =	sshll.u32 s25, $0x1;
	[dreg:$0x2] =	wrdreg s0  }
0xa6: {  	[dreg:$0x3] =	wrdreg s2  }
0xa7: {  	[dreg:$0x4] =	wrdreg $0xC0  }
0xa8: {  	_ =	task [dreg:s4], $0x5FFFF  }
0xa9: {  	[dreg:$0x1] =	wrdreg $0xFFFFFFFF  }
0xaa: {  	[dreg:$0x0] =	wrdreg $0x60  }
0xab: {  	[dreg:$0x2] =	wrdreg s22  }
0xac: {  	[dreg:$0x3] =	wrdreg $0x9  }
0xad: {  	_ =	task.clear_ibuf [dreg:s4], $0x4FFFF;
	_ =	strace $0x90000055  }
0xae: {  	s26 =	simm.s32 $0x9;
	_ =	strace $0x80000057  }
0xaf: {  	_ =	swait.ge [sflag:s26], $0x1  }
0xb0: {  	[sflag:s26] =	ssyncadd.s32 $0xFFFFFFFF  }
0xb1: {  	_ =	strace $0x90000057  }
0xb2: {  	_ =	sfence  }
0xb3: {  	s28 =	sld [smem:$0x0];
	_ =	sdelay $0x1  }
0xb4: {  	s29 =	srdreg.scid  }
0xb5: {  	s30 =	sshll.u32 s29, $0xD;
	s31 =	sshrl.u32 s29, $0x2  }
0xb6: {  	s1 =	sand.u32 $0x1, s29;
	s2 =	sand.u32 $0x4000, s30;
	s0 =	sadd.s32 s31, s28  }
0xb7: {  	s1 =	sor.u32 s2, s1;
	s0 =	sshll.u32 s0, $0x11  }
0xb8: {  	s0 =	sor.u32 s0, s1  }
0xb9: {  	s0 =	sadd.s32 $0x8F2B, s0  }
0xba: {  	[sflag:s0] =	ssyncadd.remote.s32 $0x1  }
0xbb: {  	_ =	sfence.sel $0xFFFF  }
0xbc: {  	[dreg:$0x0] =	wrdreg $0xFFFFFFFF;
	(pc) =	sbr.abs _section_cstart, $3  }
0xbd: {  	[dreg:$0x1] =	wrdreg $0xFFFFFFFF  }
0xbe: {  	_ =	task.clear_ibuf [dreg:s4], $0x2FFFF;
	_ =	strace $0x9FFFFFFF  }
0xbf: {  	(tm) =	ssettm $0x7FFFFFFF  }
tec
execute0_lowered:
.L_overlay_start_1:
0x0: {  	(tag) =	ssettag $0x1  }
0x1: {  	s5 =	rddreg [dreg:$0x0]  }
0x2: {  	s0 =	rddreg [dreg:$0x1];
	s1 =	simm.s32 $0x0  }
0x3: {  	[smem:$0x7FF] =	sst s1  }
0x4: {  	_ =	strace $0x80000056;
	[smem:$0x0] =	sst s1  }
0x5: {  	[smem:$0x1] =	sst s1  }
0x6: {  	[smem:$0x2] =	sst s1  }
0x7: {  	[smem:$0x3] =	sst s1  }
0x8: {  	[smem:$0x4] =	sst s1  }
0x9: {  	[smem:$0x5] =	sst s1  }
0xa: {  	s10 =	simm.s32 $0x1;
	s11 =	simm.s32 $0x3;
	[smem:$0x6] =	sst s1  }
0xb: {  	s12 =	simm.s32 $0x2100;
	s13 =	simm.s32 $0x1080;
	[smem:$0x7] =	sst s1  }
0xc: {  	s14 =	simm.s32 $0x4200;
	s15 =	simm.s32 $0x5280;
	[smem:$0x8] =	sst s1  }
0xd: {  	s16 =	simm.s32 $0x2;
	s17 =	simm.s32 $0x6300;
	[smem:$0x9] =	sst s1  }
0xe: {  	s18 =	simm.s32 $0xE300;
	s19 =	simm.s32 $0x3180;
	[smem:$0xA] =	sst s1  }
.Ltmp0:
0xf: {  	s2 =	sadd.s32 $0x25600, s5;
	[smem:$0xB] =	sst s1;
	(pc) =	sbr.rel .LBB2_1-.Ltmp0, $4  }
0x10: {  	s3 =	sadd.s32 $0x46600, s5;
	s4 =	sadd.s32 $0x4600, s5;
	[smem:$0xC] =	sst s1  }
0x11: {  	s6 =	sadd.s32 $0x67600, s5;
	s7 =	sadd.s32 $0x88600, s5;
	[smem:$0xD] =	sst s1  }
0x12: {  	s8 =	sadd.s32 $0xA9600, s5;
	s5 =	stileid.u32;
	[smem:$0xE] =	sst s1  }
0x13: {  	v0 =	vlaneseq.u32;
	s20 =	simm.s32 $0x0;
	s9 =	smul.u32 $0x10800, s5;
	[smem:$0xF] =	sst s1  }
.LBB2_48:
0x14: {  	[bflag:$0x0] =	sbarrier.arrive $0xFFFF  }
.LBB2_49:
0x15: {  	s20 =	sadd.s32 $0x1, s20  }
0x16: {  	p0 =	sne.s32 s20, $0x10  }
.Ltmp1:
0x17: {  	_ = 	snop;
	(pc) =	sbr.rel @!p0 .LBB2_50-.Ltmp1, $1  }
0x18: {  	_ =	sdelay $0x3  }
.LBB2_1:
0x19: {  	p0 =	sne.s32 s20, $0x0  }
.Ltmp2:
0x1a: {  	_ = 	snop;
	(pc) =	sbr.rel @p0 .LBB2_17-.Ltmp2, $1  }
0x1b: {  	_ =	sdelay $0x3  }
0x1c: {  	s21 =	sld [smem:$0x0]  }
0x1d: {  	s22 =	sld [smem:$0x1]  }
0x1e: {  	s23 =	sld [smem:$0x2]  }
0x1f: {  	s24 =	sld [smem:$0x3]  }
0x20: {  	s26 =	sld [smem:$0x4]  }
0x21: {  	s28 =	sld [smem:$0x5]  }
0x22: {  	s29 =	sld [smem:$0x6]  }
0x23: {  	s30 =	sld [smem:$0x7];
	p0 =	slt.s32 s21, $0x1;
	s21 =	simm.s32 $0x1  }
0x24: {  	s21 =	simm.s32 @!p0 $0x0;
	p0 =	slt.s32 s22, $0x1;
	s22 =	simm.s32 $0x1  }
0x25: {  	s31 =	sld [smem:$0x8];
	s22 =	simm.s32 @!p0 $0x0  }
0x26: {  	p0 =	slt.s32 s23, $0x1;
	s21 =	sadd.s32 s22, s21;
	s22 =	simm.s32 $0x1  }
0x27: {  	s25 =	sld [smem:$0x9];
	s22 =	simm.s32 @!p0 $0x0  }
0x28: {  	p0 =	slt.s32 s24, $0x1;
	s24 =	simm.s32 $0x1;
	s21 =	sadd.s32 s22, s21  }
0x29: {  	s24 =	simm.s32 @!p0 $0x0;
	p0 =	slt.s32 s26, $0x1;
	s22 =	simm.s32 $0x1  }
0x2a: {  	s23 =	simm.s32 $0x1;
	s21 =	sadd.s32 s24, s21;
	s22 =	simm.s32 @!p0 $0x0  }
0x2b: {  	p0 =	slt.s32 s28, $0x1;
	s21 =	sadd.s32 s22, s21;
	s22 =	simm.s32 $0x1  }
0x2c: {  	s26 =	sld [smem:$0xA];
	s24 =	simm.s32 $0x1;
	s22 =	simm.s32 @!p0 $0x0  }
0x2d: {  	s28 =	sld [smem:$0xB];
	p0 =	slt.s32 s29, $0x1;
	s21 =	sadd.s32 s22, s21  }
0x2e: {  	s24 =	simm.s32 @!p0 $0x0;
	p0 =	slt.s32 s30, $0x1;
	s22 =	simm.s32 $0x1  }
0x2f: {  	s29 =	sld [smem:$0xC];
	s21 =	sadd.s32 s24, s21;
	s22 =	simm.s32 @!p0 $0x0  }
0x30: {  	p0 =	slt.s32 s31, $0x1;
	s21 =	sadd.s32 s22, s21;
	s22 =	simm.s32 $0x1  }
0x31: {  	s30 =	sld [smem:$0xD];
	s24 =	simm.s32 $0x1;
	s22 =	simm.s32 @!p0 $0x0  }
0x32: {  	s31 =	sld [smem:$0xE];
	p0 =	slt.s32 s25, $0x1;
	s21 =	sadd.s32 s22, s21  }
0x33: {  	s24 =	simm.s32 @!p0 $0x0;
	p0 =	slt.s32 s26, $0x1;
	s22 =	simm.s32 $0x1  }
0x34: {  	s25 =	sld [smem:$0xF];
	s21 =	sadd.s32 s24, s21;
	s22 =	simm.s32 @!p0 $0x0  }
0x35: {  	p0 =	slt.s32 s28, $0x1;
	s21 =	sadd.s32 s22, s21;
	s22 =	simm.s32 $0x1  }
0x36: {  	s24 =	simm.s32 $0x1;
	s22 =	simm.s32 @!p0 $0x0;
	p0 =	slt.s32 s29, $0x1  }
0x37: {  	s21 =	sadd.s32 s22, s21;
	s24 =	simm.s32 @!p0 $0x0;
	p0 =	slt.s32 s30, $0x1  }
0x38: {  	s21 =	sadd.s32 s24, s21;
	s23 =	simm.s32 @!p0 $0x0  }
0x39: {  	s22 =	simm.s32 $0x1;
	p0 =	slt.s32 s31, $0x1;
	s21 =	sadd.s32 s23, s21  }
0x3a: {  	s22 =	simm.s32 @!p0 $0x0;
	p0 =	slt.s32 s25, $0x1;
	s23 =	simm.s32 $0x1  }
0x3b: {  	s21 =	sadd.s32 s22, s21;
	s23 =	simm.s32 @!p0 $0x0  }
0x3c: {  	s21 =	sor.u32 s23, s21  }
0x3d: {  	p0 =	seq.s32 s21, $0x0  }
0x3e: {  	s21 =	simm.s32 @!p0 $0x0;
	s22 =	simm.s32 @!p0 $0x6300  }
0x3f: {  	[tilespmem:s22], [sflag:$0x3] =	stream.linear.gather @!p0 [hbm4b:s2+s21], $0x8000, $0x38;
	[tilespmem:$0x16300] =	vst v63  }
0x40: {  	s22 =	simm.s32 @!p0 $0x3  }
0x41: {  	_ =	swait.ge @!p0 [sflag:s22], $0x8000  }
0x42: {  	[sflag:s22] =	ssyncset.done @!p0 $0x0  }
.Ltmp3:
0x43: {  	s23 =	simm.s32 @!p0 $0xE300;
	[sflag:s22] =	ssyncadd.s32 @!p0 $0xFFFF8000;
	(pc) =	sbr.rel .LBB2_3-.Ltmp3, $4  }
0x44: {  	[tilespmem:s23], [sflag:$0x3] =	stream.linear.gather @!p0 [hbm4b:s3+s21], $0x8000, $0x38;
	[tilespmem:$0x16300] =	vst v63  }
0x45: {  	_ =	swait.ge @!p0 [sflag:s22], $0x8000  }
0x46: {  	[sflag:s22] =	ssyncset.done @!p0 $0x0  }
0x47: {  	s21 =	simm.s32 $0x0;
	[sflag:s22] =	ssyncadd.s32 @!p0 $0xFFFF8000;
	s22 =	smov.u32 s9  }
.LBB2_14:
0x48: {  	p0 =	sne.s32 s24, $0x0  }
0x49: {  	s24 =	sadd.s32 @!p0 s4, s23;
	s25 =	simm.s32 @!p0 $0x0  }
0x4a: {  	[hbm4b:s24+s25] =	stream.linear.scatter @!p0 [tilespmem:s25], [sflag:$0x3], $0x1080, $0x38;
	[tilespmem:$0x16300] =	vst v63  }
0x4b: {  	s24 =	simm.s32 @!p0 $0x3  }
0x4c: {  	_ =	swait.ge @!p0 [sflag:s24], $0x1080  }
0x4d: {  	[sflag:s24] =	ssyncset.done @!p0 $0x0  }
0x4e: {  	s26 =	sadd.s32 @!p0 s6, s23;
	s28 =	simm.s32 @!p0 $0x2100;
	[sflag:s24] =	ssyncadd.s32 @!p0 $0xFFFFEF80  }
0x4f: {  	[hbm4b:s26+s25] =	stream.linear.scatter @!p0 [tilespmem:s28], [sflag:$0x3], $0x1080, $0x38;
	[tilespmem:$0x16300] =	vst v63  }
0x50: {  	_ =	swait.ge @!p0 [sflag:s24], $0x1080  }
0x51: {  	[sflag:s24] =	ssyncset.done @!p0 $0x0  }
0x52: {  	s26 =	sadd.s32 @!p0 s7, s23;
	[sflag:s24] =	ssyncadd.s32 @!p0 $0xFFFFEF80  }
0x53: {  	[hbm4b:s26+s25] =	stream.linear.scatter @!p0 [tilespmem:s25], [sflag:$0x3], $0x1080, $0x38;
	[tilespmem:$0x16300] =	vst v63  }
0x54: {  	_ =	swait.ge @!p0 [sflag:s24], $0x1080  }
0x55: {  	[sflag:s24] =	ssyncset.done @!p0 $0x0  }
0x56: {  	s23 =	sadd.s32 @!p0 s8, s23;
	[sflag:s24] =	ssyncadd.s32 @!p0 $0xFFFFEF80  }
0x57: {  	[hbm4b:s23+s25] =	stream.linear.scatter @!p0 [tilespmem:s28], [sflag:$0x3], $0x1080, $0x38;
	[tilespmem:$0x16300] =	vst v63  }
0x58: {  	_ =	swait.ge @!p0 [sflag:s24], $0x1080  }
0x59: {  	[sflag:s24] =	ssyncset.done @!p0 $0x0  }
0x5a: {  	s23 =	simm.s32 @!p0 $0x1;
	[sflag:s24] =	ssyncadd.s32 @!p0 $0xFFFFEF80  }
0x5b: {  	[smem:s21] =	sst @!p0 s23  }
.LBB2_15:
0x5c: {  	s21 =	sadd.s32 $0x1, s21  }
0x5d: {  	p0 =	sne.s32 s21, $0x10  }
.Ltmp4:
0x5e: {  	_ = 	snop;
	(pc) =	sbr.rel @!p0 .LBB2_16-.Ltmp4, $2  }
0x5f: {  	_ =	sdelay $0x2  }
0x60: {  	s22 =	sadd.s32 $0x1080, s22  }
.LBB2_3:
0x61: {  	s23 =	sld [smem:s21+$0x0];
	_ =	sdelay $0x2  }
0x62: {  	p0 =	sgt.s32 s23, $0x0  }
.Ltmp5:
0x63: {  	_ = 	snop;
	(pc) =	sbr.rel @p0 .LBB2_15-.Ltmp5, $1  }
0x64: {  	_ =	sdelay $0x3  }
0x65: {  	s23 =	smul.u32 $0x1080, s21;
	_ =	sdelay $0x1  }
0x66: {  	s23 =	sadd.s32 s9, s23  }
0x67: {  	s23 =	sshrl.u32 s23, $0x3  }
0x68: {  	s25 =	simm.s32 $0x0;
	s24 =	sadd.s32 s2, s23  }
0x69: {  	[tilespmem:s25], [sflag:$0x3] =	stream.linear.gather [hbm4b:s24+s25], $0x1080, $0x38;
	[tilespmem:$0x16300] =	vst v63  }
0x6a: {  	_ =	swait.ge [sflag:s11], $0x1080  }
0x6b: {  	[sflag:s11] =	ssyncset.done $0x0  }
0x6c: {  	s30 =	sadd.s32 s3, s23;
	[sflag:s11] =	ssyncadd.s32 $0xFFFFEF80  }
0x6d: {  	[tilespmem:s12], [sflag:$0x3] =	stream.linear.gather [hbm4b:s30+s25], $0x1080, $0x38;
	[tilespmem:$0x16300] =	vst v63  }
0x6e: {  	_ =	swait.ge [sflag:s11], $0x1080  }
0x6f: {  	[sflag:s11] =	ssyncset.done $0x0  }
0x70: {  	s31 =	simm.s32 $0x0;
	[sflag:s11] =	ssyncadd.s32 $0xFFFFEF80  }
0x71: {  	v3 =	vimm.s32 $0x0;
	v1 =	vimm.s32 $0x0;
	s24 =	simm.s32 $0x40;
	v2 =	vld [tilespmem:s31+$0x0]  }
.LBB2_5:
0x72: {  	p0 =	sne.s32 s24, $0x41C0  }
.Ltmp6:
0x73: {  	_ = 	snop;
	(pc) =	sbr.rel @p0 .LBB2_5-.Ltmp6, $3  }
0x74: {  	_ =	sdelay $0x1  }
0x75: {  	s25 =	sshra.s32 s24, $0x2;
	s24 =	sadd.s32 $0x40, s24;
	v3 =	vor.u32 v3, v2;
	v4 =	vshrl.u32 v2, $0xF  }
0x76: {  	v2 =	vld [tilespmem:s25+$0x0];
	v1 =	vor.u32 v1, v4  }
0x77: {  	_ =	sdelay $0x3  }
0x78: {  	v3 =	vor.u32 v3, v2  }
0x79: {  	(v2sf) =	vpush v3, $0x0  }
0x7a: {  	(v2sf) =	vpush v3, $0x1  }
0x7b: {  	(v2sf) =	vpush v3, $0x2  }
0x7c: {  	(v2sf) =	vpush v3, $0x3  }
0x7d: {  	(v2sf) =	vpush v3, $0x4  }
0x7e: {  	(v2sf) =	vpush v3, $0x5  }
0x7f: {  	(v2sf) =	vpush v3, $0x6  }
0x80: {  	(v2sf) =	vpush v3, $0x7  }
0x81: {  	(v2sf) =	vpush v3, $0x8  }
0x82: {  	(v2sf) =	vpush v3, $0x9  }
0x83: {  	(v2sf) =	vpush v3, $0xA  }
0x84: {  	(v2sf) =	vpush v3, $0xB  }
0x85: {  	(v2sf) =	vpush v3, $0xC  }
0x86: {  	(v2sf) =	vpush v3, $0xD  }
0x87: {  	(v2sf) =	vpush v3, $0xE  }
0x88: {  	s24 =	spop (v2sf);
	(v2sf) =	vpush v3, $0xF  }
0x89: {  	s25 =	spop (v2sf)  }
0x8a: {  	s24 =	sor.u32 s25, s24;
	s28 =	spop (v2sf)  }
0x8b: {  	s24 =	sor.u32 s28, s24;
	s29 =	spop (v2sf)  }
0x8c: {  	s24 =	sor.u32 s29, s24;
	s30 =	spop (v2sf)  }
0x8d: {  	s24 =	sor.u32 s30, s24;
	s31 =	spop (v2sf)  }
0x8e: {  	s24 =	sor.u32 s31, s24;
	s26 =	spop (v2sf)  }
0x8f: {  	s24 =	sor.u32 s26, s24;
	s28 =	spop (v2sf)  }
0x90: {  	s24 =	sor.u32 s28, s24;
	s29 =	spop (v2sf)  }
0x91: {  	s24 =	sor.u32 s29, s24;
	s30 =	spop (v2sf)  }
0x92: {  	s24 =	sor.u32 s30, s24;
	s31 =	spop (v2sf)  }
0x93: {  	s24 =	sor.u32 s31, s24;
	s26 =	spop (v2sf)  }
0x94: {  	s24 =	sor.u32 s26, s24;
	s28 =	spop (v2sf)  }
0x95: {  	s24 =	sor.u32 s28, s24;
	s29 =	spop (v2sf)  }
0x96: {  	s24 =	sor.u32 s29, s24;
	s30 =	spop (v2sf)  }
0x97: {  	s24 =	sor.u32 s30, s24;
	s31 =	spop (v2sf)  }
0x98: {  	s24 =	sor.u32 s31, s24  }
0x99: {  	p0 =	slt.s32 s24, $0x1  }
.Ltmp7:
0x9a: {  	_ = 	snop;
	(pc) =	sbr.rel @p0 .LBB2_14-.Ltmp7, $3  }
0x9b: {  	_ =	sdelay $0x1  }
0x9c: {  	v2 =	vshrl.u32 v2, $0xF  }
0x9d: {  	v1 =	vor.u32 v1, v2  }
0x9e: {  	(v2sf) =	vpush v1, $0x0  }
0x9f: {  	(v2sf) =	vpush v1, $0x1  }
0xa0: {  	(v2sf) =	vpush v1, $0x2  }
0xa1: {  	(v2sf) =	vpush v1, $0x3  }
0xa2: {  	(v2sf) =	vpush v1, $0x4  }
0xa3: {  	(v2sf) =	vpush v1, $0x5  }
0xa4: {  	(v2sf) =	vpush v1, $0x6  }
0xa5: {  	(v2sf) =	vpush v1, $0x7  }
0xa6: {  	(v2sf) =	vpush v1, $0x8  }
0xa7: {  	(v2sf) =	vpush v1, $0x9  }
0xa8: {  	(v2sf) =	vpush v1, $0xA  }
0xa9: {  	(v2sf) =	vpush v1, $0xB  }
0xaa: {  	(v2sf) =	vpush v1, $0xC  }
0xab: {  	(v2sf) =	vpush v1, $0xD  }
0xac: {  	(v2sf) =	vpush v1, $0xE  }
0xad: {  	s24 =	spop (v2sf);
	(v2sf) =	vpush v1, $0xF  }
0xae: {  	s25 =	spop (v2sf)  }
0xaf: {  	s24 =	sor.u32 s25, s24;
	s28 =	spop (v2sf)  }
0xb0: {  	s24 =	sor.u32 s28, s24;
	s29 =	spop (v2sf)  }
0xb1: {  	s24 =	sor.u32 s29, s24;
	s30 =	spop (v2sf)  }
0xb2: {  	s24 =	sor.u32 s30, s24;
	s31 =	spop (v2sf)  }
0xb3: {  	s24 =	sor.u32 s31, s24;
	s26 =	spop (v2sf)  }
0xb4: {  	s24 =	sor.u32 s26, s24;
	s28 =	spop (v2sf)  }
0xb5: {  	s24 =	sor.u32 s28, s24;
	s29 =	spop (v2sf)  }
0xb6: {  	s24 =	sor.u32 s29, s24;
	s30 =	spop (v2sf)  }
0xb7: {  	s24 =	sor.u32 s30, s24;
	s31 =	spop (v2sf)  }
0xb8: {  	s24 =	sor.u32 s31, s24;
	s26 =	spop (v2sf)  }
0xb9: {  	s24 =	sor.u32 s26, s24;
	s28 =	spop (v2sf)  }
0xba: {  	s24 =	sor.u32 s28, s24;
	s29 =	spop (v2sf)  }
0xbb: {  	s24 =	sor.u32 s29, s24;
	s30 =	spop (v2sf)  }
0xbc: {  	s24 =	sor.u32 s30, s24;
	s31 =	spop (v2sf)  }
0xbd: {  	s24 =	sor.u32 s31, s24  }
0xbe: {  	p0 =	slt.s32 s24, $0x1  }
.Ltmp8:
0xbf: {  	_ = 	snop;
	(pc) =	sbr.rel @p0 .LBB2_11-.Ltmp8, $1  }
0xc0: {  	_ =	sdelay $0x3  }
0xc1: {  	s24 =	simm.s32 $0x0  }
0xc2: {  	v1 =	vld [tilespmem:s24+$0x0];
	_ =	sdelay $0x3  }
0xc3: {  	s25 =	simm.s32 $0x40;
	s26 =	smov.u32 s22  }
.LBB2_9:
0xc4: {  	s28 =	sshra.s32 s25, $0x2;
	p0 =	sne.s32 s25, $0x41C0;
	s25 =	sadd.s32 $0x40, s25;
	v2 =	vor.u32 s26, v0;
	vm0 =	vlt.s32 v1, $0x8000  }
.Ltmp9:
0xc5: {  	v2 =	vsel vm0, v2, v1;
	v1 =	vld [tilespmem:s28+$0x0];
	(pc) =	sbr.rel @p0 .LBB2_9-.Ltmp9, $2  }
0xc6: {  	[tilespmem:s24+$0x1080] =	vst v2;
	s24 =	smov.u32 s28;
	_ =	sdelay $0x2  }
0xc7: {  	s26 =	sadd.s32 $0x10, s26  }
0xc8: {  	v2 =	vor.u32 s26, v0;
	vm0 =	vlt.s32 v1, $0x8000  }
0xc9: {  	v1 =	vsel vm0, v2, v1  }
0xca: {  	[tilespmem:s24+$0x1080] =	vst v1  }
0xcb: {  	[tilespmem:s14], [sflag:$0x1] =	stream.indirect.gather [hbm4b:s2+s13], $0x1, s13, s13, $0xb8;
	[tilespmem:$0x16300] =	vst v63  }
0xcc: {  	_ = 	snop  }
0xcd: {  	[tilespmem:s15], [sflag:$0x2] =	stream.indirect.gather [hbm4b:s3+s13], $0x1, s13, s13, $0xb8;
	[tilespmem:$0x16300] =	vst v63  }
0xce: {  	_ =	swait.ge [sflag:s10], $0x1080  }
0xcf: {  	[sflag:s10] =	ssyncset.done $0x0  }
0xd0: {  	[sflag:s10] =	ssyncadd.s32 $0xFFFFEF80  }
0xd1: {  	_ =	swait.ge [sflag:s16], $0x1080  }
0xd2: {  	[sflag:s16] =	ssyncset.done $0x0  }
0xd3: {  	[sflag:s16] =	ssyncadd.s32 $0xFFFFEF80  }
.LBB2_11:
0xd4: {  	s25 =	simm.s32 $0x0  }
0xd5: {  	v2 =	vld [tilespmem:s25+$0x0];
	_ =	sdelay $0x4  }
0xd6: {  	v3 =	vand.u32 $0x7FFF, v2;
	_ =	sdelay $0x1  }
0xd7: {  	v4 =	vld [tilespmem:s25+$0x5280]  }
0xd8: {  	s24 =	simm.s32 $0x10;
	v5 =	vld [tilespmem:s25+$0x2100]  }
0xd9: {  	v1 =	vld [tilespmem:s24+$0x0]  }
0xda: {  	v6 =	vld.idx.msk [tilespmem:v3+s18+$0x0], $0xffff  }
0xdb: {  	v7 =	vld [tilespmem:s25+$0x4200]  }
0xdc: {  	v3 =	vld.idx.msk [tilespmem:v3+s17+$0x0], $0xffff;
	_ =	sdelay $0x1  }
0xdd: {  	vm0 =	vlt.s32 v2, $0x8000  }
0xde: {  	v2 =	vand.u32 $0x7FFF, v1;
	v4 =	vsel vm0, v6, v4  }
0xdf: {  	v4 =	vadd.f32 v4, v5  }
0xe0: {  	s26 =	simm.s32 $0x80;
	v3 =	vsel vm0, v3, v7  }
.LBB2_12:
0xe1: {  	p0 =	sne.s32 s26, $0x41C0;
	v5 =	vld [tilespmem:s24+$0x5280];
	[tilespmem:s25+$0x2100] =	vst v4;
	s28 =	smov.u32 s26;
	s26 =	sadd.s32 $0x40, s26  }
0xe2: {  	v4 =	vld [tilespmem:s24+$0x2100];
	[tilespmem:s25+$0x3180] =	vst v3;
	s25 =	smov.u32 s24  }
0xe3: {  	s24 =	sshra.s32 s28, $0x2;
	v3 =	vld.idx.msk [tilespmem:v2+s18+$0x0], $0xffff  }
0xe4: {  	v6 =	vld [tilespmem:s24+$0x0]  }
0xe5: {  	v7 =	vld.idx.msk [tilespmem:v2+s17+$0x0], $0xffff  }
0xe6: {  	v8 =	vld [tilespmem:s25+$0x4200]  }
.Ltmp10:
0xe7: {  	(pc) =	sbr.rel @p0 .LBB2_12-.Ltmp10, $4  }
0xe8: {  	vm0 =	vlt.s32 v1, $0x8000  }
0xe9: {  	v3 =	vsel vm0, v3, v5;
	v2 =	vand.u32 $0x7FFF, v6;
	v1 =	vmov v6  }
0xea: {  	v4 =	vadd.f32 v3, v4  }
0xeb: {  	v3 =	vsel vm0, v7, v8  }
0xec: {  	_ =	sdelay $0x1  }
0xed: {  	v5 =	vld [tilespmem:s24+$0x5280];
	[tilespmem:s25+$0x2100] =	vst v4  }
0xee: {  	v4 =	vld [tilespmem:s24+$0x2100];
	[tilespmem:s25+$0x3180] =	vst v3  }
0xef: {  	v3 =	vld.idx.msk [tilespmem:v2+s18+$0x0], $0xffff  }
0xf0: {  	v2 =	vld.idx.msk [tilespmem:v2+s17+$0x0], $0xffff  }
0xf1: {  	v6 =	vld [tilespmem:s24+$0x4200];
	_ =	sdelay $0x2  }
0xf2: {  	vm0 =	vlt.s32 v1, $0x8000  }
0xf3: {  	v1 =	vsel vm0, v3, v5  }
0xf4: {  	v2 =	vsel vm0, v2, v6;
	v1 =	vadd.f32 v1, v4  }
0xf5: {  	[tilespmem:s24+$0x3180] =	vst v2  }
0xf6: {  	s30 =	sadd.s32 s4, s23;
	[tilespmem:s24+$0x2100] =	vst v1  }
0xf7: {  	[hbm4b:s30+s1] =	stream.linear.scatter [tilespmem:s19], [sflag:$0x3], $0x1080, $0x38;
	[tilespmem:$0x16300] =	vst v63  }
0xf8: {  	_ =	swait.ge [sflag:s11], $0x1080  }
0xf9: {  	[sflag:s11] =	ssyncset.done $0x0  }
.Ltmp11:
0xfa: {  	s31 =	sadd.s32 s6, s23;
	[sflag:s11] =	ssyncadd.s32 $0xFFFFEF80;
	(pc) =	sbr.rel .LBB2_15-.Ltmp11, $4  }
0xfb: {  	[hbm4b:s31+s1] =	stream.linear.scatter [tilespmem:s12], [sflag:$0x3], $0x1080, $0x38;
	[tilespmem:$0x16300] =	vst v63  }
0xfc: {  	_ =	swait.ge [sflag:s11], $0x1080  }
0xfd: {  	[sflag:s11] =	ssyncset.done $0x0  }
0xfe: {  	[sflag:s11] =	ssyncadd.s32 $0xFFFFEF80  }
.LBB2_16:
0xff: {  	[bflag:$0x0] =	sbarrier.arrive $0xFFFF  }
.LBB2_17:
0x100: {  	s21 =	sand.u32 $0x1, s20  }
0x101: {  	p0 =	seq.s32 s21, $0x0  }
.Ltmp12:
0x102: {  	_ = 	snop;
	(pc) =	sbr.rel @p0 .LBB2_33-.Ltmp12, $1  }
0x103: {  	_ =	sdelay $0x3  }
0x104: {  	s22 =	sld [smem:$0x0]  }
0x105: {  	s23 =	sld [smem:$0x1]  }
0x106: {  	s24 =	sld [smem:$0x2]  }
0x107: {  	s25 =	sld [smem:$0x3]  }
0x108: {  	s31 =	sld [smem:$0x4]  }
0x109: {  	s26 =	sld [smem:$0x5]  }
0x10a: {  	s28 =	sld [smem:$0x6];
	p0 =	slt.s32 s22, $0x1;
	s22 =	simm.s32 $0x1  }
0x10b: {  	s22 =	simm.s32 @!p0 $0x0;
	p0 =	slt.s32 s23, $0x1;
	s23 =	simm.s32 $0x1  }
0x10c: {  	s29 =	sld [smem:$0x7];
	s23 =	simm.s32 @!p0 $0x0  }
0x10d: {  	p0 =	slt.s32 s24, $0x1;
	s22 =	sadd.s32 s23, s22;
	s23 =	simm.s32 $0x1  }
0x10e: {  	s30 =	sld [smem:$0x8];
	s24 =	simm.s32 $0x1;
	s23 =	simm.s32 @!p0 $0x0  }
0x10f: {  	p0 =	slt.s32 s25, $0x1;
	s25 =	simm.s32 $0x1;
	s22 =	sadd.s32 s23, s22  }
0x110: {  	s25 =	simm.s32 @!p0 $0x0;
	p0 =	slt.s32 s31, $0x1;
	s23 =	simm.s32 $0x1  }
0x111: {  	s31 =	sld [smem:$0x9];
	s22 =	sadd.s32 s25, s22;
	s23 =	simm.s32 @!p0 $0x0  }
0x112: {  	p0 =	slt.s32 s26, $0x1;
	s22 =	sadd.s32 s23, s22;
	s23 =	simm.s32 $0x1  }
0x113: {  	s25 =	simm.s32 $0x1;
	s26 =	sld [smem:$0xA];
	s23 =	simm.s32 @!p0 $0x0  }
0x114: {  	p0 =	slt.s32 s28, $0x1;
	s28 =	sld [smem:$0xB];
	s22 =	sadd.s32 s23, s22  }
0x115: {  	s25 =	simm.s32 @!p0 $0x0;
	p0 =	slt.s32 s29, $0x1;
	s23 =	simm.s32 $0x1  }
0x116: {  	s29 =	sld [smem:$0xC];
	s22 =	sadd.s32 s25, s22;
	s23 =	simm.s32 @!p0 $0x0  }
0x117: {  	p0 =	slt.s32 s30, $0x1;
	s22 =	sadd.s32 s23, s22;
	s23 =	simm.s32 $0x1  }
0x118: {  	s25 =	simm.s32 $0x1;
	s30 =	sld [smem:$0xD];
	s23 =	simm.s32 @!p0 $0x0  }
0x119: {  	p0 =	slt.s32 s31, $0x1;
	s31 =	sld [smem:$0xE];
	s22 =	sadd.s32 s23, s22  }
0x11a: {  	s25 =	simm.s32 @!p0 $0x0;
	p0 =	slt.s32 s26, $0x1;
	s23 =	simm.s32 $0x1  }
0x11b: {  	s26 =	sld [smem:$0xF];
	s22 =	sadd.s32 s25, s22;
	s23 =	simm.s32 @!p0 $0x0  }
0x11c: {  	p0 =	slt.s32 s28, $0x1;
	s22 =	sadd.s32 s23, s22;
	s23 =	simm.s32 $0x1  }
0x11d: {  	s25 =	simm.s32 $0x1;
	s23 =	simm.s32 @!p0 $0x0;
	p0 =	slt.s32 s29, $0x1  }
0x11e: {  	s22 =	sadd.s32 s23, s22;
	s25 =	simm.s32 @!p0 $0x0;
	p0 =	slt.s32 s30, $0x1  }
0x11f: {  	s22 =	sadd.s32 s25, s22;
	s24 =	simm.s32 @!p0 $0x0  }
0x120: {  	s23 =	simm.s32 $0x1;
	p0 =	slt.s32 s31, $0x1;
	s22 =	sadd.s32 s24, s22  }
0x121: {  	s23 =	simm.s32 @!p0 $0x0;
	p0 =	slt.s32 s26, $0x1;
	s24 =	simm.s32 $0x1  }
0x122: {  	s22 =	sadd.s32 s23, s22;
	s24 =	simm.s32 @!p0 $0x0  }
0x123: {  	s22 =	sor.u32 s24, s22  }
0x124: {  	p0 =	seq.s32 s22, $0x0  }
0x125: {  	s22 =	simm.s32 @!p0 $0x0;
	s23 =	simm.s32 @!p0 $0x6300  }
0x126: {  	[tilespmem:s23], [sflag:$0x3] =	stream.linear.gather @!p0 [hbm4b:s4+s22], $0x8000, $0x38;
	[tilespmem:$0x16300] =	vst v63  }
0x127: {  	s23 =	simm.s32 @!p0 $0x3  }
0x128: {  	_ =	swait.ge @!p0 [sflag:s23], $0x8000  }
0x129: {  	[sflag:s23] =	ssyncset.done @!p0 $0x0  }
.Ltmp13:
0x12a: {  	s24 =	simm.s32 @!p0 $0xE300;
	[sflag:s23] =	ssyncadd.s32 @!p0 $0xFFFF8000;
	(pc) =	sbr.rel .LBB2_19-.Ltmp13, $4  }
0x12b: {  	[tilespmem:s24], [sflag:$0x3] =	stream.linear.gather @!p0 [hbm4b:s6+s22], $0x8000, $0x38;
	[tilespmem:$0x16300] =	vst v63  }
0x12c: {  	_ =	swait.ge @!p0 [sflag:s23], $0x8000  }
0x12d: {  	[sflag:s23] =	ssyncset.done @!p0 $0x0  }
0x12e: {  	s22 =	simm.s32 $0x0;
	[sflag:s23] =	ssyncadd.s32 @!p0 $0xFFFF8000;
	s23 =	smov.u32 s9  }
.LBB2_30:
0x12f: {  	p0 =	sne.s32 s25, $0x0  }
0x130: {  	s25 =	sadd.s32 @!p0 s7, s24;
	s26 =	simm.s32 @!p0 $0x0  }
0x131: {  	[hbm4b:s25+s26] =	stream.linear.scatter @!p0 [tilespmem:s26], [sflag:$0x3], $0x1080, $0x38;
	[tilespmem:$0x16300] =	vst v63  }
0x132: {  	s25 =	simm.s32 @!p0 $0x3  }
0x133: {  	_ =	swait.ge @!p0 [sflag:s25], $0x1080  }
0x134: {  	[sflag:s25] =	ssyncset.done @!p0 $0x0  }
0x135: {  	s24 =	sadd.s32 @!p0 s8, s24;
	s28 =	simm.s32 @!p0 $0x2100;
	[sflag:s25] =	ssyncadd.s32 @!p0 $0xFFFFEF80  }
0x136: {  	[hbm4b:s24+s26] =	stream.linear.scatter @!p0 [tilespmem:s28], [sflag:$0x3], $0x1080, $0x38;
	[tilespmem:$0x16300] =	vst v63  }
0x137: {  	_ =	swait.ge @!p0 [sflag:s25], $0x1080  }
0x138: {  	[sflag:s25] =	ssyncset.done @!p0 $0x0  }
0x139: {  	s24 =	simm.s32 @!p0 $0x1;
	[sflag:s25] =	ssyncadd.s32 @!p0 $0xFFFFEF80  }
0x13a: {  	[smem:s22] =	sst @!p0 s24  }
.LBB2_31:
0x13b: {  	s22 =	sadd.s32 $0x1, s22  }
0x13c: {  	p0 =	sne.s32 s22, $0x10  }
.Ltmp14:
0x13d: {  	_ = 	snop;
	(pc) =	sbr.rel @!p0 .LBB2_32-.Ltmp14, $2  }
0x13e: {  	_ =	sdelay $0x2  }
0x13f: {  	s23 =	sadd.s32 $0x1080, s23  }
.LBB2_19:
0x140: {  	s24 =	sld [smem:s22+$0x0];
	_ =	sdelay $0x2  }
0x141: {  	p0 =	sgt.s32 s24, $0x0  }
.Ltmp15:
0x142: {  	_ = 	snop;
	(pc) =	sbr.rel @p0 .LBB2_31-.Ltmp15, $1  }
0x143: {  	_ =	sdelay $0x3  }
0x144: {  	s24 =	smul.u32 $0x1080, s22;
	_ =	sdelay $0x1  }
0x145: {  	s24 =	sadd.s32 s9, s24  }
0x146: {  	s24 =	sshrl.u32 s24, $0x3  }
0x147: {  	s26 =	simm.s32 $0x0;
	s25 =	sadd.s32 s4, s24  }
0x148: {  	[tilespmem:s26], [sflag:$0x3] =	stream.linear.gather [hbm4b:s25+s26], $0x1080, $0x38;
	[tilespmem:$0x16300] =	vst v63  }
0x149: {  	_ =	swait.ge [sflag:s11], $0x1080  }
0x14a: {  	[sflag:s11] =	ssyncset.done $0x0  }
0x14b: {  	s30 =	sadd.s32 s6, s24;
	[sflag:s11] =	ssyncadd.s32 $0xFFFFEF80  }
0x14c: {  	[tilespmem:s12], [sflag:$0x3] =	stream.linear.gather [hbm4b:s30+s26], $0x1080, $0x38;
	[tilespmem:$0x16300] =	vst v63  }
0x14d: {  	_ =	swait.ge [sflag:s11], $0x1080  }
0x14e: {  	[sflag:s11] =	ssyncset.done $0x0  }
0x14f: {  	s31 =	simm.s32 $0x0;
	[sflag:s11] =	ssyncadd.s32 $0xFFFFEF80  }
0x150: {  	v3 =	vimm.s32 $0x0;
	v1 =	vimm.s32 $0x0;
	s25 =	simm.s32 $0x40;
	v2 =	vld [tilespmem:s31+$0x0]  }
.LBB2_21:
0x151: {  	p0 =	sne.s32 s25, $0x41C0  }
.Ltmp16:
0x152: {  	_ = 	snop;
	(pc) =	sbr.rel @p0 .LBB2_21-.Ltmp16, $3  }
0x153: {  	_ =	sdelay $0x1  }
0x154: {  	s26 =	sshra.s32 s25, $0x2;
	s25 =	sadd.s32 $0x40, s25;
	v3 =	vor.u32 v3, v2;
	v4 =	vshrl.u32 v2, $0xF  }
0x155: {  	v2 =	vld [tilespmem:s26+$0x0];
	v1 =	vor.u32 v1, v4  }
0x156: {  	_ =	sdelay $0x3  }
0x157: {  	v3 =	vor.u32 v3, v2  }
0x158: {  	(v2sf) =	vpush v3, $0x0  }
0x159: {  	(v2sf) =	vpush v3, $0x1  }
0x15a: {  	(v2sf) =	vpush v3, $0x2  }
0x15b: {  	(v2sf) =	vpush v3, $0x3  }
0x15c: {  	(v2sf) =	vpush v3, $0x4  }
0x15d: {  	(v2sf) =	vpush v3, $0x5  }
0x15e: {  	(v2sf) =	vpush v3, $0x6  }
0x15f: {  	(v2sf) =	vpush v3, $0x7  }
0x160: {  	(v2sf) =	vpush v3, $0x8  }
0x161: {  	(v2sf) =	vpush v3, $0x9  }
0x162: {  	(v2sf) =	vpush v3, $0xA  }
0x163: {  	(v2sf) =	vpush v3, $0xB  }
0x164: {  	(v2sf) =	vpush v3, $0xC  }
0x165: {  	(v2sf) =	vpush v3, $0xD  }
0x166: {  	(v2sf) =	vpush v3, $0xE  }
0x167: {  	s25 =	spop (v2sf);
	(v2sf) =	vpush v3, $0xF  }
0x168: {  	s26 =	spop (v2sf)  }
0x169: {  	s25 =	sor.u32 s26, s25;
	s30 =	spop (v2sf)  }
0x16a: {  	s25 =	sor.u32 s30, s25;
	s31 =	spop (v2sf)  }
0x16b: {  	s25 =	sor.u32 s31, s25;
	s28 =	spop (v2sf)  }
0x16c: {  	s25 =	sor.u32 s28, s25;
	s29 =	spop (v2sf)  }
0x16d: {  	s25 =	sor.u32 s29, s25;
	s30 =	spop (v2sf)  }
0x16e: {  	s25 =	sor.u32 s30, s25;
	s31 =	spop (v2sf)  }
0x16f: {  	s25 =	sor.u32 s31, s25;
	s28 =	spop (v2sf)  }
0x170: {  	s25 =	sor.u32 s28, s25;
	s29 =	spop (v2sf)  }
0x171: {  	s25 =	sor.u32 s29, s25;
	s30 =	spop (v2sf)  }
0x172: {  	s25 =	sor.u32 s30, s25;
	s31 =	spop (v2sf)  }
0x173: {  	s25 =	sor.u32 s31, s25;
	s28 =	spop (v2sf)  }
0x174: {  	s25 =	sor.u32 s28, s25;
	s29 =	spop (v2sf)  }
0x175: {  	s25 =	sor.u32 s29, s25;
	s30 =	spop (v2sf)  }
0x176: {  	s25 =	sor.u32 s30, s25;
	s31 =	spop (v2sf)  }
0x177: {  	s25 =	sor.u32 s31, s25  }
0x178: {  	p0 =	slt.s32 s25, $0x1  }
.Ltmp17:
0x179: {  	_ = 	snop;
	(pc) =	sbr.rel @p0 .LBB2_30-.Ltmp17, $3  }
0x17a: {  	_ =	sdelay $0x1  }
0x17b: {  	v2 =	vshrl.u32 v2, $0xF  }
0x17c: {  	v1 =	vor.u32 v1, v2  }
0x17d: {  	(v2sf) =	vpush v1, $0x0  }
0x17e: {  	(v2sf) =	vpush v1, $0x1  }
0x17f: {  	(v2sf) =	vpush v1, $0x2  }
0x180: {  	(v2sf) =	vpush v1, $0x3  }
0x181: {  	(v2sf) =	vpush v1, $0x4  }
0x182: {  	(v2sf) =	vpush v1, $0x5  }
0x183: {  	(v2sf) =	vpush v1, $0x6  }
0x184: {  	(v2sf) =	vpush v1, $0x7  }
0x185: {  	(v2sf) =	vpush v1, $0x8  }
0x186: {  	(v2sf) =	vpush v1, $0x9  }
0x187: {  	(v2sf) =	vpush v1, $0xA  }
0x188: {  	(v2sf) =	vpush v1, $0xB  }
0x189: {  	(v2sf) =	vpush v1, $0xC  }
0x18a: {  	(v2sf) =	vpush v1, $0xD  }
0x18b: {  	(v2sf) =	vpush v1, $0xE  }
0x18c: {  	s25 =	spop (v2sf);
	(v2sf) =	vpush v1, $0xF  }
0x18d: {  	s26 =	spop (v2sf)  }
0x18e: {  	s25 =	sor.u32 s26, s25;
	s30 =	spop (v2sf)  }
0x18f: {  	s25 =	sor.u32 s30, s25;
	s31 =	spop (v2sf)  }
0x190: {  	s25 =	sor.u32 s31, s25;
	s28 =	spop (v2sf)  }
0x191: {  	s25 =	sor.u32 s28, s25;
	s29 =	spop (v2sf)  }
0x192: {  	s25 =	sor.u32 s29, s25;
	s30 =	spop (v2sf)  }
0x193: {  	s25 =	sor.u32 s30, s25;
	s31 =	spop (v2sf)  }
0x194: {  	s25 =	sor.u32 s31, s25;
	s28 =	spop (v2sf)  }
0x195: {  	s25 =	sor.u32 s28, s25;
	s29 =	spop (v2sf)  }
0x196: {  	s25 =	sor.u32 s29, s25;
	s30 =	spop (v2sf)  }
0x197: {  	s25 =	sor.u32 s30, s25;
	s31 =	spop (v2sf)  }
0x198: {  	s25 =	sor.u32 s31, s25;
	s28 =	spop (v2sf)  }
0x199: {  	s25 =	sor.u32 s28, s25;
	s29 =	spop (v2sf)  }
0x19a: {  	s25 =	sor.u32 s29, s25;
	s30 =	spop (v2sf)  }
0x19b: {  	s25 =	sor.u32 s30, s25;
	s31 =	spop (v2sf)  }
0x19c: {  	s25 =	sor.u32 s31, s25  }
0x19d: {  	p0 =	slt.s32 s25, $0x1  }
.Ltmp18:
0x19e: {  	_ = 	snop;
	(pc) =	sbr.rel @p0 .LBB2_27-.Ltmp18, $1  }
0x19f: {  	_ =	sdelay $0x3  }
0x1a0: {  	s25 =	simm.s32 $0x0  }
0x1a1: {  	v1 =	vld [tilespmem:s25+$0x0];
	_ =	sdelay $0x3  }
0x1a2: {  	s26 =	simm.s32 $0x40;
	s28 =	smov.u32 s23  }
.LBB2_25:
0x1a3: {  	s29 =	sshra.s32 s26, $0x2;
	p0 =	sne.s32 s26, $0x41C0;
	s26 =	sadd.s32 $0x40, s26;
	v2 =	vor.u32 s28, v0;
	vm0 =	vlt.s32 v1, $0x8000  }
.Ltmp19:
0x1a4: {  	v2 =	vsel vm0, v2, v1;
	v1 =	vld [tilespmem:s29+$0x0];
	(pc) =	sbr.rel @p0 .LBB2_25-.Ltmp19, $2  }
0x1a5: {  	[tilespmem:s25+$0x1080] =	vst v2;
	s25 =	smov.u32 s29;
	_ =	sdelay $0x2  }
0x1a6: {  	s28 =	sadd.s32 $0x10, s28  }
0x1a7: {  	v2 =	vor.u32 s28, v0;
	vm0 =	vlt.s32 v1, $0x8000  }
0x1a8: {  	v1 =	vsel vm0, v2, v1  }
0x1a9: {  	[tilespmem:s25+$0x1080] =	vst v1  }
0x1aa: {  	[tilespmem:s14], [sflag:$0x1] =	stream.indirect.gather [hbm4b:s4+s13], $0x1, s13, s13, $0xb8;
	[tilespmem:$0x16300] =	vst v63  }
0x1ab: {  	_ = 	snop  }
0x1ac: {  	[tilespmem:s15], [sflag:$0x2] =	stream.indirect.gather [hbm4b:s6+s13], $0x1, s13, s13, $0xb8;
	[tilespmem:$0x16300] =	vst v63  }
0x1ad: {  	_ =	swait.ge [sflag:s10], $0x1080  }
0x1ae: {  	[sflag:s10] =	ssyncset.done $0x0  }
0x1af: {  	[sflag:s10] =	ssyncadd.s32 $0xFFFFEF80  }
0x1b0: {  	_ =	swait.ge [sflag:s16], $0x1080  }
0x1b1: {  	[sflag:s16] =	ssyncset.done $0x0  }
0x1b2: {  	[sflag:s16] =	ssyncadd.s32 $0xFFFFEF80  }
.LBB2_27:
0x1b3: {  	s26 =	simm.s32 $0x0  }
0x1b4: {  	v2 =	vld [tilespmem:s26+$0x0];
	_ =	sdelay $0x4  }
0x1b5: {  	v3 =	vand.u32 $0x7FFF, v2;
	_ =	sdelay $0x1  }
0x1b6: {  	v4 =	vld [tilespmem:s26+$0x5280]  }
0x1b7: {  	s25 =	simm.s32 $0x10;
	v5 =	vld [tilespmem:s26+$0x2100]  }
0x1b8: {  	v1 =	vld [tilespmem:s25+$0x0]  }
0x1b9: {  	v6 =	vld.idx.msk [tilespmem:v3+s18+$0x0], $0xffff  }
0x1ba: {  	v7 =	vld [tilespmem:s26+$0x4200]  }
0x1bb: {  	v3 =	vld.idx.msk [tilespmem:v3+s17+$0x0], $0xffff;
	_ =	sdelay $0x1  }
0x1bc: {  	vm0 =	vlt.s32 v2, $0x8000  }
0x1bd: {  	v2 =	vand.u32 $0x7FFF, v1;
	v4 =	vsel vm0, v6, v4  }
0x1be: {  	v4 =	vadd.f32 v4, v5  }
0x1bf: {  	s28 =	simm.s32 $0x80;
	v3 =	vsel vm0, v3, v7  }
.LBB2_28:
0x1c0: {  	p0 =	sne.s32 s28, $0x41C0;
	v5 =	vld [tilespmem:s25+$0x5280];
	[tilespmem:s26+$0x2100] =	vst v4;
	s29 =	smov.u32 s28;
	s28 =	sadd.s32 $0x40, s28  }
0x1c1: {  	v4 =	vld [tilespmem:s25+$0x2100];
	[tilespmem:s26+$0x3180] =	vst v3;
	s26 =	smov.u32 s25  }
0x1c2: {  	s25 =	sshra.s32 s29, $0x2;
	v3 =	vld.idx.msk [tilespmem:v2+s18+$0x0], $0xffff  }
0x1c3: {  	v6 =	vld [tilespmem:s25+$0x0]  }
0x1c4: {  	v7 =	vld.idx.msk [tilespmem:v2+s17+$0x0], $0xffff  }
0x1c5: {  	v8 =	vld [tilespmem:s26+$0x4200]  }
.Ltmp20:
0x1c6: {  	(pc) =	sbr.rel @p0 .LBB2_28-.Ltmp20, $4  }
0x1c7: {  	vm0 =	vlt.s32 v1, $0x8000  }
0x1c8: {  	v3 =	vsel vm0, v3, v5;
	v2 =	vand.u32 $0x7FFF, v6;
	v1 =	vmov v6  }
0x1c9: {  	v4 =	vadd.f32 v3, v4  }
0x1ca: {  	v3 =	vsel vm0, v7, v8  }
0x1cb: {  	_ =	sdelay $0x1  }
0x1cc: {  	v5 =	vld [tilespmem:s25+$0x5280];
	[tilespmem:s26+$0x2100] =	vst v4  }
0x1cd: {  	v4 =	vld [tilespmem:s25+$0x2100];
	[tilespmem:s26+$0x3180] =	vst v3  }
0x1ce: {  	v3 =	vld.idx.msk [tilespmem:v2+s18+$0x0], $0xffff  }
0x1cf: {  	v2 =	vld.idx.msk [tilespmem:v2+s17+$0x0], $0xffff  }
0x1d0: {  	v6 =	vld [tilespmem:s25+$0x4200];
	_ =	sdelay $0x2  }
0x1d1: {  	vm0 =	vlt.s32 v1, $0x8000  }
0x1d2: {  	v1 =	vsel vm0, v3, v5  }
0x1d3: {  	v2 =	vsel vm0, v2, v6;
	v1 =	vadd.f32 v1, v4  }
0x1d4: {  	[tilespmem:s25+$0x3180] =	vst v2  }
0x1d5: {  	s30 =	sadd.s32 s7, s24;
	[tilespmem:s25+$0x2100] =	vst v1  }
0x1d6: {  	[hbm4b:s30+s1] =	stream.linear.scatter [tilespmem:s19], [sflag:$0x3], $0x1080, $0x38;
	[tilespmem:$0x16300] =	vst v63  }
0x1d7: {  	_ =	swait.ge [sflag:s11], $0x1080  }
0x1d8: {  	[sflag:s11] =	ssyncset.done $0x0  }
.Ltmp21:
0x1d9: {  	s31 =	sadd.s32 s8, s24;
	[sflag:s11] =	ssyncadd.s32 $0xFFFFEF80;
	(pc) =	sbr.rel .LBB2_31-.Ltmp21, $4  }
0x1da: {  	[hbm4b:s31+s1] =	stream.linear.scatter [tilespmem:s12], [sflag:$0x3], $0x1080, $0x38;
	[tilespmem:$0x16300] =	vst v63  }
0x1db: {  	_ =	swait.ge [sflag:s11], $0x1080  }
0x1dc: {  	[sflag:s11] =	ssyncset.done $0x0  }
0x1dd: {  	[sflag:s11] =	ssyncadd.s32 $0xFFFFEF80  }
.LBB2_32:
0x1de: {  	[bflag:$0x0] =	sbarrier.arrive $0xFFFF  }
.LBB2_33:
0x1df: {  	p0 =	seq.s32 s20, $0x0  }
0x1e0: {  	p1 =	sne.s32 @!p0 s21, $0x0  }
0x1e1: {  	p0 =	por p0, p1  }
.Ltmp22:
0x1e2: {  	_ = 	snop;
	(pc) =	sbr.rel @p0 .LBB2_49-.Ltmp22, $1  }
0x1e3: {  	_ =	sdelay $0x3  }
0x1e4: {  	s21 =	sld [smem:$0x0]  }
0x1e5: {  	s22 =	sld [smem:$0x1]  }
0x1e6: {  	s23 =	sld [smem:$0x2]  }
0x1e7: {  	s24 =	sld [smem:$0x3]  }
0x1e8: {  	s26 =	sld [smem:$0x4]  }
0x1e9: {  	s28 =	sld [smem:$0x5]  }
0x1ea: {  	s29 =	sld [smem:$0x6]  }
0x1eb: {  	s30 =	sld [smem:$0x7];
	p0 =	slt.s32 s21, $0x1;
	s21 =	simm.s32 $0x1  }
0x1ec: {  	s21 =	simm.s32 @!p0 $0x0;
	p0 =	slt.s32 s22, $0x1;
	s22 =	simm.s32 $0x1  }
0x1ed: {  	s31 =	sld [smem:$0x8];
	s22 =	simm.s32 @!p0 $0x0  }
0x1ee: {  	p0 =	slt.s32 s23, $0x1;
	s21 =	sadd.s32 s22, s21;
	s22 =	simm.s32 $0x1  }
0x1ef: {  	s25 =	sld [smem:$0x9];
	s22 =	simm.s32 @!p0 $0x0  }
0x1f0: {  	p0 =	slt.s32 s24, $0x1;
	s24 =	simm.s32 $0x1;
	s21 =	sadd.s32 s22, s21  }
0x1f1: {  	s24 =	simm.s32 @!p0 $0x0;
	p0 =	slt.s32 s26, $0x1;
	s22 =	simm.s32 $0x1  }
0x1f2: {  	s23 =	simm.s32 $0x1;
	s21 =	sadd.s32 s24, s21;
	s22 =	simm.s32 @!p0 $0x0  }
0x1f3: {  	p0 =	slt.s32 s28, $0x1;
	s21 =	sadd.s32 s22, s21;
	s22 =	simm.s32 $0x1  }
0x1f4: {  	s26 =	sld [smem:$0xA];
	s24 =	simm.s32 $0x1;
	s22 =	simm.s32 @!p0 $0x0  }
0x1f5: {  	s28 =	sld [smem:$0xB];
	p0 =	slt.s32 s29, $0x1;
	s21 =	sadd.s32 s22, s21  }
0x1f6: {  	s24 =	simm.s32 @!p0 $0x0;
	p0 =	slt.s32 s30, $0x1;
	s22 =	simm.s32 $0x1  }
0x1f7: {  	s29 =	sld [smem:$0xC];
	s21 =	sadd.s32 s24, s21;
	s22 =	simm.s32 @!p0 $0x0  }
0x1f8: {  	p0 =	slt.s32 s31, $0x1;
	s21 =	sadd.s32 s22, s21;
	s22 =	simm.s32 $0x1  }
0x1f9: {  	s30 =	sld [smem:$0xD];
	s24 =	simm.s32 $0x1;
	s22 =	simm.s32 @!p0 $0x0  }
0x1fa: {  	s31 =	sld [smem:$0xE];
	p0 =	slt.s32 s25, $0x1;
	s21 =	sadd.s32 s22, s21  }
0x1fb: {  	s24 =	simm.s32 @!p0 $0x0;
	p0 =	slt.s32 s26, $0x1;
	s22 =	simm.s32 $0x1  }
0x1fc: {  	s25 =	sld [smem:$0xF];
	s21 =	sadd.s32 s24, s21;
	s22 =	simm.s32 @!p0 $0x0  }
0x1fd: {  	p0 =	slt.s32 s28, $0x1;
	s21 =	sadd.s32 s22, s21;
	s22 =	simm.s32 $0x1  }
0x1fe: {  	s24 =	simm.s32 $0x1;
	s22 =	simm.s32 @!p0 $0x0;
	p0 =	slt.s32 s29, $0x1  }
0x1ff: {  	s21 =	sadd.s32 s22, s21;
	s24 =	simm.s32 @!p0 $0x0;
	p0 =	slt.s32 s30, $0x1  }
0x200: {  	s21 =	sadd.s32 s24, s21;
	s23 =	simm.s32 @!p0 $0x0  }
0x201: {  	s22 =	simm.s32 $0x1;
	p0 =	slt.s32 s31, $0x1;
	s21 =	sadd.s32 s23, s21  }
0x202: {  	s22 =	simm.s32 @!p0 $0x0;
	p0 =	slt.s32 s25, $0x1;
	s23 =	simm.s32 $0x1  }
0x203: {  	s21 =	sadd.s32 s22, s21;
	s23 =	simm.s32 @!p0 $0x0  }
0x204: {  	s21 =	sor.u32 s23, s21  }
0x205: {  	p0 =	seq.s32 s21, $0x0  }
0x206: {  	s21 =	simm.s32 @!p0 $0x0;
	s22 =	simm.s32 @!p0 $0x6300  }
0x207: {  	[tilespmem:s22], [sflag:$0x3] =	stream.linear.gather @!p0 [hbm4b:s7+s21], $0x8000, $0x38;
	[tilespmem:$0x16300] =	vst v63  }
0x208: {  	s22 =	simm.s32 @!p0 $0x3  }
0x209: {  	_ =	swait.ge @!p0 [sflag:s22], $0x8000  }
0x20a: {  	[sflag:s22] =	ssyncset.done @!p0 $0x0  }
.Ltmp23:
0x20b: {  	s23 =	simm.s32 @!p0 $0xE300;
	[sflag:s22] =	ssyncadd.s32 @!p0 $0xFFFF8000;
	(pc) =	sbr.rel .LBB2_35-.Ltmp23, $4  }
0x20c: {  	[tilespmem:s23], [sflag:$0x3] =	stream.linear.gather @!p0 [hbm4b:s8+s21], $0x8000, $0x38;
	[tilespmem:$0x16300] =	vst v63  }
0x20d: {  	_ =	swait.ge @!p0 [sflag:s22], $0x8000  }
0x20e: {  	[sflag:s22] =	ssyncset.done @!p0 $0x0  }
0x20f: {  	s21 =	simm.s32 $0x0;
	[sflag:s22] =	ssyncadd.s32 @!p0 $0xFFFF8000;
	s22 =	smov.u32 s9  }
.LBB2_46:
0x210: {  	p0 =	sne.s32 s24, $0x0  }
0x211: {  	s24 =	sadd.s32 @!p0 s4, s23;
	s25 =	simm.s32 @!p0 $0x0  }
0x212: {  	[hbm4b:s24+s25] =	stream.linear.scatter @!p0 [tilespmem:s25], [sflag:$0x3], $0x1080, $0x38;
	[tilespmem:$0x16300] =	vst v63  }
0x213: {  	s24 =	simm.s32 @!p0 $0x3  }
0x214: {  	_ =	swait.ge @!p0 [sflag:s24], $0x1080  }
0x215: {  	[sflag:s24] =	ssyncset.done @!p0 $0x0  }
0x216: {  	s23 =	sadd.s32 @!p0 s6, s23;
	s26 =	simm.s32 @!p0 $0x2100;
	[sflag:s24] =	ssyncadd.s32 @!p0 $0xFFFFEF80  }
0x217: {  	[hbm4b:s23+s25] =	stream.linear.scatter @!p0 [tilespmem:s26], [sflag:$0x3], $0x1080, $0x38;
	[tilespmem:$0x16300] =	vst v63  }
0x218: {  	_ =	swait.ge @!p0 [sflag:s24], $0x1080  }
0x219: {  	[sflag:s24] =	ssyncset.done @!p0 $0x0  }
0x21a: {  	s23 =	simm.s32 @!p0 $0x1;
	[sflag:s24] =	ssyncadd.s32 @!p0 $0xFFFFEF80  }
0x21b: {  	[smem:s21] =	sst @!p0 s23  }
.LBB2_47:
0x21c: {  	s21 =	sadd.s32 $0x1, s21  }
0x21d: {  	p0 =	sne.s32 s21, $0x10  }
.Ltmp24:
0x21e: {  	_ = 	snop;
	(pc) =	sbr.rel @!p0 .LBB2_48-.Ltmp24, $2  }
0x21f: {  	_ =	sdelay $0x2  }
0x220: {  	s22 =	sadd.s32 $0x1080, s22  }
.LBB2_35:
0x221: {  	s23 =	sld [smem:s21+$0x0];
	_ =	sdelay $0x2  }
0x222: {  	p0 =	sgt.s32 s23, $0x0  }
.Ltmp25:
0x223: {  	_ = 	snop;
	(pc) =	sbr.rel @p0 .LBB2_47-.Ltmp25, $1  }
0x224: {  	_ =	sdelay $0x3  }
0x225: {  	s23 =	smul.u32 $0x1080, s21;
	_ =	sdelay $0x1  }
0x226: {  	s23 =	sadd.s32 s9, s23  }
0x227: {  	s23 =	sshrl.u32 s23, $0x3  }
0x228: {  	s25 =	simm.s32 $0x0;
	s24 =	sadd.s32 s7, s23  }
0x229: {  	[tilespmem:s25], [sflag:$0x3] =	stream.linear.gather [hbm4b:s24+s25], $0x1080, $0x38;
	[tilespmem:$0x16300] =	vst v63  }
0x22a: {  	_ =	swait.ge [sflag:s11], $0x1080  }
0x22b: {  	[sflag:s11] =	ssyncset.done $0x0  }
0x22c: {  	s30 =	sadd.s32 s8, s23;
	[sflag:s11] =	ssyncadd.s32 $0xFFFFEF80  }
0x22d: {  	[tilespmem:s12], [sflag:$0x3] =	stream.linear.gather [hbm4b:s30+s25], $0x1080, $0x38;
	[tilespmem:$0x16300] =	vst v63  }
0x22e: {  	_ =	swait.ge [sflag:s11], $0x1080  }
0x22f: {  	[sflag:s11] =	ssyncset.done $0x0  }
0x230: {  	s31 =	simm.s32 $0x0;
	[sflag:s11] =	ssyncadd.s32 $0xFFFFEF80  }
0x231: {  	v3 =	vimm.s32 $0x0;
	v1 =	vimm.s32 $0x0;
	s24 =	simm.s32 $0x40;
	v2 =	vld [tilespmem:s31+$0x0]  }
.LBB2_37:
0x232: {  	p0 =	sne.s32 s24, $0x41C0  }
.Ltmp26:
0x233: {  	_ = 	snop;
	(pc) =	sbr.rel @p0 .LBB2_37-.Ltmp26, $3  }
0x234: {  	_ =	sdelay $0x1  }
0x235: {  	s25 =	sshra.s32 s24, $0x2;
	s24 =	sadd.s32 $0x40, s24;
	v3 =	vor.u32 v3, v2;
	v4 =	vshrl.u32 v2, $0xF  }
0x236: {  	v2 =	vld [tilespmem:s25+$0x0];
	v1 =	vor.u32 v1, v4  }
0x237: {  	_ =	sdelay $0x3  }
0x238: {  	v3 =	vor.u32 v3, v2  }
0x239: {  	(v2sf) =	vpush v3, $0x0  }
0x23a: {  	(v2sf) =	vpush v3, $0x1  }
0x23b: {  	(v2sf) =	vpush v3, $0x2  }
0x23c: {  	(v2sf) =	vpush v3, $0x3  }
0x23d: {  	(v2sf) =	vpush v3, $0x4  }
0x23e: {  	(v2sf) =	vpush v3, $0x5  }
0x23f: {  	(v2sf) =	vpush v3, $0x6  }
0x240: {  	(v2sf) =	vpush v3, $0x7  }
0x241: {  	(v2sf) =	vpush v3, $0x8  }
0x242: {  	(v2sf) =	vpush v3, $0x9  }
0x243: {  	(v2sf) =	vpush v3, $0xA  }
0x244: {  	(v2sf) =	vpush v3, $0xB  }
0x245: {  	(v2sf) =	vpush v3, $0xC  }
0x246: {  	(v2sf) =	vpush v3, $0xD  }
0x247: {  	(v2sf) =	vpush v3, $0xE  }
0x248: {  	s24 =	spop (v2sf);
	(v2sf) =	vpush v3, $0xF  }
0x249: {  	s25 =	spop (v2sf)  }
0x24a: {  	s24 =	sor.u32 s25, s24;
	s28 =	spop (v2sf)  }
0x24b: {  	s24 =	sor.u32 s28, s24;
	s29 =	spop (v2sf)  }
0x24c: {  	s24 =	sor.u32 s29, s24;
	s30 =	spop (v2sf)  }
0x24d: {  	s24 =	sor.u32 s30, s24;
	s31 =	spop (v2sf)  }
0x24e: {  	s24 =	sor.u32 s31, s24;
	s26 =	spop (v2sf)  }
0x24f: {  	s24 =	sor.u32 s26, s24;
	s28 =	spop (v2sf)  }
0x250: {  	s24 =	sor.u32 s28, s24;
	s29 =	spop (v2sf)  }
0x251: {  	s24 =	sor.u32 s29, s24;
	s30 =	spop (v2sf)  }
0x252: {  	s24 =	sor.u32 s30, s24;
	s31 =	spop (v2sf)  }
0x253: {  	s24 =	sor.u32 s31, s24;
	s26 =	spop (v2sf)  }
0x254: {  	s24 =	sor.u32 s26, s24;
	s28 =	spop (v2sf)  }
0x255: {  	s24 =	sor.u32 s28, s24;
	s29 =	spop (v2sf)  }
0x256: {  	s24 =	sor.u32 s29, s24;
	s30 =	spop (v2sf)  }
0x257: {  	s24 =	sor.u32 s30, s24;
	s31 =	spop (v2sf)  }
0x258: {  	s24 =	sor.u32 s31, s24  }
0x259: {  	p0 =	slt.s32 s24, $0x1  }
.Ltmp27:
0x25a: {  	_ = 	snop;
	(pc) =	sbr.rel @p0 .LBB2_46-.Ltmp27, $3  }
0x25b: {  	_ =	sdelay $0x1  }
0x25c: {  	v2 =	vshrl.u32 v2, $0xF  }
0x25d: {  	v1 =	vor.u32 v1, v2  }
0x25e: {  	(v2sf) =	vpush v1, $0x0  }
0x25f: {  	(v2sf) =	vpush v1, $0x1  }
0x260: {  	(v2sf) =	vpush v1, $0x2  }
0x261: {  	(v2sf) =	vpush v1, $0x3  }
0x262: {  	(v2sf) =	vpush v1, $0x4  }
0x263: {  	(v2sf) =	vpush v1, $0x5  }
0x264: {  	(v2sf) =	vpush v1, $0x6  }
0x265: {  	(v2sf) =	vpush v1, $0x7  }
0x266: {  	(v2sf) =	vpush v1, $0x8  }
0x267: {  	(v2sf) =	vpush v1, $0x9  }
0x268: {  	(v2sf) =	vpush v1, $0xA  }
0x269: {  	(v2sf) =	vpush v1, $0xB  }
0x26a: {  	(v2sf) =	vpush v1, $0xC  }
0x26b: {  	(v2sf) =	vpush v1, $0xD  }
0x26c: {  	(v2sf) =	vpush v1, $0xE  }
0x26d: {  	s24 =	spop (v2sf);
	(v2sf) =	vpush v1, $0xF  }
0x26e: {  	s25 =	spop (v2sf)  }
0x26f: {  	s24 =	sor.u32 s25, s24;
	s28 =	spop (v2sf)  }
0x270: {  	s24 =	sor.u32 s28, s24;
	s29 =	spop (v2sf)  }
0x271: {  	s24 =	sor.u32 s29, s24;
	s30 =	spop (v2sf)  }
0x272: {  	s24 =	sor.u32 s30, s24;
	s31 =	spop (v2sf)  }
0x273: {  	s24 =	sor.u32 s31, s24;
	s26 =	spop (v2sf)  }
0x274: {  	s24 =	sor.u32 s26, s24;
	s28 =	spop (v2sf)  }
0x275: {  	s24 =	sor.u32 s28, s24;
	s29 =	spop (v2sf)  }
0x276: {  	s24 =	sor.u32 s29, s24;
	s30 =	spop (v2sf)  }
0x277: {  	s24 =	sor.u32 s30, s24;
	s31 =	spop (v2sf)  }
0x278: {  	s24 =	sor.u32 s31, s24;
	s26 =	spop (v2sf)  }
0x279: {  	s24 =	sor.u32 s26, s24;
	s28 =	spop (v2sf)  }
0x27a: {  	s24 =	sor.u32 s28, s24;
	s29 =	spop (v2sf)  }
0x27b: {  	s24 =	sor.u32 s29, s24;
	s30 =	spop (v2sf)  }
0x27c: {  	s24 =	sor.u32 s30, s24;
	s31 =	spop (v2sf)  }
0x27d: {  	s24 =	sor.u32 s31, s24  }
0x27e: {  	p0 =	slt.s32 s24, $0x1  }
.Ltmp28:
0x27f: {  	_ = 	snop;
	(pc) =	sbr.rel @p0 .LBB2_43-.Ltmp28, $1  }
0x280: {  	_ =	sdelay $0x3  }
0x281: {  	s24 =	simm.s32 $0x0  }
0x282: {  	v1 =	vld [tilespmem:s24+$0x0];
	_ =	sdelay $0x3  }
0x283: {  	s25 =	simm.s32 $0x40;
	s26 =	smov.u32 s22  }
.LBB2_41:
0x284: {  	s28 =	sshra.s32 s25, $0x2;
	p0 =	sne.s32 s25, $0x41C0;
	s25 =	sadd.s32 $0x40, s25;
	v2 =	vor.u32 s26, v0;
	vm0 =	vlt.s32 v1, $0x8000  }
.Ltmp29:
0x285: {  	v2 =	vsel vm0, v2, v1;
	v1 =	vld [tilespmem:s28+$0x0];
	(pc) =	sbr.rel @p0 .LBB2_41-.Ltmp29, $2  }
0x286: {  	[tilespmem:s24+$0x1080] =	vst v2;
	s24 =	smov.u32 s28;
	_ =	sdelay $0x2  }
0x287: {  	s26 =	sadd.s32 $0x10, s26  }
0x288: {  	v2 =	vor.u32 s26, v0;
	vm0 =	vlt.s32 v1, $0x8000  }
0x289: {  	v1 =	vsel vm0, v2, v1  }
0x28a: {  	[tilespmem:s24+$0x1080] =	vst v1  }
0x28b: {  	[tilespmem:s14], [sflag:$0x1] =	stream.indirect.gather [hbm4b:s7+s13], $0x1, s13, s13, $0xb8;
	[tilespmem:$0x16300] =	vst v63  }
0x28c: {  	_ = 	snop  }
0x28d: {  	[tilespmem:s15], [sflag:$0x2] =	stream.indirect.gather [hbm4b:s8+s13], $0x1, s13, s13, $0xb8;
	[tilespmem:$0x16300] =	vst v63  }
0x28e: {  	_ =	swait.ge [sflag:s10], $0x1080  }
0x28f: {  	[sflag:s10] =	ssyncset.done $0x0  }
0x290: {  	[sflag:s10] =	ssyncadd.s32 $0xFFFFEF80  }
0x291: {  	_ =	swait.ge [sflag:s16], $0x1080  }
0x292: {  	[sflag:s16] =	ssyncset.done $0x0  }
0x293: {  	[sflag:s16] =	ssyncadd.s32 $0xFFFFEF80  }
.LBB2_43:
0x294: {  	s25 =	simm.s32 $0x0  }
0x295: {  	v2 =	vld [tilespmem:s25+$0x0];
	_ =	sdelay $0x4  }
0x296: {  	v3 =	vand.u32 $0x7FFF, v2;
	_ =	sdelay $0x1  }
0x297: {  	v4 =	vld [tilespmem:s25+$0x5280]  }
0x298: {  	s24 =	simm.s32 $0x10;
	v5 =	vld [tilespmem:s25+$0x2100]  }
0x299: {  	v1 =	vld [tilespmem:s24+$0x0]  }
0x29a: {  	v6 =	vld.idx.msk [tilespmem:v3+s18+$0x0], $0xffff  }
0x29b: {  	v7 =	vld [tilespmem:s25+$0x4200]  }
0x29c: {  	v3 =	vld.idx.msk [tilespmem:v3+s17+$0x0], $0xffff;
	_ =	sdelay $0x1  }
0x29d: {  	vm0 =	vlt.s32 v2, $0x8000  }
0x29e: {  	v2 =	vand.u32 $0x7FFF, v1;
	v4 =	vsel vm0, v6, v4  }
0x29f: {  	v4 =	vadd.f32 v4, v5  }
0x2a0: {  	s26 =	simm.s32 $0x80;
	v3 =	vsel vm0, v3, v7  }
.LBB2_44:
0x2a1: {  	p0 =	sne.s32 s26, $0x41C0;
	v5 =	vld [tilespmem:s24+$0x5280];
	[tilespmem:s25+$0x2100] =	vst v4;
	s28 =	smov.u32 s26;
	s26 =	sadd.s32 $0x40, s26  }
0x2a2: {  	v4 =	vld [tilespmem:s24+$0x2100];
	[tilespmem:s25+$0x3180] =	vst v3;
	s25 =	smov.u32 s24  }
0x2a3: {  	s24 =	sshra.s32 s28, $0x2;
	v3 =	vld.idx.msk [tilespmem:v2+s18+$0x0], $0xffff  }
0x2a4: {  	v6 =	vld [tilespmem:s24+$0x0]  }
0x2a5: {  	v7 =	vld.idx.msk [tilespmem:v2+s17+$0x0], $0xffff  }
0x2a6: {  	v8 =	vld [tilespmem:s25+$0x4200]  }
.Ltmp30:
0x2a7: {  	(pc) =	sbr.rel @p0 .LBB2_44-.Ltmp30, $4  }
0x2a8: {  	vm0 =	vlt.s32 v1, $0x8000  }
0x2a9: {  	v3 =	vsel vm0, v3, v5;
	v2 =	vand.u32 $0x7FFF, v6;
	v1 =	vmov v6  }
0x2aa: {  	v4 =	vadd.f32 v3, v4  }
0x2ab: {  	v3 =	vsel vm0, v7, v8  }
0x2ac: {  	_ =	sdelay $0x1  }
0x2ad: {  	v5 =	vld [tilespmem:s24+$0x5280];
	[tilespmem:s25+$0x2100] =	vst v4  }
0x2ae: {  	v4 =	vld [tilespmem:s24+$0x2100];
	[tilespmem:s25+$0x3180] =	vst v3  }
0x2af: {  	v3 =	vld.idx.msk [tilespmem:v2+s18+$0x0], $0xffff  }
0x2b0: {  	v2 =	vld.idx.msk [tilespmem:v2+s17+$0x0], $0xffff  }
0x2b1: {  	v6 =	vld [tilespmem:s24+$0x4200];
	_ =	sdelay $0x2  }
0x2b2: {  	vm0 =	vlt.s32 v1, $0x8000  }
0x2b3: {  	v1 =	vsel vm0, v3, v5  }
0x2b4: {  	v2 =	vsel vm0, v2, v6;
	v1 =	vadd.f32 v1, v4  }
0x2b5: {  	[tilespmem:s24+$0x3180] =	vst v2  }
0x2b6: {  	s30 =	sadd.s32 s4, s23;
	[tilespmem:s24+$0x2100] =	vst v1  }
0x2b7: {  	[hbm4b:s30+s1] =	stream.linear.scatter [tilespmem:s19], [sflag:$0x3], $0x1080, $0x38;
	[tilespmem:$0x16300] =	vst v63  }
0x2b8: {  	_ =	swait.ge [sflag:s11], $0x1080  }
0x2b9: {  	[sflag:s11] =	ssyncset.done $0x0  }
.Ltmp31:
0x2ba: {  	s31 =	sadd.s32 s6, s23;
	[sflag:s11] =	ssyncadd.s32 $0xFFFFEF80;
	(pc) =	sbr.rel .LBB2_47-.Ltmp31, $4  }
0x2bb: {  	[hbm4b:s31+s1] =	stream.linear.scatter [tilespmem:s12], [sflag:$0x3], $0x1080, $0x38;
	[tilespmem:$0x16300] =	vst v63  }
0x2bc: {  	_ =	swait.ge [sflag:s11], $0x1080  }
0x2bd: {  	[sflag:s11] =	ssyncset.done $0x0  }
0x2be: {  	[sflag:s11] =	ssyncadd.s32 $0xFFFFEF80  }
.LBB2_50:
0x2bf: {  	_ =	sfence.sel $0x180000  }
0x2c0: {  	[bflag:$0x0] =	sbarrier.arrive $0xFFFF  }
0x2c1: {  	p0 =	sne.s32 s5, $0x0;
	_ =	strace $0x90000056  }
0x2c2: {  	s0 =	sadd.s32 @!p0 $0x100000, s0;
	[bflag:$0x2] =	sbarrier.arrive $0xFFFF  }
0x2c3: {  	[sflag:s0] =	ssyncadd.tile.s32 @!p0 $0x1;
	_ =	shalt  }
.Lfunc_end2:
_tile_overlayer_lowered:
.L_overlay_start_2:
0x2c4: {  	(tag) =	ssettag $0x2  }
0x2c5: {  	s0 =	rddreg [dreg:$0x0];
	s2 =	stileid.u32  }
0x2c6: {  	s1 =	rddreg [dreg:$0x1];
	p0 =	sne.s32 s2, $0x0  }
0x2c7: {  	s3 =	rddreg [dreg:$0x2];
	[bflag:$0x3] =	sbarrier.arrive $0xFFFF;
	s2 =	simm.s32 @!p0 $0x1C03  }
0x2c8: {  	[timem:s3], [sflag:s2] =	dma.local @!p0 [hbm:s0], s1  }
0x2c9: {  	s0 =	simm.s32 @!p0 $0x3  }
0x2ca: {  	_ =	swait.ge @!p0 [sflag:s0], s1  }
0x2cb: {  	s1 =	ssub.s32 @!p0 $0x0, s1;
	[sflag:s0] =	ssyncset.done @!p0 $0x0  }
0x2cc: {  	[sflag:s0] =	ssyncadd.s32 @!p0 s1  }
0x2cd: {  	[bflag:$0x3] =	sbarrier.arrive $0xFFFF  }
0x2ce: {  	_ =	shalt  }

// kernel: kernel.28.cloned.1.call-start
scs
__scs_entry_jumppad:
0x0: {  	(pc) =	sbr.rel $0x88, $3  }
0x1: {  	(tag) =	ssettag $0x0;
	lr =	simm.s32 $0x1  }
0x2: {  	[smem:$0x3F9B] =	sst lr;
	_ =	strace $0xD0000000  }
0x3: {  	_ = 	snop  }
0x4: {  	_ = 	snop  }
0x5: {  	_ = 	snop  }
0x6: {  	_ = 	snop  }
0x7: {  	_ = 	snop  }
__scs_overlays_trampoline_lowered:
0x8: {  	[smem:$0x3FAA] =	sst s0  }
0x9: {  	[smem:$0x3FAB] =	sst s1  }
0xa: {  	[smem:$0x3FAC] =	sst s2  }
0xb: {  	[smem:$0x3FAD] =	sst s3  }
0xc: {  	[smem:$0x3FAE] =	sst s4  }
0xd: {  	[smem:$0x3FAF] =	sst s5  }
0xe: {  	[smem:$0x3FB0] =	sst s6  }
0xf: {  	[smem:$0x3FB1] =	sst s7  }
0x10: {  	[smem:$0x3FB2] =	sst s8  }
0x11: {  	[smem:$0x3FB3] =	sst s9;
	s0 =	simm.s32 @!p0 $0x0  }
0x12: {  	s1 =	sld [smem:$0x3F99];
	s0 =	simm.s32 @p0 $0x1  }
0x13: {  	[smem:$0x3FB4] =	sst s0;
	s0 =	simm.s32 @!p1 $0x0  }
0x14: {  	s2 =	sld [smem:$0x3F98];
	s0 =	simm.s32 @p1 $0x1  }
0x15: {  	[smem:$0x3FB5] =	sst s0;
	s0 =	simm.s32 @!p2 $0x0  }
0x16: {  	s3 =	sld [smem:$0x3FDB];
	s0 =	simm.s32 @p2 $0x1  }
0x17: {  	s4 =	simm.s32 $0x1BF5;
	[smem:$0x3FB7] =	sst s0  }
0x18: {  	s0 =	sld [smem:$0x3F9A];
	_ =	swait.ge [sflag:s4], $0x0  }
0x19: {  	s7 =	sld [smem:$0x3F9B]  }
0x1a: {  	s8 =	sadd.s32 $0xFFFFE003, lr  }
0x1b: {  	s9 =	sadd.s32 $0xFFFFFEF7, lr;
	s5 =	simm.s32 $0xFFFFFFFF;
	p2 =	slt.u32 s8, $0xFFFFF086  }
0x1c: {  	p1 =	slt.u32 s9, $0xF7A;
	s5 =	simm.s32 @!p2 $0x0  }
0x1d: {  	s5 =	simm.s32 @p1 $0x1;
	p0 =	seq.s32 s7, s2  }
0x1e: {  	s7 =	smul.u32 @!p0 $0xF7A, s2;
	p2 =	seq.s32 @!p0 s5, $0x0  }
0x1f: {  	s9 =	smul.u32 $0xF7A, s1;
	s8 =	simm.s32 @!p0 $0x1BF5;
	p2 =	por !p2, p0  }
0x20: {  	[sflag:s8] =	ssyncset.s32 @!p0 $0xFFFFF086;
	s6 =	sadd.s32 @!p0 s3, s7;
	s7 =	simm.s32 @!p0 $0x108  }
0x21: {  	s3 =	sadd.s32 s3, s9;
	s6 =	sadd.s32 @!p0 $0x88, s6;
	s7 =	simm.s32 @p2 $0x1082  }
0x22: {  	[simem:s7], [sflag:s8] =	dma.local @!p0 [hbm:s6], $0xF7A  }
0x23: {  	s9 =	sor.u32 $0xD0000000, s2;
	s6 =	simm.s32 $0x108;
	_ =	swait.ge @!p0 [sflag:s8], $0x0  }
0x24: {  	s3 =	sadd.s32 $0x88, s3;
	s6 =	simm.s32 @!p1 $0x1082;
	[sflag:s4] =	ssyncset.s32 $0xFFFFF086  }
0x25: {  	[simem:s6], [sflag:s4] =	dma.local [hbm:s3], $0xF7A  }
0x26: {  	[smem:$0x3F9B] =	sst s1;
	(tag) =	ssettag s2;
	_ =	strace s9  }
0x27: {  	s1 =	sld [smem:$0x3FAB]  }
0x28: {  	s2 =	sld [smem:$0x3FAC]  }
0x29: {  	s4 =	sld [smem:$0x3FAE]  }
0x2a: {  	p0 =	seq.s32 s5, $0x0;
	s5 =	sld [smem:$0x3FAF]  }
0x2b: {  	s6 =	sld [smem:$0x3FB0]  }
0x2c: {  	s7 =	sld [smem:$0x3FB1]  }
0x2d: {  	s3 =	simm.s32 $0x108;
	s8 =	sld [smem:$0x3FB2]  }
0x2e: {  	s3 =	simm.s32 @!p0 $0x1082;
	s9 =	sld [smem:$0x3FB3]  }
0x2f: {  	lr =	sadd.s32 s0, s3;
	s0 =	sld [smem:$0x3FAA]  }
0x30: {  	s3 =	sld [smem:$0x3FAD]  }
0x31: {  	[smem:$0x3FB6] =	sst s10  }
0x32: {  	s10 =	sld [smem:$0x3FB4];
	_ =	sdelay $0x3  }
0x33: {  	p0 =	seq.s32 s10, $0x1;
	s10 =	sld [smem:$0x3FB6];
	_ =	sdelay $0x3  }
0x34: {  	[smem:$0x3FB6] =	sst s10  }
0x35: {  	s10 =	sld [smem:$0x3FB5];
	_ =	sdelay $0x3  }
0x36: {  	p1 =	seq.s32 s10, $0x1;
	s10 =	sld [smem:$0x3FB6];
	_ =	sdelay $0x3  }
0x37: {  	[smem:$0x3FB6] =	sst s10  }
0x38: {  	s10 =	sld [smem:$0x3FB7]  }
0x39: {  	_ = 	snop;
	(pc) =	sbr.ind lr, $3  }
0x3a: {  	_ = 	snop  }
0x3b: {  	_ = 	snop  }
0x3c: {  	p2 =	seq.s32 s10, $0x1;
	s10 =	sld [smem:$0x3FB6]  }
0x3d: {  	_ =	shalt  }
0x3e: {  	_ =	shalt  }
0x3f: {  	_ =	shalt  }
0x40: {  	_ =	shalt  }
0x41: {  	_ =	shalt  }
0x42: {  	_ =	shalt  }
0x43: {  	_ =	shalt  }
0x44: {  	_ =	shalt  }
0x45: {  	_ =	shalt  }
0x46: {  	_ =	shalt  }
0x47: {  	_ =	shalt  }
0x48: {  	_ =	shalt  }
0x49: {  	_ =	shalt  }
0x4a: {  	_ =	shalt  }
0x4b: {  	_ =	shalt  }
0x4c: {  	_ =	shalt  }
0x4d: {  	_ =	shalt  }
0x4e: {  	_ =	shalt  }
0x4f: {  	_ =	shalt  }
0x50: {  	_ =	shalt  }
0x51: {  	_ =	shalt  }
0x52: {  	_ =	shalt  }
0x53: {  	_ =	shalt  }
0x54: {  	_ =	shalt  }
0x55: {  	_ =	shalt  }
0x56: {  	_ =	shalt  }
0x57: {  	_ =	shalt  }
0x58: {  	_ =	shalt  }
0x59: {  	_ =	shalt  }
0x5a: {  	_ =	shalt  }
0x5b: {  	_ =	shalt  }
0x5c: {  	_ =	shalt  }
0x5d: {  	_ =	shalt  }
0x5e: {  	_ =	shalt  }
0x5f: {  	_ =	shalt  }
0x60: {  	_ =	shalt  }
0x61: {  	_ =	shalt  }
0x62: {  	_ =	shalt  }
0x63: {  	_ =	shalt  }
0x64: {  	_ =	shalt  }
0x65: {  	_ =	shalt  }
0x66: {  	_ =	shalt  }
0x67: {  	_ =	shalt  }
0x68: {  	_ =	shalt  }
0x69: {  	_ =	shalt  }
0x6a: {  	_ =	shalt  }
0x6b: {  	_ =	shalt  }
0x6c: {  	_ =	shalt  }
0x6d: {  	_ =	shalt  }
0x6e: {  	_ =	shalt  }
0x6f: {  	_ =	shalt  }
0x70: {  	_ =	shalt  }
0x71: {  	_ =	shalt  }
0x72: {  	_ =	shalt  }
0x73: {  	_ =	shalt  }
0x74: {  	_ =	shalt  }
0x75: {  	_ =	shalt  }
0x76: {  	_ =	shalt  }
0x77: {  	_ =	shalt  }
0x78: {  	_ =	shalt  }
0x79: {  	_ =	shalt  }
0x7a: {  	_ =	shalt  }
0x7b: {  	_ =	shalt  }
0x7c: {  	_ =	shalt  }
0x7d: {  	_ =	shalt  }
0x7e: {  	_ =	shalt  }
0x7f: {  	_ =	shalt  }
0x80: {  	_ =	shalt  }
0x81: {  	_ =	shalt  }
0x82: {  	_ =	shalt  }
0x83: {  	_ =	shalt  }
0x84: {  	_ =	shalt  }
0x85: {  	_ =	shalt  }
0x86: {  	_ =	shalt  }
0x87: {  	_ =	shalt  }
.Lfunc_end0:
.L_simem_size_0:
called_computation.6_lowered:
.L_overlay_start_0:
0x88: {  	s2 =	sld [smem:$0x3FD9]  }
0x89: {  	s3 =	sld [smem:$0x3FFE];
	_ =	sdelay $0x1  }
0x8a: {  	s1 =	srdreg.scid  }
0x8b: {  	s0 =	sand.u32 $0x1, s1  }
0x8c: {  	s17 =	sshll.u32 s0, $0xA;
	s2 =	sadd.s32 s3, s2  }
0x8d: {  	s2 =	sadd.s32 s2, s17  }
0x8e: {  	[smem:$0x3FC2] =	sst s2  }
0x8f: {  	_ = 	snop  }
0x90: {  	s2 =	sld [smem:$0x3FD0];
	(tm) =	ssettm $0x1  }
0x91: {  	s18 =	sld [smem:$0x3FFB];
	_ =	sdelay $0x3  }
0x92: {  	_ =	strace s18  }
0x93: {  	s3 =	sld [smem:$0x3FFC];
	_ =	sdelay $0x3  }
0x94: {  	_ =	strace s3  }
0x95: {  	s3 =	sld [smem:$0x3FFD];
	_ =	sdelay $0x3  }
0x96: {  	_ =	strace s3  }
0x97: {  	_ =	strace $0x8FFFFFFF  }
0x98: {  	s19 =	sld [smem:$0x3FDB];
	_ =	sdelay $0x1  }
0x99: {  	s4 =	simm.s32 $_scs_section_size  }
0x9a: {  	s5 =	simm.s32 $_size__tile_overlayer_lowered;
	s6 =	simm.s32 $_tile_overlayer_lowered  }
0x9b: {  	s22 =	simm.s32 $0x1BFF;
	s21 =	sshll.u32 s6, $0x1;
	s3 =	sadd.s32 s4, s19  }
0x9c: {  	s7 =	simm.s32 $0x0;
	s20 =	sshll.u32 s5, $0x1;
	s5 =	sadd.s32 s21, s3  }
0x9d: {  	[timem:s7], [sflag:s22] =	dma.local [hbm:s5], s20  }
0x9e: {  	_ =	swait.ge [sflag:s22], s20  }
0x9f: {  	s4 =	ssub.s32 $0x0, s20;
	[sflag:s22] =	ssyncset.done $0x0  }
0xa0: {  	[sflag:s22] =	ssyncadd.s32 s4;
	_ =	sdelay $0x1  }
0xa1: {  	s23 =	simm.s32 $0x1B8B  }
0xa2: {  	_ =	swait.ge [sflag:s23], $0x1  }
0xa3: {  	[sflag:s23] =	ssyncset.done $0x0  }
0xa4: {  	s25 =	simm.s32 $0x1B8E;
	s24 =	sld [smem:$0x3FFE];
	[sflag:s23] =	ssyncadd.s32 $0xFFFFFFFF  }
0xa5: {  	s26 =	simm.s32 $execute0_lowered;
	[smem:$0x3FD2] =	sst s25  }
0xa6: {  	s5 =	sshll.u32 s26, $0x1;
	_ =	strace $0x80000058;
	[dreg:$0x1] =	wrdreg $0xFFFFFFFF  }
0xa7: {  	s28 =	simm.s32 $_size_execute0_lowered;
	s3 =	sadd.s32 s3, s5;
	[dreg:$0x0] =	wrdreg $0x0  }
0xa8: {  	s5 =	sshll.u32 s28, $0x1;
	[dreg:$0x2] =	wrdreg s3  }
0xa9: {  	[dreg:$0x3] =	wrdreg s5  }
0xaa: {  	[dreg:$0x4] =	wrdreg $0xC0  }
0xab: {  	_ =	task [dreg:s7], $0x5FFFF  }
0xac: {  	[dreg:$0x1] =	wrdreg $0xFFFFFFFF  }
0xad: {  	[dreg:$0x0] =	wrdreg $0x60  }
0xae: {  	[dreg:$0x2] =	wrdreg s2  }
0xaf: {  	[dreg:$0x3] =	wrdreg s24  }
0xb0: {  	[dreg:$0x4] =	wrdreg $0x9  }
0xb1: {  	_ =	task.clear_ibuf [dreg:s7], $0x5FFFF;
	_ =	strace $0x90000058  }
0xb2: {  	s29 =	simm.s32 $0x9;
	_ =	strace $0x8000005A  }
0xb3: {  	_ =	swait.ge [sflag:s29], $0x1  }
0xb4: {  	[sflag:s29] =	ssyncadd.s32 $0xFFFFFFFF  }
0xb5: {  	_ =	strace $0x9000005A  }
0xb6: {  	_ =	sfence  }
0xb7: {  	s30 =	sld [smem:$0x0];
	_ =	sdelay $0x2  }
0xb8: {  	s31 =	sshll.u32 s1, $0xD;
	s1 =	sshrl.u32 s1, $0x2  }
0xb9: {  	s3 =	sand.u32 $0x4000, s31;
	s1 =	sadd.s32 s1, s30  }
0xba: {  	s0 =	sor.u32 s3, s0;
	s1 =	sshll.u32 s1, $0x11  }
0xbb: {  	s0 =	sor.u32 s1, s0  }
0xbc: {  	s0 =	sadd.s32 $0x8F2B, s0  }
0xbd: {  	[sflag:s0] =	ssyncadd.remote.s32 $0x1  }
0xbe: {  	_ =	sfence.sel $0xFFFF  }
0xbf: {  	[dreg:$0x0] =	wrdreg $0xFFFFFFFF;
	(pc) =	sbr.abs _section_cstart, $3  }
0xc0: {  	[dreg:$0x1] =	wrdreg $0xFFFFFFFF  }
0xc1: {  	_ =	task.clear_ibuf [dreg:s7], $0x2FFFF;
	_ =	strace $0x9FFFFFFF  }
0xc2: {  	(tm) =	ssettm $0x7FFFFFFF  }
0xc3: {  	_ =	shalt  }
tec
execute0_lowered:
.L_overlay_start_1:
0x0: {  	(tag) =	ssettag $0x1  }
0x1: {  	s4 =	rddreg [dreg:$0x0]  }
0x2: {  	s5 =	rddreg [dreg:$0x1]  }
0x3: {  	s0 =	rddreg [dreg:$0x2]  }
0x4: {  	s2 =	simm.s32 $0x0;
	s3 =	srdreg.scid;
	s1 =	stileid.u32  }
0x5: {  	s10 =	simm.s32 $0x1;
	s11 =	simm.s32 $0x3000;
	s12 =	simm.s32 $0x2  }
0x6: {  	s13 =	simm.s32 $0x3;
	s14 =	simm.s32 $0x4;
	s15 =	simm.s32 $0x0  }
0x7: {  	[smem:$0x7FF] =	sst s2;
	s6 =	sand.u32 $0x1, s3;
	s3 =	sadd.s32 $0xA9600, s5  }
0x8: {  	s7 =	sshll.u32 s1, $0xF;
	_ =	strace $0x80000059;
	s8 =	ssub.s32 $0x2, s6  }
0x9: {  	s5 =	sadd.s32 s7, s5;
	s6 =	sshll.u32 s6, $0xE;
	s7 =	sadd.s32 s7, s4  }
0xa: {  	s9 =	sshrl.u32 s8, $0x1;
	s31 =	sadd.s32 s6, s5;
	s5 =	sadd.s32 s6, s7  }
0xb: {  	s7 =	simm.s32 $0x5;
	s8 =	ssub.s32 s8, s9;
	s6 =	sadd.s32 $0x4600, s31  }
0xc: {  	s9 =	simm.s32 $0x2000;
	s4 =	smax.u32 s8, $0x1;
	s8 =	simm.s32 $0x1000  }
.LBB2_1:
0xd: {  	s16 =	sadd.s32 $0x0, s5  }
0xe: {  	[tilespmem:s2], [sflag:$0x5] =	stream.linear.gather [hbm4b:s16+s2], $0x1000, $0x38;
	[tilespmem:$0x4000] =	vst v63  }
0xf: {  	_ =	swait.ge [sflag:s7], $0x1000  }
0x10: {  	[sflag:s7] =	ssyncset.done $0x0  }
0x11: {  	[sflag:s7] =	ssyncadd.s32 $0xFFFFF000  }
0x12: {  	[tilespmem:s9], [sflag:$0x1] =	stream.indirect.gather [hbm4b:s3+s8], $0x1, s2, s8, $0xb8;
	[tilespmem:$0x4000] =	vst v63  }
0x13: {  	s16 =	sadd.s32 $0x200, s16  }
0x14: {  	[tilespmem:s8], [sflag:$0x5] =	stream.linear.gather [hbm4b:s16+s2], $0x1000, $0x38;
	[tilespmem:$0x4000] =	vst v63  }
0x15: {  	_ =	swait.ge [sflag:s7], $0x1000  }
0x16: {  	[sflag:s7] =	ssyncset.done $0x0  }
0x17: {  	[sflag:s7] =	ssyncadd.s32 $0xFFFFF000  }
0x18: {  	_ =	swait.ge [sflag:s10], $0x1000  }
0x19: {  	[sflag:s10] =	ssyncset.done $0x0  }
0x1a: {  	s31 =	sadd.s32 $0x0, s6;
	[sflag:s10] =	ssyncadd.s32 $0xFFFFF000  }
0x1b: {  	[hbm4b:s31+s2] =	stream.linear.scatter [tilespmem:s9], [sflag:$0x3], $0x1000, $0x38;
	[tilespmem:$0x4000] =	vst v63  }
0x1c: {  	_ = 	snop  }
0x1d: {  	[tilespmem:s11], [sflag:$0x2] =	stream.indirect.gather [hbm4b:s3+s8], $0x1, s8, s8, $0xb8;
	[tilespmem:$0x4000] =	vst v63  }
0x1e: {  	_ =	swait.ge [sflag:s12], $0x1000  }
0x1f: {  	[sflag:s12] =	ssyncset.done $0x0  }
0x20: {  	s16 =	sadd.s32 $0x200, s31;
	[sflag:s12] =	ssyncadd.s32 $0xFFFFF000  }
0x21: {  	[hbm4b:s16+s2] =	stream.linear.scatter [tilespmem:s11], [sflag:$0x4], $0x1000, $0x38;
	[tilespmem:$0x4000] =	vst v63  }
0x22: {  	_ =	swait.ge [sflag:s13], $0x1000  }
0x23: {  	[sflag:s13] =	ssyncset.done $0x0  }
0x24: {  	[sflag:s13] =	ssyncadd.s32 $0xFFFFF000  }
0x25: {  	_ =	swait.ge [sflag:s14], $0x1000  }
0x26: {  	s17 =	simm.s32 $0x800;
	s16 =	simm.s32 $0x400;
	[sflag:s14] =	ssyncset.done $0x0  }
.LBB2_2:
0x27: {  	s18 =	sadd.s32 s16, s5  }
0x28: {  	[sflag:s14] =	ssyncadd.s32 $0xFFFFF000;
	s19 =	smov.u32 s17;
	s20 =	sadd.s32 $0x400, s17  }
0x29: {  	[tilespmem:s2], [sflag:$0x5] =	stream.linear.gather [hbm4b:s18+s2], $0x1000, $0x38;
	[tilespmem:$0x4000] =	vst v63  }
0x2a: {  	p0 =	sne.s32 s17, $0x3C00;
	_ =	swait.ge [sflag:s7], $0x1000  }
0x2b: {  	[sflag:s7] =	ssyncset.done $0x0  }
0x2c: {  	[sflag:s7] =	ssyncadd.s32 $0xFFFFF000  }
0x2d: {  	[tilespmem:s9], [sflag:$0x1] =	stream.indirect.gather [hbm4b:s3+s8], $0x1, s2, s8, $0xb8;
	[tilespmem:$0x4000] =	vst v63  }
0x2e: {  	s17 =	sadd.s32 $0x200, s18  }
0x2f: {  	[tilespmem:s8], [sflag:$0x5] =	stream.linear.gather [hbm4b:s17+s2], $0x1000, $0x38;
	[tilespmem:$0x4000] =	vst v63  }
0x30: {  	_ =	swait.ge [sflag:s7], $0x1000  }
0x31: {  	[sflag:s7] =	ssyncset.done $0x0  }
0x32: {  	[sflag:s7] =	ssyncadd.s32 $0xFFFFF000  }
0x33: {  	_ =	swait.ge [sflag:s10], $0x1000  }
0x34: {  	[sflag:s10] =	ssyncset.done $0x0  }
0x35: {  	s17 =	sadd.s32 s16, s6;
	s16 =	smov.u32 s19;
	[sflag:s10] =	ssyncadd.s32 $0xFFFFF000  }
0x36: {  	[hbm4b:s17+s2] =	stream.linear.scatter [tilespmem:s9], [sflag:$0x3], $0x1000, $0x38;
	[tilespmem:$0x4000] =	vst v63  }
0x37: {  	_ = 	snop  }
0x38: {  	[tilespmem:s11], [sflag:$0x2] =	stream.indirect.gather [hbm4b:s3+s8], $0x1, s8, s8, $0xb8;
	[tilespmem:$0x4000] =	vst v63  }
0x39: {  	_ =	swait.ge [sflag:s12], $0x1000  }
0x3a: {  	[sflag:s12] =	ssyncset.done $0x0  }
0x3b: {  	s17 =	sadd.s32 $0x200, s17;
	[sflag:s12] =	ssyncadd.s32 $0xFFFFF000  }
0x3c: {  	[hbm4b:s17+s2] =	stream.linear.scatter [tilespmem:s11], [sflag:$0x4], $0x1000, $0x38;
	[tilespmem:$0x4000] =	vst v63  }
.Ltmp0:
0x3d: {  	_ =	swait.ge [sflag:s13], $0x1000;
	(pc) =	sbr.rel @p0 .LBB2_2-.Ltmp0, $4  }
0x3e: {  	[sflag:s13] =	ssyncset.done $0x0  }
0x3f: {  	[sflag:s13] =	ssyncadd.s32 $0xFFFFF000  }
0x40: {  	_ =	swait.ge [sflag:s14], $0x1000  }
0x41: {  	s17 =	smov.u32 s20;
	[sflag:s14] =	ssyncset.done $0x0  }
0x42: {  	s17 =	sadd.s32 s16, s5;
	[sflag:s14] =	ssyncadd.s32 $0xFFFFF000  }
0x43: {  	[tilespmem:s2], [sflag:$0x5] =	stream.linear.gather [hbm4b:s17+s2], $0x1000, $0x38;
	[tilespmem:$0x4000] =	vst v63  }
0x44: {  	_ =	swait.ge [sflag:s7], $0x1000  }
0x45: {  	[sflag:s7] =	ssyncset.done $0x0  }
0x46: {  	[sflag:s7] =	ssyncadd.s32 $0xFFFFF000  }
0x47: {  	[tilespmem:s9], [sflag:$0x1] =	stream.indirect.gather [hbm4b:s3+s8], $0x1, s2, s8, $0xb8;
	[tilespmem:$0x4000] =	vst v63  }
0x48: {  	s17 =	sadd.s32 $0x200, s17  }
0x49: {  	[tilespmem:s8], [sflag:$0x5] =	stream.linear.gather [hbm4b:s17+s2], $0x1000, $0x38;
	[tilespmem:$0x4000] =	vst v63  }
0x4a: {  	_ =	swait.ge [sflag:s7], $0x1000  }
0x4b: {  	[sflag:s7] =	ssyncset.done $0x0  }
0x4c: {  	[sflag:s7] =	ssyncadd.s32 $0xFFFFF000  }
0x4d: {  	_ =	swait.ge [sflag:s10], $0x1000  }
0x4e: {  	[sflag:s10] =	ssyncset.done $0x0  }
0x4f: {  	s31 =	sadd.s32 s16, s6;
	[sflag:s10] =	ssyncadd.s32 $0xFFFFF000  }
0x50: {  	[hbm4b:s31+s2] =	stream.linear.scatter [tilespmem:s9], [sflag:$0x3], $0x1000, $0x38;
	[tilespmem:$0x4000] =	vst v63  }
0x51: {  	_ = 	snop  }
0x52: {  	[tilespmem:s11], [sflag:$0x2] =	stream.indirect.gather [hbm4b:s3+s8], $0x1, s8, s8, $0xb8;
	[tilespmem:$0x4000] =	vst v63  }
0x53: {  	_ =	swait.ge [sflag:s12], $0x1000  }
0x54: {  	[sflag:s12] =	ssyncset.done $0x0  }
0x55: {  	s15 =	sadd.s32 $0x1, s15;
	s16 =	sadd.s32 $0x200, s31;
	[sflag:s12] =	ssyncadd.s32 $0xFFFFF000  }
0x56: {  	[hbm4b:s16+s2] =	stream.linear.scatter [tilespmem:s11], [sflag:$0x4], $0x1000, $0x38;
	[tilespmem:$0x4000] =	vst v63  }
0x57: {  	p0 =	sne.s32 s15, s4;
	_ =	swait.ge [sflag:s13], $0x1000  }
.Ltmp1:
0x58: {  	[sflag:s13] =	ssyncset.done $0x0;
	(pc) =	sbr.rel @p0 .LBB2_1-.Ltmp1, $4  }
0x59: {  	[sflag:s13] =	ssyncadd.s32 $0xFFFFF000  }
0x5a: {  	_ =	swait.ge [sflag:s14], $0x1000  }
0x5b: {  	[sflag:s14] =	ssyncset.done $0x0  }
0x5c: {  	[sflag:s14] =	ssyncadd.s32 $0xFFFFF000  }
0x5d: {  	_ =	sfence.sel $0x180000  }
0x5e: {  	[bflag:$0x0] =	sbarrier.arrive $0xFFFF  }
0x5f: {  	p0 =	sne.s32 s1, $0x0;
	_ =	strace $0x90000059  }
0x60: {  	s0 =	sadd.s32 @!p0 $0x100000, s0;
	[bflag:$0x2] =	sbarrier.arrive $0xFFFF  }
0x61: {  	[sflag:s0] =	ssyncadd.tile.s32 @!p0 $0x1;
	_ =	shalt  }
.Lfunc_end2:
_tile_overlayer_lowered:
.L_overlay_start_2:
0x62: {  	(tag) =	ssettag $0x2  }
0x63: {  	s0 =	rddreg [dreg:$0x0];
	s2 =	stileid.u32  }
0x64: {  	s1 =	rddreg [dreg:$0x1];
	p0 =	sne.s32 s2, $0x0  }
0x65: {  	s3 =	rddreg [dreg:$0x2];
	[bflag:$0x3] =	sbarrier.arrive $0xFFFF;
	s2 =	simm.s32 @!p0 $0x1C05  }
0x66: {  	[timem:s3], [sflag:s2] =	dma.local @!p0 [hbm:s0], s1  }
0x67: {  	s0 =	simm.s32 @!p0 $0x5  }
0x68: {  	_ =	swait.ge @!p0 [sflag:s0], s1  }
0x69: {  	s1 =	ssub.s32 @!p0 $0x0, s1;
	[sflag:s0] =	ssyncset.done @!p0 $0x0  }
0x6a: {  	[sflag:s0] =	ssyncadd.s32 @!p0 s1  }
0x6b: {  	[bflag:$0x3] =	sbarrier.arrive $0xFFFF  }
0x6c: {  	_ =	shalt  }

</sc_bundles>
